<compile_context>
chip_gen: v7x
topology: tpu7x:2x2x1
jax: 0.10.2.dev20260603
libtpu: 0.0.44.dev20260713+nightly
codegen_flags: <defaults>
</compile_context>

<pallas_src>
import functools

import jax
import jax.numpy as jnp
from jax import lax
from jax.experimental import pallas as pl
from jax.experimental.pallas import tpu as pltpu
from jax.experimental.pallas import tpu_sc as plsc

_B = 4
_N = 4096
_CIN = 128
_COUT = 256
_M = 1024
_K = 32
_RADIUS = 0.1
_CMID = 128
_EPS = 1e-5
_S = _B * _M * _K
_BM = _B * _M
_CNT = float(_S)


_FC = 128


def _fps_body(px_ref, py_ref, pz_ref, idx_ref, nx_ref, ny_ref, nz_ref):
    px = px_ref[...]
    py = py_ref[...]
    pz = pz_ref[...]
    iota = lax.broadcasted_iota(jnp.int32, (_B, _N), 1)
    boff = lax.broadcasted_iota(jnp.int32, (_B, 1), 0) * _N
    lane = lax.broadcasted_iota(jnp.int32, (_B, _FC), 1)

    def body(j, carry):
        dists, cur, bi, bx, by, bz = carry
        onehot = iota == cur
        lx = jnp.sum(jnp.where(onehot, px, 0.0), axis=1, keepdims=True)
        ly = jnp.sum(jnp.where(onehot, py, 0.0), axis=1, keepdims=True)
        lz = jnp.sum(jnp.where(onehot, pz, 0.0), axis=1, keepdims=True)
        sel = lane == j
        bi = jnp.where(sel, cur + boff, bi)
        bx = jnp.where(sel, lx, bx)
        by = jnp.where(sel, ly, by)
        bz = jnp.where(sel, lz, bz)
        dx = px - lx
        dy = py - ly
        dz = pz - lz
        d = (dx * dx + dy * dy) + dz * dz
        dists = jnp.minimum(dists, d)
        maxv = jnp.max(dists, axis=1, keepdims=True)
        nxt = jnp.min(jnp.where(dists == maxv, iota, _N), axis=1, keepdims=True)
        return dists, nxt, bi, bx, by, bz

    dists = jnp.full((_B, _N), 1e10, jnp.float32)
    cur = jnp.zeros((_B, 1), jnp.int32)
    for c in range(_M // _FC):
        bi = jnp.zeros((_B, _FC), jnp.int32)
        bx = jnp.zeros((_B, _FC), jnp.float32)
        by = jnp.zeros((_B, _FC), jnp.float32)
        bz = jnp.zeros((_B, _FC), jnp.float32)
        dists, cur, bi, bx, by, bz = lax.fori_loop(
            0, _FC, body, (dists, cur, bi, bx, by, bz))
        idx_ref[:, pl.ds(c * _FC, _FC)] = bi
        nx_ref[:, pl.ds(c * _FC, _FC)] = bx
        ny_ref[:, pl.ds(c * _FC, _FC)] = by
        nz_ref[:, pl.ds(c * _FC, _FC)] = bz


def _fps(px, py, pz):
    return pl.pallas_call(
        _fps_body,
        out_shape=(
            jax.ShapeDtypeStruct((_B, _M), jnp.int32),
            jax.ShapeDtypeStruct((_B, _M), jnp.float32),
            jax.ShapeDtypeStruct((_B, _M), jnp.float32),
            jax.ShapeDtypeStruct((_B, _M), jnp.float32),
        ),
    )(px, py, pz)


_MB = 256


def _bq_body(px_ref, py_ref, pz_ref, nx_ref, ny_ref, nz_ref, nbr_ref):
    b = pl.program_id(0)
    px = jnp.reshape(px_ref[...], (1, _N))
    py = jnp.reshape(py_ref[...], (1, _N))
    pz = jnp.reshape(pz_ref[...], (1, _N))
    nx = jnp.reshape(nx_ref[...], (_MB, 1))
    ny = jnp.reshape(ny_ref[...], (_MB, 1))
    nz = jnp.reshape(nz_ref[...], (_MB, 1))
    sn = (px * px + py * py) + pz * pz
    qn = (nx * nx + ny * ny) + nz * nz
    pxb = px.astype(jnp.bfloat16).astype(jnp.float32)
    pyb = py.astype(jnp.bfloat16).astype(jnp.float32)
    pzb = pz.astype(jnp.bfloat16).astype(jnp.float32)
    nxb = nx.astype(jnp.bfloat16).astype(jnp.float32)
    nyb = ny.astype(jnp.bfloat16).astype(jnp.float32)
    nzb = nz.astype(jnp.bfloat16).astype(jnp.float32)
    cross = (nxb * pxb + nyb * pyb) + nzb * pzb
    d2 = jnp.maximum((qn + sn) - 2.0 * cross, 0.0)
    fN = jnp.float32(_N)
    iota = lax.broadcasted_iota(jnp.int32, (_MB, _N), 1).astype(jnp.float32)
    cand = jnp.where(d2 < _RADIUS**2, iota, fN)
    cols = []
    for _ in range(_K):
        cur = jnp.min(cand, axis=1, keepdims=True)
        cols.append(cur)
        cand = jnp.where(cand == cur, fN, cand)
    nbrf = jnp.concatenate(cols, axis=1)
    first = nbrf[:, 0:1]
    nbrf = jnp.where(nbrf < (_N - 0.5), nbrf, first)
    nbr = nbrf.astype(jnp.int32) + b * _N
    nbr_ref[...] = jnp.reshape(nbr, (1, _MB, _K))


def _ball_query(px, py, pz, nx, ny, nz):
    return pl.pallas_call(
        _bq_body,
        grid=(_B, _M // _MB),
        in_specs=[
            pl.BlockSpec((_N,), lambda b, j: (b,)),
            pl.BlockSpec((_N,), lambda b, j: (b,)),
            pl.BlockSpec((_N,), lambda b, j: (b,)),
            pl.BlockSpec((_MB,), lambda b, j: (b * (_M // _MB) + j,)),
            pl.BlockSpec((_MB,), lambda b, j: (b * (_M // _MB) + j,)),
            pl.BlockSpec((_MB,), lambda b, j: (b * (_M // _MB) + j,)),
        ],
        out_specs=pl.BlockSpec((1, _MB, _K), lambda b, j: (b, j, 0)),
        out_shape=jax.ShapeDtypeStruct((_B, _M, _K), jnp.int32),
    )(jnp.reshape(px, (_B * _N,)), jnp.reshape(py, (_B * _N,)),
      jnp.reshape(pz, (_B * _N,)), jnp.reshape(nx, (_BM,)),
      jnp.reshape(ny, (_BM,)), jnp.reshape(nz, (_BM,)))


_CH = 256
_GD = 16


def _pw_body(pp_ref, w1p_ref, pw_ref):
    pw_ref[...] = jnp.dot(pp_ref[...], w1p_ref[...],
                          preferred_element_type=jnp.float32)


def _pw(ppad, w1p_t):
    return pl.pallas_call(
        _pw_body,
        grid=(8,),
        in_specs=[
            pl.BlockSpec((_B * _N // 8, _GD), lambda g: (g, 0)),
            pl.BlockSpec((_GD, _CMID), lambda g: (0, 0)),
        ],
        out_specs=pl.BlockSpec((_B * _N // 8, _CMID), lambda g: (g, 0)),
        out_shape=jax.ShapeDtypeStruct((_B * _N, _CMID), jnp.float32),
    )(ppad, w1p_t)


def _sc_gather(xt, pw, nbr_flat, idx_flat):
    info = plsc.get_sparse_core_info()
    nc, ns = info.num_cores, info.num_subcores
    nw = nc * ns
    per_w = _S // nw
    nch = per_w // _CH
    ib = _BM // nw
    mesh = plsc.VectorSubcoreMesh(core_axis_name="c", subcore_axis_name="s")

    @functools.partial(
        pl.kernel,
        mesh=mesh,
        out_type=(
            jax.ShapeDtypeStruct((_S, _CIN), jnp.float32),
            jax.ShapeDtypeStruct((_S, _CMID), jnp.float32),
            jax.ShapeDtypeStruct((_BM, _CIN), jnp.float32),
        ),
        scratch_types=[
            pltpu.VMEM((_CH,), jnp.int32),
            pltpu.VMEM((_CH, _CIN), jnp.float32),
            pltpu.VMEM((_CH, _CMID), jnp.float32),
            pltpu.VMEM((ib,), jnp.int32),
            pltpu.VMEM((ib, _CIN), jnp.float32),
            pltpu.SemaphoreType.DMA,
        ],
    )
    def k(xt_hbm, pw_hbm, nbr_hbm, idx_hbm, xj_out, pwj_out, id_out,
          idxv, rowsv, pwv, iidxv, irowsv, sem):
        wid = lax.axis_index("s") * nc + lax.axis_index("c")
        base = wid * per_w
        for t in range(nch):
            off = base + t * _CH
            pltpu.sync_copy(nbr_hbm.at[pl.ds(off, _CH)], idxv)
            pltpu.async_copy(xt_hbm.at[idxv], rowsv, sem).wait()
            pltpu.sync_copy(rowsv, xj_out.at[pl.ds(off, _CH)])
            pltpu.async_copy(pw_hbm.at[idxv], pwv, sem).wait()
            pltpu.sync_copy(pwv, pwj_out.at[pl.ds(off, _CH)])
        ibase = wid * ib
        pltpu.sync_copy(idx_hbm.at[pl.ds(ibase, ib)], iidxv)
        pltpu.async_copy(xt_hbm.at[iidxv], irowsv, sem).wait()
        pltpu.sync_copy(irowsv, id_out.at[pl.ds(ibase, ib)])

    return k(xt, pw, nbr_flat, idx_flat)


_G = 128
_NG = _BM // _G


def _c1_body(xj_ref, pwj_ref, np_ref, w1x_ref, w1p_ref, h1_ref, st_ref, acc):
    g = pl.program_id(0)
    xj = jnp.reshape(xj_ref[...], (_G * _K, _CIN))
    a = jnp.dot(xj, w1x_ref[...], preferred_element_type=jnp.float32)
    npw = jnp.dot(np_ref[...], w1p_ref[...], preferred_element_type=jnp.float32)
    h1 = jnp.reshape(a, (_G, _K, _CMID)) + pwj_ref[...] - npw[:, None, :]
    h1_ref[...] = h1
    h1f = jnp.reshape(h1, (_G * _K, _CMID))
    s = jnp.sum(h1f, axis=0, keepdims=True)
    sq = jnp.sum(h1f * h1f, axis=0, keepdims=True)

    @pl.when(g == 0)
    def _():
        acc[...] = jnp.zeros_like(acc)

    acc[0:1, :] += s
    acc[1:2, :] += sq

    @pl.when(g == _NG - 1)
    def _():
        st_ref[...] = acc[...]


def _conv1(xj3, pwj3, npad, w1x_t, w1p_t):
    return pl.pallas_call(
        _c1_body,
        grid=(_NG,),
        in_specs=[
            pl.BlockSpec((_G, _K, _CIN), lambda g: (g, 0, 0)),
            pl.BlockSpec((_G, _K, _CMID), lambda g: (g, 0, 0)),
            pl.BlockSpec((_G, _GD), lambda g: (g, 0)),
            pl.BlockSpec((_CIN, _CMID), lambda g: (0, 0)),
            pl.BlockSpec((_GD, _CMID), lambda g: (0, 0)),
        ],
        out_specs=(
            pl.BlockSpec((_G, _K, _CMID), lambda g: (g, 0, 0)),
            pl.BlockSpec((8, _CMID), lambda g: (0, 0)),
        ),
        out_shape=(
            jax.ShapeDtypeStruct((_BM, _K, _CMID), jnp.float32),
            jax.ShapeDtypeStruct((8, _CMID), jnp.float32),
        ),
        scratch_shapes=[pltpu.VMEM((8, _CMID), jnp.float32)],
    )(xj3, pwj3, npad, w1x_t, w1p_t)


def _c2_body(h1_ref, st1_ref, w2_ref, g1_ref, b1_ref, h2_ref, st_ref, acc):
    g = pl.program_id(0)
    st = st1_ref[...]
    mean = st[0:1, :] / _CNT
    var = st[1:2, :] / _CNT - mean * mean
    inv = g1_ref[...] / jnp.sqrt(var + _EPS)
    h1 = jnp.reshape(h1_ref[...], (_G * _K, _CMID))
    h1n = jnp.maximum((h1 - mean) * inv + b1_ref[...], 0.0)
    h2 = jnp.dot(h1n, w2_ref[...], preferred_element_type=jnp.float32)
    h2_ref[...] = jnp.reshape(h2, (_G, _K, _COUT))
    s = jnp.sum(h2, axis=0, keepdims=True)
    sq = jnp.sum(h2 * h2, axis=0, keepdims=True)

    @pl.when(g == 0)
    def _():
        acc[...] = jnp.zeros_like(acc)

    acc[0:1, :] += s
    acc[1:2, :] += sq

    @pl.when(g == _NG - 1)
    def _():
        st_ref[...] = acc[...]


def _conv2(h1, st1, w2_t, g1r, b1r):
    return pl.pallas_call(
        _c2_body,
        grid=(_NG,),
        in_specs=[
            pl.BlockSpec((_G, _K, _CMID), lambda g: (g, 0, 0)),
            pl.BlockSpec((8, _CMID), lambda g: (0, 0)),
            pl.BlockSpec((_CMID, _COUT), lambda g: (0, 0)),
            pl.BlockSpec((1, _CMID), lambda g: (0, 0)),
            pl.BlockSpec((1, _CMID), lambda g: (0, 0)),
        ],
        out_specs=(
            pl.BlockSpec((_G, _K, _COUT), lambda g: (g, 0, 0)),
            pl.BlockSpec((8, _COUT), lambda g: (0, 0)),
        ),
        out_shape=(
            jax.ShapeDtypeStruct((_BM, _K, _COUT), jnp.float32),
            jax.ShapeDtypeStruct((8, _COUT), jnp.float32),
        ),
        scratch_shapes=[pltpu.VMEM((8, _COUT), jnp.float32)],
    )(h1, st1, w2_t, g1r, b1r)


def _fin_body(h2_ref, st2_ref, id_ref, ws_ref, g2_ref, b2_ref, bs_ref, out_ref):
    st = st2_ref[...]
    mean = st[0:1, :] / _CNT
    var = st[1:2, :] / _CNT - mean * mean
    inv = g2_ref[...] / jnp.sqrt(var + _EPS)
    h2 = h2_ref[...]
    h2n = (h2 - mean[None, :, :]) * inv[None, :, :] + b2_ref[...][None, :, :]
    pooled = jnp.max(h2n, axis=1)
    skip = jnp.dot(id_ref[...], ws_ref[...], preferred_element_type=jnp.float32)
    out_ref[...] = jnp.maximum(pooled + skip + bs_ref[...], 0.0)


def _finalize(h2, st2, ident, ws_t, g2r, b2r, bsr):
    return pl.pallas_call(
        _fin_body,
        grid=(_NG,),
        in_specs=[
            pl.BlockSpec((_G, _K, _COUT), lambda g: (g, 0, 0)),
            pl.BlockSpec((8, _COUT), lambda g: (0, 0)),
            pl.BlockSpec((_G, _CIN), lambda g: (g, 0)),
            pl.BlockSpec((_CIN, _COUT), lambda g: (0, 0)),
            pl.BlockSpec((1, _COUT), lambda g: (0, 0)),
            pl.BlockSpec((1, _COUT), lambda g: (0, 0)),
            pl.BlockSpec((1, _COUT), lambda g: (0, 0)),
        ],
        out_specs=pl.BlockSpec((_G, _COUT), lambda g: (g, 0)),
        out_shape=jax.ShapeDtypeStruct((_BM, _COUT), jnp.float32),
    )(h2, st2, ident, ws_t, g2r, b2r, bsr)


def kernel(p, x, W1, g1, b1, W2, g2, b2, Wskip, bskip):
    px = p[:, :, 0]
    py = p[:, :, 1]
    pz = p[:, :, 2]
    idx_off, nx, ny, nz = _fps(px, py, pz)
    nbr_off = _ball_query(px, py, pz, nx, ny, nz)

    xt = jnp.reshape(jnp.transpose(x, (0, 2, 1)), (_B * _N, _CIN))
    ppad = jnp.concatenate(
        [jnp.reshape(p, (_B * _N, 3)),
         jnp.zeros((_B * _N, _GD - 3), jnp.float32)], axis=1)
    w1x_t = jnp.transpose(W1[:, 3:])
    w1p_t = jnp.concatenate(
        [jnp.transpose(W1[:, :3]),
         jnp.zeros((_GD - 3, _CMID), jnp.float32)], axis=0)
    pw = _pw(ppad, w1p_t)
    xj, pwj, ident = _sc_gather(
        xt, pw, jnp.reshape(nbr_off, (_S,)), jnp.reshape(idx_off, (_BM,)))

    new_p = jnp.stack([nx, ny, nz], axis=-1)
    npad = jnp.concatenate(
        [jnp.reshape(new_p, (_BM, 3)),
         jnp.zeros((_BM, _GD - 3), jnp.float32)], axis=1)

    h1, st1 = _conv1(jnp.reshape(xj, (_BM, _K, _CIN)),
                     jnp.reshape(pwj, (_BM, _K, _CMID)), npad, w1x_t, w1p_t)
    h2, st2 = _conv2(h1, st1, jnp.transpose(W2),
                     jnp.reshape(g1, (1, _CMID)), jnp.reshape(b1, (1, _CMID)))
    out_t = _finalize(h2, st2, ident, jnp.transpose(Wskip),
                      jnp.reshape(g2, (1, _COUT)), jnp.reshape(b2, (1, _COUT)),
                      jnp.reshape(bskip, (1, _COUT)))
    out = jnp.transpose(jnp.reshape(out_t, (_B, _M, _COUT)), (0, 2, 1))
    return new_p, out

# --- scband reference (transcript-rebuilt; emitter-appended) ---
"""Pipeline reference for scband-set-abstraction-34737695490780 (READ-ONLY COPY).

The authoritative reference and input builder live on the scoring server;
editing this copy changes nothing except your own understanding.
"""

import jax, jax.numpy as jnp
import numpy as np

B = 4
N = 4096
C_IN = 128
C_OUT = 256
STRIDE = 4
M = N // STRIDE
NSAMPLE = 32
RADIUS = 0.1
C_MID = C_OUT // 2
EPS = 1e-5


def setup_inputs(seed: int = 0):
    key = jax.random.key(seed)
    ks = jax.random.split(key, 8)
    p = jax.random.uniform(ks[0], (B, N, 3), dtype=jnp.float32)
    x = jax.random.normal(ks[1], (B, C_IN, N), dtype=jnp.float32)
    c0 = C_IN + 3
    W1 = jax.random.normal(ks[2], (C_MID, c0), dtype=jnp.float32) * (1.0 / np.sqrt(c0))
    g1 = jnp.ones((C_MID,), jnp.float32)
    b1 = jnp.zeros((C_MID,), jnp.float32)
    W2 = jax.random.normal(ks[3], (C_OUT, C_MID), dtype=jnp.float32) * (1.0 / np.sqrt(C_MID))
    g2 = jnp.ones((C_OUT,), jnp.float32)
    b2 = jnp.zeros((C_OUT,), jnp.float32)
    Wskip = jax.random.normal(ks[4], (C_OUT, C_IN), dtype=jnp.float32) * (1.0 / np.sqrt(C_IN))
    bskip = jnp.zeros((C_OUT,), jnp.float32)
    return {'p': p, 'x': x, 'W1': W1, 'g1': g1, 'b1': b1, 'W2': W2, 'g2': g2, 'b2': b2, 'Wskip': Wskip, 'bskip': bskip}


def furthest_point_sample(p, npoint):
    p = jax.lax.stop_gradient(p)
    Bn, Nn, _ = p.shape
    def body(i, state):
        idx, dists, last = state
        li = jnp.broadcast_to(last[:, None, None], (Bn, 1, 3))
        last_p = jnp.take_along_axis(p, li, axis=1)[:, 0, :]
        d = jnp.sum((p - last_p[:, None, :]) ** 2, axis=-1)
        dists = jnp.minimum(dists, d)
        nxt = jnp.argmax(dists, axis=1).astype(jnp.int32)
        idx = idx.at[:, i].set(nxt)
        return idx, dists, nxt
    idx0 = jnp.zeros((Bn, npoint), jnp.int32)
    dists0 = jnp.full((Bn, Nn), 1e10, jnp.float32)
    last0 = jnp.zeros((Bn,), jnp.int32)
    idx, _, _ = jax.lax.fori_loop(1, npoint, body, (idx0, dists0, last0))
    return idx


def ball_query(new_p, p, radius, nsample):
    new_p = jax.lax.stop_gradient(new_p)
    p = jax.lax.stop_gradient(p)
    Nn = p.shape[1]
    qn = jnp.sum(new_p ** 2, axis=-1)[:, :, None]
    sn = jnp.sum(p ** 2, axis=-1)[:, None, :]
    cross = jnp.einsum('bmd,bnd->bmn', new_p, p)
    d2 = jnp.maximum(qn + sn - 2.0 * cross, 0.0)
    score = jnp.where(d2 < radius ** 2, jnp.arange(Nn, dtype=jnp.float32)[None, None, :], float(Nn))
    neg_vals, nbr = jax.lax.top_k(-score, nsample)
    valid = (-neg_vals) < (Nn - 0.5)
    nbr = jnp.where(valid, nbr, nbr[:, :, :1])
    return nbr


def batchnorm2d(h, g, b):
    mean = jnp.mean(h, axis=(0, 2, 3), keepdims=True)
    var = jnp.var(h, axis=(0, 2, 3), keepdims=True)
    hn = (h - mean) / jnp.sqrt(var + EPS)
    return hn * g[None, :, None, None] + b[None, :, None, None]


def reference(p, x, W1, g1, b1, W2, g2, b2, Wskip, bskip):
    idx = furthest_point_sample(p, M)
    bidx = jnp.arange(B)[:, None]
    new_p = p[bidx, idx]
    idxb = jnp.broadcast_to(idx[:, None, :], (B, C_IN, M))
    identity = jnp.take_along_axis(x, idxb, axis=2)
    skip = jnp.einsum('oc,bcm->bom', Wskip, identity) + bskip[None, :, None]
    nbr = ball_query(new_p, p, RADIUS, NSAMPLE)
    bidx3 = jnp.arange(B)[:, None, None]
    grouped_p = p[bidx3, nbr]
    dp = grouped_p - new_p[:, :, None, :]
    dp = jnp.transpose(dp, (0, 3, 1, 2))
    x_t = jnp.transpose(x, (0, 2, 1))
    xj = x_t[bidx3, nbr]
    xj = jnp.transpose(xj, (0, 3, 1, 2))
    feat = jnp.concatenate([dp, xj], axis=1)
    h = jnp.einsum('oc,bcmk->bomk', W1, feat)
    h = jax.nn.relu(batchnorm2d(h, g1, b1))
    h = jnp.einsum('oc,bcmk->bomk', W2, h)
    h = batchnorm2d(h, g2, b2)
    pooled = jnp.max(h, axis=-1)
    out = jax.nn.relu(pooled + skip)
    return new_p, out

if __name__ == "__main__":
    import jax
    _d = setup_inputs()
    print(jax.jit(kernel)(*tuple(_d.values())))

</pallas_src>

<mosaic_0001>
#map = affine_map<(d0, d1) -> (0, 0)>
#map1 = affine_map<(d0, d1) -> (0)>
module attributes {stable_mosaic.version = 14 : i64} {
  func.func @k(%arg0: i32, %arg1: i32, %arg2: memref<16384x128xf32, #tpu.memory_space<hbm>>, %arg3: memref<16384x128xf32, #tpu.memory_space<hbm>>, %arg4: memref<131072xi32, #tpu.memory_space<hbm>>, %arg5: memref<4096xi32, #tpu.memory_space<hbm>>, %arg6: memref<131072x128xf32, #tpu.memory_space<hbm>>, %arg7: memref<131072x128xf32, #tpu.memory_space<hbm>>, %arg8: memref<4096x128xf32, #tpu.memory_space<hbm>>, %arg9: memref<256xi32, #tpu.memory_space<vmem>>, %arg10: memref<256x128xf32, #tpu.memory_space<vmem>>, %arg11: memref<256x128xf32, #tpu.memory_space<vmem>>, %arg12: memref<128xi32, #tpu.memory_space<vmem>>, %arg13: memref<128x128xf32, #tpu.memory_space<vmem>>, %arg14: memref<!tpu.dma_semaphore, #tpu.memory_space<semaphore_mem>>) attributes {dimension_semantics = [#tpu.dimension_semantics<core_parallel>, #tpu.dimension_semantics<subcore_parallel>], iteration_bounds = array<i64: 2, 16>, scalar_prefetch = 0 : i64, scratch_operands = 6 : i64, tpu.core_type = #tpu.core_type<sc_vector_subcore>, window_params = [{transform_indices = #map}, {transform_indices = #map}, {transform_indices = #map1}, {transform_indices = #map1}, {transform_indices = #map}, {transform_indices = #map}, {transform_indices = #map}]} {
    %mul3A = arith.constant 2 : i32
    %mul3A_0 = arith.muli %arg1, %mul3A : i32
    %add3A = arith.addi %mul3A_0, %arg0 : i32
    %mul3A_1 = arith.constant 4096 : i32
    %mul3A_2 = arith.muli %add3A, %mul3A_1 : i32
    %add3A_3 = arith.constant 0 : i32
    %add3A_4 = arith.addi %mul3A_2, %add3A_3 : i32
    "tpu.region"() ({
      %run_scoped3A = tpu.sem_alloc : memref<!tpu.dma_semaphore, #tpu.memory_space<semaphore_mem>>
      %dma_start3A_233 = tpu.memref_slice %arg4[%add3A_4] : memref<131072xi32, #tpu.memory_space<hbm>> -> memref<256xi32, #tpu.memory_space<hbm>>
      %dma_start3A_234 = tpu.memref_slice %arg4[%add3A_4] : memref<131072xi32, #tpu.memory_space<hbm>> -> memref<256xi32, #tpu.memory_space<hbm>>
      tpu.enqueue_dma source(%dma_start3A_234 : memref<256xi32, #tpu.memory_space<hbm>>) target(%arg9 : memref<256xi32, #tpu.memory_space<vmem>>) target_semaphore(%run_scoped3A : memref<!tpu.dma_semaphore, #tpu.memory_space<semaphore_mem>>)
      %dma_wait3A_235 = tpu.memref_slice %arg4[%add3A_4] : memref<131072xi32, #tpu.memory_space<hbm>> -> memref<256xi32, #tpu.memory_space<hbm>>
      %dma_wait3A_236 = tpu.memref_slice %arg4[%add3A_4] : memref<131072xi32, #tpu.memory_space<hbm>> -> memref<256xi32, #tpu.memory_space<hbm>>
      tpu.wait_dma2 semaphore(%run_scoped3A : memref<!tpu.dma_semaphore, #tpu.memory_space<semaphore_mem>>) src(%dma_wait3A_236 : memref<256xi32, #tpu.memory_space<hbm>>) dst(%arg9 : memref<256xi32, #tpu.memory_space<vmem>>)
      tpu.yield
    }) : () -> ()
    %dma_start3A = arith.constant 0 : i32
    %dma_start3A_5 = arith.constant 0 : i32
    %dma_start3A_6 = tpu.memref_slice %arg2[%dma_start3A, %dma_start3A_5] : memref<16384x128xf32, #tpu.memory_space<hbm>> -> memref<16384x128xf32, #tpu.memory_space<hbm>>
    tpu.enqueue_indirect_dma source(%dma_start3A_6 : memref<16384x128xf32, #tpu.memory_space<hbm>>) target(%arg10 : memref<256x128xf32, #tpu.memory_space<vmem>>) offsets(%arg9 : memref<256xi32, #tpu.memory_space<vmem>>) semaphore(%arg14 : memref<!tpu.dma_semaphore, #tpu.memory_space<semaphore_mem>>)
    %dma_wait3A = arith.constant 0 : i32
    %dma_wait3A_7 = arith.constant 0 : i32
    %dma_wait3A_8 = tpu.memref_slice %arg2[%dma_wait3A, %dma_wait3A_7] : memref<16384x128xf32, #tpu.memory_space<hbm>> -> memref<16384x128xf32, #tpu.memory_space<hbm>>
    tpu.wait_indirect_dma semaphore(%arg14 : memref<!tpu.dma_semaphore, #tpu.memory_space<semaphore_mem>>) src(%dma_wait3A_8 : memref<16384x128xf32, #tpu.memory_space<hbm>>) dst(%arg10 : memref<256x128xf32, #tpu.memory_space<vmem>>)
    "tpu.region"() ({
      %run_scoped3A = tpu.sem_alloc : memref<!tpu.dma_semaphore, #tpu.memory_space<semaphore_mem>>
      %dma_start3A_233 = arith.constant 0 : i32
      %dma_start3A_234 = tpu.memref_slice %arg6[%add3A_4, %dma_start3A_233] : memref<131072x128xf32, #tpu.memory_space<hbm>> -> memref<256x128xf32, #tpu.memory_space<hbm>>
      %dma_start3A_235 = arith.constant 0 : i32
      %dma_start3A_236 = tpu.memref_slice %arg6[%add3A_4, %dma_start3A_235] : memref<131072x128xf32, #tpu.memory_space<hbm>> -> memref<256x128xf32, #tpu.memory_space<hbm>>
      tpu.enqueue_dma source(%arg10 : memref<256x128xf32, #tpu.memory_space<vmem>>) target(%dma_start3A_236 : memref<256x128xf32, #tpu.memory_space<hbm>>) target_semaphore(%run_scoped3A : memref<!tpu.dma_semaphore, #tpu.memory_space<semaphore_mem>>)
      %dma_wait3A_237 = arith.constant 0 : i32
      %dma_wait3A_238 = tpu.memref_slice %arg6[%add3A_4, %dma_wait3A_237] : memref<131072x128xf32, #tpu.memory_space<hbm>> -> memref<256x128xf32, #tpu.memory_space<hbm>>
      %dma_wait3A_239 = arith.constant 0 : i32
      %dma_wait3A_240 = tpu.memref_slice %arg6[%add3A_4, %dma_wait3A_239] : memref<131072x128xf32, #tpu.memory_space<hbm>> -> memref<256x128xf32, #tpu.memory_space<hbm>>
      tpu.wait_dma2 semaphore(%run_scoped3A : memref<!tpu.dma_semaphore, #tpu.memory_space<semaphore_mem>>) src(%arg10 : memref<256x128xf32, #tpu.memory_space<vmem>>) dst(%dma_wait3A_240 : memref<256x128xf32, #tpu.memory_space<hbm>>)
      tpu.yield
    }) : () -> ()
    %dma_start3A_9 = arith.constant 0 : i32
    %dma_start3A_10 = arith.constant 0 : i32
    %dma_start3A_11 = tpu.memref_slice %arg3[%dma_start3A_9, %dma_start3A_10] : memref<16384x128xf32, #tpu.memory_space<hbm>> -> memref<16384x128xf32, #tpu.memory_space<hbm>>
    tpu.enqueue_indirect_dma source(%dma_start3A_11 : memref<16384x128xf32, #tpu.memory_space<hbm>>) target(%arg11 : memref<256x128xf32, #tpu.memory_space<vmem>>) offsets(%arg9 : memref<256xi32, #tpu.memory_space<vmem>>) semaphore(%arg14 : memref<!tpu.dma_semaphore, #tpu.memory_space<semaphore_mem>>)
    %dma_wait3A_12 = arith.constant 0 : i32
    %dma_wait3A_13 = arith.constant 0 : i32
    %dma_wait3A_14 = tpu.memref_slice %arg3[%dma_wait3A_12, %dma_wait3A_13] : memref<16384x128xf32, #tpu.memory_space<hbm>> -> memref<16384x128xf32, #tpu.memory_space<hbm>>
    tpu.wait_indirect_dma semaphore(%arg14 : memref<!tpu.dma_semaphore, #tpu.memory_space<semaphore_mem>>) src(%dma_wait3A_14 : memref<16384x128xf32, #tpu.memory_space<hbm>>) dst(%arg11 : memref<256x128xf32, #tpu.memory_space<vmem>>)
    "tpu.region"() ({
      %run_scoped3A = tpu.sem_alloc : memref<!tpu.dma_semaphore, #tpu.memory_space<semaphore_mem>>
      %dma_start3A_233 = arith.constant 0 : i32
      %dma_start3A_234 = tpu.memref_slice %arg7[%add3A_4, %dma_start3A_233] : memref<131072x128xf32, #tpu.memory_space<hbm>> -> memref<256x128xf32, #tpu.memory_space<hbm>>
      %dma_start3A_235 = arith.constant 0 : i32
      %dma_start3A_236 = tpu.memref_slice %arg7[%add3A_4, %dma_start3A_235] : memref<131072x128xf32, #tpu.memory_space<hbm>> -> memref<256x128xf32, #tpu.memory_space<hbm>>
      tpu.enqueue_dma source(%arg11 : memref<256x128xf32, #tpu.memory_space<vmem>>) target(%dma_start3A_236 : memref<256x128xf32, #tpu.memory_space<hbm>>) target_semaphore(%run_scoped3A : memref<!tpu.dma_semaphore, #tpu.memory_space<semaphore_mem>>)
      %dma_wait3A_237 = arith.constant 0 : i32
      %dma_wait3A_238 = tpu.memref_slice %arg7[%add3A_4, %dma_wait3A_237] : memref<131072x128xf32, #tpu.memory_space<hbm>> -> memref<256x128xf32, #tpu.memory_space<hbm>>
      %dma_wait3A_239 = arith.constant 0 : i32
      %dma_wait3A_240 = tpu.memref_slice %arg7[%add3A_4, %dma_wait3A_239] : memref<131072x128xf32, #tpu.memory_space<hbm>> -> memref<256x128xf32, #tpu.memory_space<hbm>>
      tpu.wait_dma2 semaphore(%run_scoped3A : memref<!tpu.dma_semaphore, #tpu.memory_space<semaphore_mem>>) src(%arg11 : memref<256x128xf32, #tpu.memory_space<vmem>>) dst(%dma_wait3A_240 : memref<256x128xf32, #tpu.memory_space<hbm>>)
      tpu.yield
    }) : () -> ()
    %add3A_15 = arith.constant 256 : i32
    %add3A_16 = arith.addi %mul3A_2, %add3A_15 : i32
    "tpu.region"() ({
      %run_scoped3A = tpu.sem_alloc : memref<!tpu.dma_semaphore, #tpu.memory_space<semaphore_mem>>
      %dma_start3A_233 = tpu.memref_slice %arg4[%add3A_16] : memref<131072xi32, #tpu.memory_space<hbm>> -> memref<256xi32, #tpu.memory_space<hbm>>
      %dma_start3A_234 = tpu.memref_slice %arg4[%add3A_16] : memref<131072xi32, #tpu.memory_space<hbm>> -> memref<256xi32, #tpu.memory_space<hbm>>
      tpu.enqueue_dma source(%dma_start3A_234 : memref<256xi32, #tpu.memory_space<hbm>>) target(%arg9 : memref<256xi32, #tpu.memory_space<vmem>>) target_semaphore(%run_scoped3A : memref<!tpu.dma_semaphore, #tpu.memory_space<semaphore_mem>>)
      %dma_wait3A_235 = tpu.memref_slice %arg4[%add3A_16] : memref<131072xi32, #tpu.memory_space<hbm>> -> memref<256xi32, #tpu.memory_space<hbm>>
      %dma_wait3A_236 = tpu.memref_slice %arg4[%add3A_16] : memref<131072xi32, #tpu.memory_space<hbm>> -> memref<256xi32, #tpu.memory_space<hbm>>
      tpu.wait_dma2 semaphore(%run_scoped3A : memref<!tpu.dma_semaphore, #tpu.memory_space<semaphore_mem>>) src(%dma_wait3A_236 : memref<256xi32, #tpu.memory_space<hbm>>) dst(%arg9 : memref<256xi32, #tpu.memory_space<vmem>>)
      tpu.yield
    }) : () -> ()
    %dma_start3A_17 = arith.constant 0 : i32
    %dma_start3A_18 = arith.constant 0 : i32
    %dma_start3A_19 = tpu.memref_slice %arg2[%dma_start3A_17, %dma_start3A_18] : memref<16384x128xf32, #tpu.memory_space<hbm>> -> memref<16384x128xf32, #tpu.memory_space<hbm>>
    tpu.enqueue_indirect_dma source(%dma_start3A_19 : memref<16384x128xf32, #tpu.memory_space<hbm>>) target(%arg10 : memref<256x128xf32, #tpu.memory_space<vmem>>) offsets(%arg9 : memref<256xi32, #tpu.memory_space<vmem>>) semaphore(%arg14 : memref<!tpu.dma_semaphore, #tpu.memory_space<semaphore_mem>>)
    %dma_wait3A_20 = arith.constant 0 : i32
    %dma_wait3A_21 = arith.constant 0 : i32
    %dma_wait3A_22 = tpu.memref_slice %arg2[%dma_wait3A_20, %dma_wait3A_21] : memref<16384x128xf32, #tpu.memory_space<hbm>> -> memref<16384x128xf32, #tpu.memory_space<hbm>>
    tpu.wait_indirect_dma semaphore(%arg14 : memref<!tpu.dma_semaphore, #tpu.memory_space<semaphore_mem>>) src(%dma_wait3A_22 : memref<16384x128xf32, #tpu.memory_space<hbm>>) dst(%arg10 : memref<256x128xf32, #tpu.memory_space<vmem>>)
    "tpu.region"() ({
      %run_scoped3A = tpu.sem_alloc : memref<!tpu.dma_semaphore, #tpu.memory_space<semaphore_mem>>
      %dma_start3A_233 = arith.constant 0 : i32
      %dma_start3A_234 = tpu.memref_slice %arg6[%add3A_16, %dma_start3A_233] : memref<131072x128xf32, #tpu.memory_space<hbm>> -> memref<256x128xf32, #tpu.memory_space<hbm>>
      %dma_start3A_235 = arith.constant 0 : i32
      %dma_start3A_236 = tpu.memref_slice %arg6[%add3A_16, %dma_start3A_235] : memref<131072x128xf32, #tpu.memory_space<hbm>> -> memref<256x128xf32, #tpu.memory_space<hbm>>
      tpu.enqueue_dma source(%arg10 : memref<256x128xf32, #tpu.memory_space<vmem>>) target(%dma_start3A_236 : memref<256x128xf32, #tpu.memory_space<hbm>>) target_semaphore(%run_scoped3A : memref<!tpu.dma_semaphore, #tpu.memory_space<semaphore_mem>>)
      %dma_wait3A_237 = arith.constant 0 : i32
      %dma_wait3A_238 = tpu.memref_slice %arg6[%add3A_16, %dma_wait3A_237] : memref<131072x128xf32, #tpu.memory_space<hbm>> -> memref<256x128xf32, #tpu.memory_space<hbm>>
      %dma_wait3A_239 = arith.constant 0 : i32
      %dma_wait3A_240 = tpu.memref_slice %arg6[%add3A_16, %dma_wait3A_239] : memref<131072x128xf32, #tpu.memory_space<hbm>> -> memref<256x128xf32, #tpu.memory_space<hbm>>
      tpu.wait_dma2 semaphore(%run_scoped3A : memref<!tpu.dma_semaphore, #tpu.memory_space<semaphore_mem>>) src(%arg10 : memref<256x128xf32, #tpu.memory_space<vmem>>) dst(%dma_wait3A_240 : memref<256x128xf32, #tpu.memory_space<hbm>>)
      tpu.yield
    }) : () -> ()
    %dma_start3A_23 = arith.constant 0 : i32
    %dma_start3A_24 = arith.constant 0 : i32
    %dma_start3A_25 = tpu.memref_slice %arg3[%dma_start3A_23, %dma_start3A_24] : memref<16384x128xf32, #tpu.memory_space<hbm>> -> memref<16384x128xf32, #tpu.memory_space<hbm>>
    tpu.enqueue_indirect_dma source(%dma_start3A_25 : memref<16384x128xf32, #tpu.memory_space<hbm>>) target(%arg11 : memref<256x128xf32, #tpu.memory_space<vmem>>) offsets(%arg9 : memref<256xi32, #tpu.memory_space<vmem>>) semaphore(%arg14 : memref<!tpu.dma_semaphore, #tpu.memory_space<semaphore_mem>>)
    %dma_wait3A_26 = arith.constant 0 : i32
    %dma_wait3A_27 = arith.constant 0 : i32
    %dma_wait3A_28 = tpu.memref_slice %arg3[%dma_wait3A_26, %dma_wait3A_27] : memref<16384x128xf32, #tpu.memory_space<hbm>> -> memref<16384x128xf32, #tpu.memory_space<hbm>>
    tpu.wait_indirect_dma semaphore(%arg14 : memref<!tpu.dma_semaphore, #tpu.memory_space<semaphore_mem>>) src(%dma_wait3A_28 : memref<16384x128xf32, #tpu.memory_space<hbm>>) dst(%arg11 : memref<256x128xf32, #tpu.memory_space<vmem>>)
    "tpu.region"() ({
      %run_scoped3A = tpu.sem_alloc : memref<!tpu.dma_semaphore, #tpu.memory_space<semaphore_mem>>
      %dma_start3A_233 = arith.constant 0 : i32
      %dma_start3A_234 = tpu.memref_slice %arg7[%add3A_16, %dma_start3A_233] : memref<131072x128xf32, #tpu.memory_space<hbm>> -> memref<256x128xf32, #tpu.memory_space<hbm>>
      %dma_start3A_235 = arith.constant 0 : i32
      %dma_start3A_236 = tpu.memref_slice %arg7[%add3A_16, %dma_start3A_235] : memref<131072x128xf32, #tpu.memory_space<hbm>> -> memref<256x128xf32, #tpu.memory_space<hbm>>
      tpu.enqueue_dma source(%arg11 : memref<256x128xf32, #tpu.memory_space<vmem>>) target(%dma_start3A_236 : memref<256x128xf32, #tpu.memory_space<hbm>>) target_semaphore(%run_scoped3A : memref<!tpu.dma_semaphore, #tpu.memory_space<semaphore_mem>>)
      %dma_wait3A_237 = arith.constant 0 : i32
      %dma_wait3A_238 = tpu.memref_slice %arg7[%add3A_16, %dma_wait3A_237] : memref<131072x128xf32, #tpu.memory_space<hbm>> -> memref<256x128xf32, #tpu.memory_space<hbm>>
      %dma_wait3A_239 = arith.constant 0 : i32
      %dma_wait3A_240 = tpu.memref_slice %arg7[%add3A_16, %dma_wait3A_239] : memref<131072x128xf32, #tpu.memory_space<hbm>> -> memref<256x128xf32, #tpu.memory_space<hbm>>
      tpu.wait_dma2 semaphore(%run_scoped3A : memref<!tpu.dma_semaphore, #tpu.memory_space<semaphore_mem>>) src(%arg11 : memref<256x128xf32, #tpu.memory_space<vmem>>) dst(%dma_wait3A_240 : memref<256x128xf32, #tpu.memory_space<hbm>>)
      tpu.yield
    }) : () -> ()
    %add3A_29 = arith.constant 512 : i32
    %add3A_30 = arith.addi %mul3A_2, %add3A_29 : i32
    "tpu.region"() ({
      %run_scoped3A = tpu.sem_alloc : memref<!tpu.dma_semaphore, #tpu.memory_space<semaphore_mem>>
      %dma_start3A_233 = tpu.memref_slice %arg4[%add3A_30] : memref<131072xi32, #tpu.memory_space<hbm>> -> memref<256xi32, #tpu.memory_space<hbm>>
      %dma_start3A_234 = tpu.memref_slice %arg4[%add3A_30] : memref<131072xi32, #tpu.memory_space<hbm>> -> memref<256xi32, #tpu.memory_space<hbm>>
      tpu.enqueue_dma source(%dma_start3A_234 : memref<256xi32, #tpu.memory_space<hbm>>) target(%arg9 : memref<256xi32, #tpu.memory_space<vmem>>) target_semaphore(%run_scoped3A : memref<!tpu.dma_semaphore, #tpu.memory_space<semaphore_mem>>)
      %dma_wait3A_235 = tpu.memref_slice %arg4[%add3A_30] : memref<131072xi32, #tpu.memory_space<hbm>> -> memref<256xi32, #tpu.memory_space<hbm>>
      %dma_wait3A_236 = tpu.memref_slice %arg4[%add3A_30] : memref<131072xi32, #tpu.memory_space<hbm>> -> memref<256xi32, #tpu.memory_space<hbm>>
      tpu.wait_dma2 semaphore(%run_scoped3A : memref<!tpu.dma_semaphore, #tpu.memory_space<semaphore_mem>>) src(%dma_wait3A_236 : memref<256xi32, #tpu.memory_space<hbm>>) dst(%arg9 : memref<256xi32, #tpu.memory_space<vmem>>)
      tpu.yield
    }) : () -> ()
    %dma_start3A_31 = arith.constant 0 : i32
    %dma_start3A_32 = arith.constant 0 : i32
    %dma_start3A_33 = tpu.memref_slice %arg2[%dma_start3A_31, %dma_start3A_32] : memref<16384x128xf32, #tpu.memory_space<hbm>> -> memref<16384x128xf32, #tpu.memory_space<hbm>>
    tpu.enqueue_indirect_dma source(%dma_start3A_33 : memref<16384x128xf32, #tpu.memory_space<hbm>>) target(%arg10 : memref<256x128xf32, #tpu.memory_space<vmem>>) offsets(%arg9 : memref<256xi32, #tpu.memory_space<vmem>>) semaphore(%arg14 : memref<!tpu.dma_semaphore, #tpu.memory_space<semaphore_mem>>)
    %dma_wait3A_34 = arith.constant 0 : i32
    %dma_wait3A_35 = arith.constant 0 : i32
    %dma_wait3A_36 = tpu.memref_slice %arg2[%dma_wait3A_34, %dma_wait3A_35] : memref<16384x128xf32, #tpu.memory_space<hbm>> -> memref<16384x128xf32, #tpu.memory_space<hbm>>
    tpu.wait_indirect_dma semaphore(%arg14 : memref<!tpu.dma_semaphore, #tpu.memory_space<semaphore_mem>>) src(%dma_wait3A_36 : memref<16384x128xf32, #tpu.memory_space<hbm>>) dst(%arg10 : memref<256x128xf32, #tpu.memory_space<vmem>>)
    "tpu.region"() ({
      %run_scoped3A = tpu.sem_alloc : memref<!tpu.dma_semaphore, #tpu.memory_space<semaphore_mem>>
      %dma_start3A_233 = arith.constant 0 : i32
      %dma_start3A_234 = tpu.memref_slice %arg6[%add3A_30, %dma_start3A_233] : memref<131072x128xf32, #tpu.memory_space<hbm>> -> memref<256x128xf32, #tpu.memory_space<hbm>>
      %dma_start3A_235 = arith.constant 0 : i32
      %dma_start3A_236 = tpu.memref_slice %arg6[%add3A_30, %dma_start3A_235] : memref<131072x128xf32, #tpu.memory_space<hbm>> -> memref<256x128xf32, #tpu.memory_space<hbm>>
      tpu.enqueue_dma source(%arg10 : memref<256x128xf32, #tpu.memory_space<vmem>>) target(%dma_start3A_236 : memref<256x128xf32, #tpu.memory_space<hbm>>) target_semaphore(%run_scoped3A : memref<!tpu.dma_semaphore, #tpu.memory_space<semaphore_mem>>)
      %dma_wait3A_237 = arith.constant 0 : i32
      %dma_wait3A_238 = tpu.memref_slice %arg6[%add3A_30, %dma_wait3A_237] : memref<131072x128xf32, #tpu.memory_space<hbm>> -> memref<256x128xf32, #tpu.memory_space<hbm>>
      %dma_wait3A_239 = arith.constant 0 : i32
      %dma_wait3A_240 = tpu.memref_slice %arg6[%add3A_30, %dma_wait3A_239] : memref<131072x128xf32, #tpu.memory_space<hbm>> -> memref<256x128xf32, #tpu.memory_space<hbm>>
      tpu.wait_dma2 semaphore(%run_scoped3A : memref<!tpu.dma_semaphore, #tpu.memory_space<semaphore_mem>>) src(%arg10 : memref<256x128xf32, #tpu.memory_space<vmem>>) dst(%dma_wait3A_240 : memref<256x128xf32, #tpu.memory_space<hbm>>)
      tpu.yield
    }) : () -> ()
    %dma_start3A_37 = arith.constant 0 : i32
    %dma_start3A_38 = arith.constant 0 : i32
    %dma_start3A_39 = tpu.memref_slice %arg3[%dma_start3A_37, %dma_start3A_38] : memref<16384x128xf32, #tpu.memory_space<hbm>> -> memref<16384x128xf32, #tpu.memory_space<hbm>>
    tpu.enqueue_indirect_dma source(%dma_start3A_39 : memref<16384x128xf32, #tpu.memory_space<hbm>>) target(%arg11 : memref<256x128xf32, #tpu.memory_space<vmem>>) offsets(%arg9 : memref<256xi32, #tpu.memory_space<vmem>>) semaphore(%arg14 : memref<!tpu.dma_semaphore, #tpu.memory_space<semaphore_mem>>)
    %dma_wait3A_40 = arith.constant 0 : i32
    %dma_wait3A_41 = arith.constant 0 : i32
    %dma_wait3A_42 = tpu.memref_slice %arg3[%dma_wait3A_40, %dma_wait3A_41] : memref<16384x128xf32, #tpu.memory_space<hbm>> -> memref<16384x128xf32, #tpu.memory_space<hbm>>
    tpu.wait_indirect_dma semaphore(%arg14 : memref<!tpu.dma_semaphore, #tpu.memory_space<semaphore_mem>>) src(%dma_wait3A_42 : memref<16384x128xf32, #tpu.memory_space<hbm>>) dst(%arg11 : memref<256x128xf32, #tpu.memory_space<vmem>>)
    "tpu.region"() ({
      %run_scoped3A = tpu.sem_alloc : memref<!tpu.dma_semaphore, #tpu.memory_space<semaphore_mem>>
      %dma_start3A_233 = arith.constant 0 : i32
      %dma_start3A_234 = tpu.memref_slice %arg7[%add3A_30, %dma_start3A_233] : memref<131072x128xf32, #tpu.memory_space<hbm>> -> memref<256x128xf32, #tpu.memory_space<hbm>>
      %dma_start3A_235 = arith.constant 0 : i32
      %dma_start3A_236 = tpu.memref_slice %arg7[%add3A_30, %dma_start3A_235] : memref<131072x128xf32, #tpu.memory_space<hbm>> -> memref<256x128xf32, #tpu.memory_space<hbm>>
      tpu.enqueue_dma source(%arg11 : memref<256x128xf32, #tpu.memory_space<vmem>>) target(%dma_start3A_236 : memref<256x128xf32, #tpu.memory_space<hbm>>) target_semaphore(%run_scoped3A : memref<!tpu.dma_semaphore, #tpu.memory_space<semaphore_mem>>)
      %dma_wait3A_237 = arith.constant 0 : i32
      %dma_wait3A_238 = tpu.memref_slice %arg7[%add3A_30, %dma_wait3A_237] : memref<131072x128xf32, #tpu.memory_space<hbm>> -> memref<256x128xf32, #tpu.memory_space<hbm>>
      %dma_wait3A_239 = arith.constant 0 : i32
      %dma_wait3A_240 = tpu.memref_slice %arg7[%add3A_30, %dma_wait3A_239] : memref<131072x128xf32, #tpu.memory_space<hbm>> -> memref<256x128xf32, #tpu.memory_space<hbm>>
      tpu.wait_dma2 semaphore(%run_scoped3A : memref<!tpu.dma_semaphore, #tpu.memory_space<semaphore_mem>>) src(%arg11 : memref<256x128xf32, #tpu.memory_space<vmem>>) dst(%dma_wait3A_240 : memref<256x128xf32, #tpu.memory_space<hbm>>)
      tpu.yield
    }) : () -> ()
    %add3A_43 = arith.constant 768 : i32
    %add3A_44 = arith.addi %mul3A_2, %add3A_43 : i32
    "tpu.region"() ({
      %run_scoped3A = tpu.sem_alloc : memref<!tpu.dma_semaphore, #tpu.memory_space<semaphore_mem>>
      %dma_start3A_233 = tpu.memref_slice %arg4[%add3A_44] : memref<131072xi32, #tpu.memory_space<hbm>> -> memref<256xi32, #tpu.memory_space<hbm>>
      %dma_start3A_234 = tpu.memref_slice %arg4[%add3A_44] : memref<131072xi32, #tpu.memory_space<hbm>> -> memref<256xi32, #tpu.memory_space<hbm>>
      tpu.enqueue_dma source(%dma_start3A_234 : memref<256xi32, #tpu.memory_space<hbm>>) target(%arg9 : memref<256xi32, #tpu.memory_space<vmem>>) target_semaphore(%run_scoped3A : memref<!tpu.dma_semaphore, #tpu.memory_space<semaphore_mem>>)
      %dma_wait3A_235 = tpu.memref_slice %arg4[%add3A_44] : memref<131072xi32, #tpu.memory_space<hbm>> -> memref<256xi32, #tpu.memory_space<hbm>>
      %dma_wait3A_236 = tpu.memref_slice %arg4[%add3A_44] : memref<131072xi32, #tpu.memory_space<hbm>> -> memref<256xi32, #tpu.memory_space<hbm>>
      tpu.wait_dma2 semaphore(%run_scoped3A : memref<!tpu.dma_semaphore, #tpu.memory_space<semaphore_mem>>) src(%dma_wait3A_236 : memref<256xi32, #tpu.memory_space<hbm>>) dst(%arg9 : memref<256xi32, #tpu.memory_space<vmem>>)
      tpu.yield
    }) : () -> ()
    %dma_start3A_45 = arith.constant 0 : i32
    %dma_start3A_46 = arith.constant 0 : i32
    %dma_start3A_47 = tpu.memref_slice %arg2[%dma_start3A_45, %dma_start3A_46] : memref<16384x128xf32, #tpu.memory_space<hbm>> -> memref<16384x128xf32, #tpu.memory_space<hbm>>
    tpu.enqueue_indirect_dma source(%dma_start3A_47 : memref<16384x128xf32, #tpu.memory_space<hbm>>) target(%arg10 : memref<256x128xf32, #tpu.memory_space<vmem>>) offsets(%arg9 : memref<256xi32, #tpu.memory_space<vmem>>) semaphore(%arg14 : memref<!tpu.dma_semaphore, #tpu.memory_space<semaphore_mem>>)
    %dma_wait3A_48 = arith.constant 0 : i32
    %dma_wait3A_49 = arith.constant 0 : i32
    %dma_wait3A_50 = tpu.memref_slice %arg2[%dma_wait3A_48, %dma_wait3A_49] : memref<16384x128xf32, #tpu.memory_space<hbm>> -> memref<16384x128xf32, #tpu.memory_space<hbm>>
    tpu.wait_indirect_dma semaphore(%arg14 : memref<!tpu.dma_semaphore, #tpu.memory_space<semaphore_mem>>) src(%dma_wait3A_50 : memref<16384x128xf32, #tpu.memory_space<hbm>>) dst(%arg10 : memref<256x128xf32, #tpu.memory_space<vmem>>)
    "tpu.region"() ({
      %run_scoped3A = tpu.sem_alloc : memref<!tpu.dma_semaphore, #tpu.memory_space<semaphore_mem>>
      %dma_start3A_233 = arith.constant 0 : i32
      %dma_start3A_234 = tpu.memref_slice %arg6[%add3A_44, %dma_start3A_233] : memref<131072x128xf32, #tpu.memory_space<hbm>> -> memref<256x128xf32, #tpu.memory_space<hbm>>
      %dma_start3A_235 = arith.constant 0 : i32
      %dma_start3A_236 = tpu.memref_slice %arg6[%add3A_44, %dma_start3A_235] : memref<131072x128xf32, #tpu.memory_space<hbm>> -> memref<256x128xf32, #tpu.memory_space<hbm>>
      tpu.enqueue_dma source(%arg10 : memref<256x128xf32, #tpu.memory_space<vmem>>) target(%dma_start3A_236 : memref<256x128xf32, #tpu.memory_space<hbm>>) target_semaphore(%run_scoped3A : memref<!tpu.dma_semaphore, #tpu.memory_space<semaphore_mem>>)
      %dma_wait3A_237 = arith.constant 0 : i32
      %dma_wait3A_238 = tpu.memref_slice %arg6[%add3A_44, %dma_wait3A_237] : memref<131072x128xf32, #tpu.memory_space<hbm>> -> memref<256x128xf32, #tpu.memory_space<hbm>>
      %dma_wait3A_239 = arith.constant 0 : i32
      %dma_wait3A_240 = tpu.memref_slice %arg6[%add3A_44, %dma_wait3A_239] : memref<131072x128xf32, #tpu.memory_space<hbm>> -> memref<256x128xf32, #tpu.memory_space<hbm>>
      tpu.wait_dma2 semaphore(%run_scoped3A : memref<!tpu.dma_semaphore, #tpu.memory_space<semaphore_mem>>) src(%arg10 : memref<256x128xf32, #tpu.memory_space<vmem>>) dst(%dma_wait3A_240 : memref<256x128xf32, #tpu.memory_space<hbm>>)
      tpu.yield
    }) : () -> ()
    %dma_start3A_51 = arith.constant 0 : i32
    %dma_start3A_52 = arith.constant 0 : i32
    %dma_start3A_53 = tpu.memref_slice %arg3[%dma_start3A_51, %dma_start3A_52] : memref<16384x128xf32, #tpu.memory_space<hbm>> -> memref<16384x128xf32, #tpu.memory_space<hbm>>
    tpu.enqueue_indirect_dma source(%dma_start3A_53 : memref<16384x128xf32, #tpu.memory_space<hbm>>) target(%arg11 : memref<256x128xf32, #tpu.memory_space<vmem>>) offsets(%arg9 : memref<256xi32, #tpu.memory_space<vmem>>) semaphore(%arg14 : memref<!tpu.dma_semaphore, #tpu.memory_space<semaphore_mem>>)
    %dma_wait3A_54 = arith.constant 0 : i32
    %dma_wait3A_55 = arith.constant 0 : i32
    %dma_wait3A_56 = tpu.memref_slice %arg3[%dma_wait3A_54, %dma_wait3A_55] : memref<16384x128xf32, #tpu.memory_space<hbm>> -> memref<16384x128xf32, #tpu.memory_space<hbm>>
    tpu.wait_indirect_dma semaphore(%arg14 : memref<!tpu.dma_semaphore, #tpu.memory_space<semaphore_mem>>) src(%dma_wait3A_56 : memref<16384x128xf32, #tpu.memory_space<hbm>>) dst(%arg11 : memref<256x128xf32, #tpu.memory_space<vmem>>)
    "tpu.region"() ({
      %run_scoped3A = tpu.sem_alloc : memref<!tpu.dma_semaphore, #tpu.memory_space<semaphore_mem>>
      %dma_start3A_233 = arith.constant 0 : i32
      %dma_start3A_234 = tpu.memref_slice %arg7[%add3A_44, %dma_start3A_233] : memref<131072x128xf32, #tpu.memory_space<hbm>> -> memref<256x128xf32, #tpu.memory_space<hbm>>
      %dma_start3A_235 = arith.constant 0 : i32
      %dma_start3A_236 = tpu.memref_slice %arg7[%add3A_44, %dma_start3A_235] : memref<131072x128xf32, #tpu.memory_space<hbm>> -> memref<256x128xf32, #tpu.memory_space<hbm>>
      tpu.enqueue_dma source(%arg11 : memref<256x128xf32, #tpu.memory_space<vmem>>) target(%dma_start3A_236 : memref<256x128xf32, #tpu.memory_space<hbm>>) target_semaphore(%run_scoped3A : memref<!tpu.dma_semaphore, #tpu.memory_space<semaphore_mem>>)
      %dma_wait3A_237 = arith.constant 0 : i32
      %dma_wait3A_238 = tpu.memref_slice %arg7[%add3A_44, %dma_wait3A_237] : memref<131072x128xf32, #tpu.memory_space<hbm>> -> memref<256x128xf32, #tpu.memory_space<hbm>>
      %dma_wait3A_239 = arith.constant 0 : i32
      %dma_wait3A_240 = tpu.memref_slice %arg7[%add3A_44, %dma_wait3A_239] : memref<131072x128xf32, #tpu.memory_space<hbm>> -> memref<256x128xf32, #tpu.memory_space<hbm>>
      tpu.wait_dma2 semaphore(%run_scoped3A : memref<!tpu.dma_semaphore, #tpu.memory_space<semaphore_mem>>) src(%arg11 : memref<256x128xf32, #tpu.memory_space<vmem>>) dst(%dma_wait3A_240 : memref<256x128xf32, #tpu.memory_space<hbm>>)
      tpu.yield
    }) : () -> ()
    %add3A_57 = arith.constant 1024 : i32
    %add3A_58 = arith.addi %mul3A_2, %add3A_57 : i32
    "tpu.region"() ({
      %run_scoped3A = tpu.sem_alloc : memref<!tpu.dma_semaphore, #tpu.memory_space<semaphore_mem>>
      %dma_start3A_233 = tpu.memref_slice %arg4[%add3A_58] : memref<131072xi32, #tpu.memory_space<hbm>> -> memref<256xi32, #tpu.memory_space<hbm>>
      %dma_start3A_234 = tpu.memref_slice %arg4[%add3A_58] : memref<131072xi32, #tpu.memory_space<hbm>> -> memref<256xi32, #tpu.memory_space<hbm>>
      tpu.enqueue_dma source(%dma_start3A_234 : memref<256xi32, #tpu.memory_space<hbm>>) target(%arg9 : memref<256xi32, #tpu.memory_space<vmem>>) target_semaphore(%run_scoped3A : memref<!tpu.dma_semaphore, #tpu.memory_space<semaphore_mem>>)
      %dma_wait3A_235 = tpu.memref_slice %arg4[%add3A_58] : memref<131072xi32, #tpu.memory_space<hbm>> -> memref<256xi32, #tpu.memory_space<hbm>>
      %dma_wait3A_236 = tpu.memref_slice %arg4[%add3A_58] : memref<131072xi32, #tpu.memory_space<hbm>> -> memref<256xi32, #tpu.memory_space<hbm>>
      tpu.wait_dma2 semaphore(%run_scoped3A : memref<!tpu.dma_semaphore, #tpu.memory_space<semaphore_mem>>) src(%dma_wait3A_236 : memref<256xi32, #tpu.memory_space<hbm>>) dst(%arg9 : memref<256xi32, #tpu.memory_space<vmem>>)
      tpu.yield
    }) : () -> ()
    %dma_start3A_59 = arith.constant 0 : i32
    %dma_start3A_60 = arith.constant 0 : i32
    %dma_start3A_61 = tpu.memref_slice %arg2[%dma_start3A_59, %dma_start3A_60] : memref<16384x128xf32, #tpu.memory_space<hbm>> -> memref<16384x128xf32, #tpu.memory_space<hbm>>
    tpu.enqueue_indirect_dma source(%dma_start3A_61 : memref<16384x128xf32, #tpu.memory_space<hbm>>) target(%arg10 : memref<256x128xf32, #tpu.memory_space<vmem>>) offsets(%arg9 : memref<256xi32, #tpu.memory_space<vmem>>) semaphore(%arg14 : memref<!tpu.dma_semaphore, #tpu.memory_space<semaphore_mem>>)
    %dma_wait3A_62 = arith.constant 0 : i32
    %dma_wait3A_63 = arith.constant 0 : i32
    %dma_wait3A_64 = tpu.memref_slice %arg2[%dma_wait3A_62, %dma_wait3A_63] : memref<16384x128xf32, #tpu.memory_space<hbm>> -> memref<16384x128xf32, #tpu.memory_space<hbm>>
    tpu.wait_indirect_dma semaphore(%arg14 : memref<!tpu.dma_semaphore, #tpu.memory_space<semaphore_mem>>) src(%dma_wait3A_64 : memref<16384x128xf32, #tpu.memory_space<hbm>>) dst(%arg10 : memref<256x128xf32, #tpu.memory_space<vmem>>)
    "tpu.region"() ({
      %run_scoped3A = tpu.sem_alloc : memref<!tpu.dma_semaphore, #tpu.memory_space<semaphore_mem>>
      %dma_start3A_233 = arith.constant 0 : i32
      %dma_start3A_234 = tpu.memref_slice %arg6[%add3A_58, %dma_start3A_233] : memref<131072x128xf32, #tpu.memory_space<hbm>> -> memref<256x128xf32, #tpu.memory_space<hbm>>
      %dma_start3A_235 = arith.constant 0 : i32
      %dma_start3A_236 = tpu.memref_slice %arg6[%add3A_58, %dma_start3A_235] : memref<131072x128xf32, #tpu.memory_space<hbm>> -> memref<256x128xf32, #tpu.memory_space<hbm>>
      tpu.enqueue_dma source(%arg10 : memref<256x128xf32, #tpu.memory_space<vmem>>) target(%dma_start3A_236 : memref<256x128xf32, #tpu.memory_space<hbm>>) target_semaphore(%run_scoped3A : memref<!tpu.dma_semaphore, #tpu.memory_space<semaphore_mem>>)
      %dma_wait3A_237 = arith.constant 0 : i32
      %dma_wait3A_238 = tpu.memref_slice %arg6[%add3A_58, %dma_wait3A_237] : memref<131072x128xf32, #tpu.memory_space<hbm>> -> memref<256x128xf32, #tpu.memory_space<hbm>>
      %dma_wait3A_239 = arith.constant 0 : i32
      %dma_wait3A_240 = tpu.memref_slice %arg6[%add3A_58, %dma_wait3A_239] : memref<131072x128xf32, #tpu.memory_space<hbm>> -> memref<256x128xf32, #tpu.memory_space<hbm>>
      tpu.wait_dma2 semaphore(%run_scoped3A : memref<!tpu.dma_semaphore, #tpu.memory_space<semaphore_mem>>) src(%arg10 : memref<256x128xf32, #tpu.memory_space<vmem>>) dst(%dma_wait3A_240 : memref<256x128xf32, #tpu.memory_space<hbm>>)
      tpu.yield
    }) : () -> ()
    %dma_start3A_65 = arith.constant 0 : i32
    %dma_start3A_66 = arith.constant 0 : i32
    %dma_start3A_67 = tpu.memref_slice %arg3[%dma_start3A_65, %dma_start3A_66] : memref<16384x128xf32, #tpu.memory_space<hbm>> -> memref<16384x128xf32, #tpu.memory_space<hbm>>
    tpu.enqueue_indirect_dma source(%dma_start3A_67 : memref<16384x128xf32, #tpu.memory_space<hbm>>) target(%arg11 : memref<256x128xf32, #tpu.memory_space<vmem>>) offsets(%arg9 : memref<256xi32, #tpu.memory_space<vmem>>) semaphore(%arg14 : memref<!tpu.dma_semaphore, #tpu.memory_space<semaphore_mem>>)
    %dma_wait3A_68 = arith.constant 0 : i32
    %dma_wait3A_69 = arith.constant 0 : i32
    %dma_wait3A_70 = tpu.memref_slice %arg3[%dma_wait3A_68, %dma_wait3A_69] : memref<16384x128xf32, #tpu.memory_space<hbm>> -> memref<16384x128xf32, #tpu.memory_space<hbm>>
    tpu.wait_indirect_dma semaphore(%arg14 : memref<!tpu.dma_semaphore, #tpu.memory_space<semaphore_mem>>) src(%dma_wait3A_70 : memref<16384x128xf32, #tpu.memory_space<hbm>>) dst(%arg11 : memref<256x128xf32, #tpu.memory_space<vmem>>)
    "tpu.region"() ({
      %run_scoped3A = tpu.sem_alloc : memref<!tpu.dma_semaphore, #tpu.memory_space<semaphore_mem>>
      %dma_start3A_233 = arith.constant 0 : i32
      %dma_start3A_234 = tpu.memref_slice %arg7[%add3A_58, %dma_start3A_233] : memref<131072x128xf32, #tpu.memory_space<hbm>> -> memref<256x128xf32, #tpu.memory_space<hbm>>
      %dma_start3A_235 = arith.constant 0 : i32
      %dma_start3A_236 = tpu.memref_slice %arg7[%add3A_58, %dma_start3A_235] : memref<131072x128xf32, #tpu.memory_space<hbm>> -> memref<256x128xf32, #tpu.memory_space<hbm>>
      tpu.enqueue_dma source(%arg11 : memref<256x128xf32, #tpu.memory_space<vmem>>) target(%dma_start3A_236 : memref<256x128xf32, #tpu.memory_space<hbm>>) target_semaphore(%run_scoped3A : memref<!tpu.dma_semaphore, #tpu.memory_space<semaphore_mem>>)
      %dma_wait3A_237 = arith.constant 0 : i32
      %dma_wait3A_238 = tpu.memref_slice %arg7[%add3A_58, %dma_wait3A_237] : memref<131072x128xf32, #tpu.memory_space<hbm>> -> memref<256x128xf32, #tpu.memory_space<hbm>>
      %dma_wait3A_239 = arith.constant 0 : i32
      %dma_wait3A_240 = tpu.memref_slice %arg7[%add3A_58, %dma_wait3A_239] : memref<131072x128xf32, #tpu.memory_space<hbm>> -> memref<256x128xf32, #tpu.memory_space<hbm>>
      tpu.wait_dma2 semaphore(%run_scoped3A : memref<!tpu.dma_semaphore, #tpu.memory_space<semaphore_mem>>) src(%arg11 : memref<256x128xf32, #tpu.memory_space<vmem>>) dst(%dma_wait3A_240 : memref<256x128xf32, #tpu.memory_space<hbm>>)
      tpu.yield
    }) : () -> ()
    %add3A_71 = arith.constant 1280 : i32
    %add3A_72 = arith.addi %mul3A_2, %add3A_71 : i32
    "tpu.region"() ({
      %run_scoped3A = tpu.sem_alloc : memref<!tpu.dma_semaphore, #tpu.memory_space<semaphore_mem>>
      %dma_start3A_233 = tpu.memref_slice %arg4[%add3A_72] : memref<131072xi32, #tpu.memory_space<hbm>> -> memref<256xi32, #tpu.memory_space<hbm>>
      %dma_start3A_234 = tpu.memref_slice %arg4[%add3A_72] : memref<131072xi32, #tpu.memory_space<hbm>> -> memref<256xi32, #tpu.memory_space<hbm>>
      tpu.enqueue_dma source(%dma_start3A_234 : memref<256xi32, #tpu.memory_space<hbm>>) target(%arg9 : memref<256xi32, #tpu.memory_space<vmem>>) target_semaphore(%run_scoped3A : memref<!tpu.dma_semaphore, #tpu.memory_space<semaphore_mem>>)
      %dma_wait3A_235 = tpu.memref_slice %arg4[%add3A_72] : memref<131072xi32, #tpu.memory_space<hbm>> -> memref<256xi32, #tpu.memory_space<hbm>>
      %dma_wait3A_236 = tpu.memref_slice %arg4[%add3A_72] : memref<131072xi32, #tpu.memory_space<hbm>> -> memref<256xi32, #tpu.memory_space<hbm>>
      tpu.wait_dma2 semaphore(%run_scoped3A : memref<!tpu.dma_semaphore, #tpu.memory_space<semaphore_mem>>) src(%dma_wait3A_236 : memref<256xi32, #tpu.memory_space<hbm>>) dst(%arg9 : memref<256xi32, #tpu.memory_space<vmem>>)
      tpu.yield
    }) : () -> ()
    %dma_start3A_73 = arith.constant 0 : i32
    %dma_start3A_74 = arith.constant 0 : i32
    %dma_start3A_75 = tpu.memref_slice %arg2[%dma_start3A_73, %dma_start3A_74] : memref<16384x128xf32, #tpu.memory_space<hbm>> -> memref<16384x128xf32, #tpu.memory_space<hbm>>
    tpu.enqueue_indirect_dma source(%dma_start3A_75 : memref<16384x128xf32, #tpu.memory_space<hbm>>) target(%arg10 : memref<256x128xf32, #tpu.memory_space<vmem>>) offsets(%arg9 : memref<256xi32, #tpu.memory_space<vmem>>) semaphore(%arg14 : memref<!tpu.dma_semaphore, #tpu.memory_space<semaphore_mem>>)
    %dma_wait3A_76 = arith.constant 0 : i32
    %dma_wait3A_77 = arith.constant 0 : i32
    %dma_wait3A_78 = tpu.memref_slice %arg2[%dma_wait3A_76, %dma_wait3A_77] : memref<16384x128xf32, #tpu.memory_space<hbm>> -> memref<16384x128xf32, #tpu.memory_space<hbm>>
    tpu.wait_indirect_dma semaphore(%arg14 : memref<!tpu.dma_semaphore, #tpu.memory_space<semaphore_mem>>) src(%dma_wait3A_78 : memref<16384x128xf32, #tpu.memory_space<hbm>>) dst(%arg10 : memref<256x128xf32, #tpu.memory_space<vmem>>)
    "tpu.region"() ({
      %run_scoped3A = tpu.sem_alloc : memref<!tpu.dma_semaphore, #tpu.memory_space<semaphore_mem>>
      %dma_start3A_233 = arith.constant 0 : i32
      %dma_start3A_234 = tpu.memref_slice %arg6[%add3A_72, %dma_start3A_233] : memref<131072x128xf32, #tpu.memory_space<hbm>> -> memref<256x128xf32, #tpu.memory_space<hbm>>
      %dma_start3A_235 = arith.constant 0 : i32
      %dma_start3A_236 = tpu.memref_slice %arg6[%add3A_72, %dma_start3A_235] : memref<131072x128xf32, #tpu.memory_space<hbm>> -> memref<256x128xf32, #tpu.memory_space<hbm>>
      tpu.enqueue_dma source(%arg10 : memref<256x128xf32, #tpu.memory_space<vmem>>) target(%dma_start3A_236 : memref<256x128xf32, #tpu.memory_space<hbm>>) target_semaphore(%run_scoped3A : memref<!tpu.dma_semaphore, #tpu.memory_space<semaphore_mem>>)
      %dma_wait3A_237 = arith.constant 0 : i32
      %dma_wait3A_238 = tpu.memref_slice %arg6[%add3A_72, %dma_wait3A_237] : memref<131072x128xf32, #tpu.memory_space<hbm>> -> memref<256x128xf32, #tpu.memory_space<hbm>>
      %dma_wait3A_239 = arith.constant 0 : i32
      %dma_wait3A_240 = tpu.memref_slice %arg6[%add3A_72, %dma_wait3A_239] : memref<131072x128xf32, #tpu.memory_space<hbm>> -> memref<256x128xf32, #tpu.memory_space<hbm>>
      tpu.wait_dma2 semaphore(%run_scoped3A : memref<!tpu.dma_semaphore, #tpu.memory_space<semaphore_mem>>) src(%arg10 : memref<256x128xf32, #tpu.memory_space<vmem>>) dst(%dma_wait3A_240 : memref<256x128xf32, #tpu.memory_space<hbm>>)
      tpu.yield
    }) : () -> ()
    %dma_start3A_79 = arith.constant 0 : i32
    %dma_start3A_80 = arith.constant 0 : i32
    %dma_start3A_81 = tpu.memref_slice %arg3[%dma_start3A_79, %dma_start3A_80] : memref<16384x128xf32, #tpu.memory_space<hbm>> -> memref<16384x128xf32, #tpu.memory_space<hbm>>
    tpu.enqueue_indirect_dma source(%dma_start3A_81 : memref<16384x128xf32, #tpu.memory_space<hbm>>) target(%arg11 : memref<256x128xf32, #tpu.memory_space<vmem>>) offsets(%arg9 : memref<256xi32, #tpu.memory_space<vmem>>) semaphore(%arg14 : memref<!tpu.dma_semaphore, #tpu.memory_space<semaphore_mem>>)
    %dma_wait3A_82 = arith.constant 0 : i32
    %dma_wait3A_83 = arith.constant 0 : i32
    %dma_wait3A_84 = tpu.memref_slice %arg3[%dma_wait3A_82, %dma_wait3A_83] : memref<16384x128xf32, #tpu.memory_space<hbm>> -> memref<16384x128xf32, #tpu.memory_space<hbm>>
    tpu.wait_indirect_dma semaphore(%arg14 : memref<!tpu.dma_semaphore, #tpu.memory_space<semaphore_mem>>) src(%dma_wait3A_84 : memref<16384x128xf32, #tpu.memory_space<hbm>>) dst(%arg11 : memref<256x128xf32, #tpu.memory_space<vmem>>)
    "tpu.region"() ({
      %run_scoped3A = tpu.sem_alloc : memref<!tpu.dma_semaphore, #tpu.memory_space<semaphore_mem>>
      %dma_start3A_233 = arith.constant 0 : i32
      %dma_start3A_234 = tpu.memref_slice %arg7[%add3A_72, %dma_start3A_233] : memref<131072x128xf32, #tpu.memory_space<hbm>> -> memref<256x128xf32, #tpu.memory_space<hbm>>
      %dma_start3A_235 = arith.constant 0 : i32
      %dma_start3A_236 = tpu.memref_slice %arg7[%add3A_72, %dma_start3A_235] : memref<131072x128xf32, #tpu.memory_space<hbm>> -> memref<256x128xf32, #tpu.memory_space<hbm>>
      tpu.enqueue_dma source(%arg11 : memref<256x128xf32, #tpu.memory_space<vmem>>) target(%dma_start3A_236 : memref<256x128xf32, #tpu.memory_space<hbm>>) target_semaphore(%run_scoped3A : memref<!tpu.dma_semaphore, #tpu.memory_space<semaphore_mem>>)
      %dma_wait3A_237 = arith.constant 0 : i32
      %dma_wait3A_238 = tpu.memref_slice %arg7[%add3A_72, %dma_wait3A_237] : memref<131072x128xf32, #tpu.memory_space<hbm>> -> memref<256x128xf32, #tpu.memory_space<hbm>>
      %dma_wait3A_239 = arith.constant 0 : i32
      %dma_wait3A_240 = tpu.memref_slice %arg7[%add3A_72, %dma_wait3A_239] : memref<131072x128xf32, #tpu.memory_space<hbm>> -> memref<256x128xf32, #tpu.memory_space<hbm>>
      tpu.wait_dma2 semaphore(%run_scoped3A : memref<!tpu.dma_semaphore, #tpu.memory_space<semaphore_mem>>) src(%arg11 : memref<256x128xf32, #tpu.memory_space<vmem>>) dst(%dma_wait3A_240 : memref<256x128xf32, #tpu.memory_space<hbm>>)
      tpu.yield
    }) : () -> ()
    %add3A_85 = arith.constant 1536 : i32
    %add3A_86 = arith.addi %mul3A_2, %add3A_85 : i32
    "tpu.region"() ({
      %run_scoped3A = tpu.sem_alloc : memref<!tpu.dma_semaphore, #tpu.memory_space<semaphore_mem>>
      %dma_start3A_233 = tpu.memref_slice %arg4[%add3A_86] : memref<131072xi32, #tpu.memory_space<hbm>> -> memref<256xi32, #tpu.memory_space<hbm>>
      %dma_start3A_234 = tpu.memref_slice %arg4[%add3A_86] : memref<131072xi32, #tpu.memory_space<hbm>> -> memref<256xi32, #tpu.memory_space<hbm>>
      tpu.enqueue_dma source(%dma_start3A_234 : memref<256xi32, #tpu.memory_space<hbm>>) target(%arg9 : memref<256xi32, #tpu.memory_space<vmem>>) target_semaphore(%run_scoped3A : memref<!tpu.dma_semaphore, #tpu.memory_space<semaphore_mem>>)
      %dma_wait3A_235 = tpu.memref_slice %arg4[%add3A_86] : memref<131072xi32, #tpu.memory_space<hbm>> -> memref<256xi32, #tpu.memory_space<hbm>>
      %dma_wait3A_236 = tpu.memref_slice %arg4[%add3A_86] : memref<131072xi32, #tpu.memory_space<hbm>> -> memref<256xi32, #tpu.memory_space<hbm>>
      tpu.wait_dma2 semaphore(%run_scoped3A : memref<!tpu.dma_semaphore, #tpu.memory_space<semaphore_mem>>) src(%dma_wait3A_236 : memref<256xi32, #tpu.memory_space<hbm>>) dst(%arg9 : memref<256xi32, #tpu.memory_space<vmem>>)
      tpu.yield
    }) : () -> ()
    %dma_start3A_87 = arith.constant 0 : i32
    %dma_start3A_88 = arith.constant 0 : i32
    %dma_start3A_89 = tpu.memref_slice %arg2[%dma_start3A_87, %dma_start3A_88] : memref<16384x128xf32, #tpu.memory_space<hbm>> -> memref<16384x128xf32, #tpu.memory_space<hbm>>
    tpu.enqueue_indirect_dma source(%dma_start3A_89 : memref<16384x128xf32, #tpu.memory_space<hbm>>) target(%arg10 : memref<256x128xf32, #tpu.memory_space<vmem>>) offsets(%arg9 : memref<256xi32, #tpu.memory_space<vmem>>) semaphore(%arg14 : memref<!tpu.dma_semaphore, #tpu.memory_space<semaphore_mem>>)
    %dma_wait3A_90 = arith.constant 0 : i32
    %dma_wait3A_91 = arith.constant 0 : i32
    %dma_wait3A_92 = tpu.memref_slice %arg2[%dma_wait3A_90, %dma_wait3A_91] : memref<16384x128xf32, #tpu.memory_space<hbm>> -> memref<16384x128xf32, #tpu.memory_space<hbm>>
    tpu.wait_indirect_dma semaphore(%arg14 : memref<!tpu.dma_semaphore, #tpu.memory_space<semaphore_mem>>) src(%dma_wait3A_92 : memref<16384x128xf32, #tpu.memory_space<hbm>>) dst(%arg10 : memref<256x128xf32, #tpu.memory_space<vmem>>)
    "tpu.region"() ({
      %run_scoped3A = tpu.sem_alloc : memref<!tpu.dma_semaphore, #tpu.memory_space<semaphore_mem>>
      %dma_start3A_233 = arith.constant 0 : i32
      %dma_start3A_234 = tpu.memref_slice %arg6[%add3A_86, %dma_start3A_233] : memref<131072x128xf32, #tpu.memory_space<hbm>> -> memref<256x128xf32, #tpu.memory_space<hbm>>
      %dma_start3A_235 = arith.constant 0 : i32
      %dma_start3A_236 = tpu.memref_slice %arg6[%add3A_86, %dma_start3A_235] : memref<131072x128xf32, #tpu.memory_space<hbm>> -> memref<256x128xf32, #tpu.memory_space<hbm>>
      tpu.enqueue_dma source(%arg10 : memref<256x128xf32, #tpu.memory_space<vmem>>) target(%dma_start3A_236 : memref<256x128xf32, #tpu.memory_space<hbm>>) target_semaphore(%run_scoped3A : memref<!tpu.dma_semaphore, #tpu.memory_space<semaphore_mem>>)
      %dma_wait3A_237 = arith.constant 0 : i32
      %dma_wait3A_238 = tpu.memref_slice %arg6[%add3A_86, %dma_wait3A_237] : memref<131072x128xf32, #tpu.memory_space<hbm>> -> memref<256x128xf32, #tpu.memory_space<hbm>>
      %dma_wait3A_239 = arith.constant 0 : i32
      %dma_wait3A_240 = tpu.memref_slice %arg6[%add3A_86, %dma_wait3A_239] : memref<131072x128xf32, #tpu.memory_space<hbm>> -> memref<256x128xf32, #tpu.memory_space<hbm>>
      tpu.wait_dma2 semaphore(%run_scoped3A : memref<!tpu.dma_semaphore, #tpu.memory_space<semaphore_mem>>) src(%arg10 : memref<256x128xf32, #tpu.memory_space<vmem>>) dst(%dma_wait3A_240 : memref<256x128xf32, #tpu.memory_space<hbm>>)
      tpu.yield
    }) : () -> ()
    %dma_start3A_93 = arith.constant 0 : i32
    %dma_start3A_94 = arith.constant 0 : i32
    %dma_start3A_95 = tpu.memref_slice %arg3[%dma_start3A_93, %dma_start3A_94] : memref<16384x128xf32, #tpu.memory_space<hbm>> -> memref<16384x128xf32, #tpu.memory_space<hbm>>
    tpu.enqueue_indirect_dma source(%dma_start3A_95 : memref<16384x128xf32, #tpu.memory_space<hbm>>) target(%arg11 : memref<256x128xf32, #tpu.memory_space<vmem>>) offsets(%arg9 : memref<256xi32, #tpu.memory_space<vmem>>) semaphore(%arg14 : memref<!tpu.dma_semaphore, #tpu.memory_space<semaphore_mem>>)
    %dma_wait3A_96 = arith.constant 0 : i32
    %dma_wait3A_97 = arith.constant 0 : i32
    %dma_wait3A_98 = tpu.memref_slice %arg3[%dma_wait3A_96, %dma_wait3A_97] : memref<16384x128xf32, #tpu.memory_space<hbm>> -> memref<16384x128xf32, #tpu.memory_space<hbm>>
    tpu.wait_indirect_dma semaphore(%arg14 : memref<!tpu.dma_semaphore, #tpu.memory_space<semaphore_mem>>) src(%dma_wait3A_98 : memref<16384x128xf32, #tpu.memory_space<hbm>>) dst(%arg11 : memref<256x128xf32, #tpu.memory_space<vmem>>)
    "tpu.region"() ({
      %run_scoped3A = tpu.sem_alloc : memref<!tpu.dma_semaphore, #tpu.memory_space<semaphore_mem>>
      %dma_start3A_233 = arith.constant 0 : i32
      %dma_start3A_234 = tpu.memref_slice %arg7[%add3A_86, %dma_start3A_233] : memref<131072x128xf32, #tpu.memory_space<hbm>> -> memref<256x128xf32, #tpu.memory_space<hbm>>
      %dma_start3A_235 = arith.constant 0 : i32
      %dma_start3A_236 = tpu.memref_slice %arg7[%add3A_86, %dma_start3A_235] : memref<131072x128xf32, #tpu.memory_space<hbm>> -> memref<256x128xf32, #tpu.memory_space<hbm>>
      tpu.enqueue_dma source(%arg11 : memref<256x128xf32, #tpu.memory_space<vmem>>) target(%dma_start3A_236 : memref<256x128xf32, #tpu.memory_space<hbm>>) target_semaphore(%run_scoped3A : memref<!tpu.dma_semaphore, #tpu.memory_space<semaphore_mem>>)
      %dma_wait3A_237 = arith.constant 0 : i32
      %dma_wait3A_238 = tpu.memref_slice %arg7[%add3A_86, %dma_wait3A_237] : memref<131072x128xf32, #tpu.memory_space<hbm>> -> memref<256x128xf32, #tpu.memory_space<hbm>>
      %dma_wait3A_239 = arith.constant 0 : i32
      %dma_wait3A_240 = tpu.memref_slice %arg7[%add3A_86, %dma_wait3A_239] : memref<131072x128xf32, #tpu.memory_space<hbm>> -> memref<256x128xf32, #tpu.memory_space<hbm>>
      tpu.wait_dma2 semaphore(%run_scoped3A : memref<!tpu.dma_semaphore, #tpu.memory_space<semaphore_mem>>) src(%arg11 : memref<256x128xf32, #tpu.memory_space<vmem>>) dst(%dma_wait3A_240 : memref<256x128xf32, #tpu.memory_space<hbm>>)
      tpu.yield
    }) : () -> ()
    %add3A_99 = arith.constant 1792 : i32
    %add3A_100 = arith.addi %mul3A_2, %add3A_99 : i32
    "tpu.region"() ({
      %run_scoped3A = tpu.sem_alloc : memref<!tpu.dma_semaphore, #tpu.memory_space<semaphore_mem>>
      %dma_start3A_233 = tpu.memref_slice %arg4[%add3A_100] : memref<131072xi32, #tpu.memory_space<hbm>> -> memref<256xi32, #tpu.memory_space<hbm>>
      %dma_start3A_234 = tpu.memref_slice %arg4[%add3A_100] : memref<131072xi32, #tpu.memory_space<hbm>> -> memref<256xi32, #tpu.memory_space<hbm>>
      tpu.enqueue_dma source(%dma_start3A_234 : memref<256xi32, #tpu.memory_space<hbm>>) target(%arg9 : memref<256xi32, #tpu.memory_space<vmem>>) target_semaphore(%run_scoped3A : memref<!tpu.dma_semaphore, #tpu.memory_space<semaphore_mem>>)
      %dma_wait3A_235 = tpu.memref_slice %arg4[%add3A_100] : memref<131072xi32, #tpu.memory_space<hbm>> -> memref<256xi32, #tpu.memory_space<hbm>>
      %dma_wait3A_236 = tpu.memref_slice %arg4[%add3A_100] : memref<131072xi32, #tpu.memory_space<hbm>> -> memref<256xi32, #tpu.memory_space<hbm>>
      tpu.wait_dma2 semaphore(%run_scoped3A : memref<!tpu.dma_semaphore, #tpu.memory_space<semaphore_mem>>) src(%dma_wait3A_236 : memref<256xi32, #tpu.memory_space<hbm>>) dst(%arg9 : memref<256xi32, #tpu.memory_space<vmem>>)
      tpu.yield
    }) : () -> ()
    %dma_start3A_101 = arith.constant 0 : i32
    %dma_start3A_102 = arith.constant 0 : i32
    %dma_start3A_103 = tpu.memref_slice %arg2[%dma_start3A_101, %dma_start3A_102] : memref<16384x128xf32, #tpu.memory_space<hbm>> -> memref<16384x128xf32, #tpu.memory_space<hbm>>
    tpu.enqueue_indirect_dma source(%dma_start3A_103 : memref<16384x128xf32, #tpu.memory_space<hbm>>) target(%arg10 : memref<256x128xf32, #tpu.memory_space<vmem>>) offsets(%arg9 : memref<256xi32, #tpu.memory_space<vmem>>) semaphore(%arg14 : memref<!tpu.dma_semaphore, #tpu.memory_space<semaphore_mem>>)
    %dma_wait3A_104 = arith.constant 0 : i32
    %dma_wait3A_105 = arith.constant 0 : i32
    %dma_wait3A_106 = tpu.memref_slice %arg2[%dma_wait3A_104, %dma_wait3A_105] : memref<16384x128xf32, #tpu.memory_space<hbm>> -> memref<16384x128xf32, #tpu.memory_space<hbm>>
    tpu.wait_indirect_dma semaphore(%arg14 : memref<!tpu.dma_semaphore, #tpu.memory_space<semaphore_mem>>) src(%dma_wait3A_106 : memref<16384x128xf32, #tpu.memory_space<hbm>>) dst(%arg10 : memref<256x128xf32, #tpu.memory_space<vmem>>)
    "tpu.region"() ({
      %run_scoped3A = tpu.sem_alloc : memref<!tpu.dma_semaphore, #tpu.memory_space<semaphore_mem>>
      %dma_start3A_233 = arith.constant 0 : i32
      %dma_start3A_234 = tpu.memref_slice %arg6[%add3A_100, %dma_start3A_233] : memref<131072x128xf32, #tpu.memory_space<hbm>> -> memref<256x128xf32, #tpu.memory_space<hbm>>
      %dma_start3A_235 = arith.constant 0 : i32
      %dma_start3A_236 = tpu.memref_slice %arg6[%add3A_100, %dma_start3A_235] : memref<131072x128xf32, #tpu.memory_space<hbm>> -> memref<256x128xf32, #tpu.memory_space<hbm>>
      tpu.enqueue_dma source(%arg10 : memref<256x128xf32, #tpu.memory_space<vmem>>) target(%dma_start3A_236 : memref<256x128xf32, #tpu.memory_space<hbm>>) target_semaphore(%run_scoped3A : memref<!tpu.dma_semaphore, #tpu.memory_space<semaphore_mem>>)
      %dma_wait3A_237 = arith.constant 0 : i32
      %dma_wait3A_238 = tpu.memref_slice %arg6[%add3A_100, %dma_wait3A_237] : memref<131072x128xf32, #tpu.memory_space<hbm>> -> memref<256x128xf32, #tpu.memory_space<hbm>>
      %dma_wait3A_239 = arith.constant 0 : i32
      %dma_wait3A_240 = tpu.memref_slice %arg6[%add3A_100, %dma_wait3A_239] : memref<131072x128xf32, #tpu.memory_space<hbm>> -> memref<256x128xf32, #tpu.memory_space<hbm>>
      tpu.wait_dma2 semaphore(%run_scoped3A : memref<!tpu.dma_semaphore, #tpu.memory_space<semaphore_mem>>) src(%arg10 : memref<256x128xf32, #tpu.memory_space<vmem>>) dst(%dma_wait3A_240 : memref<256x128xf32, #tpu.memory_space<hbm>>)
      tpu.yield
    }) : () -> ()
    %dma_start3A_107 = arith.constant 0 : i32
    %dma_start3A_108 = arith.constant 0 : i32
    %dma_start3A_109 = tpu.memref_slice %arg3[%dma_start3A_107, %dma_start3A_108] : memref<16384x128xf32, #tpu.memory_space<hbm>> -> memref<16384x128xf32, #tpu.memory_space<hbm>>
    tpu.enqueue_indirect_dma source(%dma_start3A_109 : memref<16384x128xf32, #tpu.memory_space<hbm>>) target(%arg11 : memref<256x128xf32, #tpu.memory_space<vmem>>) offsets(%arg9 : memref<256xi32, #tpu.memory_space<vmem>>) semaphore(%arg14 : memref<!tpu.dma_semaphore, #tpu.memory_space<semaphore_mem>>)
    %dma_wait3A_110 = arith.constant 0 : i32
    %dma_wait3A_111 = arith.constant 0 : i32
    %dma_wait3A_112 = tpu.memref_slice %arg3[%dma_wait3A_110, %dma_wait3A_111] : memref<16384x128xf32, #tpu.memory_space<hbm>> -> memref<16384x128xf32, #tpu.memory_space<hbm>>
    tpu.wait_indirect_dma semaphore(%arg14 : memref<!tpu.dma_semaphore, #tpu.memory_space<semaphore_mem>>) src(%dma_wait3A_112 : memref<16384x128xf32, #tpu.memory_space<hbm>>) dst(%arg11 : memref<256x128xf32, #tpu.memory_space<vmem>>)
    "tpu.region"() ({
      %run_scoped3A = tpu.sem_alloc : memref<!tpu.dma_semaphore, #tpu.memory_space<semaphore_mem>>
      %dma_start3A_233 = arith.constant 0 : i32
      %dma_start3A_234 = tpu.memref_slice %arg7[%add3A_100, %dma_start3A_233] : memref<131072x128xf32, #tpu.memory_space<hbm>> -> memref<256x128xf32, #tpu.memory_space<hbm>>
      %dma_start3A_235 = arith.constant 0 : i32
      %dma_start3A_236 = tpu.memref_slice %arg7[%add3A_100, %dma_start3A_235] : memref<131072x128xf32, #tpu.memory_space<hbm>> -> memref<256x128xf32, #tpu.memory_space<hbm>>
      tpu.enqueue_dma source(%arg11 : memref<256x128xf32, #tpu.memory_space<vmem>>) target(%dma_start3A_236 : memref<256x128xf32, #tpu.memory_space<hbm>>) target_semaphore(%run_scoped3A : memref<!tpu.dma_semaphore, #tpu.memory_space<semaphore_mem>>)
      %dma_wait3A_237 = arith.constant 0 : i32
      %dma_wait3A_238 = tpu.memref_slice %arg7[%add3A_100, %dma_wait3A_237] : memref<131072x128xf32, #tpu.memory_space<hbm>> -> memref<256x128xf32, #tpu.memory_space<hbm>>
      %dma_wait3A_239 = arith.constant 0 : i32
      %dma_wait3A_240 = tpu.memref_slice %arg7[%add3A_100, %dma_wait3A_239] : memref<131072x128xf32, #tpu.memory_space<hbm>> -> memref<256x128xf32, #tpu.memory_space<hbm>>
      tpu.wait_dma2 semaphore(%run_scoped3A : memref<!tpu.dma_semaphore, #tpu.memory_space<semaphore_mem>>) src(%arg11 : memref<256x128xf32, #tpu.memory_space<vmem>>) dst(%dma_wait3A_240 : memref<256x128xf32, #tpu.memory_space<hbm>>)
      tpu.yield
    }) : () -> ()
    %add3A_113 = arith.constant 2048 : i32
    %add3A_114 = arith.addi %mul3A_2, %add3A_113 : i32
    "tpu.region"() ({
      %run_scoped3A = tpu.sem_alloc : memref<!tpu.dma_semaphore, #tpu.memory_space<semaphore_mem>>
      %dma_start3A_233 = tpu.memref_slice %arg4[%add3A_114] : memref<131072xi32, #tpu.memory_space<hbm>> -> memref<256xi32, #tpu.memory_space<hbm>>
      %dma_start3A_234 = tpu.memref_slice %arg4[%add3A_114] : memref<131072xi32, #tpu.memory_space<hbm>> -> memref<256xi32, #tpu.memory_space<hbm>>
      tpu.enqueue_dma source(%dma_start3A_234 : memref<256xi32, #tpu.memory_space<hbm>>) target(%arg9 : memref<256xi32, #tpu.memory_space<vmem>>) target_semaphore(%run_scoped3A : memref<!tpu.dma_semaphore, #tpu.memory_space<semaphore_mem>>)
      %dma_wait3A_235 = tpu.memref_slice %arg4[%add3A_114] : memref<131072xi32, #tpu.memory_space<hbm>> -> memref<256xi32, #tpu.memory_space<hbm>>
      %dma_wait3A_236 = tpu.memref_slice %arg4[%add3A_114] : memref<131072xi32, #tpu.memory_space<hbm>> -> memref<256xi32, #tpu.memory_space<hbm>>
      tpu.wait_dma2 semaphore(%run_scoped3A : memref<!tpu.dma_semaphore, #tpu.memory_space<semaphore_mem>>) src(%dma_wait3A_236 : memref<256xi32, #tpu.memory_space<hbm>>) dst(%arg9 : memref<256xi32, #tpu.memory_space<vmem>>)
      tpu.yield
    }) : () -> ()
    %dma_start3A_115 = arith.constant 0 : i32
    %dma_start3A_116 = arith.constant 0 : i32
    %dma_start3A_117 = tpu.memref_slice %arg2[%dma_start3A_115, %dma_start3A_116] : memref<16384x128xf32, #tpu.memory_space<hbm>> -> memref<16384x128xf32, #tpu.memory_space<hbm>>
    tpu.enqueue_indirect_dma source(%dma_start3A_117 : memref<16384x128xf32, #tpu.memory_space<hbm>>) target(%arg10 : memref<256x128xf32, #tpu.memory_space<vmem>>) offsets(%arg9 : memref<256xi32, #tpu.memory_space<vmem>>) semaphore(%arg14 : memref<!tpu.dma_semaphore, #tpu.memory_space<semaphore_mem>>)
    %dma_wait3A_118 = arith.constant 0 : i32
    %dma_wait3A_119 = arith.constant 0 : i32
    %dma_wait3A_120 = tpu.memref_slice %arg2[%dma_wait3A_118, %dma_wait3A_119] : memref<16384x128xf32, #tpu.memory_space<hbm>> -> memref<16384x128xf32, #tpu.memory_space<hbm>>
    tpu.wait_indirect_dma semaphore(%arg14 : memref<!tpu.dma_semaphore, #tpu.memory_space<semaphore_mem>>) src(%dma_wait3A_120 : memref<16384x128xf32, #tpu.memory_space<hbm>>) dst(%arg10 : memref<256x128xf32, #tpu.memory_space<vmem>>)
    "tpu.region"() ({
      %run_scoped3A = tpu.sem_alloc : memref<!tpu.dma_semaphore, #tpu.memory_space<semaphore_mem>>
      %dma_start3A_233 = arith.constant 0 : i32
      %dma_start3A_234 = tpu.memref_slice %arg6[%add3A_114, %dma_start3A_233] : memref<131072x128xf32, #tpu.memory_space<hbm>> -> memref<256x128xf32, #tpu.memory_space<hbm>>
      %dma_start3A_235 = arith.constant 0 : i32
      %dma_start3A_236 = tpu.memref_slice %arg6[%add3A_114, %dma_start3A_235] : memref<131072x128xf32, #tpu.memory_space<hbm>> -> memref<256x128xf32, #tpu.memory_space<hbm>>
      tpu.enqueue_dma source(%arg10 : memref<256x128xf32, #tpu.memory_space<vmem>>) target(%dma_start3A_236 : memref<256x128xf32, #tpu.memory_space<hbm>>) target_semaphore(%run_scoped3A : memref<!tpu.dma_semaphore, #tpu.memory_space<semaphore_mem>>)
      %dma_wait3A_237 = arith.constant 0 : i32
      %dma_wait3A_238 = tpu.memref_slice %arg6[%add3A_114, %dma_wait3A_237] : memref<131072x128xf32, #tpu.memory_space<hbm>> -> memref<256x128xf32, #tpu.memory_space<hbm>>
      %dma_wait3A_239 = arith.constant 0 : i32
      %dma_wait3A_240 = tpu.memref_slice %arg6[%add3A_114, %dma_wait3A_239] : memref<131072x128xf32, #tpu.memory_space<hbm>> -> memref<256x128xf32, #tpu.memory_space<hbm>>
      tpu.wait_dma2 semaphore(%run_scoped3A : memref<!tpu.dma_semaphore, #tpu.memory_space<semaphore_mem>>) src(%arg10 : memref<256x128xf32, #tpu.memory_space<vmem>>) dst(%dma_wait3A_240 : memref<256x128xf32, #tpu.memory_space<hbm>>)
      tpu.yield
    }) : () -> ()
    %dma_start3A_121 = arith.constant 0 : i32
    %dma_start3A_122 = arith.constant 0 : i32
    %dma_start3A_123 = tpu.memref_slice %arg3[%dma_start3A_121, %dma_start3A_122] : memref<16384x128xf32, #tpu.memory_space<hbm>> -> memref<16384x128xf32, #tpu.memory_space<hbm>>
    tpu.enqueue_indirect_dma source(%dma_start3A_123 : memref<16384x128xf32, #tpu.memory_space<hbm>>) target(%arg11 : memref<256x128xf32, #tpu.memory_space<vmem>>) offsets(%arg9 : memref<256xi32, #tpu.memory_space<vmem>>) semaphore(%arg14 : memref<!tpu.dma_semaphore, #tpu.memory_space<semaphore_mem>>)
    %dma_wait3A_124 = arith.constant 0 : i32
    %dma_wait3A_125 = arith.constant 0 : i32
    %dma_wait3A_126 = tpu.memref_slice %arg3[%dma_wait3A_124, %dma_wait3A_125] : memref<16384x128xf32, #tpu.memory_space<hbm>> -> memref<16384x128xf32, #tpu.memory_space<hbm>>
    tpu.wait_indirect_dma semaphore(%arg14 : memref<!tpu.dma_semaphore, #tpu.memory_space<semaphore_mem>>) src(%dma_wait3A_126 : memref<16384x128xf32, #tpu.memory_space<hbm>>) dst(%arg11 : memref<256x128xf32, #tpu.memory_space<vmem>>)
    "tpu.region"() ({
      %run_scoped3A = tpu.sem_alloc : memref<!tpu.dma_semaphore, #tpu.memory_space<semaphore_mem>>
      %dma_start3A_233 = arith.constant 0 : i32
      %dma_start3A_234 = tpu.memref_slice %arg7[%add3A_114, %dma_start3A_233] : memref<131072x128xf32, #tpu.memory_space<hbm>> -> memref<256x128xf32, #tpu.memory_space<hbm>>
      %dma_start3A_235 = arith.constant 0 : i32
      %dma_start3A_236 = tpu.memref_slice %arg7[%add3A_114, %dma_start3A_235] : memref<131072x128xf32, #tpu.memory_space<hbm>> -> memref<256x128xf32, #tpu.memory_space<hbm>>
      tpu.enqueue_dma source(%arg11 : memref<256x128xf32, #tpu.memory_space<vmem>>) target(%dma_start3A_236 : memref<256x128xf32, #tpu.memory_space<hbm>>) target_semaphore(%run_scoped3A : memref<!tpu.dma_semaphore, #tpu.memory_space<semaphore_mem>>)
      %dma_wait3A_237 = arith.constant 0 : i32
      %dma_wait3A_238 = tpu.memref_slice %arg7[%add3A_114, %dma_wait3A_237] : memref<131072x128xf32, #tpu.memory_space<hbm>> -> memref<256x128xf32, #tpu.memory_space<hbm>>
      %dma_wait3A_239 = arith.constant 0 : i32
      %dma_wait3A_240 = tpu.memref_slice %arg7[%add3A_114, %dma_wait3A_239] : memref<131072x128xf32, #tpu.memory_space<hbm>> -> memref<256x128xf32, #tpu.memory_space<hbm>>
      tpu.wait_dma2 semaphore(%run_scoped3A : memref<!tpu.dma_semaphore, #tpu.memory_space<semaphore_mem>>) src(%arg11 : memref<256x128xf32, #tpu.memory_space<vmem>>) dst(%dma_wait3A_240 : memref<256x128xf32, #tpu.memory_space<hbm>>)
      tpu.yield
    }) : () -> ()
    %add3A_127 = arith.constant 2304 : i32
    %add3A_128 = arith.addi %mul3A_2, %add3A_127 : i32
    "tpu.region"() ({
      %run_scoped3A = tpu.sem_alloc : memref<!tpu.dma_semaphore, #tpu.memory_space<semaphore_mem>>
      %dma_start3A_233 = tpu.memref_slice %arg4[%add3A_128] : memref<131072xi32, #tpu.memory_space<hbm>> -> memref<256xi32, #tpu.memory_space<hbm>>
      %dma_start3A_234 = tpu.memref_slice %arg4[%add3A_128] : memref<131072xi32, #tpu.memory_space<hbm>> -> memref<256xi32, #tpu.memory_space<hbm>>
      tpu.enqueue_dma source(%dma_start3A_234 : memref<256xi32, #tpu.memory_space<hbm>>) target(%arg9 : memref<256xi32, #tpu.memory_space<vmem>>) target_semaphore(%run_scoped3A : memref<!tpu.dma_semaphore, #tpu.memory_space<semaphore_mem>>)
      %dma_wait3A_235 = tpu.memref_slice %arg4[%add3A_128] : memref<131072xi32, #tpu.memory_space<hbm>> -> memref<256xi32, #tpu.memory_space<hbm>>
      %dma_wait3A_236 = tpu.memref_slice %arg4[%add3A_128] : memref<131072xi32, #tpu.memory_space<hbm>> -> memref<256xi32, #tpu.memory_space<hbm>>
      tpu.wait_dma2 semaphore(%run_scoped3A : memref<!tpu.dma_semaphore, #tpu.memory_space<semaphore_mem>>) src(%dma_wait3A_236 : memref<256xi32, #tpu.memory_space<hbm>>) dst(%arg9 : memref<256xi32, #tpu.memory_space<vmem>>)
      tpu.yield
    }) : () -> ()
    %dma_start3A_129 = arith.constant 0 : i32
    %dma_start3A_130 = arith.constant 0 : i32
    %dma_start3A_131 = tpu.memref_slice %arg2[%dma_start3A_129, %dma_start3A_130] : memref<16384x128xf32, #tpu.memory_space<hbm>> -> memref<16384x128xf32, #tpu.memory_space<hbm>>
    tpu.enqueue_indirect_dma source(%dma_start3A_131 : memref<16384x128xf32, #tpu.memory_space<hbm>>) target(%arg10 : memref<256x128xf32, #tpu.memory_space<vmem>>) offsets(%arg9 : memref<256xi32, #tpu.memory_space<vmem>>) semaphore(%arg14 : memref<!tpu.dma_semaphore, #tpu.memory_space<semaphore_mem>>)
    %dma_wait3A_132 = arith.constant 0 : i32
    %dma_wait3A_133 = arith.constant 0 : i32
    %dma_wait3A_134 = tpu.memref_slice %arg2[%dma_wait3A_132, %dma_wait3A_133] : memref<16384x128xf32, #tpu.memory_space<hbm>> -> memref<16384x128xf32, #tpu.memory_space<hbm>>
    tpu.wait_indirect_dma semaphore(%arg14 : memref<!tpu.dma_semaphore, #tpu.memory_space<semaphore_mem>>) src(%dma_wait3A_134 : memref<16384x128xf32, #tpu.memory_space<hbm>>) dst(%arg10 : memref<256x128xf32, #tpu.memory_space<vmem>>)
    "tpu.region"() ({
      %run_scoped3A = tpu.sem_alloc : memref<!tpu.dma_semaphore, #tpu.memory_space<semaphore_mem>>
      %dma_start3A_233 = arith.constant 0 : i32
      %dma_start3A_234 = tpu.memref_slice %arg6[%add3A_128, %dma_start3A_233] : memref<131072x128xf32, #tpu.memory_space<hbm>> -> memref<256x128xf32, #tpu.memory_space<hbm>>
      %dma_start3A_235 = arith.constant 0 : i32
      %dma_start3A_236 = tpu.memref_slice %arg6[%add3A_128, %dma_start3A_235] : memref<131072x128xf32, #tpu.memory_space<hbm>> -> memref<256x128xf32, #tpu.memory_space<hbm>>
      tpu.enqueue_dma source(%arg10 : memref<256x128xf32, #tpu.memory_space<vmem>>) target(%dma_start3A_236 : memref<256x128xf32, #tpu.memory_space<hbm>>) target_semaphore(%run_scoped3A : memref<!tpu.dma_semaphore, #tpu.memory_space<semaphore_mem>>)
      %dma_wait3A_237 = arith.constant 0 : i32
      %dma_wait3A_238 = tpu.memref_slice %arg6[%add3A_128, %dma_wait3A_237] : memref<131072x128xf32, #tpu.memory_space<hbm>> -> memref<256x128xf32, #tpu.memory_space<hbm>>
      %dma_wait3A_239 = arith.constant 0 : i32
      %dma_wait3A_240 = tpu.memref_slice %arg6[%add3A_128, %dma_wait3A_239] : memref<131072x128xf32, #tpu.memory_space<hbm>> -> memref<256x128xf32, #tpu.memory_space<hbm>>
      tpu.wait_dma2 semaphore(%run_scoped3A : memref<!tpu.dma_semaphore, #tpu.memory_space<semaphore_mem>>) src(%arg10 : memref<256x128xf32, #tpu.memory_space<vmem>>) dst(%dma_wait3A_240 : memref<256x128xf32, #tpu.memory_space<hbm>>)
      tpu.yield
    }) : () -> ()
    %dma_start3A_135 = arith.constant 0 : i32
    %dma_start3A_136 = arith.constant 0 : i32
    %dma_start3A_137 = tpu.memref_slice %arg3[%dma_start3A_135, %dma_start3A_136] : memref<16384x128xf32, #tpu.memory_space<hbm>> -> memref<16384x128xf32, #tpu.memory_space<hbm>>
    tpu.enqueue_indirect_dma source(%dma_start3A_137 : memref<16384x128xf32, #tpu.memory_space<hbm>>) target(%arg11 : memref<256x128xf32, #tpu.memory_space<vmem>>) offsets(%arg9 : memref<256xi32, #tpu.memory_space<vmem>>) semaphore(%arg14 : memref<!tpu.dma_semaphore, #tpu.memory_space<semaphore_mem>>)
    %dma_wait3A_138 = arith.constant 0 : i32
    %dma_wait3A_139 = arith.constant 0 : i32
    %dma_wait3A_140 = tpu.memref_slice %arg3[%dma_wait3A_138, %dma_wait3A_139] : memref<16384x128xf32, #tpu.memory_space<hbm>> -> memref<16384x128xf32, #tpu.memory_space<hbm>>
    tpu.wait_indirect_dma semaphore(%arg14 : memref<!tpu.dma_semaphore, #tpu.memory_space<semaphore_mem>>) src(%dma_wait3A_140 : memref<16384x128xf32, #tpu.memory_space<hbm>>) dst(%arg11 : memref<256x128xf32, #tpu.memory_space<vmem>>)
    "tpu.region"() ({
      %run_scoped3A = tpu.sem_alloc : memref<!tpu.dma_semaphore, #tpu.memory_space<semaphore_mem>>
      %dma_start3A_233 = arith.constant 0 : i32
      %dma_start3A_234 = tpu.memref_slice %arg7[%add3A_128, %dma_start3A_233] : memref<131072x128xf32, #tpu.memory_space<hbm>> -> memref<256x128xf32, #tpu.memory_space<hbm>>
      %dma_start3A_235 = arith.constant 0 : i32
      %dma_start3A_236 = tpu.memref_slice %arg7[%add3A_128, %dma_start3A_235] : memref<131072x128xf32, #tpu.memory_space<hbm>> -> memref<256x128xf32, #tpu.memory_space<hbm>>
      tpu.enqueue_dma source(%arg11 : memref<256x128xf32, #tpu.memory_space<vmem>>) target(%dma_start3A_236 : memref<256x128xf32, #tpu.memory_space<hbm>>) target_semaphore(%run_scoped3A : memref<!tpu.dma_semaphore, #tpu.memory_space<semaphore_mem>>)
      %dma_wait3A_237 = arith.constant 0 : i32
      %dma_wait3A_238 = tpu.memref_slice %arg7[%add3A_128, %dma_wait3A_237] : memref<131072x128xf32, #tpu.memory_space<hbm>> -> memref<256x128xf32, #tpu.memory_space<hbm>>
      %dma_wait3A_239 = arith.constant 0 : i32
      %dma_wait3A_240 = tpu.memref_slice %arg7[%add3A_128, %dma_wait3A_239] : memref<131072x128xf32, #tpu.memory_space<hbm>> -> memref<256x128xf32, #tpu.memory_space<hbm>>
      tpu.wait_dma2 semaphore(%run_scoped3A : memref<!tpu.dma_semaphore, #tpu.memory_space<semaphore_mem>>) src(%arg11 : memref<256x128xf32, #tpu.memory_space<vmem>>) dst(%dma_wait3A_240 : memref<256x128xf32, #tpu.memory_space<hbm>>)
      tpu.yield
    }) : () -> ()
    %add3A_141 = arith.constant 2560 : i32
    %add3A_142 = arith.addi %mul3A_2, %add3A_141 : i32
    "tpu.region"() ({
      %run_scoped3A = tpu.sem_alloc : memref<!tpu.dma_semaphore, #tpu.memory_space<semaphore_mem>>
      %dma_start3A_233 = tpu.memref_slice %arg4[%add3A_142] : memref<131072xi32, #tpu.memory_space<hbm>> -> memref<256xi32, #tpu.memory_space<hbm>>
      %dma_start3A_234 = tpu.memref_slice %arg4[%add3A_142] : memref<131072xi32, #tpu.memory_space<hbm>> -> memref<256xi32, #tpu.memory_space<hbm>>
      tpu.enqueue_dma source(%dma_start3A_234 : memref<256xi32, #tpu.memory_space<hbm>>) target(%arg9 : memref<256xi32, #tpu.memory_space<vmem>>) target_semaphore(%run_scoped3A : memref<!tpu.dma_semaphore, #tpu.memory_space<semaphore_mem>>)
      %dma_wait3A_235 = tpu.memref_slice %arg4[%add3A_142] : memref<131072xi32, #tpu.memory_space<hbm>> -> memref<256xi32, #tpu.memory_space<hbm>>
      %dma_wait3A_236 = tpu.memref_slice %arg4[%add3A_142] : memref<131072xi32, #tpu.memory_space<hbm>> -> memref<256xi32, #tpu.memory_space<hbm>>
      tpu.wait_dma2 semaphore(%run_scoped3A : memref<!tpu.dma_semaphore, #tpu.memory_space<semaphore_mem>>) src(%dma_wait3A_236 : memref<256xi32, #tpu.memory_space<hbm>>) dst(%arg9 : memref<256xi32, #tpu.memory_space<vmem>>)
      tpu.yield
    }) : () -> ()
    %dma_start3A_143 = arith.constant 0 : i32
    %dma_start3A_144 = arith.constant 0 : i32
    %dma_start3A_145 = tpu.memref_slice %arg2[%dma_start3A_143, %dma_start3A_144] : memref<16384x128xf32, #tpu.memory_space<hbm>> -> memref<16384x128xf32, #tpu.memory_space<hbm>>
    tpu.enqueue_indirect_dma source(%dma_start3A_145 : memref<16384x128xf32, #tpu.memory_space<hbm>>) target(%arg10 : memref<256x128xf32, #tpu.memory_space<vmem>>) offsets(%arg9 : memref<256xi32, #tpu.memory_space<vmem>>) semaphore(%arg14 : memref<!tpu.dma_semaphore, #tpu.memory_space<semaphore_mem>>)
    %dma_wait3A_146 = arith.constant 0 : i32
    %dma_wait3A_147 = arith.constant 0 : i32
    %dma_wait3A_148 = tpu.memref_slice %arg2[%dma_wait3A_146, %dma_wait3A_147] : memref<16384x128xf32, #tpu.memory_space<hbm>> -> memref<16384x128xf32, #tpu.memory_space<hbm>>
    tpu.wait_indirect_dma semaphore(%arg14 : memref<!tpu.dma_semaphore, #tpu.memory_space<semaphore_mem>>) src(%dma_wait3A_148 : memref<16384x128xf32, #tpu.memory_space<hbm>>) dst(%arg10 : memref<256x128xf32, #tpu.memory_space<vmem>>)
    "tpu.region"() ({
      %run_scoped3A = tpu.sem_alloc : memref<!tpu.dma_semaphore, #tpu.memory_space<semaphore_mem>>
      %dma_start3A_233 = arith.constant 0 : i32
      %dma_start3A_234 = tpu.memref_slice %arg6[%add3A_142, %dma_start3A_233] : memref<131072x128xf32, #tpu.memory_space<hbm>> -> memref<256x128xf32, #tpu.memory_space<hbm>>
      %dma_start3A_235 = arith.constant 0 : i32
      %dma_start3A_236 = tpu.memref_slice %arg6[%add3A_142, %dma_start3A_235] : memref<131072x128xf32, #tpu.memory_space<hbm>> -> memref<256x128xf32, #tpu.memory_space<hbm>>
      tpu.enqueue_dma source(%arg10 : memref<256x128xf32, #tpu.memory_space<vmem>>) target(%dma_start3A_236 : memref<256x128xf32, #tpu.memory_space<hbm>>) target_semaphore(%run_scoped3A : memref<!tpu.dma_semaphore, #tpu.memory_space<semaphore_mem>>)
      %dma_wait3A_237 = arith.constant 0 : i32
      %dma_wait3A_238 = tpu.memref_slice %arg6[%add3A_142, %dma_wait3A_237] : memref<131072x128xf32, #tpu.memory_space<hbm>> -> memref<256x128xf32, #tpu.memory_space<hbm>>
      %dma_wait3A_239 = arith.constant 0 : i32
      %dma_wait3A_240 = tpu.memref_slice %arg6[%add3A_142, %dma_wait3A_239] : memref<131072x128xf32, #tpu.memory_space<hbm>> -> memref<256x128xf32, #tpu.memory_space<hbm>>
      tpu.wait_dma2 semaphore(%run_scoped3A : memref<!tpu.dma_semaphore, #tpu.memory_space<semaphore_mem>>) src(%arg10 : memref<256x128xf32, #tpu.memory_space<vmem>>) dst(%dma_wait3A_240 : memref<256x128xf32, #tpu.memory_space<hbm>>)
      tpu.yield
    }) : () -> ()
    %dma_start3A_149 = arith.constant 0 : i32
    %dma_start3A_150 = arith.constant 0 : i32
    %dma_start3A_151 = tpu.memref_slice %arg3[%dma_start3A_149, %dma_start3A_150] : memref<16384x128xf32, #tpu.memory_space<hbm>> -> memref<16384x128xf32, #tpu.memory_space<hbm>>
    tpu.enqueue_indirect_dma source(%dma_start3A_151 : memref<16384x128xf32, #tpu.memory_space<hbm>>) target(%arg11 : memref<256x128xf32, #tpu.memory_space<vmem>>) offsets(%arg9 : memref<256xi32, #tpu.memory_space<vmem>>) semaphore(%arg14 : memref<!tpu.dma_semaphore, #tpu.memory_space<semaphore_mem>>)
    %dma_wait3A_152 = arith.constant 0 : i32
    %dma_wait3A_153 = arith.constant 0 : i32
    %dma_wait3A_154 = tpu.memref_slice %arg3[%dma_wait3A_152, %dma_wait3A_153] : memref<16384x128xf32, #tpu.memory_space<hbm>> -> memref<16384x128xf32, #tpu.memory_space<hbm>>
    tpu.wait_indirect_dma semaphore(%arg14 : memref<!tpu.dma_semaphore, #tpu.memory_space<semaphore_mem>>) src(%dma_wait3A_154 : memref<16384x128xf32, #tpu.memory_space<hbm>>) dst(%arg11 : memref<256x128xf32, #tpu.memory_space<vmem>>)
    "tpu.region"() ({
      %run_scoped3A = tpu.sem_alloc : memref<!tpu.dma_semaphore, #tpu.memory_space<semaphore_mem>>
      %dma_start3A_233 = arith.constant 0 : i32
      %dma_start3A_234 = tpu.memref_slice %arg7[%add3A_142, %dma_start3A_233] : memref<131072x128xf32, #tpu.memory_space<hbm>> -> memref<256x128xf32, #tpu.memory_space<hbm>>
      %dma_start3A_235 = arith.constant 0 : i32
      %dma_start3A_236 = tpu.memref_slice %arg7[%add3A_142, %dma_start3A_235] : memref<131072x128xf32, #tpu.memory_space<hbm>> -> memref<256x128xf32, #tpu.memory_space<hbm>>
      tpu.enqueue_dma source(%arg11 : memref<256x128xf32, #tpu.memory_space<vmem>>) target(%dma_start3A_236 : memref<256x128xf32, #tpu.memory_space<hbm>>) target_semaphore(%run_scoped3A : memref<!tpu.dma_semaphore, #tpu.memory_space<semaphore_mem>>)
      %dma_wait3A_237 = arith.constant 0 : i32
      %dma_wait3A_238 = tpu.memref_slice %arg7[%add3A_142, %dma_wait3A_237] : memref<131072x128xf32, #tpu.memory_space<hbm>> -> memref<256x128xf32, #tpu.memory_space<hbm>>
      %dma_wait3A_239 = arith.constant 0 : i32
      %dma_wait3A_240 = tpu.memref_slice %arg7[%add3A_142, %dma_wait3A_239] : memref<131072x128xf32, #tpu.memory_space<hbm>> -> memref<256x128xf32, #tpu.memory_space<hbm>>
      tpu.wait_dma2 semaphore(%run_scoped3A : memref<!tpu.dma_semaphore, #tpu.memory_space<semaphore_mem>>) src(%arg11 : memref<256x128xf32, #tpu.memory_space<vmem>>) dst(%dma_wait3A_240 : memref<256x128xf32, #tpu.memory_space<hbm>>)
      tpu.yield
    }) : () -> ()
    %add3A_155 = arith.constant 2816 : i32
    %add3A_156 = arith.addi %mul3A_2, %add3A_155 : i32
    "tpu.region"() ({
      %run_scoped3A = tpu.sem_alloc : memref<!tpu.dma_semaphore, #tpu.memory_space<semaphore_mem>>
      %dma_start3A_233 = tpu.memref_slice %arg4[%add3A_156] : memref<131072xi32, #tpu.memory_space<hbm>> -> memref<256xi32, #tpu.memory_space<hbm>>
      %dma_start3A_234 = tpu.memref_slice %arg4[%add3A_156] : memref<131072xi32, #tpu.memory_space<hbm>> -> memref<256xi32, #tpu.memory_space<hbm>>
      tpu.enqueue_dma source(%dma_start3A_234 : memref<256xi32, #tpu.memory_space<hbm>>) target(%arg9 : memref<256xi32, #tpu.memory_space<vmem>>) target_semaphore(%run_scoped3A : memref<!tpu.dma_semaphore, #tpu.memory_space<semaphore_mem>>)
      %dma_wait3A_235 = tpu.memref_slice %arg4[%add3A_156] : memref<131072xi32, #tpu.memory_space<hbm>> -> memref<256xi32, #tpu.memory_space<hbm>>
      %dma_wait3A_236 = tpu.memref_slice %arg4[%add3A_156] : memref<131072xi32, #tpu.memory_space<hbm>> -> memref<256xi32, #tpu.memory_space<hbm>>
      tpu.wait_dma2 semaphore(%run_scoped3A : memref<!tpu.dma_semaphore, #tpu.memory_space<semaphore_mem>>) src(%dma_wait3A_236 : memref<256xi32, #tpu.memory_space<hbm>>) dst(%arg9 : memref<256xi32, #tpu.memory_space<vmem>>)
      tpu.yield
    }) : () -> ()
    %dma_start3A_157 = arith.constant 0 : i32
    %dma_start3A_158 = arith.constant 0 : i32
    %dma_start3A_159 = tpu.memref_slice %arg2[%dma_start3A_157, %dma_start3A_158] : memref<16384x128xf32, #tpu.memory_space<hbm>> -> memref<16384x128xf32, #tpu.memory_space<hbm>>
    tpu.enqueue_indirect_dma source(%dma_start3A_159 : memref<16384x128xf32, #tpu.memory_space<hbm>>) target(%arg10 : memref<256x128xf32, #tpu.memory_space<vmem>>) offsets(%arg9 : memref<256xi32, #tpu.memory_space<vmem>>) semaphore(%arg14 : memref<!tpu.dma_semaphore, #tpu.memory_space<semaphore_mem>>)
    %dma_wait3A_160 = arith.constant 0 : i32
    %dma_wait3A_161 = arith.constant 0 : i32
    %dma_wait3A_162 = tpu.memref_slice %arg2[%dma_wait3A_160, %dma_wait3A_161] : memref<16384x128xf32, #tpu.memory_space<hbm>> -> memref<16384x128xf32, #tpu.memory_space<hbm>>
    tpu.wait_indirect_dma semaphore(%arg14 : memref<!tpu.dma_semaphore, #tpu.memory_space<semaphore_mem>>) src(%dma_wait3A_162 : memref<16384x128xf32, #tpu.memory_space<hbm>>) dst(%arg10 : memref<256x128xf32, #tpu.memory_space<vmem>>)
    "tpu.region"() ({
      %run_scoped3A = tpu.sem_alloc : memref<!tpu.dma_semaphore, #tpu.memory_space<semaphore_mem>>
      %dma_start3A_233 = arith.constant 0 : i32
      %dma_start3A_234 = tpu.memref_slice %arg6[%add3A_156, %dma_start3A_233] : memref<131072x128xf32, #tpu.memory_space<hbm>> -> memref<256x128xf32, #tpu.memory_space<hbm>>
      %dma_start3A_235 = arith.constant 0 : i32
      %dma_start3A_236 = tpu.memref_slice %arg6[%add3A_156, %dma_start3A_235] : memref<131072x128xf32, #tpu.memory_space<hbm>> -> memref<256x128xf32, #tpu.memory_space<hbm>>
      tpu.enqueue_dma source(%arg10 : memref<256x128xf32, #tpu.memory_space<vmem>>) target(%dma_start3A_236 : memref<256x128xf32, #tpu.memory_space<hbm>>) target_semaphore(%run_scoped3A : memref<!tpu.dma_semaphore, #tpu.memory_space<semaphore_mem>>)
      %dma_wait3A_237 = arith.constant 0 : i32
      %dma_wait3A_238 = tpu.memref_slice %arg6[%add3A_156, %dma_wait3A_237] : memref<131072x128xf32, #tpu.memory_space<hbm>> -> memref<256x128xf32, #tpu.memory_space<hbm>>
      %dma_wait3A_239 = arith.constant 0 : i32
      %dma_wait3A_240 = tpu.memref_slice %arg6[%add3A_156, %dma_wait3A_239] : memref<131072x128xf32, #tpu.memory_space<hbm>> -> memref<256x128xf32, #tpu.memory_space<hbm>>
      tpu.wait_dma2 semaphore(%run_scoped3A : memref<!tpu.dma_semaphore, #tpu.memory_space<semaphore_mem>>) src(%arg10 : memref<256x128xf32, #tpu.memory_space<vmem>>) dst(%dma_wait3A_240 : memref<256x128xf32, #tpu.memory_space<hbm>>)
      tpu.yield
    }) : () -> ()
    %dma_start3A_163 = arith.constant 0 : i32
    %dma_start3A_164 = arith.constant 0 : i32
    %dma_start3A_165 = tpu.memref_slice %arg3[%dma_start3A_163, %dma_start3A_164] : memref<16384x128xf32, #tpu.memory_space<hbm>> -> memref<16384x128xf32, #tpu.memory_space<hbm>>
    tpu.enqueue_indirect_dma source(%dma_start3A_165 : memref<16384x128xf32, #tpu.memory_space<hbm>>) target(%arg11 : memref<256x128xf32, #tpu.memory_space<vmem>>) offsets(%arg9 : memref<256xi32, #tpu.memory_space<vmem>>) semaphore(%arg14 : memref<!tpu.dma_semaphore, #tpu.memory_space<semaphore_mem>>)
    %dma_wait3A_166 = arith.constant 0 : i32
    %dma_wait3A_167 = arith.constant 0 : i32
    %dma_wait3A_168 = tpu.memref_slice %arg3[%dma_wait3A_166, %dma_wait3A_167] : memref<16384x128xf32, #tpu.memory_space<hbm>> -> memref<16384x128xf32, #tpu.memory_space<hbm>>
    tpu.wait_indirect_dma semaphore(%arg14 : memref<!tpu.dma_semaphore, #tpu.memory_space<semaphore_mem>>) src(%dma_wait3A_168 : memref<16384x128xf32, #tpu.memory_space<hbm>>) dst(%arg11 : memref<256x128xf32, #tpu.memory_space<vmem>>)
    "tpu.region"() ({
      %run_scoped3A = tpu.sem_alloc : memref<!tpu.dma_semaphore, #tpu.memory_space<semaphore_mem>>
      %dma_start3A_233 = arith.constant 0 : i32
      %dma_start3A_234 = tpu.memref_slice %arg7[%add3A_156, %dma_start3A_233] : memref<131072x128xf32, #tpu.memory_space<hbm>> -> memref<256x128xf32, #tpu.memory_space<hbm>>
      %dma_start3A_235 = arith.constant 0 : i32
      %dma_start3A_236 = tpu.memref_slice %arg7[%add3A_156, %dma_start3A_235] : memref<131072x128xf32, #tpu.memory_space<hbm>> -> memref<256x128xf32, #tpu.memory_space<hbm>>
      tpu.enqueue_dma source(%arg11 : memref<256x128xf32, #tpu.memory_space<vmem>>) target(%dma_start3A_236 : memref<256x128xf32, #tpu.memory_space<hbm>>) target_semaphore(%run_scoped3A : memref<!tpu.dma_semaphore, #tpu.memory_space<semaphore_mem>>)
      %dma_wait3A_237 = arith.constant 0 : i32
      %dma_wait3A_238 = tpu.memref_slice %arg7[%add3A_156, %dma_wait3A_237] : memref<131072x128xf32, #tpu.memory_space<hbm>> -> memref<256x128xf32, #tpu.memory_space<hbm>>
      %dma_wait3A_239 = arith.constant 0 : i32
      %dma_wait3A_240 = tpu.memref_slice %arg7[%add3A_156, %dma_wait3A_239] : memref<131072x128xf32, #tpu.memory_space<hbm>> -> memref<256x128xf32, #tpu.memory_space<hbm>>
      tpu.wait_dma2 semaphore(%run_scoped3A : memref<!tpu.dma_semaphore, #tpu.memory_space<semaphore_mem>>) src(%arg11 : memref<256x128xf32, #tpu.memory_space<vmem>>) dst(%dma_wait3A_240 : memref<256x128xf32, #tpu.memory_space<hbm>>)
      tpu.yield
    }) : () -> ()
    %add3A_169 = arith.constant 3072 : i32
    %add3A_170 = arith.addi %mul3A_2, %add3A_169 : i32
    "tpu.region"() ({
      %run_scoped3A = tpu.sem_alloc : memref<!tpu.dma_semaphore, #tpu.memory_space<semaphore_mem>>
      %dma_start3A_233 = tpu.memref_slice %arg4[%add3A_170] : memref<131072xi32, #tpu.memory_space<hbm>> -> memref<256xi32, #tpu.memory_space<hbm>>
      %dma_start3A_234 = tpu.memref_slice %arg4[%add3A_170] : memref<131072xi32, #tpu.memory_space<hbm>> -> memref<256xi32, #tpu.memory_space<hbm>>
      tpu.enqueue_dma source(%dma_start3A_234 : memref<256xi32, #tpu.memory_space<hbm>>) target(%arg9 : memref<256xi32, #tpu.memory_space<vmem>>) target_semaphore(%run_scoped3A : memref<!tpu.dma_semaphore, #tpu.memory_space<semaphore_mem>>)
      %dma_wait3A_235 = tpu.memref_slice %arg4[%add3A_170] : memref<131072xi32, #tpu.memory_space<hbm>> -> memref<256xi32, #tpu.memory_space<hbm>>
      %dma_wait3A_236 = tpu.memref_slice %arg4[%add3A_170] : memref<131072xi32, #tpu.memory_space<hbm>> -> memref<256xi32, #tpu.memory_space<hbm>>
      tpu.wait_dma2 semaphore(%run_scoped3A : memref<!tpu.dma_semaphore, #tpu.memory_space<semaphore_mem>>) src(%dma_wait3A_236 : memref<256xi32, #tpu.memory_space<hbm>>) dst(%arg9 : memref<256xi32, #tpu.memory_space<vmem>>)
      tpu.yield
    }) : () -> ()
    %dma_start3A_171 = arith.constant 0 : i32
    %dma_start3A_172 = arith.constant 0 : i32
    %dma_start3A_173 = tpu.memref_slice %arg2[%dma_start3A_171, %dma_start3A_172] : memref<16384x128xf32, #tpu.memory_space<hbm>> -> memref<16384x128xf32, #tpu.memory_space<hbm>>
    tpu.enqueue_indirect_dma source(%dma_start3A_173 : memref<16384x128xf32, #tpu.memory_space<hbm>>) target(%arg10 : memref<256x128xf32, #tpu.memory_space<vmem>>) offsets(%arg9 : memref<256xi32, #tpu.memory_space<vmem>>) semaphore(%arg14 : memref<!tpu.dma_semaphore, #tpu.memory_space<semaphore_mem>>)
    %dma_wait3A_174 = arith.constant 0 : i32
    %dma_wait3A_175 = arith.constant 0 : i32
    %dma_wait3A_176 = tpu.memref_slice %arg2[%dma_wait3A_174, %dma_wait3A_175] : memref<16384x128xf32, #tpu.memory_space<hbm>> -> memref<16384x128xf32, #tpu.memory_space<hbm>>
    tpu.wait_indirect_dma semaphore(%arg14 : memref<!tpu.dma_semaphore, #tpu.memory_space<semaphore_mem>>) src(%dma_wait3A_176 : memref<16384x128xf32, #tpu.memory_space<hbm>>) dst(%arg10 : memref<256x128xf32, #tpu.memory_space<vmem>>)
    "tpu.region"() ({
      %run_scoped3A = tpu.sem_alloc : memref<!tpu.dma_semaphore, #tpu.memory_space<semaphore_mem>>
      %dma_start3A_233 = arith.constant 0 : i32
      %dma_start3A_234 = tpu.memref_slice %arg6[%add3A_170, %dma_start3A_233] : memref<131072x128xf32, #tpu.memory_space<hbm>> -> memref<256x128xf32, #tpu.memory_space<hbm>>
      %dma_start3A_235 = arith.constant 0 : i32
      %dma_start3A_236 = tpu.memref_slice %arg6[%add3A_170, %dma_start3A_235] : memref<131072x128xf32, #tpu.memory_space<hbm>> -> memref<256x128xf32, #tpu.memory_space<hbm>>
      tpu.enqueue_dma source(%arg10 : memref<256x128xf32, #tpu.memory_space<vmem>>) target(%dma_start3A_236 : memref<256x128xf32, #tpu.memory_space<hbm>>) target_semaphore(%run_scoped3A : memref<!tpu.dma_semaphore, #tpu.memory_space<semaphore_mem>>)
      %dma_wait3A_237 = arith.constant 0 : i32
      %dma_wait3A_238 = tpu.memref_slice %arg6[%add3A_170, %dma_wait3A_237] : memref<131072x128xf32, #tpu.memory_space<hbm>> -> memref<256x128xf32, #tpu.memory_space<hbm>>
      %dma_wait3A_239 = arith.constant 0 : i32
      %dma_wait3A_240 = tpu.memref_slice %arg6[%add3A_170, %dma_wait3A_239] : memref<131072x128xf32, #tpu.memory_space<hbm>> -> memref<256x128xf32, #tpu.memory_space<hbm>>
      tpu.wait_dma2 semaphore(%run_scoped3A : memref<!tpu.dma_semaphore, #tpu.memory_space<semaphore_mem>>) src(%arg10 : memref<256x128xf32, #tpu.memory_space<vmem>>) dst(%dma_wait3A_240 : memref<256x128xf32, #tpu.memory_space<hbm>>)
      tpu.yield
    }) : () -> ()
    %dma_start3A_177 = arith.constant 0 : i32
    %dma_start3A_178 = arith.constant 0 : i32
    %dma_start3A_179 = tpu.memref_slice %arg3[%dma_start3A_177, %dma_start3A_178] : memref<16384x128xf32, #tpu.memory_space<hbm>> -> memref<16384x128xf32, #tpu.memory_space<hbm>>
    tpu.enqueue_indirect_dma source(%dma_start3A_179 : memref<16384x128xf32, #tpu.memory_space<hbm>>) target(%arg11 : memref<256x128xf32, #tpu.memory_space<vmem>>) offsets(%arg9 : memref<256xi32, #tpu.memory_space<vmem>>) semaphore(%arg14 : memref<!tpu.dma_semaphore, #tpu.memory_space<semaphore_mem>>)
    %dma_wait3A_180 = arith.constant 0 : i32
    %dma_wait3A_181 = arith.constant 0 : i32
    %dma_wait3A_182 = tpu.memref_slice %arg3[%dma_wait3A_180, %dma_wait3A_181] : memref<16384x128xf32, #tpu.memory_space<hbm>> -> memref<16384x128xf32, #tpu.memory_space<hbm>>
    tpu.wait_indirect_dma semaphore(%arg14 : memref<!tpu.dma_semaphore, #tpu.memory_space<semaphore_mem>>) src(%dma_wait3A_182 : memref<16384x128xf32, #tpu.memory_space<hbm>>) dst(%arg11 : memref<256x128xf32, #tpu.memory_space<vmem>>)
    "tpu.region"() ({
      %run_scoped3A = tpu.sem_alloc : memref<!tpu.dma_semaphore, #tpu.memory_space<semaphore_mem>>
      %dma_start3A_233 = arith.constant 0 : i32
      %dma_start3A_234 = tpu.memref_slice %arg7[%add3A_170, %dma_start3A_233] : memref<131072x128xf32, #tpu.memory_space<hbm>> -> memref<256x128xf32, #tpu.memory_space<hbm>>
      %dma_start3A_235 = arith.constant 0 : i32
      %dma_start3A_236 = tpu.memref_slice %arg7[%add3A_170, %dma_start3A_235] : memref<131072x128xf32, #tpu.memory_space<hbm>> -> memref<256x128xf32, #tpu.memory_space<hbm>>
      tpu.enqueue_dma source(%arg11 : memref<256x128xf32, #tpu.memory_space<vmem>>) target(%dma_start3A_236 : memref<256x128xf32, #tpu.memory_space<hbm>>) target_semaphore(%run_scoped3A : memref<!tpu.dma_semaphore, #tpu.memory_space<semaphore_mem>>)
      %dma_wait3A_237 = arith.constant 0 : i32
      %dma_wait3A_238 = tpu.memref_slice %arg7[%add3A_170, %dma_wait3A_237] : memref<131072x128xf32, #tpu.memory_space<hbm>> -> memref<256x128xf32, #tpu.memory_space<hbm>>
      %dma_wait3A_239 = arith.constant 0 : i32
      %dma_wait3A_240 = tpu.memref_slice %arg7[%add3A_170, %dma_wait3A_239] : memref<131072x128xf32, #tpu.memory_space<hbm>> -> memref<256x128xf32, #tpu.memory_space<hbm>>
      tpu.wait_dma2 semaphore(%run_scoped3A : memref<!tpu.dma_semaphore, #tpu.memory_space<semaphore_mem>>) src(%arg11 : memref<256x128xf32, #tpu.memory_space<vmem>>) dst(%dma_wait3A_240 : memref<256x128xf32, #tpu.memory_space<hbm>>)
      tpu.yield
    }) : () -> ()
    %add3A_183 = arith.constant 3328 : i32
    %add3A_184 = arith.addi %mul3A_2, %add3A_183 : i32
    "tpu.region"() ({
      %run_scoped3A = tpu.sem_alloc : memref<!tpu.dma_semaphore, #tpu.memory_space<semaphore_mem>>
      %dma_start3A_233 = tpu.memref_slice %arg4[%add3A_184] : memref<131072xi32, #tpu.memory_space<hbm>> -> memref<256xi32, #tpu.memory_space<hbm>>
      %dma_start3A_234 = tpu.memref_slice %arg4[%add3A_184] : memref<131072xi32, #tpu.memory_space<hbm>> -> memref<256xi32, #tpu.memory_space<hbm>>
      tpu.enqueue_dma source(%dma_start3A_234 : memref<256xi32, #tpu.memory_space<hbm>>) target(%arg9 : memref<256xi32, #tpu.memory_space<vmem>>) target_semaphore(%run_scoped3A : memref<!tpu.dma_semaphore, #tpu.memory_space<semaphore_mem>>)
      %dma_wait3A_235 = tpu.memref_slice %arg4[%add3A_184] : memref<131072xi32, #tpu.memory_space<hbm>> -> memref<256xi32, #tpu.memory_space<hbm>>
      %dma_wait3A_236 = tpu.memref_slice %arg4[%add3A_184] : memref<131072xi32, #tpu.memory_space<hbm>> -> memref<256xi32, #tpu.memory_space<hbm>>
      tpu.wait_dma2 semaphore(%run_scoped3A : memref<!tpu.dma_semaphore, #tpu.memory_space<semaphore_mem>>) src(%dma_wait3A_236 : memref<256xi32, #tpu.memory_space<hbm>>) dst(%arg9 : memref<256xi32, #tpu.memory_space<vmem>>)
      tpu.yield
    }) : () -> ()
    %dma_start3A_185 = arith.constant 0 : i32
    %dma_start3A_186 = arith.constant 0 : i32
    %dma_start3A_187 = tpu.memref_slice %arg2[%dma_start3A_185, %dma_start3A_186] : memref<16384x128xf32, #tpu.memory_space<hbm>> -> memref<16384x128xf32, #tpu.memory_space<hbm>>
    tpu.enqueue_indirect_dma source(%dma_start3A_187 : memref<16384x128xf32, #tpu.memory_space<hbm>>) target(%arg10 : memref<256x128xf32, #tpu.memory_space<vmem>>) offsets(%arg9 : memref<256xi32, #tpu.memory_space<vmem>>) semaphore(%arg14 : memref<!tpu.dma_semaphore, #tpu.memory_space<semaphore_mem>>)
    %dma_wait3A_188 = arith.constant 0 : i32
    %dma_wait3A_189 = arith.constant 0 : i32
    %dma_wait3A_190 = tpu.memref_slice %arg2[%dma_wait3A_188, %dma_wait3A_189] : memref<16384x128xf32, #tpu.memory_space<hbm>> -> memref<16384x128xf32, #tpu.memory_space<hbm>>
    tpu.wait_indirect_dma semaphore(%arg14 : memref<!tpu.dma_semaphore, #tpu.memory_space<semaphore_mem>>) src(%dma_wait3A_190 : memref<16384x128xf32, #tpu.memory_space<hbm>>) dst(%arg10 : memref<256x128xf32, #tpu.memory_space<vmem>>)
    "tpu.region"() ({
      %run_scoped3A = tpu.sem_alloc : memref<!tpu.dma_semaphore, #tpu.memory_space<semaphore_mem>>
      %dma_start3A_233 = arith.constant 0 : i32
      %dma_start3A_234 = tpu.memref_slice %arg6[%add3A_184, %dma_start3A_233] : memref<131072x128xf32, #tpu.memory_space<hbm>> -> memref<256x128xf32, #tpu.memory_space<hbm>>
      %dma_start3A_235 = arith.constant 0 : i32
      %dma_start3A_236 = tpu.memref_slice %arg6[%add3A_184, %dma_start3A_235] : memref<131072x128xf32, #tpu.memory_space<hbm>> -> memref<256x128xf32, #tpu.memory_space<hbm>>
      tpu.enqueue_dma source(%arg10 : memref<256x128xf32, #tpu.memory_space<vmem>>) target(%dma_start3A_236 : memref<256x128xf32, #tpu.memory_space<hbm>>) target_semaphore(%run_scoped3A : memref<!tpu.dma_semaphore, #tpu.memory_space<semaphore_mem>>)
      %dma_wait3A_237 = arith.constant 0 : i32
      %dma_wait3A_238 = tpu.memref_slice %arg6[%add3A_184, %dma_wait3A_237] : memref<131072x128xf32, #tpu.memory_space<hbm>> -> memref<256x128xf32, #tpu.memory_space<hbm>>
      %dma_wait3A_239 = arith.constant 0 : i32
      %dma_wait3A_240 = tpu.memref_slice %arg6[%add3A_184, %dma_wait3A_239] : memref<131072x128xf32, #tpu.memory_space<hbm>> -> memref<256x128xf32, #tpu.memory_space<hbm>>
      tpu.wait_dma2 semaphore(%run_scoped3A : memref<!tpu.dma_semaphore, #tpu.memory_space<semaphore_mem>>) src(%arg10 : memref<256x128xf32, #tpu.memory_space<vmem>>) dst(%dma_wait3A_240 : memref<256x128xf32, #tpu.memory_space<hbm>>)
      tpu.yield
    }) : () -> ()
    %dma_start3A_191 = arith.constant 0 : i32
    %dma_start3A_192 = arith.constant 0 : i32
    %dma_start3A_193 = tpu.memref_slice %arg3[%dma_start3A_191, %dma_start3A_192] : memref<16384x128xf32, #tpu.memory_space<hbm>> -> memref<16384x128xf32, #tpu.memory_space<hbm>>
    tpu.enqueue_indirect_dma source(%dma_start3A_193 : memref<16384x128xf32, #tpu.memory_space<hbm>>) target(%arg11 : memref<256x128xf32, #tpu.memory_space<vmem>>) offsets(%arg9 : memref<256xi32, #tpu.memory_space<vmem>>) semaphore(%arg14 : memref<!tpu.dma_semaphore, #tpu.memory_space<semaphore_mem>>)
    %dma_wait3A_194 = arith.constant 0 : i32
    %dma_wait3A_195 = arith.constant 0 : i32
    %dma_wait3A_196 = tpu.memref_slice %arg3[%dma_wait3A_194, %dma_wait3A_195] : memref<16384x128xf32, #tpu.memory_space<hbm>> -> memref<16384x128xf32, #tpu.memory_space<hbm>>
    tpu.wait_indirect_dma semaphore(%arg14 : memref<!tpu.dma_semaphore, #tpu.memory_space<semaphore_mem>>) src(%dma_wait3A_196 : memref<16384x128xf32, #tpu.memory_space<hbm>>) dst(%arg11 : memref<256x128xf32, #tpu.memory_space<vmem>>)
    "tpu.region"() ({
      %run_scoped3A = tpu.sem_alloc : memref<!tpu.dma_semaphore, #tpu.memory_space<semaphore_mem>>
      %dma_start3A_233 = arith.constant 0 : i32
      %dma_start3A_234 = tpu.memref_slice %arg7[%add3A_184, %dma_start3A_233] : memref<131072x128xf32, #tpu.memory_space<hbm>> -> memref<256x128xf32, #tpu.memory_space<hbm>>
      %dma_start3A_235 = arith.constant 0 : i32
      %dma_start3A_236 = tpu.memref_slice %arg7[%add3A_184, %dma_start3A_235] : memref<131072x128xf32, #tpu.memory_space<hbm>> -> memref<256x128xf32, #tpu.memory_space<hbm>>
      tpu.enqueue_dma source(%arg11 : memref<256x128xf32, #tpu.memory_space<vmem>>) target(%dma_start3A_236 : memref<256x128xf32, #tpu.memory_space<hbm>>) target_semaphore(%run_scoped3A : memref<!tpu.dma_semaphore, #tpu.memory_space<semaphore_mem>>)
      %dma_wait3A_237 = arith.constant 0 : i32
      %dma_wait3A_238 = tpu.memref_slice %arg7[%add3A_184, %dma_wait3A_237] : memref<131072x128xf32, #tpu.memory_space<hbm>> -> memref<256x128xf32, #tpu.memory_space<hbm>>
      %dma_wait3A_239 = arith.constant 0 : i32
      %dma_wait3A_240 = tpu.memref_slice %arg7[%add3A_184, %dma_wait3A_239] : memref<131072x128xf32, #tpu.memory_space<hbm>> -> memref<256x128xf32, #tpu.memory_space<hbm>>
      tpu.wait_dma2 semaphore(%run_scoped3A : memref<!tpu.dma_semaphore, #tpu.memory_space<semaphore_mem>>) src(%arg11 : memref<256x128xf32, #tpu.memory_space<vmem>>) dst(%dma_wait3A_240 : memref<256x128xf32, #tpu.memory_space<hbm>>)
      tpu.yield
    }) : () -> ()
    %add3A_197 = arith.constant 3584 : i32
    %add3A_198 = arith.addi %mul3A_2, %add3A_197 : i32
    "tpu.region"() ({
      %run_scoped3A = tpu.sem_alloc : memref<!tpu.dma_semaphore, #tpu.memory_space<semaphore_mem>>
      %dma_start3A_233 = tpu.memref_slice %arg4[%add3A_198] : memref<131072xi32, #tpu.memory_space<hbm>> -> memref<256xi32, #tpu.memory_space<hbm>>
      %dma_start3A_234 = tpu.memref_slice %arg4[%add3A_198] : memref<131072xi32, #tpu.memory_space<hbm>> -> memref<256xi32, #tpu.memory_space<hbm>>
      tpu.enqueue_dma source(%dma_start3A_234 : memref<256xi32, #tpu.memory_space<hbm>>) target(%arg9 : memref<256xi32, #tpu.memory_space<vmem>>) target_semaphore(%run_scoped3A : memref<!tpu.dma_semaphore, #tpu.memory_space<semaphore_mem>>)
      %dma_wait3A_235 = tpu.memref_slice %arg4[%add3A_198] : memref<131072xi32, #tpu.memory_space<hbm>> -> memref<256xi32, #tpu.memory_space<hbm>>
      %dma_wait3A_236 = tpu.memref_slice %arg4[%add3A_198] : memref<131072xi32, #tpu.memory_space<hbm>> -> memref<256xi32, #tpu.memory_space<hbm>>
      tpu.wait_dma2 semaphore(%run_scoped3A : memref<!tpu.dma_semaphore, #tpu.memory_space<semaphore_mem>>) src(%dma_wait3A_236 : memref<256xi32, #tpu.memory_space<hbm>>) dst(%arg9 : memref<256xi32, #tpu.memory_space<vmem>>)
      tpu.yield
    }) : () -> ()
    %dma_start3A_199 = arith.constant 0 : i32
    %dma_start3A_200 = arith.constant 0 : i32
    %dma_start3A_201 = tpu.memref_slice %arg2[%dma_start3A_199, %dma_start3A_200] : memref<16384x128xf32, #tpu.memory_space<hbm>> -> memref<16384x128xf32, #tpu.memory_space<hbm>>
    tpu.enqueue_indirect_dma source(%dma_start3A_201 : memref<16384x128xf32, #tpu.memory_space<hbm>>) target(%arg10 : memref<256x128xf32, #tpu.memory_space<vmem>>) offsets(%arg9 : memref<256xi32, #tpu.memory_space<vmem>>) semaphore(%arg14 : memref<!tpu.dma_semaphore, #tpu.memory_space<semaphore_mem>>)
    %dma_wait3A_202 = arith.constant 0 : i32
    %dma_wait3A_203 = arith.constant 0 : i32
    %dma_wait3A_204 = tpu.memref_slice %arg2[%dma_wait3A_202, %dma_wait3A_203] : memref<16384x128xf32, #tpu.memory_space<hbm>> -> memref<16384x128xf32, #tpu.memory_space<hbm>>
    tpu.wait_indirect_dma semaphore(%arg14 : memref<!tpu.dma_semaphore, #tpu.memory_space<semaphore_mem>>) src(%dma_wait3A_204 : memref<16384x128xf32, #tpu.memory_space<hbm>>) dst(%arg10 : memref<256x128xf32, #tpu.memory_space<vmem>>)
    "tpu.region"() ({
      %run_scoped3A = tpu.sem_alloc : memref<!tpu.dma_semaphore, #tpu.memory_space<semaphore_mem>>
      %dma_start3A_233 = arith.constant 0 : i32
      %dma_start3A_234 = tpu.memref_slice %arg6[%add3A_198, %dma_start3A_233] : memref<131072x128xf32, #tpu.memory_space<hbm>> -> memref<256x128xf32, #tpu.memory_space<hbm>>
      %dma_start3A_235 = arith.constant 0 : i32
      %dma_start3A_236 = tpu.memref_slice %arg6[%add3A_198, %dma_start3A_235] : memref<131072x128xf32, #tpu.memory_space<hbm>> -> memref<256x128xf32, #tpu.memory_space<hbm>>
      tpu.enqueue_dma source(%arg10 : memref<256x128xf32, #tpu.memory_space<vmem>>) target(%dma_start3A_236 : memref<256x128xf32, #tpu.memory_space<hbm>>) target_semaphore(%run_scoped3A : memref<!tpu.dma_semaphore, #tpu.memory_space<semaphore_mem>>)
      %dma_wait3A_237 = arith.constant 0 : i32
      %dma_wait3A_238 = tpu.memref_slice %arg6[%add3A_198, %dma_wait3A_237] : memref<131072x128xf32, #tpu.memory_space<hbm>> -> memref<256x128xf32, #tpu.memory_space<hbm>>
      %dma_wait3A_239 = arith.constant 0 : i32
      %dma_wait3A_240 = tpu.memref_slice %arg6[%add3A_198, %dma_wait3A_239] : memref<131072x128xf32, #tpu.memory_space<hbm>> -> memref<256x128xf32, #tpu.memory_space<hbm>>
      tpu.wait_dma2 semaphore(%run_scoped3A : memref<!tpu.dma_semaphore, #tpu.memory_space<semaphore_mem>>) src(%arg10 : memref<256x128xf32, #tpu.memory_space<vmem>>) dst(%dma_wait3A_240 : memref<256x128xf32, #tpu.memory_space<hbm>>)
      tpu.yield
    }) : () -> ()
    %dma_start3A_205 = arith.constant 0 : i32
    %dma_start3A_206 = arith.constant 0 : i32
    %dma_start3A_207 = tpu.memref_slice %arg3[%dma_start3A_205, %dma_start3A_206] : memref<16384x128xf32, #tpu.memory_space<hbm>> -> memref<16384x128xf32, #tpu.memory_space<hbm>>
    tpu.enqueue_indirect_dma source(%dma_start3A_207 : memref<16384x128xf32, #tpu.memory_space<hbm>>) target(%arg11 : memref<256x128xf32, #tpu.memory_space<vmem>>) offsets(%arg9 : memref<256xi32, #tpu.memory_space<vmem>>) semaphore(%arg14 : memref<!tpu.dma_semaphore, #tpu.memory_space<semaphore_mem>>)
    %dma_wait3A_208 = arith.constant 0 : i32
    %dma_wait3A_209 = arith.constant 0 : i32
    %dma_wait3A_210 = tpu.memref_slice %arg3[%dma_wait3A_208, %dma_wait3A_209] : memref<16384x128xf32, #tpu.memory_space<hbm>> -> memref<16384x128xf32, #tpu.memory_space<hbm>>
    tpu.wait_indirect_dma semaphore(%arg14 : memref<!tpu.dma_semaphore, #tpu.memory_space<semaphore_mem>>) src(%dma_wait3A_210 : memref<16384x128xf32, #tpu.memory_space<hbm>>) dst(%arg11 : memref<256x128xf32, #tpu.memory_space<vmem>>)
    "tpu.region"() ({
      %run_scoped3A = tpu.sem_alloc : memref<!tpu.dma_semaphore, #tpu.memory_space<semaphore_mem>>
      %dma_start3A_233 = arith.constant 0 : i32
      %dma_start3A_234 = tpu.memref_slice %arg7[%add3A_198, %dma_start3A_233] : memref<131072x128xf32, #tpu.memory_space<hbm>> -> memref<256x128xf32, #tpu.memory_space<hbm>>
      %dma_start3A_235 = arith.constant 0 : i32
      %dma_start3A_236 = tpu.memref_slice %arg7[%add3A_198, %dma_start3A_235] : memref<131072x128xf32, #tpu.memory_space<hbm>> -> memref<256x128xf32, #tpu.memory_space<hbm>>
      tpu.enqueue_dma source(%arg11 : memref<256x128xf32, #tpu.memory_space<vmem>>) target(%dma_start3A_236 : memref<256x128xf32, #tpu.memory_space<hbm>>) target_semaphore(%run_scoped3A : memref<!tpu.dma_semaphore, #tpu.memory_space<semaphore_mem>>)
      %dma_wait3A_237 = arith.constant 0 : i32
      %dma_wait3A_238 = tpu.memref_slice %arg7[%add3A_198, %dma_wait3A_237] : memref<131072x128xf32, #tpu.memory_space<hbm>> -> memref<256x128xf32, #tpu.memory_space<hbm>>
      %dma_wait3A_239 = arith.constant 0 : i32
      %dma_wait3A_240 = tpu.memref_slice %arg7[%add3A_198, %dma_wait3A_239] : memref<131072x128xf32, #tpu.memory_space<hbm>> -> memref<256x128xf32, #tpu.memory_space<hbm>>
      tpu.wait_dma2 semaphore(%run_scoped3A : memref<!tpu.dma_semaphore, #tpu.memory_space<semaphore_mem>>) src(%arg11 : memref<256x128xf32, #tpu.memory_space<vmem>>) dst(%dma_wait3A_240 : memref<256x128xf32, #tpu.memory_space<hbm>>)
      tpu.yield
    }) : () -> ()
    %add3A_211 = arith.constant 3840 : i32
    %add3A_212 = arith.addi %mul3A_2, %add3A_211 : i32
    "tpu.region"() ({
      %run_scoped3A = tpu.sem_alloc : memref<!tpu.dma_semaphore, #tpu.memory_space<semaphore_mem>>
      %dma_start3A_233 = tpu.memref_slice %arg4[%add3A_212] : memref<131072xi32, #tpu.memory_space<hbm>> -> memref<256xi32, #tpu.memory_space<hbm>>
      %dma_start3A_234 = tpu.memref_slice %arg4[%add3A_212] : memref<131072xi32, #tpu.memory_space<hbm>> -> memref<256xi32, #tpu.memory_space<hbm>>
      tpu.enqueue_dma source(%dma_start3A_234 : memref<256xi32, #tpu.memory_space<hbm>>) target(%arg9 : memref<256xi32, #tpu.memory_space<vmem>>) target_semaphore(%run_scoped3A : memref<!tpu.dma_semaphore, #tpu.memory_space<semaphore_mem>>)
      %dma_wait3A_235 = tpu.memref_slice %arg4[%add3A_212] : memref<131072xi32, #tpu.memory_space<hbm>> -> memref<256xi32, #tpu.memory_space<hbm>>
      %dma_wait3A_236 = tpu.memref_slice %arg4[%add3A_212] : memref<131072xi32, #tpu.memory_space<hbm>> -> memref<256xi32, #tpu.memory_space<hbm>>
      tpu.wait_dma2 semaphore(%run_scoped3A : memref<!tpu.dma_semaphore, #tpu.memory_space<semaphore_mem>>) src(%dma_wait3A_236 : memref<256xi32, #tpu.memory_space<hbm>>) dst(%arg9 : memref<256xi32, #tpu.memory_space<vmem>>)
      tpu.yield
    }) : () -> ()
    %dma_start3A_213 = arith.constant 0 : i32
    %dma_start3A_214 = arith.constant 0 : i32
    %dma_start3A_215 = tpu.memref_slice %arg2[%dma_start3A_213, %dma_start3A_214] : memref<16384x128xf32, #tpu.memory_space<hbm>> -> memref<16384x128xf32, #tpu.memory_space<hbm>>
    tpu.enqueue_indirect_dma source(%dma_start3A_215 : memref<16384x128xf32, #tpu.memory_space<hbm>>) target(%arg10 : memref<256x128xf32, #tpu.memory_space<vmem>>) offsets(%arg9 : memref<256xi32, #tpu.memory_space<vmem>>) semaphore(%arg14 : memref<!tpu.dma_semaphore, #tpu.memory_space<semaphore_mem>>)
    %dma_wait3A_216 = arith.constant 0 : i32
    %dma_wait3A_217 = arith.constant 0 : i32
    %dma_wait3A_218 = tpu.memref_slice %arg2[%dma_wait3A_216, %dma_wait3A_217] : memref<16384x128xf32, #tpu.memory_space<hbm>> -> memref<16384x128xf32, #tpu.memory_space<hbm>>
    tpu.wait_indirect_dma semaphore(%arg14 : memref<!tpu.dma_semaphore, #tpu.memory_space<semaphore_mem>>) src(%dma_wait3A_218 : memref<16384x128xf32, #tpu.memory_space<hbm>>) dst(%arg10 : memref<256x128xf32, #tpu.memory_space<vmem>>)
    "tpu.region"() ({
      %run_scoped3A = tpu.sem_alloc : memref<!tpu.dma_semaphore, #tpu.memory_space<semaphore_mem>>
      %dma_start3A_233 = arith.constant 0 : i32
      %dma_start3A_234 = tpu.memref_slice %arg6[%add3A_212, %dma_start3A_233] : memref<131072x128xf32, #tpu.memory_space<hbm>> -> memref<256x128xf32, #tpu.memory_space<hbm>>
      %dma_start3A_235 = arith.constant 0 : i32
      %dma_start3A_236 = tpu.memref_slice %arg6[%add3A_212, %dma_start3A_235] : memref<131072x128xf32, #tpu.memory_space<hbm>> -> memref<256x128xf32, #tpu.memory_space<hbm>>
      tpu.enqueue_dma source(%arg10 : memref<256x128xf32, #tpu.memory_space<vmem>>) target(%dma_start3A_236 : memref<256x128xf32, #tpu.memory_space<hbm>>) target_semaphore(%run_scoped3A : memref<!tpu.dma_semaphore, #tpu.memory_space<semaphore_mem>>)
      %dma_wait3A_237 = arith.constant 0 : i32
      %dma_wait3A_238 = tpu.memref_slice %arg6[%add3A_212, %dma_wait3A_237] : memref<131072x128xf32, #tpu.memory_space<hbm>> -> memref<256x128xf32, #tpu.memory_space<hbm>>
      %dma_wait3A_239 = arith.constant 0 : i32
      %dma_wait3A_240 = tpu.memref_slice %arg6[%add3A_212, %dma_wait3A_239] : memref<131072x128xf32, #tpu.memory_space<hbm>> -> memref<256x128xf32, #tpu.memory_space<hbm>>
      tpu.wait_dma2 semaphore(%run_scoped3A : memref<!tpu.dma_semaphore, #tpu.memory_space<semaphore_mem>>) src(%arg10 : memref<256x128xf32, #tpu.memory_space<vmem>>) dst(%dma_wait3A_240 : memref<256x128xf32, #tpu.memory_space<hbm>>)
      tpu.yield
    }) : () -> ()
    %dma_start3A_219 = arith.constant 0 : i32
    %dma_start3A_220 = arith.constant 0 : i32
    %dma_start3A_221 = tpu.memref_slice %arg3[%dma_start3A_219, %dma_start3A_220] : memref<16384x128xf32, #tpu.memory_space<hbm>> -> memref<16384x128xf32, #tpu.memory_space<hbm>>
    tpu.enqueue_indirect_dma source(%dma_start3A_221 : memref<16384x128xf32, #tpu.memory_space<hbm>>) target(%arg11 : memref<256x128xf32, #tpu.memory_space<vmem>>) offsets(%arg9 : memref<256xi32, #tpu.memory_space<vmem>>) semaphore(%arg14 : memref<!tpu.dma_semaphore, #tpu.memory_space<semaphore_mem>>)
    %dma_wait3A_222 = arith.constant 0 : i32
    %dma_wait3A_223 = arith.constant 0 : i32
    %dma_wait3A_224 = tpu.memref_slice %arg3[%dma_wait3A_222, %dma_wait3A_223] : memref<16384x128xf32, #tpu.memory_space<hbm>> -> memref<16384x128xf32, #tpu.memory_space<hbm>>
    tpu.wait_indirect_dma semaphore(%arg14 : memref<!tpu.dma_semaphore, #tpu.memory_space<semaphore_mem>>) src(%dma_wait3A_224 : memref<16384x128xf32, #tpu.memory_space<hbm>>) dst(%arg11 : memref<256x128xf32, #tpu.memory_space<vmem>>)
    "tpu.region"() ({
      %run_scoped3A = tpu.sem_alloc : memref<!tpu.dma_semaphore, #tpu.memory_space<semaphore_mem>>
      %dma_start3A_233 = arith.constant 0 : i32
      %dma_start3A_234 = tpu.memref_slice %arg7[%add3A_212, %dma_start3A_233] : memref<131072x128xf32, #tpu.memory_space<hbm>> -> memref<256x128xf32, #tpu.memory_space<hbm>>
      %dma_start3A_235 = arith.constant 0 : i32
      %dma_start3A_236 = tpu.memref_slice %arg7[%add3A_212, %dma_start3A_235] : memref<131072x128xf32, #tpu.memory_space<hbm>> -> memref<256x128xf32, #tpu.memory_space<hbm>>
      tpu.enqueue_dma source(%arg11 : memref<256x128xf32, #tpu.memory_space<vmem>>) target(%dma_start3A_236 : memref<256x128xf32, #tpu.memory_space<hbm>>) target_semaphore(%run_scoped3A : memref<!tpu.dma_semaphore, #tpu.memory_space<semaphore_mem>>)
      %dma_wait3A_237 = arith.constant 0 : i32
      %dma_wait3A_238 = tpu.memref_slice %arg7[%add3A_212, %dma_wait3A_237] : memref<131072x128xf32, #tpu.memory_space<hbm>> -> memref<256x128xf32, #tpu.memory_space<hbm>>
      %dma_wait3A_239 = arith.constant 0 : i32
      %dma_wait3A_240 = tpu.memref_slice %arg7[%add3A_212, %dma_wait3A_239] : memref<131072x128xf32, #tpu.memory_space<hbm>> -> memref<256x128xf32, #tpu.memory_space<hbm>>
      tpu.wait_dma2 semaphore(%run_scoped3A : memref<!tpu.dma_semaphore, #tpu.memory_space<semaphore_mem>>) src(%arg11 : memref<256x128xf32, #tpu.memory_space<vmem>>) dst(%dma_wait3A_240 : memref<256x128xf32, #tpu.memory_space<hbm>>)
      tpu.yield
    }) : () -> ()
    %mul3A_225 = arith.constant 128 : i32
    %mul3A_226 = arith.muli %add3A, %mul3A_225 : i32
    "tpu.region"() ({
      %run_scoped3A = tpu.sem_alloc : memref<!tpu.dma_semaphore, #tpu.memory_space<semaphore_mem>>
      %dma_start3A_233 = tpu.memref_slice %arg5[%mul3A_226] : memref<4096xi32, #tpu.memory_space<hbm>> -> memref<128xi32, #tpu.memory_space<hbm>>
      %dma_start3A_234 = tpu.memref_slice %arg5[%mul3A_226] : memref<4096xi32, #tpu.memory_space<hbm>> -> memref<128xi32, #tpu.memory_space<hbm>>
      tpu.enqueue_dma source(%dma_start3A_234 : memref<128xi32, #tpu.memory_space<hbm>>) target(%arg12 : memref<128xi32, #tpu.memory_space<vmem>>) target_semaphore(%run_scoped3A : memref<!tpu.dma_semaphore, #tpu.memory_space<semaphore_mem>>)
      %dma_wait3A_235 = tpu.memref_slice %arg5[%mul3A_226] : memref<4096xi32, #tpu.memory_space<hbm>> -> memref<128xi32, #tpu.memory_space<hbm>>
      %dma_wait3A_236 = tpu.memref_slice %arg5[%mul3A_226] : memref<4096xi32, #tpu.memory_space<hbm>> -> memref<128xi32, #tpu.memory_space<hbm>>
      tpu.wait_dma2 semaphore(%run_scoped3A : memref<!tpu.dma_semaphore, #tpu.memory_space<semaphore_mem>>) src(%dma_wait3A_236 : memref<128xi32, #tpu.memory_space<hbm>>) dst(%arg12 : memref<128xi32, #tpu.memory_space<vmem>>)
      tpu.yield
    }) : () -> ()
    %dma_start3A_227 = arith.constant 0 : i32
    %dma_start3A_228 = arith.constant 0 : i32
    %dma_start3A_229 = tpu.memref_slice %arg2[%dma_start3A_227, %dma_start3A_228] : memref<16384x128xf32, #tpu.memory_space<hbm>> -> memref<16384x128xf32, #tpu.memory_space<hbm>>
    tpu.enqueue_indirect_dma source(%dma_start3A_229 : memref<16384x128xf32, #tpu.memory_space<hbm>>) target(%arg13 : memref<128x128xf32, #tpu.memory_space<vmem>>) offsets(%arg12 : memref<128xi32, #tpu.memory_space<vmem>>) semaphore(%arg14 : memref<!tpu.dma_semaphore, #tpu.memory_space<semaphore_mem>>)
    %dma_wait3A_230 = arith.constant 0 : i32
    %dma_wait3A_231 = arith.constant 0 : i32
    %dma_wait3A_232 = tpu.memref_slice %arg2[%dma_wait3A_230, %dma_wait3A_231] : memref<16384x128xf32, #tpu.memory_space<hbm>> -> memref<16384x128xf32, #tpu.memory_space<hbm>>
    tpu.wait_indirect_dma semaphore(%arg14 : memref<!tpu.dma_semaphore, #tpu.memory_space<semaphore_mem>>) src(%dma_wait3A_232 : memref<16384x128xf32, #tpu.memory_space<hbm>>) dst(%arg13 : memref<128x128xf32, #tpu.memory_space<vmem>>)
    "tpu.region"() ({
      %run_scoped3A = tpu.sem_alloc : memref<!tpu.dma_semaphore, #tpu.memory_space<semaphore_mem>>
      %dma_start3A_233 = arith.constant 0 : i32
      %dma_start3A_234 = tpu.memref_slice %arg8[%mul3A_226, %dma_start3A_233] : memref<4096x128xf32, #tpu.memory_space<hbm>> -> memref<128x128xf32, #tpu.memory_space<hbm>>
      %dma_start3A_235 = arith.constant 0 : i32
      %dma_start3A_236 = tpu.memref_slice %arg8[%mul3A_226, %dma_start3A_235] : memref<4096x128xf32, #tpu.memory_space<hbm>> -> memref<128x128xf32, #tpu.memory_space<hbm>>
      tpu.enqueue_dma source(%arg13 : memref<128x128xf32, #tpu.memory_space<vmem>>) target(%dma_start3A_236 : memref<128x128xf32, #tpu.memory_space<hbm>>) target_semaphore(%run_scoped3A : memref<!tpu.dma_semaphore, #tpu.memory_space<semaphore_mem>>)
      %dma_wait3A_237 = arith.constant 0 : i32
      %dma_wait3A_238 = tpu.memref_slice %arg8[%mul3A_226, %dma_wait3A_237] : memref<4096x128xf32, #tpu.memory_space<hbm>> -> memref<128x128xf32, #tpu.memory_space<hbm>>
      %dma_wait3A_239 = arith.constant 0 : i32
      %dma_wait3A_240 = tpu.memref_slice %arg8[%mul3A_226, %dma_wait3A_239] : memref<4096x128xf32, #tpu.memory_space<hbm>> -> memref<128x128xf32, #tpu.memory_space<hbm>>
      tpu.wait_dma2 semaphore(%run_scoped3A : memref<!tpu.dma_semaphore, #tpu.memory_space<semaphore_mem>>) src(%arg13 : memref<128x128xf32, #tpu.memory_space<vmem>>) dst(%dma_wait3A_240 : memref<128x128xf32, #tpu.memory_space<hbm>>)
      tpu.yield
    }) : () -> ()
    return
  }
}

module attributes {stable_mosaic.version = 14 : i64} {
  func.func @_fps_body(%arg0: memref<4x4096xf32, #tpu.memory_space<vmem>>, %arg1: memref<4x4096xf32, #tpu.memory_space<vmem>>, %arg2: memref<4x4096xf32, #tpu.memory_space<vmem>>, %arg3: memref<4x1024xi32, #tpu.memory_space<vmem>>, %arg4: memref<4x1024xf32, #tpu.memory_space<vmem>>, %arg5: memref<4x1024xf32, #tpu.memory_space<vmem>>, %arg6: memref<4x1024xf32, #tpu.memory_space<vmem>>) attributes {dimension_semantics = [], scalar_prefetch = 0 : i64, scratch_operands = 0 : i64, tpu.core_type = #tpu.core_type<tc>} {
    %get3A = arith.constant 0 : index
    %get3A_0 = arith.constant 0 : index
    %get3A_1 = vector.load %arg0[%get3A, %get3A_0] : memref<4x4096xf32, #tpu.memory_space<vmem>>, vector<4x4096xf32>
    %get3A_2 = arith.constant 0 : index
    %get3A_3 = arith.constant 0 : index
    %get3A_4 = vector.load %arg1[%get3A_2, %get3A_3] : memref<4x4096xf32, #tpu.memory_space<vmem>>, vector<4x4096xf32>
    %get3A_5 = arith.constant 0 : index
    %get3A_6 = arith.constant 0 : index
    %get3A_7 = vector.load %arg2[%get3A_5, %get3A_6] : memref<4x4096xf32, #tpu.memory_space<vmem>>, vector<4x4096xf32>
    %iota3A = tpu.iota {dimensions = array<i32: 1>} : vector<4x4096xi32>
    %iota3A_8 = tpu.iota {dimensions = array<i32: 0>} : vector<4x1xi32>
    %mul3A = arith.constant 4096 : i32
    %mul3A_9 = vector.broadcast %mul3A : i32 to vector<4x1xi32>
    %mul3A_10 = arith.muli %iota3A_8, %mul3A_9 : vector<4x1xi32>
    %iota3A_11 = tpu.iota {dimensions = array<i32: 1>} : vector<4x128xi32>
    %broadcast_in_dim3A = arith.constant 1.000000e+10 : f32
    %broadcast_in_dim3A_12 = vector.broadcast %broadcast_in_dim3A : f32 to vector<4x4096xf32>
    %broadcast_in_dim3A_13 = arith.constant 0 : i32
    %broadcast_in_dim3A_14 = vector.broadcast %broadcast_in_dim3A_13 : i32 to vector<4x1xi32>
    %broadcast_in_dim3A_15 = arith.constant 0 : i32
    %broadcast_in_dim3A_16 = vector.broadcast %broadcast_in_dim3A_15 : i32 to vector<4x128xi32>
    %broadcast_in_dim3A_17 = arith.constant 0.000000e+00 : f32
    %broadcast_in_dim3A_18 = vector.broadcast %broadcast_in_dim3A_17 : f32 to vector<4x128xf32>
    %broadcast_in_dim3A_19 = arith.constant 0.000000e+00 : f32
    %broadcast_in_dim3A_20 = vector.broadcast %broadcast_in_dim3A_19 : f32 to vector<4x128xf32>
    %broadcast_in_dim3A_21 = arith.constant 0.000000e+00 : f32
    %broadcast_in_dim3A_22 = vector.broadcast %broadcast_in_dim3A_21 : f32 to vector<4x128xf32>
    %scan3A = arith.constant 0 : i32
    %scan3A_23 = arith.constant 128 : i32
    %scan3A_24 = arith.addi %scan3A, %scan3A_23 : i32
    %scan3A_25 = arith.constant 1 : i32
    %scan3A_26:6 = scf.for %scan3A_221 = %scan3A to %scan3A_24 step %scan3A_25 iter_args(%scan3A_222 = %broadcast_in_dim3A_12, %scan3A_223 = %broadcast_in_dim3A_14, %scan3A_224 = %broadcast_in_dim3A_16, %scan3A_225 = %broadcast_in_dim3A_18, %scan3A_226 = %broadcast_in_dim3A_20, %scan3A_227 = %broadcast_in_dim3A_22) -> (vector<4x4096xf32>, vector<4x1xi32>, vector<4x128xi32>, vector<4x128xf32>, vector<4x128xf32>, vector<4x128xf32>)  : i32 {
      %eq3A = vector.broadcast %scan3A_223 : vector<4x1xi32> to vector<4x4096xi32>
      %eq3A_228 = arith.cmpi eq, %iota3A, %eq3A : vector<4x4096xi32>
      %jit3A = arith.constant 0.000000e+00 : f32
      %broadcast_in_dim3A_229 = vector.broadcast %jit3A : f32 to vector<4x4096xf32>
      %select_n3A = arith.select %eq3A_228, %get3A_1, %broadcast_in_dim3A_229 : vector<4x4096xi1>, vector<4x4096xf32>
      %reduce_sum3A = arith.constant dense<0.000000e+00> : vector<4xf32>
      %reduce_sum3A_230 = vector.multi_reduction <add>, %select_n3A, %reduce_sum3A [1] : vector<4x4096xf32> to vector<4xf32>
      %broadcast_in_dim3A_231 = vector.shape_cast %reduce_sum3A_230 : vector<4xf32> to vector<4x1xf32>
      %jit3A_232 = arith.constant 0.000000e+00 : f32
      %broadcast_in_dim3A_233 = vector.broadcast %jit3A_232 : f32 to vector<4x4096xf32>
      %select_n3A_234 = arith.select %eq3A_228, %get3A_4, %broadcast_in_dim3A_233 : vector<4x4096xi1>, vector<4x4096xf32>
      %reduce_sum3A_235 = arith.constant dense<0.000000e+00> : vector<4xf32>
      %reduce_sum3A_236 = vector.multi_reduction <add>, %select_n3A_234, %reduce_sum3A_235 [1] : vector<4x4096xf32> to vector<4xf32>
      %broadcast_in_dim3A_237 = vector.shape_cast %reduce_sum3A_236 : vector<4xf32> to vector<4x1xf32>
      %jit3A_238 = arith.constant 0.000000e+00 : f32
      %broadcast_in_dim3A_239 = vector.broadcast %jit3A_238 : f32 to vector<4x4096xf32>
      %select_n3A_240 = arith.select %eq3A_228, %get3A_7, %broadcast_in_dim3A_239 : vector<4x4096xi1>, vector<4x4096xf32>
      %reduce_sum3A_241 = arith.constant dense<0.000000e+00> : vector<4xf32>
      %reduce_sum3A_242 = vector.multi_reduction <add>, %select_n3A_240, %reduce_sum3A_241 [1] : vector<4x4096xf32> to vector<4xf32>
      %broadcast_in_dim3A_243 = vector.shape_cast %reduce_sum3A_242 : vector<4xf32> to vector<4x1xf32>
      %eq3A_244 = vector.broadcast %scan3A_221 : i32 to vector<4x128xi32>
      %eq3A_245 = arith.cmpi eq, %iota3A_11, %eq3A_244 : vector<4x128xi32>
      %add3A = arith.addi %scan3A_223, %mul3A_10 : vector<4x1xi32>
      %broadcast_in_dim3A_246 = vector.shape_cast %add3A : vector<4x1xi32> to vector<4x1xi32>
      %broadcast_in_dim3A_247 = vector.broadcast %broadcast_in_dim3A_246 : vector<4x1xi32> to vector<4x128xi32>
      %select_n3A_248 = arith.select %eq3A_245, %broadcast_in_dim3A_247, %scan3A_224 : vector<4x128xi1>, vector<4x128xi32>
      %broadcast_in_dim3A_249 = vector.shape_cast %broadcast_in_dim3A_231 : vector<4x1xf32> to vector<4x1xf32>
      %broadcast_in_dim3A_250 = vector.broadcast %broadcast_in_dim3A_249 : vector<4x1xf32> to vector<4x128xf32>
      %select_n3A_251 = arith.select %eq3A_245, %broadcast_in_dim3A_250, %scan3A_225 : vector<4x128xi1>, vector<4x128xf32>
      %broadcast_in_dim3A_252 = vector.shape_cast %broadcast_in_dim3A_237 : vector<4x1xf32> to vector<4x1xf32>
      %broadcast_in_dim3A_253 = vector.broadcast %broadcast_in_dim3A_252 : vector<4x1xf32> to vector<4x128xf32>
      %select_n3A_254 = arith.select %eq3A_245, %broadcast_in_dim3A_253, %scan3A_226 : vector<4x128xi1>, vector<4x128xf32>
      %broadcast_in_dim3A_255 = vector.shape_cast %broadcast_in_dim3A_243 : vector<4x1xf32> to vector<4x1xf32>
      %broadcast_in_dim3A_256 = vector.broadcast %broadcast_in_dim3A_255 : vector<4x1xf32> to vector<4x128xf32>
      %select_n3A_257 = arith.select %eq3A_245, %broadcast_in_dim3A_256, %scan3A_227 : vector<4x128xi1>, vector<4x128xf32>
      %sub3A = vector.broadcast %broadcast_in_dim3A_231 : vector<4x1xf32> to vector<4x4096xf32>
      %sub3A_258 = arith.subf %get3A_1, %sub3A : vector<4x4096xf32>
      %sub3A_259 = vector.broadcast %broadcast_in_dim3A_237 : vector<4x1xf32> to vector<4x4096xf32>
      %sub3A_260 = arith.subf %get3A_4, %sub3A_259 : vector<4x4096xf32>
      %sub3A_261 = vector.broadcast %broadcast_in_dim3A_243 : vector<4x1xf32> to vector<4x4096xf32>
      %sub3A_262 = arith.subf %get3A_7, %sub3A_261 : vector<4x4096xf32>
      %mul3A_263 = arith.mulf %sub3A_258, %sub3A_258 : vector<4x4096xf32>
      %mul3A_264 = arith.mulf %sub3A_260, %sub3A_260 : vector<4x4096xf32>
      %add3A_265 = arith.addf %mul3A_263, %mul3A_264 : vector<4x4096xf32>
      %mul3A_266 = arith.mulf %sub3A_262, %sub3A_262 : vector<4x4096xf32>
      %add3A_267 = arith.addf %add3A_265, %mul3A_266 : vector<4x4096xf32>
      %min3A = arith.minimumf %scan3A_222, %add3A_267 : vector<4x4096xf32>
      %reduce_max3A = arith.constant dense<0xFF800000> : vector<4xf32>
      %reduce_max3A_268 = vector.multi_reduction <maximumf>, %min3A, %reduce_max3A [1] : vector<4x4096xf32> to vector<4xf32>
      %broadcast_in_dim3A_269 = vector.shape_cast %reduce_max3A_268 : vector<4xf32> to vector<4x1xf32>
      %eq3A_270 = vector.broadcast %broadcast_in_dim3A_269 : vector<4x1xf32> to vector<4x4096xf32>
      %eq3A_271 = arith.cmpf oeq, %min3A, %eq3A_270 : vector<4x4096xf32>
      %jit3A_272 = arith.constant 4096 : i32
      %broadcast_in_dim3A_273 = vector.broadcast %jit3A_272 : i32 to vector<4x4096xi32>
      %select_n3A_274 = arith.select %eq3A_271, %iota3A, %broadcast_in_dim3A_273 : vector<4x4096xi1>, vector<4x4096xi32>
      %reduce_min3A = arith.constant dense<2147483647> : vector<4xi32>
      %reduce_min3A_275 = vector.multi_reduction <minsi>, %select_n3A_274, %reduce_min3A [1] : vector<4x4096xi32> to vector<4xi32>
      %broadcast_in_dim3A_276 = vector.shape_cast %reduce_min3A_275 : vector<4xi32> to vector<4x1xi32>
      scf.yield %min3A, %broadcast_in_dim3A_276, %select_n3A_248, %select_n3A_251, %select_n3A_254, %select_n3A_257 : vector<4x4096xf32>, vector<4x1xi32>, vector<4x128xi32>, vector<4x128xf32>, vector<4x128xf32>, vector<4x128xf32>
    }
    %scan3A_27 = arith.constant 128 : i32
    %swap3A = arith.constant 0 : index
    %swap3A_28 = arith.constant 0 : index
    %swap3A_29 = vector.load %arg3[%swap3A, %swap3A_28] : memref<4x1024xi32, #tpu.memory_space<vmem>>, vector<4x128xi32>
    tpu.vector_store %arg3[%swap3A, %swap3A_28], %scan3A_26#2 {strides = array<i32>} : memref<4x1024xi32, #tpu.memory_space<vmem>>, vector<4x128xi32>,
    %swap3A_30 = arith.constant 0 : index
    %swap3A_31 = arith.constant 0 : index
    %swap3A_32 = vector.load %arg4[%swap3A_30, %swap3A_31] : memref<4x1024xf32, #tpu.memory_space<vmem>>, vector<4x128xf32>
    tpu.vector_store %arg4[%swap3A_30, %swap3A_31], %scan3A_26#3 {strides = array<i32>} : memref<4x1024xf32, #tpu.memory_space<vmem>>, vector<4x128xf32>,
    %swap3A_33 = arith.constant 0 : index
    %swap3A_34 = arith.constant 0 : index
    %swap3A_35 = vector.load %arg5[%swap3A_33, %swap3A_34] : memref<4x1024xf32, #tpu.memory_space<vmem>>, vector<4x128xf32>
    tpu.vector_store %arg5[%swap3A_33, %swap3A_34], %scan3A_26#4 {strides = array<i32>} : memref<4x1024xf32, #tpu.memory_space<vmem>>, vector<4x128xf32>,
    %swap3A_36 = arith.constant 0 : index
    %swap3A_37 = arith.constant 0 : index
    %swap3A_38 = vector.load %arg6[%swap3A_36, %swap3A_37] : memref<4x1024xf32, #tpu.memory_space<vmem>>, vector<4x128xf32>
    tpu.vector_store %arg6[%swap3A_36, %swap3A_37], %scan3A_26#5 {strides = array<i32>} : memref<4x1024xf32, #tpu.memory_space<vmem>>, vector<4x128xf32>,
    %broadcast_in_dim3A_39 = arith.constant 0 : i32
    %broadcast_in_dim3A_40 = vector.broadcast %broadcast_in_dim3A_39 : i32 to vector<4x128xi32>
    %broadcast_in_dim3A_41 = arith.constant 0.000000e+00 : f32
    %broadcast_in_dim3A_42 = vector.broadcast %broadcast_in_dim3A_41 : f32 to vector<4x128xf32>
    %broadcast_in_dim3A_43 = arith.constant 0.000000e+00 : f32
    %broadcast_in_dim3A_44 = vector.broadcast %broadcast_in_dim3A_43 : f32 to vector<4x128xf32>
    %broadcast_in_dim3A_45 = arith.constant 0.000000e+00 : f32
    %broadcast_in_dim3A_46 = vector.broadcast %broadcast_in_dim3A_45 : f32 to vector<4x128xf32>
    %scan3A_47 = arith.constant 0 : i32
    %scan3A_48 = arith.constant 128 : i32
    %scan3A_49 = arith.addi %scan3A_47, %scan3A_48 : i32
    %scan3A_50 = arith.constant 1 : i32
    %scan3A_51:6 = scf.for %scan3A_221 = %scan3A_47 to %scan3A_49 step %scan3A_50 iter_args(%scan3A_222 = %scan3A_26#0, %scan3A_223 = %scan3A_26#1, %scan3A_224 = %broadcast_in_dim3A_40, %scan3A_225 = %broadcast_in_dim3A_42, %scan3A_226 = %broadcast_in_dim3A_44, %scan3A_227 = %broadcast_in_dim3A_46) -> (vector<4x4096xf32>, vector<4x1xi32>, vector<4x128xi32>, vector<4x128xf32>, vector<4x128xf32>, vector<4x128xf32>)  : i32 {
      %eq3A = vector.broadcast %scan3A_223 : vector<4x1xi32> to vector<4x4096xi32>
      %eq3A_228 = arith.cmpi eq, %iota3A, %eq3A : vector<4x4096xi32>
      %jit3A = arith.constant 0.000000e+00 : f32
      %broadcast_in_dim3A_229 = vector.broadcast %jit3A : f32 to vector<4x4096xf32>
      %select_n3A = arith.select %eq3A_228, %get3A_1, %broadcast_in_dim3A_229 : vector<4x4096xi1>, vector<4x4096xf32>
      %reduce_sum3A = arith.constant dense<0.000000e+00> : vector<4xf32>
      %reduce_sum3A_230 = vector.multi_reduction <add>, %select_n3A, %reduce_sum3A [1] : vector<4x4096xf32> to vector<4xf32>
      %broadcast_in_dim3A_231 = vector.shape_cast %reduce_sum3A_230 : vector<4xf32> to vector<4x1xf32>
      %jit3A_232 = arith.constant 0.000000e+00 : f32
      %broadcast_in_dim3A_233 = vector.broadcast %jit3A_232 : f32 to vector<4x4096xf32>
      %select_n3A_234 = arith.select %eq3A_228, %get3A_4, %broadcast_in_dim3A_233 : vector<4x4096xi1>, vector<4x4096xf32>
      %reduce_sum3A_235 = arith.constant dense<0.000000e+00> : vector<4xf32>
      %reduce_sum3A_236 = vector.multi_reduction <add>, %select_n3A_234, %reduce_sum3A_235 [1] : vector<4x4096xf32> to vector<4xf32>
      %broadcast_in_dim3A_237 = vector.shape_cast %reduce_sum3A_236 : vector<4xf32> to vector<4x1xf32>
      %jit3A_238 = arith.constant 0.000000e+00 : f32
      %broadcast_in_dim3A_239 = vector.broadcast %jit3A_238 : f32 to vector<4x4096xf32>
      %select_n3A_240 = arith.select %eq3A_228, %get3A_7, %broadcast_in_dim3A_239 : vector<4x4096xi1>, vector<4x4096xf32>
      %reduce_sum3A_241 = arith.constant dense<0.000000e+00> : vector<4xf32>
      %reduce_sum3A_242 = vector.multi_reduction <add>, %select_n3A_240, %reduce_sum3A_241 [1] : vector<4x4096xf32> to vector<4xf32>
      %broadcast_in_dim3A_243 = vector.shape_cast %reduce_sum3A_242 : vector<4xf32> to vector<4x1xf32>
      %eq3A_244 = vector.broadcast %scan3A_221 : i32 to vector<4x128xi32>
      %eq3A_245 = arith.cmpi eq, %iota3A_11, %eq3A_244 : vector<4x128xi32>
      %add3A = arith.addi %scan3A_223, %mul3A_10 : vector<4x1xi32>
      %broadcast_in_dim3A_246 = vector.shape_cast %add3A : vector<4x1xi32> to vector<4x1xi32>
      %broadcast_in_dim3A_247 = vector.broadcast %broadcast_in_dim3A_246 : vector<4x1xi32> to vector<4x128xi32>
      %select_n3A_248 = arith.select %eq3A_245, %broadcast_in_dim3A_247, %scan3A_224 : vector<4x128xi1>, vector<4x128xi32>
      %broadcast_in_dim3A_249 = vector.shape_cast %broadcast_in_dim3A_231 : vector<4x1xf32> to vector<4x1xf32>
      %broadcast_in_dim3A_250 = vector.broadcast %broadcast_in_dim3A_249 : vector<4x1xf32> to vector<4x128xf32>
      %select_n3A_251 = arith.select %eq3A_245, %broadcast_in_dim3A_250, %scan3A_225 : vector<4x128xi1>, vector<4x128xf32>
      %broadcast_in_dim3A_252 = vector.shape_cast %broadcast_in_dim3A_237 : vector<4x1xf32> to vector<4x1xf32>
      %broadcast_in_dim3A_253 = vector.broadcast %broadcast_in_dim3A_252 : vector<4x1xf32> to vector<4x128xf32>
      %select_n3A_254 = arith.select %eq3A_245, %broadcast_in_dim3A_253, %scan3A_226 : vector<4x128xi1>, vector<4x128xf32>
      %broadcast_in_dim3A_255 = vector.shape_cast %broadcast_in_dim3A_243 : vector<4x1xf32> to vector<4x1xf32>
      %broadcast_in_dim3A_256 = vector.broadcast %broadcast_in_dim3A_255 : vector<4x1xf32> to vector<4x128xf32>
      %select_n3A_257 = arith.select %eq3A_245, %broadcast_in_dim3A_256, %scan3A_227 : vector<4x128xi1>, vector<4x128xf32>
      %sub3A = vector.broadcast %broadcast_in_dim3A_231 : vector<4x1xf32> to vector<4x4096xf32>
      %sub3A_258 = arith.subf %get3A_1, %sub3A : vector<4x4096xf32>
      %sub3A_259 = vector.broadcast %broadcast_in_dim3A_237 : vector<4x1xf32> to vector<4x4096xf32>
      %sub3A_260 = arith.subf %get3A_4, %sub3A_259 : vector<4x4096xf32>
      %sub3A_261 = vector.broadcast %broadcast_in_dim3A_243 : vector<4x1xf32> to vector<4x4096xf32>
      %sub3A_262 = arith.subf %get3A_7, %sub3A_261 : vector<4x4096xf32>
      %mul3A_263 = arith.mulf %sub3A_258, %sub3A_258 : vector<4x4096xf32>
      %mul3A_264 = arith.mulf %sub3A_260, %sub3A_260 : vector<4x4096xf32>
      %add3A_265 = arith.addf %mul3A_263, %mul3A_264 : vector<4x4096xf32>
      %mul3A_266 = arith.mulf %sub3A_262, %sub3A_262 : vector<4x4096xf32>
      %add3A_267 = arith.addf %add3A_265, %mul3A_266 : vector<4x4096xf32>
      %min3A = arith.minimumf %scan3A_222, %add3A_267 : vector<4x4096xf32>
      %reduce_max3A = arith.constant dense<0xFF800000> : vector<4xf32>
      %reduce_max3A_268 = vector.multi_reduction <maximumf>, %min3A, %reduce_max3A [1] : vector<4x4096xf32> to vector<4xf32>
      %broadcast_in_dim3A_269 = vector.shape_cast %reduce_max3A_268 : vector<4xf32> to vector<4x1xf32>
      %eq3A_270 = vector.broadcast %broadcast_in_dim3A_269 : vector<4x1xf32> to vector<4x4096xf32>
      %eq3A_271 = arith.cmpf oeq, %min3A, %eq3A_270 : vector<4x4096xf32>
      %jit3A_272 = arith.constant 4096 : i32
      %broadcast_in_dim3A_273 = vector.broadcast %jit3A_272 : i32 to vector<4x4096xi32>
      %select_n3A_274 = arith.select %eq3A_271, %iota3A, %broadcast_in_dim3A_273 : vector<4x4096xi1>, vector<4x4096xi32>
      %reduce_min3A = arith.constant dense<2147483647> : vector<4xi32>
      %reduce_min3A_275 = vector.multi_reduction <minsi>, %select_n3A_274, %reduce_min3A [1] : vector<4x4096xi32> to vector<4xi32>
      %broadcast_in_dim3A_276 = vector.shape_cast %reduce_min3A_275 : vector<4xi32> to vector<4x1xi32>
      scf.yield %min3A, %broadcast_in_dim3A_276, %select_n3A_248, %select_n3A_251, %select_n3A_254, %select_n3A_257 : vector<4x4096xf32>, vector<4x1xi32>, vector<4x128xi32>, vector<4x128xf32>, vector<4x128xf32>, vector<4x128xf32>
    }
    %scan3A_52 = arith.constant 128 : i32
    %swap3A_53 = arith.constant 0 : index
    %swap3A_54 = arith.constant 128 : index
    %swap3A_55 = vector.load %arg3[%swap3A_53, %swap3A_54] : memref<4x1024xi32, #tpu.memory_space<vmem>>, vector<4x128xi32>
    tpu.vector_store %arg3[%swap3A_53, %swap3A_54], %scan3A_51#2 {strides = array<i32>} : memref<4x1024xi32, #tpu.memory_space<vmem>>, vector<4x128xi32>,
    %swap3A_56 = arith.constant 0 : index
    %swap3A_57 = arith.constant 128 : index
    %swap3A_58 = vector.load %arg4[%swap3A_56, %swap3A_57] : memref<4x1024xf32, #tpu.memory_space<vmem>>, vector<4x128xf32>
    tpu.vector_store %arg4[%swap3A_56, %swap3A_57], %scan3A_51#3 {strides = array<i32>} : memref<4x1024xf32, #tpu.memory_space<vmem>>, vector<4x128xf32>,
    %swap3A_59 = arith.constant 0 : index
    %swap3A_60 = arith.constant 128 : index
    %swap3A_61 = vector.load %arg5[%swap3A_59, %swap3A_60] : memref<4x1024xf32, #tpu.memory_space<vmem>>, vector<4x128xf32>
    tpu.vector_store %arg5[%swap3A_59, %swap3A_60], %scan3A_51#4 {strides = array<i32>} : memref<4x1024xf32, #tpu.memory_space<vmem>>, vector<4x128xf32>,
    %swap3A_62 = arith.constant 0 : index
    %swap3A_63 = arith.constant 128 : index
    %swap3A_64 = vector.load %arg6[%swap3A_62, %swap3A_63] : memref<4x1024xf32, #tpu.memory_space<vmem>>, vector<4x128xf32>
    tpu.vector_store %arg6[%swap3A_62, %swap3A_63], %scan3A_51#5 {strides = array<i32>} : memref<4x1024xf32, #tpu.memory_space<vmem>>, vector<4x128xf32>,
    %broadcast_in_dim3A_65 = arith.constant 0 : i32
    %broadcast_in_dim3A_66 = vector.broadcast %broadcast_in_dim3A_65 : i32 to vector<4x128xi32>
    %broadcast_in_dim3A_67 = arith.constant 0.000000e+00 : f32
    %broadcast_in_dim3A_68 = vector.broadcast %broadcast_in_dim3A_67 : f32 to vector<4x128xf32>
    %broadcast_in_dim3A_69 = arith.constant 0.000000e+00 : f32
    %broadcast_in_dim3A_70 = vector.broadcast %broadcast_in_dim3A_69 : f32 to vector<4x128xf32>
    %broadcast_in_dim3A_71 = arith.constant 0.000000e+00 : f32
    %broadcast_in_dim3A_72 = vector.broadcast %broadcast_in_dim3A_71 : f32 to vector<4x128xf32>
    %scan3A_73 = arith.constant 0 : i32
    %scan3A_74 = arith.constant 128 : i32
    %scan3A_75 = arith.addi %scan3A_73, %scan3A_74 : i32
    %scan3A_76 = arith.constant 1 : i32
    %scan3A_77:6 = scf.for %scan3A_221 = %scan3A_73 to %scan3A_75 step %scan3A_76 iter_args(%scan3A_222 = %scan3A_51#0, %scan3A_223 = %scan3A_51#1, %scan3A_224 = %broadcast_in_dim3A_66, %scan3A_225 = %broadcast_in_dim3A_68, %scan3A_226 = %broadcast_in_dim3A_70, %scan3A_227 = %broadcast_in_dim3A_72) -> (vector<4x4096xf32>, vector<4x1xi32>, vector<4x128xi32>, vector<4x128xf32>, vector<4x128xf32>, vector<4x128xf32>)  : i32 {
      %eq3A = vector.broadcast %scan3A_223 : vector<4x1xi32> to vector<4x4096xi32>
      %eq3A_228 = arith.cmpi eq, %iota3A, %eq3A : vector<4x4096xi32>
      %jit3A = arith.constant 0.000000e+00 : f32
      %broadcast_in_dim3A_229 = vector.broadcast %jit3A : f32 to vector<4x4096xf32>
      %select_n3A = arith.select %eq3A_228, %get3A_1, %broadcast_in_dim3A_229 : vector<4x4096xi1>, vector<4x4096xf32>
      %reduce_sum3A = arith.constant dense<0.000000e+00> : vector<4xf32>
      %reduce_sum3A_230 = vector.multi_reduction <add>, %select_n3A, %reduce_sum3A [1] : vector<4x4096xf32> to vector<4xf32>
      %broadcast_in_dim3A_231 = vector.shape_cast %reduce_sum3A_230 : vector<4xf32> to vector<4x1xf32>
      %jit3A_232 = arith.constant 0.000000e+00 : f32
      %broadcast_in_dim3A_233 = vector.broadcast %jit3A_232 : f32 to vector<4x4096xf32>
      %select_n3A_234 = arith.select %eq3A_228, %get3A_4, %broadcast_in_dim3A_233 : vector<4x4096xi1>, vector<4x4096xf32>
      %reduce_sum3A_235 = arith.constant dense<0.000000e+00> : vector<4xf32>
      %reduce_sum3A_236 = vector.multi_reduction <add>, %select_n3A_234, %reduce_sum3A_235 [1] : vector<4x4096xf32> to vector<4xf32>
      %broadcast_in_dim3A_237 = vector.shape_cast %reduce_sum3A_236 : vector<4xf32> to vector<4x1xf32>
      %jit3A_238 = arith.constant 0.000000e+00 : f32
      %broadcast_in_dim3A_239 = vector.broadcast %jit3A_238 : f32 to vector<4x4096xf32>
      %select_n3A_240 = arith.select %eq3A_228, %get3A_7, %broadcast_in_dim3A_239 : vector<4x4096xi1>, vector<4x4096xf32>
      %reduce_sum3A_241 = arith.constant dense<0.000000e+00> : vector<4xf32>
      %reduce_sum3A_242 = vector.multi_reduction <add>, %select_n3A_240, %reduce_sum3A_241 [1] : vector<4x4096xf32> to vector<4xf32>
      %broadcast_in_dim3A_243 = vector.shape_cast %reduce_sum3A_242 : vector<4xf32> to vector<4x1xf32>
      %eq3A_244 = vector.broadcast %scan3A_221 : i32 to vector<4x128xi32>
      %eq3A_245 = arith.cmpi eq, %iota3A_11, %eq3A_244 : vector<4x128xi32>
      %add3A = arith.addi %scan3A_223, %mul3A_10 : vector<4x1xi32>
      %broadcast_in_dim3A_246 = vector.shape_cast %add3A : vector<4x1xi32> to vector<4x1xi32>
      %broadcast_in_dim3A_247 = vector.broadcast %broadcast_in_dim3A_246 : vector<4x1xi32> to vector<4x128xi32>
      %select_n3A_248 = arith.select %eq3A_245, %broadcast_in_dim3A_247, %scan3A_224 : vector<4x128xi1>, vector<4x128xi32>
      %broadcast_in_dim3A_249 = vector.shape_cast %broadcast_in_dim3A_231 : vector<4x1xf32> to vector<4x1xf32>
      %broadcast_in_dim3A_250 = vector.broadcast %broadcast_in_dim3A_249 : vector<4x1xf32> to vector<4x128xf32>
      %select_n3A_251 = arith.select %eq3A_245, %broadcast_in_dim3A_250, %scan3A_225 : vector<4x128xi1>, vector<4x128xf32>
      %broadcast_in_dim3A_252 = vector.shape_cast %broadcast_in_dim3A_237 : vector<4x1xf32> to vector<4x1xf32>
      %broadcast_in_dim3A_253 = vector.broadcast %broadcast_in_dim3A_252 : vector<4x1xf32> to vector<4x128xf32>
      %select_n3A_254 = arith.select %eq3A_245, %broadcast_in_dim3A_253, %scan3A_226 : vector<4x128xi1>, vector<4x128xf32>
      %broadcast_in_dim3A_255 = vector.shape_cast %broadcast_in_dim3A_243 : vector<4x1xf32> to vector<4x1xf32>
      %broadcast_in_dim3A_256 = vector.broadcast %broadcast_in_dim3A_255 : vector<4x1xf32> to vector<4x128xf32>
      %select_n3A_257 = arith.select %eq3A_245, %broadcast_in_dim3A_256, %scan3A_227 : vector<4x128xi1>, vector<4x128xf32>
      %sub3A = vector.broadcast %broadcast_in_dim3A_231 : vector<4x1xf32> to vector<4x4096xf32>
      %sub3A_258 = arith.subf %get3A_1, %sub3A : vector<4x4096xf32>
      %sub3A_259 = vector.broadcast %broadcast_in_dim3A_237 : vector<4x1xf32> to vector<4x4096xf32>
      %sub3A_260 = arith.subf %get3A_4, %sub3A_259 : vector<4x4096xf32>
      %sub3A_261 = vector.broadcast %broadcast_in_dim3A_243 : vector<4x1xf32> to vector<4x4096xf32>
      %sub3A_262 = arith.subf %get3A_7, %sub3A_261 : vector<4x4096xf32>
      %mul3A_263 = arith.mulf %sub3A_258, %sub3A_258 : vector<4x4096xf32>
      %mul3A_264 = arith.mulf %sub3A_260, %sub3A_260 : vector<4x4096xf32>
      %add3A_265 = arith.addf %mul3A_263, %mul3A_264 : vector<4x4096xf32>
      %mul3A_266 = arith.mulf %sub3A_262, %sub3A_262 : vector<4x4096xf32>
      %add3A_267 = arith.addf %add3A_265, %mul3A_266 : vector<4x4096xf32>
      %min3A = arith.minimumf %scan3A_222, %add3A_267 : vector<4x4096xf32>
      %reduce_max3A = arith.constant dense<0xFF800000> : vector<4xf32>
      %reduce_max3A_268 = vector.multi_reduction <maximumf>, %min3A, %reduce_max3A [1] : vector<4x4096xf32> to vector<4xf32>
      %broadcast_in_dim3A_269 = vector.shape_cast %reduce_max3A_268 : vector<4xf32> to vector<4x1xf32>
      %eq3A_270 = vector.broadcast %broadcast_in_dim3A_269 : vector<4x1xf32> to vector<4x4096xf32>
      %eq3A_271 = arith.cmpf oeq, %min3A, %eq3A_270 : vector<4x4096xf32>
      %jit3A_272 = arith.constant 4096 : i32
      %broadcast_in_dim3A_273 = vector.broadcast %jit3A_272 : i32 to vector<4x4096xi32>
      %select_n3A_274 = arith.select %eq3A_271, %iota3A, %broadcast_in_dim3A_273 : vector<4x4096xi1>, vector<4x4096xi32>
      %reduce_min3A = arith.constant dense<2147483647> : vector<4xi32>
      %reduce_min3A_275 = vector.multi_reduction <minsi>, %select_n3A_274, %reduce_min3A [1] : vector<4x4096xi32> to vector<4xi32>
      %broadcast_in_dim3A_276 = vector.shape_cast %reduce_min3A_275 : vector<4xi32> to vector<4x1xi32>
      scf.yield %min3A, %broadcast_in_dim3A_276, %select_n3A_248, %select_n3A_251, %select_n3A_254, %select_n3A_257 : vector<4x4096xf32>, vector<4x1xi32>, vector<4x128xi32>, vector<4x128xf32>, vector<4x128xf32>, vector<4x128xf32>
    }
    %scan3A_78 = arith.constant 128 : i32
    %swap3A_79 = arith.constant 0 : index
    %swap3A_80 = arith.constant 256 : index
    %swap3A_81 = vector.load %arg3[%swap3A_79, %swap3A_80] : memref<4x1024xi32, #tpu.memory_space<vmem>>, vector<4x128xi32>
    tpu.vector_store %arg3[%swap3A_79, %swap3A_80], %scan3A_77#2 {strides = array<i32>} : memref<4x1024xi32, #tpu.memory_space<vmem>>, vector<4x128xi32>,
    %swap3A_82 = arith.constant 0 : index
    %swap3A_83 = arith.constant 256 : index
    %swap3A_84 = vector.load %arg4[%swap3A_82, %swap3A_83] : memref<4x1024xf32, #tpu.memory_space<vmem>>, vector<4x128xf32>
    tpu.vector_store %arg4[%swap3A_82, %swap3A_83], %scan3A_77#3 {strides = array<i32>} : memref<4x1024xf32, #tpu.memory_space<vmem>>, vector<4x128xf32>,
    %swap3A_85 = arith.constant 0 : index
    %swap3A_86 = arith.constant 256 : index
    %swap3A_87 = vector.load %arg5[%swap3A_85, %swap3A_86] : memref<4x1024xf32, #tpu.memory_space<vmem>>, vector<4x128xf32>
    tpu.vector_store %arg5[%swap3A_85, %swap3A_86], %scan3A_77#4 {strides = array<i32>} : memref<4x1024xf32, #tpu.memory_space<vmem>>, vector<4x128xf32>,
    %swap3A_88 = arith.constant 0 : index
    %swap3A_89 = arith.constant 256 : index
    %swap3A_90 = vector.load %arg6[%swap3A_88, %swap3A_89] : memref<4x1024xf32, #tpu.memory_space<vmem>>, vector<4x128xf32>
    tpu.vector_store %arg6[%swap3A_88, %swap3A_89], %scan3A_77#5 {strides = array<i32>} : memref<4x1024xf32, #tpu.memory_space<vmem>>, vector<4x128xf32>,
    %broadcast_in_dim3A_91 = arith.constant 0 : i32
    %broadcast_in_dim3A_92 = vector.broadcast %broadcast_in_dim3A_91 : i32 to vector<4x128xi32>
    %broadcast_in_dim3A_93 = arith.constant 0.000000e+00 : f32
    %broadcast_in_dim3A_94 = vector.broadcast %broadcast_in_dim3A_93 : f32 to vector<4x128xf32>
    %broadcast_in_dim3A_95 = arith.constant 0.000000e+00 : f32
    %broadcast_in_dim3A_96 = vector.broadcast %broadcast_in_dim3A_95 : f32 to vector<4x128xf32>
    %broadcast_in_dim3A_97 = arith.constant 0.000000e+00 : f32
    %broadcast_in_dim3A_98 = vector.broadcast %broadcast_in_dim3A_97 : f32 to vector<4x128xf32>
    %scan3A_99 = arith.constant 0 : i32
    %scan3A_100 = arith.constant 128 : i32
    %scan3A_101 = arith.addi %scan3A_99, %scan3A_100 : i32
    %scan3A_102 = arith.constant 1 : i32
    %scan3A_103:6 = scf.for %scan3A_221 = %scan3A_99 to %scan3A_101 step %scan3A_102 iter_args(%scan3A_222 = %scan3A_77#0, %scan3A_223 = %scan3A_77#1, %scan3A_224 = %broadcast_in_dim3A_92, %scan3A_225 = %broadcast_in_dim3A_94, %scan3A_226 = %broadcast_in_dim3A_96, %scan3A_227 = %broadcast_in_dim3A_98) -> (vector<4x4096xf32>, vector<4x1xi32>, vector<4x128xi32>, vector<4x128xf32>, vector<4x128xf32>, vector<4x128xf32>)  : i32 {
      %eq3A = vector.broadcast %scan3A_223 : vector<4x1xi32> to vector<4x4096xi32>
      %eq3A_228 = arith.cmpi eq, %iota3A, %eq3A : vector<4x4096xi32>
      %jit3A = arith.constant 0.000000e+00 : f32
      %broadcast_in_dim3A_229 = vector.broadcast %jit3A : f32 to vector<4x4096xf32>
      %select_n3A = arith.select %eq3A_228, %get3A_1, %broadcast_in_dim3A_229 : vector<4x4096xi1>, vector<4x4096xf32>
      %reduce_sum3A = arith.constant dense<0.000000e+00> : vector<4xf32>
      %reduce_sum3A_230 = vector.multi_reduction <add>, %select_n3A, %reduce_sum3A [1] : vector<4x4096xf32> to vector<4xf32>
      %broadcast_in_dim3A_231 = vector.shape_cast %reduce_sum3A_230 : vector<4xf32> to vector<4x1xf32>
      %jit3A_232 = arith.constant 0.000000e+00 : f32
      %broadcast_in_dim3A_233 = vector.broadcast %jit3A_232 : f32 to vector<4x4096xf32>
      %select_n3A_234 = arith.select %eq3A_228, %get3A_4, %broadcast_in_dim3A_233 : vector<4x4096xi1>, vector<4x4096xf32>
      %reduce_sum3A_235 = arith.constant dense<0.000000e+00> : vector<4xf32>
      %reduce_sum3A_236 = vector.multi_reduction <add>, %select_n3A_234, %reduce_sum3A_235 [1] : vector<4x4096xf32> to vector<4xf32>
      %broadcast_in_dim3A_237 = vector.shape_cast %reduce_sum3A_236 : vector<4xf32> to vector<4x1xf32>
      %jit3A_238 = arith.constant 0.000000e+00 : f32
      %broadcast_in_dim3A_239 = vector.broadcast %jit3A_238 : f32 to vector<4x4096xf32>
      %select_n3A_240 = arith.select %eq3A_228, %get3A_7, %broadcast_in_dim3A_239 : vector<4x4096xi1>, vector<4x4096xf32>
      %reduce_sum3A_241 = arith.constant dense<0.000000e+00> : vector<4xf32>
      %reduce_sum3A_242 = vector.multi_reduction <add>, %select_n3A_240, %reduce_sum3A_241 [1] : vector<4x4096xf32> to vector<4xf32>
      %broadcast_in_dim3A_243 = vector.shape_cast %reduce_sum3A_242 : vector<4xf32> to vector<4x1xf32>
      %eq3A_244 = vector.broadcast %scan3A_221 : i32 to vector<4x128xi32>
      %eq3A_245 = arith.cmpi eq, %iota3A_11, %eq3A_244 : vector<4x128xi32>
      %add3A = arith.addi %scan3A_223, %mul3A_10 : vector<4x1xi32>
      %broadcast_in_dim3A_246 = vector.shape_cast %add3A : vector<4x1xi32> to vector<4x1xi32>
      %broadcast_in_dim3A_247 = vector.broadcast %broadcast_in_dim3A_246 : vector<4x1xi32> to vector<4x128xi32>
      %select_n3A_248 = arith.select %eq3A_245, %broadcast_in_dim3A_247, %scan3A_224 : vector<4x128xi1>, vector<4x128xi32>
      %broadcast_in_dim3A_249 = vector.shape_cast %broadcast_in_dim3A_231 : vector<4x1xf32> to vector<4x1xf32>
      %broadcast_in_dim3A_250 = vector.broadcast %broadcast_in_dim3A_249 : vector<4x1xf32> to vector<4x128xf32>
      %select_n3A_251 = arith.select %eq3A_245, %broadcast_in_dim3A_250, %scan3A_225 : vector<4x128xi1>, vector<4x128xf32>
      %broadcast_in_dim3A_252 = vector.shape_cast %broadcast_in_dim3A_237 : vector<4x1xf32> to vector<4x1xf32>
      %broadcast_in_dim3A_253 = vector.broadcast %broadcast_in_dim3A_252 : vector<4x1xf32> to vector<4x128xf32>
      %select_n3A_254 = arith.select %eq3A_245, %broadcast_in_dim3A_253, %scan3A_226 : vector<4x128xi1>, vector<4x128xf32>
      %broadcast_in_dim3A_255 = vector.shape_cast %broadcast_in_dim3A_243 : vector<4x1xf32> to vector<4x1xf32>
      %broadcast_in_dim3A_256 = vector.broadcast %broadcast_in_dim3A_255 : vector<4x1xf32> to vector<4x128xf32>
      %select_n3A_257 = arith.select %eq3A_245, %broadcast_in_dim3A_256, %scan3A_227 : vector<4x128xi1>, vector<4x128xf32>
      %sub3A = vector.broadcast %broadcast_in_dim3A_231 : vector<4x1xf32> to vector<4x4096xf32>
      %sub3A_258 = arith.subf %get3A_1, %sub3A : vector<4x4096xf32>
      %sub3A_259 = vector.broadcast %broadcast_in_dim3A_237 : vector<4x1xf32> to vector<4x4096xf32>
      %sub3A_260 = arith.subf %get3A_4, %sub3A_259 : vector<4x4096xf32>
      %sub3A_261 = vector.broadcast %broadcast_in_dim3A_243 : vector<4x1xf32> to vector<4x4096xf32>
      %sub3A_262 = arith.subf %get3A_7, %sub3A_261 : vector<4x4096xf32>
      %mul3A_263 = arith.mulf %sub3A_258, %sub3A_258 : vector<4x4096xf32>
      %mul3A_264 = arith.mulf %sub3A_260, %sub3A_260 : vector<4x4096xf32>
      %add3A_265 = arith.addf %mul3A_263, %mul3A_264 : vector<4x4096xf32>
      %mul3A_266 = arith.mulf %sub3A_262, %sub3A_262 : vector<4x4096xf32>
      %add3A_267 = arith.addf %add3A_265, %mul3A_266 : vector<4x4096xf32>
      %min3A = arith.minimumf %scan3A_222, %add3A_267 : vector<4x4096xf32>
      %reduce_max3A = arith.constant dense<0xFF800000> : vector<4xf32>
      %reduce_max3A_268 = vector.multi_reduction <maximumf>, %min3A, %reduce_max3A [1] : vector<4x4096xf32> to vector<4xf32>
      %broadcast_in_dim3A_269 = vector.shape_cast %reduce_max3A_268 : vector<4xf32> to vector<4x1xf32>
      %eq3A_270 = vector.broadcast %broadcast_in_dim3A_269 : vector<4x1xf32> to vector<4x4096xf32>
      %eq3A_271 = arith.cmpf oeq, %min3A, %eq3A_270 : vector<4x4096xf32>
      %jit3A_272 = arith.constant 4096 : i32
      %broadcast_in_dim3A_273 = vector.broadcast %jit3A_272 : i32 to vector<4x4096xi32>
      %select_n3A_274 = arith.select %eq3A_271, %iota3A, %broadcast_in_dim3A_273 : vector<4x4096xi1>, vector<4x4096xi32>
      %reduce_min3A = arith.constant dense<2147483647> : vector<4xi32>
      %reduce_min3A_275 = vector.multi_reduction <minsi>, %select_n3A_274, %reduce_min3A [1] : vector<4x4096xi32> to vector<4xi32>
      %broadcast_in_dim3A_276 = vector.shape_cast %reduce_min3A_275 : vector<4xi32> to vector<4x1xi32>
      scf.yield %min3A, %broadcast_in_dim3A_276, %select_n3A_248, %select_n3A_251, %select_n3A_254, %select_n3A_257 : vector<4x4096xf32>, vector<4x1xi32>, vector<4x128xi32>, vector<4x128xf32>, vector<4x128xf32>, vector<4x128xf32>
    }
    %scan3A_104 = arith.constant 128 : i32
    %swap3A_105 = arith.constant 0 : index
    %swap3A_106 = arith.constant 384 : index
    %swap3A_107 = vector.load %arg3[%swap3A_105, %swap3A_106] : memref<4x1024xi32, #tpu.memory_space<vmem>>, vector<4x128xi32>
    tpu.vector_store %arg3[%swap3A_105, %swap3A_106], %scan3A_103#2 {strides = array<i32>} : memref<4x1024xi32, #tpu.memory_space<vmem>>, vector<4x128xi32>,
    %swap3A_108 = arith.constant 0 : index
    %swap3A_109 = arith.constant 384 : index
    %swap3A_110 = vector.load %arg4[%swap3A_108, %swap3A_109] : memref<4x1024xf32, #tpu.memory_space<vmem>>, vector<4x128xf32>
    tpu.vector_store %arg4[%swap3A_108, %swap3A_109], %scan3A_103#3 {strides = array<i32>} : memref<4x1024xf32, #tpu.memory_space<vmem>>, vector<4x128xf32>,
    %swap3A_111 = arith.constant 0 : index
    %swap3A_112 = arith.constant 384 : index
    %swap3A_113 = vector.load %arg5[%swap3A_111, %swap3A_112] : memref<4x1024xf32, #tpu.memory_space<vmem>>, vector<4x128xf32>
    tpu.vector_store %arg5[%swap3A_111, %swap3A_112], %scan3A_103#4 {strides = array<i32>} : memref<4x1024xf32, #tpu.memory_space<vmem>>, vector<4x128xf32>,
    %swap3A_114 = arith.constant 0 : index
    %swap3A_115 = arith.constant 384 : index
    %swap3A_116 = vector.load %arg6[%swap3A_114, %swap3A_115] : memref<4x1024xf32, #tpu.memory_space<vmem>>, vector<4x128xf32>
    tpu.vector_store %arg6[%swap3A_114, %swap3A_115], %scan3A_103#5 {strides = array<i32>} : memref<4x1024xf32, #tpu.memory_space<vmem>>, vector<4x128xf32>,
    %broadcast_in_dim3A_117 = arith.constant 0 : i32
    %broadcast_in_dim3A_118 = vector.broadcast %broadcast_in_dim3A_117 : i32 to vector<4x128xi32>
    %broadcast_in_dim3A_119 = arith.constant 0.000000e+00 : f32
    %broadcast_in_dim3A_120 = vector.broadcast %broadcast_in_dim3A_119 : f32 to vector<4x128xf32>
    %broadcast_in_dim3A_121 = arith.constant 0.000000e+00 : f32
    %broadcast_in_dim3A_122 = vector.broadcast %broadcast_in_dim3A_121 : f32 to vector<4x128xf32>
    %broadcast_in_dim3A_123 = arith.constant 0.000000e+00 : f32
    %broadcast_in_dim3A_124 = vector.broadcast %broadcast_in_dim3A_123 : f32 to vector<4x128xf32>
    %scan3A_125 = arith.constant 0 : i32
    %scan3A_126 = arith.constant 128 : i32
    %scan3A_127 = arith.addi %scan3A_125, %scan3A_126 : i32
    %scan3A_128 = arith.constant 1 : i32
    %scan3A_129:6 = scf.for %scan3A_221 = %scan3A_125 to %scan3A_127 step %scan3A_128 iter_args(%scan3A_222 = %scan3A_103#0, %scan3A_223 = %scan3A_103#1, %scan3A_224 = %broadcast_in_dim3A_118, %scan3A_225 = %broadcast_in_dim3A_120, %scan3A_226 = %broadcast_in_dim3A_122, %scan3A_227 = %broadcast_in_dim3A_124) -> (vector<4x4096xf32>, vector<4x1xi32>, vector<4x128xi32>, vector<4x128xf32>, vector<4x128xf32>, vector<4x128xf32>)  : i32 {
      %eq3A = vector.broadcast %scan3A_223 : vector<4x1xi32> to vector<4x4096xi32>
      %eq3A_228 = arith.cmpi eq, %iota3A, %eq3A : vector<4x4096xi32>
      %jit3A = arith.constant 0.000000e+00 : f32
      %broadcast_in_dim3A_229 = vector.broadcast %jit3A : f32 to vector<4x4096xf32>
      %select_n3A = arith.select %eq3A_228, %get3A_1, %broadcast_in_dim3A_229 : vector<4x4096xi1>, vector<4x4096xf32>
      %reduce_sum3A = arith.constant dense<0.000000e+00> : vector<4xf32>
      %reduce_sum3A_230 = vector.multi_reduction <add>, %select_n3A, %reduce_sum3A [1] : vector<4x4096xf32> to vector<4xf32>
      %broadcast_in_dim3A_231 = vector.shape_cast %reduce_sum3A_230 : vector<4xf32> to vector<4x1xf32>
      %jit3A_232 = arith.constant 0.000000e+00 : f32
      %broadcast_in_dim3A_233 = vector.broadcast %jit3A_232 : f32 to vector<4x4096xf32>
      %select_n3A_234 = arith.select %eq3A_228, %get3A_4, %broadcast_in_dim3A_233 : vector<4x4096xi1>, vector<4x4096xf32>
      %reduce_sum3A_235 = arith.constant dense<0.000000e+00> : vector<4xf32>
      %reduce_sum3A_236 = vector.multi_reduction <add>, %select_n3A_234, %reduce_sum3A_235 [1] : vector<4x4096xf32> to vector<4xf32>
      %broadcast_in_dim3A_237 = vector.shape_cast %reduce_sum3A_236 : vector<4xf32> to vector<4x1xf32>
      %jit3A_238 = arith.constant 0.000000e+00 : f32
      %broadcast_in_dim3A_239 = vector.broadcast %jit3A_238 : f32 to vector<4x4096xf32>
      %select_n3A_240 = arith.select %eq3A_228, %get3A_7, %broadcast_in_dim3A_239 : vector<4x4096xi1>, vector<4x4096xf32>
      %reduce_sum3A_241 = arith.constant dense<0.000000e+00> : vector<4xf32>
      %reduce_sum3A_242 = vector.multi_reduction <add>, %select_n3A_240, %reduce_sum3A_241 [1] : vector<4x4096xf32> to vector<4xf32>
      %broadcast_in_dim3A_243 = vector.shape_cast %reduce_sum3A_242 : vector<4xf32> to vector<4x1xf32>
      %eq3A_244 = vector.broadcast %scan3A_221 : i32 to vector<4x128xi32>
      %eq3A_245 = arith.cmpi eq, %iota3A_11, %eq3A_244 : vector<4x128xi32>
      %add3A = arith.addi %scan3A_223, %mul3A_10 : vector<4x1xi32>
      %broadcast_in_dim3A_246 = vector.shape_cast %add3A : vector<4x1xi32> to vector<4x1xi32>
      %broadcast_in_dim3A_247 = vector.broadcast %broadcast_in_dim3A_246 : vector<4x1xi32> to vector<4x128xi32>
      %select_n3A_248 = arith.select %eq3A_245, %broadcast_in_dim3A_247, %scan3A_224 : vector<4x128xi1>, vector<4x128xi32>
      %broadcast_in_dim3A_249 = vector.shape_cast %broadcast_in_dim3A_231 : vector<4x1xf32> to vector<4x1xf32>
      %broadcast_in_dim3A_250 = vector.broadcast %broadcast_in_dim3A_249 : vector<4x1xf32> to vector<4x128xf32>
      %select_n3A_251 = arith.select %eq3A_245, %broadcast_in_dim3A_250, %scan3A_225 : vector<4x128xi1>, vector<4x128xf32>
      %broadcast_in_dim3A_252 = vector.shape_cast %broadcast_in_dim3A_237 : vector<4x1xf32> to vector<4x1xf32>
      %broadcast_in_dim3A_253 = vector.broadcast %broadcast_in_dim3A_252 : vector<4x1xf32> to vector<4x128xf32>
      %select_n3A_254 = arith.select %eq3A_245, %broadcast_in_dim3A_253, %scan3A_226 : vector<4x128xi1>, vector<4x128xf32>
      %broadcast_in_dim3A_255 = vector.shape_cast %broadcast_in_dim3A_243 : vector<4x1xf32> to vector<4x1xf32>
      %broadcast_in_dim3A_256 = vector.broadcast %broadcast_in_dim3A_255 : vector<4x1xf32> to vector<4x128xf32>
      %select_n3A_257 = arith.select %eq3A_245, %broadcast_in_dim3A_256, %scan3A_227 : vector<4x128xi1>, vector<4x128xf32>
      %sub3A = vector.broadcast %broadcast_in_dim3A_231 : vector<4x1xf32> to vector<4x4096xf32>
      %sub3A_258 = arith.subf %get3A_1, %sub3A : vector<4x4096xf32>
      %sub3A_259 = vector.broadcast %broadcast_in_dim3A_237 : vector<4x1xf32> to vector<4x4096xf32>
      %sub3A_260 = arith.subf %get3A_4, %sub3A_259 : vector<4x4096xf32>
      %sub3A_261 = vector.broadcast %broadcast_in_dim3A_243 : vector<4x1xf32> to vector<4x4096xf32>
      %sub3A_262 = arith.subf %get3A_7, %sub3A_261 : vector<4x4096xf32>
      %mul3A_263 = arith.mulf %sub3A_258, %sub3A_258 : vector<4x4096xf32>
      %mul3A_264 = arith.mulf %sub3A_260, %sub3A_260 : vector<4x4096xf32>
      %add3A_265 = arith.addf %mul3A_263, %mul3A_264 : vector<4x4096xf32>
      %mul3A_266 = arith.mulf %sub3A_262, %sub3A_262 : vector<4x4096xf32>
      %add3A_267 = arith.addf %add3A_265, %mul3A_266 : vector<4x4096xf32>
      %min3A = arith.minimumf %scan3A_222, %add3A_267 : vector<4x4096xf32>
      %reduce_max3A = arith.constant dense<0xFF800000> : vector<4xf32>
      %reduce_max3A_268 = vector.multi_reduction <maximumf>, %min3A, %reduce_max3A [1] : vector<4x4096xf32> to vector<4xf32>
      %broadcast_in_dim3A_269 = vector.shape_cast %reduce_max3A_268 : vector<4xf32> to vector<4x1xf32>
      %eq3A_270 = vector.broadcast %broadcast_in_dim3A_269 : vector<4x1xf32> to vector<4x4096xf32>
      %eq3A_271 = arith.cmpf oeq, %min3A, %eq3A_270 : vector<4x4096xf32>
      %jit3A_272 = arith.constant 4096 : i32
      %broadcast_in_dim3A_273 = vector.broadcast %jit3A_272 : i32 to vector<4x4096xi32>
      %select_n3A_274 = arith.select %eq3A_271, %iota3A, %broadcast_in_dim3A_273 : vector<4x4096xi1>, vector<4x4096xi32>
      %reduce_min3A = arith.constant dense<2147483647> : vector<4xi32>
      %reduce_min3A_275 = vector.multi_reduction <minsi>, %select_n3A_274, %reduce_min3A [1] : vector<4x4096xi32> to vector<4xi32>
      %broadcast_in_dim3A_276 = vector.shape_cast %reduce_min3A_275 : vector<4xi32> to vector<4x1xi32>
      scf.yield %min3A, %broadcast_in_dim3A_276, %select_n3A_248, %select_n3A_251, %select_n3A_254, %select_n3A_257 : vector<4x4096xf32>, vector<4x1xi32>, vector<4x128xi32>, vector<4x128xf32>, vector<4x128xf32>, vector<4x128xf32>
    }
    %scan3A_130 = arith.constant 128 : i32
    %swap3A_131 = arith.constant 0 : index
    %swap3A_132 = arith.constant 512 : index
    %swap3A_133 = vector.load %arg3[%swap3A_131, %swap3A_132] : memref<4x1024xi32, #tpu.memory_space<vmem>>, vector<4x128xi32>
    tpu.vector_store %arg3[%swap3A_131, %swap3A_132], %scan3A_129#2 {strides = array<i32>} : memref<4x1024xi32, #tpu.memory_space<vmem>>, vector<4x128xi32>,
    %swap3A_134 = arith.constant 0 : index
    %swap3A_135 = arith.constant 512 : index
    %swap3A_136 = vector.load %arg4[%swap3A_134, %swap3A_135] : memref<4x1024xf32, #tpu.memory_space<vmem>>, vector<4x128xf32>
    tpu.vector_store %arg4[%swap3A_134, %swap3A_135], %scan3A_129#3 {strides = array<i32>} : memref<4x1024xf32, #tpu.memory_space<vmem>>, vector<4x128xf32>,
    %swap3A_137 = arith.constant 0 : index
    %swap3A_138 = arith.constant 512 : index
    %swap3A_139 = vector.load %arg5[%swap3A_137, %swap3A_138] : memref<4x1024xf32, #tpu.memory_space<vmem>>, vector<4x128xf32>
    tpu.vector_store %arg5[%swap3A_137, %swap3A_138], %scan3A_129#4 {strides = array<i32>} : memref<4x1024xf32, #tpu.memory_space<vmem>>, vector<4x128xf32>,
    %swap3A_140 = arith.constant 0 : index
    %swap3A_141 = arith.constant 512 : index
    %swap3A_142 = vector.load %arg6[%swap3A_140, %swap3A_141] : memref<4x1024xf32, #tpu.memory_space<vmem>>, vector<4x128xf32>
    tpu.vector_store %arg6[%swap3A_140, %swap3A_141], %scan3A_129#5 {strides = array<i32>} : memref<4x1024xf32, #tpu.memory_space<vmem>>, vector<4x128xf32>,
    %broadcast_in_dim3A_143 = arith.constant 0 : i32
    %broadcast_in_dim3A_144 = vector.broadcast %broadcast_in_dim3A_143 : i32 to vector<4x128xi32>
    %broadcast_in_dim3A_145 = arith.constant 0.000000e+00 : f32
    %broadcast_in_dim3A_146 = vector.broadcast %broadcast_in_dim3A_145 : f32 to vector<4x128xf32>
    %broadcast_in_dim3A_147 = arith.constant 0.000000e+00 : f32
    %broadcast_in_dim3A_148 = vector.broadcast %broadcast_in_dim3A_147 : f32 to vector<4x128xf32>
    %broadcast_in_dim3A_149 = arith.constant 0.000000e+00 : f32
    %broadcast_in_dim3A_150 = vector.broadcast %broadcast_in_dim3A_149 : f32 to vector<4x128xf32>
    %scan3A_151 = arith.constant 0 : i32
    %scan3A_152 = arith.constant 128 : i32
    %scan3A_153 = arith.addi %scan3A_151, %scan3A_152 : i32
    %scan3A_154 = arith.constant 1 : i32
    %scan3A_155:6 = scf.for %scan3A_221 = %scan3A_151 to %scan3A_153 step %scan3A_154 iter_args(%scan3A_222 = %scan3A_129#0, %scan3A_223 = %scan3A_129#1, %scan3A_224 = %broadcast_in_dim3A_144, %scan3A_225 = %broadcast_in_dim3A_146, %scan3A_226 = %broadcast_in_dim3A_148, %scan3A_227 = %broadcast_in_dim3A_150) -> (vector<4x4096xf32>, vector<4x1xi32>, vector<4x128xi32>, vector<4x128xf32>, vector<4x128xf32>, vector<4x128xf32>)  : i32 {
      %eq3A = vector.broadcast %scan3A_223 : vector<4x1xi32> to vector<4x4096xi32>
      %eq3A_228 = arith.cmpi eq, %iota3A, %eq3A : vector<4x4096xi32>
      %jit3A = arith.constant 0.000000e+00 : f32
      %broadcast_in_dim3A_229 = vector.broadcast %jit3A : f32 to vector<4x4096xf32>
      %select_n3A = arith.select %eq3A_228, %get3A_1, %broadcast_in_dim3A_229 : vector<4x4096xi1>, vector<4x4096xf32>
      %reduce_sum3A = arith.constant dense<0.000000e+00> : vector<4xf32>
      %reduce_sum3A_230 = vector.multi_reduction <add>, %select_n3A, %reduce_sum3A [1] : vector<4x4096xf32> to vector<4xf32>
      %broadcast_in_dim3A_231 = vector.shape_cast %reduce_sum3A_230 : vector<4xf32> to vector<4x1xf32>
      %jit3A_232 = arith.constant 0.000000e+00 : f32
      %broadcast_in_dim3A_233 = vector.broadcast %jit3A_232 : f32 to vector<4x4096xf32>
      %select_n3A_234 = arith.select %eq3A_228, %get3A_4, %broadcast_in_dim3A_233 : vector<4x4096xi1>, vector<4x4096xf32>
      %reduce_sum3A_235 = arith.constant dense<0.000000e+00> : vector<4xf32>
      %reduce_sum3A_236 = vector.multi_reduction <add>, %select_n3A_234, %reduce_sum3A_235 [1] : vector<4x4096xf32> to vector<4xf32>
      %broadcast_in_dim3A_237 = vector.shape_cast %reduce_sum3A_236 : vector<4xf32> to vector<4x1xf32>
      %jit3A_238 = arith.constant 0.000000e+00 : f32
      %broadcast_in_dim3A_239 = vector.broadcast %jit3A_238 : f32 to vector<4x4096xf32>
      %select_n3A_240 = arith.select %eq3A_228, %get3A_7, %broadcast_in_dim3A_239 : vector<4x4096xi1>, vector<4x4096xf32>
      %reduce_sum3A_241 = arith.constant dense<0.000000e+00> : vector<4xf32>
      %reduce_sum3A_242 = vector.multi_reduction <add>, %select_n3A_240, %reduce_sum3A_241 [1] : vector<4x4096xf32> to vector<4xf32>
      %broadcast_in_dim3A_243 = vector.shape_cast %reduce_sum3A_242 : vector<4xf32> to vector<4x1xf32>
      %eq3A_244 = vector.broadcast %scan3A_221 : i32 to vector<4x128xi32>
      %eq3A_245 = arith.cmpi eq, %iota3A_11, %eq3A_244 : vector<4x128xi32>
      %add3A = arith.addi %scan3A_223, %mul3A_10 : vector<4x1xi32>
      %broadcast_in_dim3A_246 = vector.shape_cast %add3A : vector<4x1xi32> to vector<4x1xi32>
      %broadcast_in_dim3A_247 = vector.broadcast %broadcast_in_dim3A_246 : vector<4x1xi32> to vector<4x128xi32>
      %select_n3A_248 = arith.select %eq3A_245, %broadcast_in_dim3A_247, %scan3A_224 : vector<4x128xi1>, vector<4x128xi32>
      %broadcast_in_dim3A_249 = vector.shape_cast %broadcast_in_dim3A_231 : vector<4x1xf32> to vector<4x1xf32>
      %broadcast_in_dim3A_250 = vector.broadcast %broadcast_in_dim3A_249 : vector<4x1xf32> to vector<4x128xf32>
      %select_n3A_251 = arith.select %eq3A_245, %broadcast_in_dim3A_250, %scan3A_225 : vector<4x128xi1>, vector<4x128xf32>
      %broadcast_in_dim3A_252 = vector.shape_cast %broadcast_in_dim3A_237 : vector<4x1xf32> to vector<4x1xf32>
      %broadcast_in_dim3A_253 = vector.broadcast %broadcast_in_dim3A_252 : vector<4x1xf32> to vector<4x128xf32>
      %select_n3A_254 = arith.select %eq3A_245, %broadcast_in_dim3A_253, %scan3A_226 : vector<4x128xi1>, vector<4x128xf32>
      %broadcast_in_dim3A_255 = vector.shape_cast %broadcast_in_dim3A_243 : vector<4x1xf32> to vector<4x1xf32>
      %broadcast_in_dim3A_256 = vector.broadcast %broadcast_in_dim3A_255 : vector<4x1xf32> to vector<4x128xf32>
      %select_n3A_257 = arith.select %eq3A_245, %broadcast_in_dim3A_256, %scan3A_227 : vector<4x128xi1>, vector<4x128xf32>
      %sub3A = vector.broadcast %broadcast_in_dim3A_231 : vector<4x1xf32> to vector<4x4096xf32>
      %sub3A_258 = arith.subf %get3A_1, %sub3A : vector<4x4096xf32>
      %sub3A_259 = vector.broadcast %broadcast_in_dim3A_237 : vector<4x1xf32> to vector<4x4096xf32>
      %sub3A_260 = arith.subf %get3A_4, %sub3A_259 : vector<4x4096xf32>
      %sub3A_261 = vector.broadcast %broadcast_in_dim3A_243 : vector<4x1xf32> to vector<4x4096xf32>
      %sub3A_262 = arith.subf %get3A_7, %sub3A_261 : vector<4x4096xf32>
      %mul3A_263 = arith.mulf %sub3A_258, %sub3A_258 : vector<4x4096xf32>
      %mul3A_264 = arith.mulf %sub3A_260, %sub3A_260 : vector<4x4096xf32>
      %add3A_265 = arith.addf %mul3A_263, %mul3A_264 : vector<4x4096xf32>
      %mul3A_266 = arith.mulf %sub3A_262, %sub3A_262 : vector<4x4096xf32>
      %add3A_267 = arith.addf %add3A_265, %mul3A_266 : vector<4x4096xf32>
      %min3A = arith.minimumf %scan3A_222, %add3A_267 : vector<4x4096xf32>
      %reduce_max3A = arith.constant dense<0xFF800000> : vector<4xf32>
      %reduce_max3A_268 = vector.multi_reduction <maximumf>, %min3A, %reduce_max3A [1] : vector<4x4096xf32> to vector<4xf32>
      %broadcast_in_dim3A_269 = vector.shape_cast %reduce_max3A_268 : vector<4xf32> to vector<4x1xf32>
      %eq3A_270 = vector.broadcast %broadcast_in_dim3A_269 : vector<4x1xf32> to vector<4x4096xf32>
      %eq3A_271 = arith.cmpf oeq, %min3A, %eq3A_270 : vector<4x4096xf32>
      %jit3A_272 = arith.constant 4096 : i32
      %broadcast_in_dim3A_273 = vector.broadcast %jit3A_272 : i32 to vector<4x4096xi32>
      %select_n3A_274 = arith.select %eq3A_271, %iota3A, %broadcast_in_dim3A_273 : vector<4x4096xi1>, vector<4x4096xi32>
      %reduce_min3A = arith.constant dense<2147483647> : vector<4xi32>
      %reduce_min3A_275 = vector.multi_reduction <minsi>, %select_n3A_274, %reduce_min3A [1] : vector<4x4096xi32> to vector<4xi32>
      %broadcast_in_dim3A_276 = vector.shape_cast %reduce_min3A_275 : vector<4xi32> to vector<4x1xi32>
      scf.yield %min3A, %broadcast_in_dim3A_276, %select_n3A_248, %select_n3A_251, %select_n3A_254, %select_n3A_257 : vector<4x4096xf32>, vector<4x1xi32>, vector<4x128xi32>, vector<4x128xf32>, vector<4x128xf32>, vector<4x128xf32>
    }
    %scan3A_156 = arith.constant 128 : i32
    %swap3A_157 = arith.constant 0 : index
    %swap3A_158 = arith.constant 640 : index
    %swap3A_159 = vector.load %arg3[%swap3A_157, %swap3A_158] : memref<4x1024xi32, #tpu.memory_space<vmem>>, vector<4x128xi32>
    tpu.vector_store %arg3[%swap3A_157, %swap3A_158], %scan3A_155#2 {strides = array<i32>} : memref<4x1024xi32, #tpu.memory_space<vmem>>, vector<4x128xi32>,
    %swap3A_160 = arith.constant 0 : index
    %swap3A_161 = arith.constant 640 : index
    %swap3A_162 = vector.load %arg4[%swap3A_160, %swap3A_161] : memref<4x1024xf32, #tpu.memory_space<vmem>>, vector<4x128xf32>
    tpu.vector_store %arg4[%swap3A_160, %swap3A_161], %scan3A_155#3 {strides = array<i32>} : memref<4x1024xf32, #tpu.memory_space<vmem>>, vector<4x128xf32>,
    %swap3A_163 = arith.constant 0 : index
    %swap3A_164 = arith.constant 640 : index
    %swap3A_165 = vector.load %arg5[%swap3A_163, %swap3A_164] : memref<4x1024xf32, #tpu.memory_space<vmem>>, vector<4x128xf32>
    tpu.vector_store %arg5[%swap3A_163, %swap3A_164], %scan3A_155#4 {strides = array<i32>} : memref<4x1024xf32, #tpu.memory_space<vmem>>, vector<4x128xf32>,
    %swap3A_166 = arith.constant 0 : index
    %swap3A_167 = arith.constant 640 : index
    %swap3A_168 = vector.load %arg6[%swap3A_166, %swap3A_167] : memref<4x1024xf32, #tpu.memory_space<vmem>>, vector<4x128xf32>
    tpu.vector_store %arg6[%swap3A_166, %swap3A_167], %scan3A_155#5 {strides = array<i32>} : memref<4x1024xf32, #tpu.memory_space<vmem>>, vector<4x128xf32>,
    %broadcast_in_dim3A_169 = arith.constant 0 : i32
    %broadcast_in_dim3A_170 = vector.broadcast %broadcast_in_dim3A_169 : i32 to vector<4x128xi32>
    %broadcast_in_dim3A_171 = arith.constant 0.000000e+00 : f32
    %broadcast_in_dim3A_172 = vector.broadcast %broadcast_in_dim3A_171 : f32 to vector<4x128xf32>
    %broadcast_in_dim3A_173 = arith.constant 0.000000e+00 : f32
    %broadcast_in_dim3A_174 = vector.broadcast %broadcast_in_dim3A_173 : f32 to vector<4x128xf32>
    %broadcast_in_dim3A_175 = arith.constant 0.000000e+00 : f32
    %broadcast_in_dim3A_176 = vector.broadcast %broadcast_in_dim3A_175 : f32 to vector<4x128xf32>
    %scan3A_177 = arith.constant 0 : i32
    %scan3A_178 = arith.constant 128 : i32
    %scan3A_179 = arith.addi %scan3A_177, %scan3A_178 : i32
    %scan3A_180 = arith.constant 1 : i32
    %scan3A_181:6 = scf.for %scan3A_221 = %scan3A_177 to %scan3A_179 step %scan3A_180 iter_args(%scan3A_222 = %scan3A_155#0, %scan3A_223 = %scan3A_155#1, %scan3A_224 = %broadcast_in_dim3A_170, %scan3A_225 = %broadcast_in_dim3A_172, %scan3A_226 = %broadcast_in_dim3A_174, %scan3A_227 = %broadcast_in_dim3A_176) -> (vector<4x4096xf32>, vector<4x1xi32>, vector<4x128xi32>, vector<4x128xf32>, vector<4x128xf32>, vector<4x128xf32>)  : i32 {
      %eq3A = vector.broadcast %scan3A_223 : vector<4x1xi32> to vector<4x4096xi32>
      %eq3A_228 = arith.cmpi eq, %iota3A, %eq3A : vector<4x4096xi32>
      %jit3A = arith.constant 0.000000e+00 : f32
      %broadcast_in_dim3A_229 = vector.broadcast %jit3A : f32 to vector<4x4096xf32>
      %select_n3A = arith.select %eq3A_228, %get3A_1, %broadcast_in_dim3A_229 : vector<4x4096xi1>, vector<4x4096xf32>
      %reduce_sum3A = arith.constant dense<0.000000e+00> : vector<4xf32>
      %reduce_sum3A_230 = vector.multi_reduction <add>, %select_n3A, %reduce_sum3A [1] : vector<4x4096xf32> to vector<4xf32>
      %broadcast_in_dim3A_231 = vector.shape_cast %reduce_sum3A_230 : vector<4xf32> to vector<4x1xf32>
      %jit3A_232 = arith.constant 0.000000e+00 : f32
      %broadcast_in_dim3A_233 = vector.broadcast %jit3A_232 : f32 to vector<4x4096xf32>
      %select_n3A_234 = arith.select %eq3A_228, %get3A_4, %broadcast_in_dim3A_233 : vector<4x4096xi1>, vector<4x4096xf32>
      %reduce_sum3A_235 = arith.constant dense<0.000000e+00> : vector<4xf32>
      %reduce_sum3A_236 = vector.multi_reduction <add>, %select_n3A_234, %reduce_sum3A_235 [1] : vector<4x4096xf32> to vector<4xf32>
      %broadcast_in_dim3A_237 = vector.shape_cast %reduce_sum3A_236 : vector<4xf32> to vector<4x1xf32>
      %jit3A_238 = arith.constant 0.000000e+00 : f32
      %broadcast_in_dim3A_239 = vector.broadcast %jit3A_238 : f32 to vector<4x4096xf32>
      %select_n3A_240 = arith.select %eq3A_228, %get3A_7, %broadcast_in_dim3A_239 : vector<4x4096xi1>, vector<4x4096xf32>
      %reduce_sum3A_241 = arith.constant dense<0.000000e+00> : vector<4xf32>
      %reduce_sum3A_242 = vector.multi_reduction <add>, %select_n3A_240, %reduce_sum3A_241 [1] : vector<4x4096xf32> to vector<4xf32>
      %broadcast_in_dim3A_243 = vector.shape_cast %reduce_sum3A_242 : vector<4xf32> to vector<4x1xf32>
      %eq3A_244 = vector.broadcast %scan3A_221 : i32 to vector<4x128xi32>
      %eq3A_245 = arith.cmpi eq, %iota3A_11, %eq3A_244 : vector<4x128xi32>
      %add3A = arith.addi %scan3A_223, %mul3A_10 : vector<4x1xi32>
      %broadcast_in_dim3A_246 = vector.shape_cast %add3A : vector<4x1xi32> to vector<4x1xi32>
      %broadcast_in_dim3A_247 = vector.broadcast %broadcast_in_dim3A_246 : vector<4x1xi32> to vector<4x128xi32>
      %select_n3A_248 = arith.select %eq3A_245, %broadcast_in_dim3A_247, %scan3A_224 : vector<4x128xi1>, vector<4x128xi32>
      %broadcast_in_dim3A_249 = vector.shape_cast %broadcast_in_dim3A_231 : vector<4x1xf32> to vector<4x1xf32>
      %broadcast_in_dim3A_250 = vector.broadcast %broadcast_in_dim3A_249 : vector<4x1xf32> to vector<4x128xf32>
      %select_n3A_251 = arith.select %eq3A_245, %broadcast_in_dim3A_250, %scan3A_225 : vector<4x128xi1>, vector<4x128xf32>
      %broadcast_in_dim3A_252 = vector.shape_cast %broadcast_in_dim3A_237 : vector<4x1xf32> to vector<4x1xf32>
      %broadcast_in_dim3A_253 = vector.broadcast %broadcast_in_dim3A_252 : vector<4x1xf32> to vector<4x128xf32>
      %select_n3A_254 = arith.select %eq3A_245, %broadcast_in_dim3A_253, %scan3A_226 : vector<4x128xi1>, vector<4x128xf32>
      %broadcast_in_dim3A_255 = vector.shape_cast %broadcast_in_dim3A_243 : vector<4x1xf32> to vector<4x1xf32>
      %broadcast_in_dim3A_256 = vector.broadcast %broadcast_in_dim3A_255 : vector<4x1xf32> to vector<4x128xf32>
      %select_n3A_257 = arith.select %eq3A_245, %broadcast_in_dim3A_256, %scan3A_227 : vector<4x128xi1>, vector<4x128xf32>
      %sub3A = vector.broadcast %broadcast_in_dim3A_231 : vector<4x1xf32> to vector<4x4096xf32>
      %sub3A_258 = arith.subf %get3A_1, %sub3A : vector<4x4096xf32>
      %sub3A_259 = vector.broadcast %broadcast_in_dim3A_237 : vector<4x1xf32> to vector<4x4096xf32>
      %sub3A_260 = arith.subf %get3A_4, %sub3A_259 : vector<4x4096xf32>
      %sub3A_261 = vector.broadcast %broadcast_in_dim3A_243 : vector<4x1xf32> to vector<4x4096xf32>
      %sub3A_262 = arith.subf %get3A_7, %sub3A_261 : vector<4x4096xf32>
      %mul3A_263 = arith.mulf %sub3A_258, %sub3A_258 : vector<4x4096xf32>
      %mul3A_264 = arith.mulf %sub3A_260, %sub3A_260 : vector<4x4096xf32>
      %add3A_265 = arith.addf %mul3A_263, %mul3A_264 : vector<4x4096xf32>
      %mul3A_266 = arith.mulf %sub3A_262, %sub3A_262 : vector<4x4096xf32>
      %add3A_267 = arith.addf %add3A_265, %mul3A_266 : vector<4x4096xf32>
      %min3A = arith.minimumf %scan3A_222, %add3A_267 : vector<4x4096xf32>
      %reduce_max3A = arith.constant dense<0xFF800000> : vector<4xf32>
      %reduce_max3A_268 = vector.multi_reduction <maximumf>, %min3A, %reduce_max3A [1] : vector<4x4096xf32> to vector<4xf32>
      %broadcast_in_dim3A_269 = vector.shape_cast %reduce_max3A_268 : vector<4xf32> to vector<4x1xf32>
      %eq3A_270 = vector.broadcast %broadcast_in_dim3A_269 : vector<4x1xf32> to vector<4x4096xf32>
      %eq3A_271 = arith.cmpf oeq, %min3A, %eq3A_270 : vector<4x4096xf32>
      %jit3A_272 = arith.constant 4096 : i32
      %broadcast_in_dim3A_273 = vector.broadcast %jit3A_272 : i32 to vector<4x4096xi32>
      %select_n3A_274 = arith.select %eq3A_271, %iota3A, %broadcast_in_dim3A_273 : vector<4x4096xi1>, vector<4x4096xi32>
      %reduce_min3A = arith.constant dense<2147483647> : vector<4xi32>
      %reduce_min3A_275 = vector.multi_reduction <minsi>, %select_n3A_274, %reduce_min3A [1] : vector<4x4096xi32> to vector<4xi32>
      %broadcast_in_dim3A_276 = vector.shape_cast %reduce_min3A_275 : vector<4xi32> to vector<4x1xi32>
      scf.yield %min3A, %broadcast_in_dim3A_276, %select_n3A_248, %select_n3A_251, %select_n3A_254, %select_n3A_257 : vector<4x4096xf32>, vector<4x1xi32>, vector<4x128xi32>, vector<4x128xf32>, vector<4x128xf32>, vector<4x128xf32>
    }
    %scan3A_182 = arith.constant 128 : i32
    %swap3A_183 = arith.constant 0 : index
    %swap3A_184 = arith.constant 768 : index
    %swap3A_185 = vector.load %arg3[%swap3A_183, %swap3A_184] : memref<4x1024xi32, #tpu.memory_space<vmem>>, vector<4x128xi32>
    tpu.vector_store %arg3[%swap3A_183, %swap3A_184], %scan3A_181#2 {strides = array<i32>} : memref<4x1024xi32, #tpu.memory_space<vmem>>, vector<4x128xi32>,
    %swap3A_186 = arith.constant 0 : index
    %swap3A_187 = arith.constant 768 : index
    %swap3A_188 = vector.load %arg4[%swap3A_186, %swap3A_187] : memref<4x1024xf32, #tpu.memory_space<vmem>>, vector<4x128xf32>
    tpu.vector_store %arg4[%swap3A_186, %swap3A_187], %scan3A_181#3 {strides = array<i32>} : memref<4x1024xf32, #tpu.memory_space<vmem>>, vector<4x128xf32>,
    %swap3A_189 = arith.constant 0 : index
    %swap3A_190 = arith.constant 768 : index
    %swap3A_191 = vector.load %arg5[%swap3A_189, %swap3A_190] : memref<4x1024xf32, #tpu.memory_space<vmem>>, vector<4x128xf32>
    tpu.vector_store %arg5[%swap3A_189, %swap3A_190], %scan3A_181#4 {strides = array<i32>} : memref<4x1024xf32, #tpu.memory_space<vmem>>, vector<4x128xf32>,
    %swap3A_192 = arith.constant 0 : index
    %swap3A_193 = arith.constant 768 : index
    %swap3A_194 = vector.load %arg6[%swap3A_192, %swap3A_193] : memref<4x1024xf32, #tpu.memory_space<vmem>>, vector<4x128xf32>
    tpu.vector_store %arg6[%swap3A_192, %swap3A_193], %scan3A_181#5 {strides = array<i32>} : memref<4x1024xf32, #tpu.memory_space<vmem>>, vector<4x128xf32>,
    %broadcast_in_dim3A_195 = arith.constant 0 : i32
    %broadcast_in_dim3A_196 = vector.broadcast %broadcast_in_dim3A_195 : i32 to vector<4x128xi32>
    %broadcast_in_dim3A_197 = arith.constant 0.000000e+00 : f32
    %broadcast_in_dim3A_198 = vector.broadcast %broadcast_in_dim3A_197 : f32 to vector<4x128xf32>
    %broadcast_in_dim3A_199 = arith.constant 0.000000e+00 : f32
    %broadcast_in_dim3A_200 = vector.broadcast %broadcast_in_dim3A_199 : f32 to vector<4x128xf32>
    %broadcast_in_dim3A_201 = arith.constant 0.000000e+00 : f32
    %broadcast_in_dim3A_202 = vector.broadcast %broadcast_in_dim3A_201 : f32 to vector<4x128xf32>
    %scan3A_203 = arith.constant 0 : i32
    %scan3A_204 = arith.constant 128 : i32
    %scan3A_205 = arith.addi %scan3A_203, %scan3A_204 : i32
    %scan3A_206 = arith.constant 1 : i32
    %scan3A_207:6 = scf.for %scan3A_221 = %scan3A_203 to %scan3A_205 step %scan3A_206 iter_args(%scan3A_222 = %scan3A_181#0, %scan3A_223 = %scan3A_181#1, %scan3A_224 = %broadcast_in_dim3A_196, %scan3A_225 = %broadcast_in_dim3A_198, %scan3A_226 = %broadcast_in_dim3A_200, %scan3A_227 = %broadcast_in_dim3A_202) -> (vector<4x4096xf32>, vector<4x1xi32>, vector<4x128xi32>, vector<4x128xf32>, vector<4x128xf32>, vector<4x128xf32>)  : i32 {
      %eq3A = vector.broadcast %scan3A_223 : vector<4x1xi32> to vector<4x4096xi32>
      %eq3A_228 = arith.cmpi eq, %iota3A, %eq3A : vector<4x4096xi32>
      %jit3A = arith.constant 0.000000e+00 : f32
      %broadcast_in_dim3A_229 = vector.broadcast %jit3A : f32 to vector<4x4096xf32>
      %select_n3A = arith.select %eq3A_228, %get3A_1, %broadcast_in_dim3A_229 : vector<4x4096xi1>, vector<4x4096xf32>
      %reduce_sum3A = arith.constant dense<0.000000e+00> : vector<4xf32>
      %reduce_sum3A_230 = vector.multi_reduction <add>, %select_n3A, %reduce_sum3A [1] : vector<4x4096xf32> to vector<4xf32>
      %broadcast_in_dim3A_231 = vector.shape_cast %reduce_sum3A_230 : vector<4xf32> to vector<4x1xf32>
      %jit3A_232 = arith.constant 0.000000e+00 : f32
      %broadcast_in_dim3A_233 = vector.broadcast %jit3A_232 : f32 to vector<4x4096xf32>
      %select_n3A_234 = arith.select %eq3A_228, %get3A_4, %broadcast_in_dim3A_233 : vector<4x4096xi1>, vector<4x4096xf32>
      %reduce_sum3A_235 = arith.constant dense<0.000000e+00> : vector<4xf32>
      %reduce_sum3A_236 = vector.multi_reduction <add>, %select_n3A_234, %reduce_sum3A_235 [1] : vector<4x4096xf32> to vector<4xf32>
      %broadcast_in_dim3A_237 = vector.shape_cast %reduce_sum3A_236 : vector<4xf32> to vector<4x1xf32>
      %jit3A_238 = arith.constant 0.000000e+00 : f32
      %broadcast_in_dim3A_239 = vector.broadcast %jit3A_238 : f32 to vector<4x4096xf32>
      %select_n3A_240 = arith.select %eq3A_228, %get3A_7, %broadcast_in_dim3A_239 : vector<4x4096xi1>, vector<4x4096xf32>
      %reduce_sum3A_241 = arith.constant dense<0.000000e+00> : vector<4xf32>
      %reduce_sum3A_242 = vector.multi_reduction <add>, %select_n3A_240, %reduce_sum3A_241 [1] : vector<4x4096xf32> to vector<4xf32>
      %broadcast_in_dim3A_243 = vector.shape_cast %reduce_sum3A_242 : vector<4xf32> to vector<4x1xf32>
      %eq3A_244 = vector.broadcast %scan3A_221 : i32 to vector<4x128xi32>
      %eq3A_245 = arith.cmpi eq, %iota3A_11, %eq3A_244 : vector<4x128xi32>
      %add3A = arith.addi %scan3A_223, %mul3A_10 : vector<4x1xi32>
      %broadcast_in_dim3A_246 = vector.shape_cast %add3A : vector<4x1xi32> to vector<4x1xi32>
      %broadcast_in_dim3A_247 = vector.broadcast %broadcast_in_dim3A_246 : vector<4x1xi32> to vector<4x128xi32>
      %select_n3A_248 = arith.select %eq3A_245, %broadcast_in_dim3A_247, %scan3A_224 : vector<4x128xi1>, vector<4x128xi32>
      %broadcast_in_dim3A_249 = vector.shape_cast %broadcast_in_dim3A_231 : vector<4x1xf32> to vector<4x1xf32>
      %broadcast_in_dim3A_250 = vector.broadcast %broadcast_in_dim3A_249 : vector<4x1xf32> to vector<4x128xf32>
      %select_n3A_251 = arith.select %eq3A_245, %broadcast_in_dim3A_250, %scan3A_225 : vector<4x128xi1>, vector<4x128xf32>
      %broadcast_in_dim3A_252 = vector.shape_cast %broadcast_in_dim3A_237 : vector<4x1xf32> to vector<4x1xf32>
      %broadcast_in_dim3A_253 = vector.broadcast %broadcast_in_dim3A_252 : vector<4x1xf32> to vector<4x128xf32>
      %select_n3A_254 = arith.select %eq3A_245, %broadcast_in_dim3A_253, %scan3A_226 : vector<4x128xi1>, vector<4x128xf32>
      %broadcast_in_dim3A_255 = vector.shape_cast %broadcast_in_dim3A_243 : vector<4x1xf32> to vector<4x1xf32>
      %broadcast_in_dim3A_256 = vector.broadcast %broadcast_in_dim3A_255 : vector<4x1xf32> to vector<4x128xf32>
      %select_n3A_257 = arith.select %eq3A_245, %broadcast_in_dim3A_256, %scan3A_227 : vector<4x128xi1>, vector<4x128xf32>
      %sub3A = vector.broadcast %broadcast_in_dim3A_231 : vector<4x1xf32> to vector<4x4096xf32>
      %sub3A_258 = arith.subf %get3A_1, %sub3A : vector<4x4096xf32>
      %sub3A_259 = vector.broadcast %broadcast_in_dim3A_237 : vector<4x1xf32> to vector<4x4096xf32>
      %sub3A_260 = arith.subf %get3A_4, %sub3A_259 : vector<4x4096xf32>
      %sub3A_261 = vector.broadcast %broadcast_in_dim3A_243 : vector<4x1xf32> to vector<4x4096xf32>
      %sub3A_262 = arith.subf %get3A_7, %sub3A_261 : vector<4x4096xf32>
      %mul3A_263 = arith.mulf %sub3A_258, %sub3A_258 : vector<4x4096xf32>
      %mul3A_264 = arith.mulf %sub3A_260, %sub3A_260 : vector<4x4096xf32>
      %add3A_265 = arith.addf %mul3A_263, %mul3A_264 : vector<4x4096xf32>
      %mul3A_266 = arith.mulf %sub3A_262, %sub3A_262 : vector<4x4096xf32>
      %add3A_267 = arith.addf %add3A_265, %mul3A_266 : vector<4x4096xf32>
      %min3A = arith.minimumf %scan3A_222, %add3A_267 : vector<4x4096xf32>
      %reduce_max3A = arith.constant dense<0xFF800000> : vector<4xf32>
      %reduce_max3A_268 = vector.multi_reduction <maximumf>, %min3A, %reduce_max3A [1] : vector<4x4096xf32> to vector<4xf32>
      %broadcast_in_dim3A_269 = vector.shape_cast %reduce_max3A_268 : vector<4xf32> to vector<4x1xf32>
      %eq3A_270 = vector.broadcast %broadcast_in_dim3A_269 : vector<4x1xf32> to vector<4x4096xf32>
      %eq3A_271 = arith.cmpf oeq, %min3A, %eq3A_270 : vector<4x4096xf32>
      %jit3A_272 = arith.constant 4096 : i32
      %broadcast_in_dim3A_273 = vector.broadcast %jit3A_272 : i32 to vector<4x4096xi32>
      %select_n3A_274 = arith.select %eq3A_271, %iota3A, %broadcast_in_dim3A_273 : vector<4x4096xi1>, vector<4x4096xi32>
      %reduce_min3A = arith.constant dense<2147483647> : vector<4xi32>
      %reduce_min3A_275 = vector.multi_reduction <minsi>, %select_n3A_274, %reduce_min3A [1] : vector<4x4096xi32> to vector<4xi32>
      %broadcast_in_dim3A_276 = vector.shape_cast %reduce_min3A_275 : vector<4xi32> to vector<4x1xi32>
      scf.yield %min3A, %broadcast_in_dim3A_276, %select_n3A_248, %select_n3A_251, %select_n3A_254, %select_n3A_257 : vector<4x4096xf32>, vector<4x1xi32>, vector<4x128xi32>, vector<4x128xf32>, vector<4x128xf32>, vector<4x128xf32>
    }
    %scan3A_208 = arith.constant 128 : i32
    %swap3A_209 = arith.constant 0 : index
    %swap3A_210 = arith.constant 896 : index
    %swap3A_211 = vector.load %arg3[%swap3A_209, %swap3A_210] : memref<4x1024xi32, #tpu.memory_space<vmem>>, vector<4x128xi32>
    tpu.vector_store %arg3[%swap3A_209, %swap3A_210], %scan3A_207#2 {strides = array<i32>} : memref<4x1024xi32, #tpu.memory_space<vmem>>, vector<4x128xi32>,
    %swap3A_212 = arith.constant 0 : index
    %swap3A_213 = arith.constant 896 : index
    %swap3A_214 = vector.load %arg4[%swap3A_212, %swap3A_213] : memref<4x1024xf32, #tpu.memory_space<vmem>>, vector<4x128xf32>
    tpu.vector_store %arg4[%swap3A_212, %swap3A_213], %scan3A_207#3 {strides = array<i32>} : memref<4x1024xf32, #tpu.memory_space<vmem>>, vector<4x128xf32>,
    %swap3A_215 = arith.constant 0 : index
    %swap3A_216 = arith.constant 896 : index
    %swap3A_217 = vector.load %arg5[%swap3A_215, %swap3A_216] : memref<4x1024xf32, #tpu.memory_space<vmem>>, vector<4x128xf32>
    tpu.vector_store %arg5[%swap3A_215, %swap3A_216], %scan3A_207#4 {strides = array<i32>} : memref<4x1024xf32, #tpu.memory_space<vmem>>, vector<4x128xf32>,
    %swap3A_218 = arith.constant 0 : index
    %swap3A_219 = arith.constant 896 : index
    %swap3A_220 = vector.load %arg6[%swap3A_218, %swap3A_219] : memref<4x1024xf32, #tpu.memory_space<vmem>>, vector<4x128xf32>
    tpu.vector_store %arg6[%swap3A_218, %swap3A_219], %scan3A_207#5 {strides = array<i32>} : memref<4x1024xf32, #tpu.memory_space<vmem>>, vector<4x128xf32>,
    return
  }
}

module attributes {stable_mosaic.version = 14 : i64} {
  func.func @_bq_body(%arg0: i32, %arg1: i32, %arg2: memref<4096xf32, #tpu.memory_space<vmem>>, %arg3: memref<4096xf32, #tpu.memory_space<vmem>>, %arg4: memref<4096xf32, #tpu.memory_space<vmem>>, %arg5: memref<256xf32, #tpu.memory_space<vmem>>, %arg6: memref<256xf32, #tpu.memory_space<vmem>>, %arg7: memref<256xf32, #tpu.memory_space<vmem>>, %arg8: memref<1x256x32xi32, #tpu.memory_space<vmem>>) attributes {dimension_semantics = [#tpu.dimension_semantics<arbitrary>, #tpu.dimension_semantics<arbitrary>], iteration_bounds = array<i64: 4, 4>, scalar_prefetch = 0 : i64, scratch_operands = 0 : i64, tpu.core_type = #tpu.core_type<tc>, window_params = [{transform_indices = @transform_0, window_bounds = array<i64: 4096>}, {transform_indices = @transform_1, window_bounds = array<i64: 4096>}, {transform_indices = @transform_2, window_bounds = array<i64: 4096>}, {transform_indices = @transform_3, window_bounds = array<i64: 256>}, {transform_indices = @transform_4, window_bounds = array<i64: 256>}, {transform_indices = @transform_5, window_bounds = array<i64: 256>}, {transform_indices = @transform_6, window_bounds = array<i64: 1, 256, 32>}]} {
    %get3A = arith.constant 0 : index
    %get3A_0 = vector.load %arg2[%get3A] : memref<4096xf32, #tpu.memory_space<vmem>>, vector<4096xf32>
    %reshape3A = vector.shape_cast %get3A_0 : vector<4096xf32> to vector<1x4096xf32>
    %get3A_1 = arith.constant 0 : index
    %get3A_2 = vector.load %arg3[%get3A_1] : memref<4096xf32, #tpu.memory_space<vmem>>, vector<4096xf32>
    %reshape3A_3 = vector.shape_cast %get3A_2 : vector<4096xf32> to vector<1x4096xf32>
    %get3A_4 = arith.constant 0 : index
    %get3A_5 = vector.load %arg4[%get3A_4] : memref<4096xf32, #tpu.memory_space<vmem>>, vector<4096xf32>
    %reshape3A_6 = vector.shape_cast %get3A_5 : vector<4096xf32> to vector<1x4096xf32>
    %get3A_7 = arith.constant 0 : index
    %get3A_8 = vector.load %arg5[%get3A_7] : memref<256xf32, #tpu.memory_space<vmem>>, vector<256xf32>
    %reshape3A_9 = vector.shape_cast %get3A_8 : vector<256xf32> to vector<256x1xf32>
    %get3A_10 = arith.constant 0 : index
    %get3A_11 = vector.load %arg6[%get3A_10] : memref<256xf32, #tpu.memory_space<vmem>>, vector<256xf32>
    %reshape3A_12 = vector.shape_cast %get3A_11 : vector<256xf32> to vector<256x1xf32>
    %get3A_13 = arith.constant 0 : index
    %get3A_14 = vector.load %arg7[%get3A_13] : memref<256xf32, #tpu.memory_space<vmem>>, vector<256xf32>
    %reshape3A_15 = vector.shape_cast %get3A_14 : vector<256xf32> to vector<256x1xf32>
    %mul3A = arith.mulf %reshape3A, %reshape3A : vector<1x4096xf32>
    %mul3A_16 = arith.mulf %reshape3A_3, %reshape3A_3 : vector<1x4096xf32>
    %add3A = arith.addf %mul3A, %mul3A_16 : vector<1x4096xf32>
    %mul3A_17 = arith.mulf %reshape3A_6, %reshape3A_6 : vector<1x4096xf32>
    %add3A_18 = arith.addf %add3A, %mul3A_17 : vector<1x4096xf32>
    %mul3A_19 = arith.mulf %reshape3A_9, %reshape3A_9 : vector<256x1xf32>
    %mul3A_20 = arith.mulf %reshape3A_12, %reshape3A_12 : vector<256x1xf32>
    %add3A_21 = arith.addf %mul3A_19, %mul3A_20 : vector<256x1xf32>
    %mul3A_22 = arith.mulf %reshape3A_15, %reshape3A_15 : vector<256x1xf32>
    %add3A_23 = arith.addf %add3A_21, %mul3A_22 : vector<256x1xf32>
    %convert_element_type3A = arith.truncf %reshape3A : vector<1x4096xf32> to vector<1x4096xbf16>
    %convert_element_type3A_24 = arith.extf %convert_element_type3A : vector<1x4096xbf16> to vector<1x4096xf32>
    %convert_element_type3A_25 = arith.truncf %reshape3A_3 : vector<1x4096xf32> to vector<1x4096xbf16>
    %convert_element_type3A_26 = arith.extf %convert_element_type3A_25 : vector<1x4096xbf16> to vector<1x4096xf32>
    %convert_element_type3A_27 = arith.truncf %reshape3A_6 : vector<1x4096xf32> to vector<1x4096xbf16>
    %convert_element_type3A_28 = arith.extf %convert_element_type3A_27 : vector<1x4096xbf16> to vector<1x4096xf32>
    %convert_element_type3A_29 = arith.truncf %reshape3A_9 : vector<256x1xf32> to vector<256x1xbf16>
    %convert_element_type3A_30 = arith.extf %convert_element_type3A_29 : vector<256x1xbf16> to vector<256x1xf32>
    %convert_element_type3A_31 = arith.truncf %reshape3A_12 : vector<256x1xf32> to vector<256x1xbf16>
    %convert_element_type3A_32 = arith.extf %convert_element_type3A_31 : vector<256x1xbf16> to vector<256x1xf32>
    %convert_element_type3A_33 = arith.truncf %reshape3A_15 : vector<256x1xf32> to vector<256x1xbf16>
    %convert_element_type3A_34 = arith.extf %convert_element_type3A_33 : vector<256x1xbf16> to vector<256x1xf32>
    %mul3A_35 = vector.broadcast %convert_element_type3A_30 : vector<256x1xf32> to vector<256x4096xf32>
    %mul3A_36 = vector.broadcast %convert_element_type3A_24 : vector<1x4096xf32> to vector<256x4096xf32>
    %mul3A_37 = arith.mulf %mul3A_35, %mul3A_36 : vector<256x4096xf32>
    %mul3A_38 = vector.broadcast %convert_element_type3A_32 : vector<256x1xf32> to vector<256x4096xf32>
    %mul3A_39 = vector.broadcast %convert_element_type3A_26 : vector<1x4096xf32> to vector<256x4096xf32>
    %mul3A_40 = arith.mulf %mul3A_38, %mul3A_39 : vector<256x4096xf32>
    %add3A_41 = arith.addf %mul3A_37, %mul3A_40 : vector<256x4096xf32>
    %mul3A_42 = vector.broadcast %convert_element_type3A_34 : vector<256x1xf32> to vector<256x4096xf32>
    %mul3A_43 = vector.broadcast %convert_element_type3A_28 : vector<1x4096xf32> to vector<256x4096xf32>
    %mul3A_44 = arith.mulf %mul3A_42, %mul3A_43 : vector<256x4096xf32>
    %add3A_45 = arith.addf %add3A_41, %mul3A_44 : vector<256x4096xf32>
    %add3A_46 = vector.broadcast %add3A_23 : vector<256x1xf32> to vector<256x4096xf32>
    %add3A_47 = vector.broadcast %add3A_18 : vector<1x4096xf32> to vector<256x4096xf32>
    %add3A_48 = arith.addf %add3A_46, %add3A_47 : vector<256x4096xf32>
    %mul3A_49 = arith.constant 2.000000e+00 : f32
    %mul3A_50 = vector.broadcast %mul3A_49 : f32 to vector<256x4096xf32>
    %mul3A_51 = arith.mulf %mul3A_50, %add3A_45 : vector<256x4096xf32>
    %sub3A = arith.subf %add3A_48, %mul3A_51 : vector<256x4096xf32>
    %max3A = arith.constant 0.000000e+00 : f32
    %max3A_52 = vector.broadcast %max3A : f32 to vector<256x4096xf32>
    %max3A_53 = arith.maximumf %sub3A, %max3A_52 : vector<256x4096xf32>
    %iota3A = tpu.iota {dimensions = array<i32: 1>} : vector<256x4096xi32>
    %convert_element_type3A_54 = arith.sitofp %iota3A : vector<256x4096xi32> to vector<256x4096xf32>
    %lt3A = arith.constant 0.00999999977 : f32
    %lt3A_55 = vector.broadcast %lt3A : f32 to vector<256x4096xf32>
    %lt3A_56 = arith.cmpf olt, %max3A_53, %lt3A_55 : vector<256x4096xf32>
    %jit3A = arith.constant 4.096000e+03 : f32
    %broadcast_in_dim3A = vector.broadcast %jit3A : f32 to vector<256x4096xf32>
    %select_n3A = arith.select %lt3A_56, %convert_element_type3A_54, %broadcast_in_dim3A : vector<256x4096xi1>, vector<256x4096xf32>
    %reduce_min3A = arith.constant dense<0x7F800000> : vector<256xf32>
    %reduce_min3A_57 = vector.multi_reduction <minimumf>, %select_n3A, %reduce_min3A [1] : vector<256x4096xf32> to vector<256xf32>
    %broadcast_in_dim3A_58 = vector.shape_cast %reduce_min3A_57 : vector<256xf32> to vector<256x1xf32>
    %eq3A = vector.broadcast %broadcast_in_dim3A_58 : vector<256x1xf32> to vector<256x4096xf32>
    %eq3A_59 = arith.cmpf oeq, %select_n3A, %eq3A : vector<256x4096xf32>
    %jit3A_60 = arith.constant 4.096000e+03 : f32
    %broadcast_in_dim3A_61 = vector.broadcast %jit3A_60 : f32 to vector<256x4096xf32>
    %select_n3A_62 = arith.select %eq3A_59, %broadcast_in_dim3A_61, %select_n3A : vector<256x4096xi1>, vector<256x4096xf32>
    %reduce_min3A_63 = arith.constant dense<0x7F800000> : vector<256xf32>
    %reduce_min3A_64 = vector.multi_reduction <minimumf>, %select_n3A_62, %reduce_min3A_63 [1] : vector<256x4096xf32> to vector<256xf32>
    %broadcast_in_dim3A_65 = vector.shape_cast %reduce_min3A_64 : vector<256xf32> to vector<256x1xf32>
    %eq3A_66 = vector.broadcast %broadcast_in_dim3A_65 : vector<256x1xf32> to vector<256x4096xf32>
    %eq3A_67 = arith.cmpf oeq, %select_n3A_62, %eq3A_66 : vector<256x4096xf32>
    %jit3A_68 = arith.constant 4.096000e+03 : f32
    %broadcast_in_dim3A_69 = vector.broadcast %jit3A_68 : f32 to vector<256x4096xf32>
    %select_n3A_70 = arith.select %eq3A_67, %broadcast_in_dim3A_69, %select_n3A_62 : vector<256x4096xi1>, vector<256x4096xf32>
    %reduce_min3A_71 = arith.constant dense<0x7F800000> : vector<256xf32>
    %reduce_min3A_72 = vector.multi_reduction <minimumf>, %select_n3A_70, %reduce_min3A_71 [1] : vector<256x4096xf32> to vector<256xf32>
    %broadcast_in_dim3A_73 = vector.shape_cast %reduce_min3A_72 : vector<256xf32> to vector<256x1xf32>
    %eq3A_74 = vector.broadcast %broadcast_in_dim3A_73 : vector<256x1xf32> to vector<256x4096xf32>
    %eq3A_75 = arith.cmpf oeq, %select_n3A_70, %eq3A_74 : vector<256x4096xf32>
    %jit3A_76 = arith.constant 4.096000e+03 : f32
    %broadcast_in_dim3A_77 = vector.broadcast %jit3A_76 : f32 to vector<256x4096xf32>
    %select_n3A_78 = arith.select %eq3A_75, %broadcast_in_dim3A_77, %select_n3A_70 : vector<256x4096xi1>, vector<256x4096xf32>
    %reduce_min3A_79 = arith.constant dense<0x7F800000> : vector<256xf32>
    %reduce_min3A_80 = vector.multi_reduction <minimumf>, %select_n3A_78, %reduce_min3A_79 [1] : vector<256x4096xf32> to vector<256xf32>
    %broadcast_in_dim3A_81 = vector.shape_cast %reduce_min3A_80 : vector<256xf32> to vector<256x1xf32>
    %eq3A_82 = vector.broadcast %broadcast_in_dim3A_81 : vector<256x1xf32> to vector<256x4096xf32>
    %eq3A_83 = arith.cmpf oeq, %select_n3A_78, %eq3A_82 : vector<256x4096xf32>
    %jit3A_84 = arith.constant 4.096000e+03 : f32
    %broadcast_in_dim3A_85 = vector.broadcast %jit3A_84 : f32 to vector<256x4096xf32>
    %select_n3A_86 = arith.select %eq3A_83, %broadcast_in_dim3A_85, %select_n3A_78 : vector<256x4096xi1>, vector<256x4096xf32>
    %reduce_min3A_87 = arith.constant dense<0x7F800000> : vector<256xf32>
    %reduce_min3A_88 = vector.multi_reduction <minimumf>, %select_n3A_86, %reduce_min3A_87 [1] : vector<256x4096xf32> to vector<256xf32>
    %broadcast_in_dim3A_89 = vector.shape_cast %reduce_min3A_88 : vector<256xf32> to vector<256x1xf32>
    %eq3A_90 = vector.broadcast %broadcast_in_dim3A_89 : vector<256x1xf32> to vector<256x4096xf32>
    %eq3A_91 = arith.cmpf oeq, %select_n3A_86, %eq3A_90 : vector<256x4096xf32>
    %jit3A_92 = arith.constant 4.096000e+03 : f32
    %broadcast_in_dim3A_93 = vector.broadcast %jit3A_92 : f32 to vector<256x4096xf32>
    %select_n3A_94 = arith.select %eq3A_91, %broadcast_in_dim3A_93, %select_n3A_86 : vector<256x4096xi1>, vector<256x4096xf32>
    %reduce_min3A_95 = arith.constant dense<0x7F800000> : vector<256xf32>
    %reduce_min3A_96 = vector.multi_reduction <minimumf>, %select_n3A_94, %reduce_min3A_95 [1] : vector<256x4096xf32> to vector<256xf32>
    %broadcast_in_dim3A_97 = vector.shape_cast %reduce_min3A_96 : vector<256xf32> to vector<256x1xf32>
    %eq3A_98 = vector.broadcast %broadcast_in_dim3A_97 : vector<256x1xf32> to vector<256x4096xf32>
    %eq3A_99 = arith.cmpf oeq, %select_n3A_94, %eq3A_98 : vector<256x4096xf32>
    %jit3A_100 = arith.constant 4.096000e+03 : f32
    %broadcast_in_dim3A_101 = vector.broadcast %jit3A_100 : f32 to vector<256x4096xf32>
    %select_n3A_102 = arith.select %eq3A_99, %broadcast_in_dim3A_101, %select_n3A_94 : vector<256x4096xi1>, vector<256x4096xf32>
    %reduce_min3A_103 = arith.constant dense<0x7F800000> : vector<256xf32>
    %reduce_min3A_104 = vector.multi_reduction <minimumf>, %select_n3A_102, %reduce_min3A_103 [1] : vector<256x4096xf32> to vector<256xf32>
    %broadcast_in_dim3A_105 = vector.shape_cast %reduce_min3A_104 : vector<256xf32> to vector<256x1xf32>
    %eq3A_106 = vector.broadcast %broadcast_in_dim3A_105 : vector<256x1xf32> to vector<256x4096xf32>
    %eq3A_107 = arith.cmpf oeq, %select_n3A_102, %eq3A_106 : vector<256x4096xf32>
    %jit3A_108 = arith.constant 4.096000e+03 : f32
    %broadcast_in_dim3A_109 = vector.broadcast %jit3A_108 : f32 to vector<256x4096xf32>
    %select_n3A_110 = arith.select %eq3A_107, %broadcast_in_dim3A_109, %select_n3A_102 : vector<256x4096xi1>, vector<256x4096xf32>
    %reduce_min3A_111 = arith.constant dense<0x7F800000> : vector<256xf32>
    %reduce_min3A_112 = vector.multi_reduction <minimumf>, %select_n3A_110, %reduce_min3A_111 [1] : vector<256x4096xf32> to vector<256xf32>
    %broadcast_in_dim3A_113 = vector.shape_cast %reduce_min3A_112 : vector<256xf32> to vector<256x1xf32>
    %eq3A_114 = vector.broadcast %broadcast_in_dim3A_113 : vector<256x1xf32> to vector<256x4096xf32>
    %eq3A_115 = arith.cmpf oeq, %select_n3A_110, %eq3A_114 : vector<256x4096xf32>
    %jit3A_116 = arith.constant 4.096000e+03 : f32
    %broadcast_in_dim3A_117 = vector.broadcast %jit3A_116 : f32 to vector<256x4096xf32>
    %select_n3A_118 = arith.select %eq3A_115, %broadcast_in_dim3A_117, %select_n3A_110 : vector<256x4096xi1>, vector<256x4096xf32>
    %reduce_min3A_119 = arith.constant dense<0x7F800000> : vector<256xf32>
    %reduce_min3A_120 = vector.multi_reduction <minimumf>, %select_n3A_118, %reduce_min3A_119 [1] : vector<256x4096xf32> to vector<256xf32>
    %broadcast_in_dim3A_121 = vector.shape_cast %reduce_min3A_120 : vector<256xf32> to vector<256x1xf32>
    %eq3A_122 = vector.broadcast %broadcast_in_dim3A_121 : vector<256x1xf32> to vector<256x4096xf32>
    %eq3A_123 = arith.cmpf oeq, %select_n3A_118, %eq3A_122 : vector<256x4096xf32>
    %jit3A_124 = arith.constant 4.096000e+03 : f32
    %broadcast_in_dim3A_125 = vector.broadcast %jit3A_124 : f32 to vector<256x4096xf32>
    %select_n3A_126 = arith.select %eq3A_123, %broadcast_in_dim3A_125, %select_n3A_118 : vector<256x4096xi1>, vector<256x4096xf32>
    %reduce_min3A_127 = arith.constant dense<0x7F800000> : vector<256xf32>
    %reduce_min3A_128 = vector.multi_reduction <minimumf>, %select_n3A_126, %reduce_min3A_127 [1] : vector<256x4096xf32> to vector<256xf32>
    %broadcast_in_dim3A_129 = vector.shape_cast %reduce_min3A_128 : vector<256xf32> to vector<256x1xf32>
    %eq3A_130 = vector.broadcast %broadcast_in_dim3A_129 : vector<256x1xf32> to vector<256x4096xf32>
    %eq3A_131 = arith.cmpf oeq, %select_n3A_126, %eq3A_130 : vector<256x4096xf32>
    %jit3A_132 = arith.constant 4.096000e+03 : f32
    %broadcast_in_dim3A_133 = vector.broadcast %jit3A_132 : f32 to vector<256x4096xf32>
    %select_n3A_134 = arith.select %eq3A_131, %broadcast_in_dim3A_133, %select_n3A_126 : vector<256x4096xi1>, vector<256x4096xf32>
    %reduce_min3A_135 = arith.constant dense<0x7F800000> : vector<256xf32>
    %reduce_min3A_136 = vector.multi_reduction <minimumf>, %select_n3A_134, %reduce_min3A_135 [1] : vector<256x4096xf32> to vector<256xf32>
    %broadcast_in_dim3A_137 = vector.shape_cast %reduce_min3A_136 : vector<256xf32> to vector<256x1xf32>
    %eq3A_138 = vector.broadcast %broadcast_in_dim3A_137 : vector<256x1xf32> to vector<256x4096xf32>
    %eq3A_139 = arith.cmpf oeq, %select_n3A_134, %eq3A_138 : vector<256x4096xf32>
    %jit3A_140 = arith.constant 4.096000e+03 : f32
    %broadcast_in_dim3A_141 = vector.broadcast %jit3A_140 : f32 to vector<256x4096xf32>
    %select_n3A_142 = arith.select %eq3A_139, %broadcast_in_dim3A_141, %select_n3A_134 : vector<256x4096xi1>, vector<256x4096xf32>
    %reduce_min3A_143 = arith.constant dense<0x7F800000> : vector<256xf32>
    %reduce_min3A_144 = vector.multi_reduction <minimumf>, %select_n3A_142, %reduce_min3A_143 [1] : vector<256x4096xf32> to vector<256xf32>
    %broadcast_in_dim3A_145 = vector.shape_cast %reduce_min3A_144 : vector<256xf32> to vector<256x1xf32>
    %eq3A_146 = vector.broadcast %broadcast_in_dim3A_145 : vector<256x1xf32> to vector<256x4096xf32>
    %eq3A_147 = arith.cmpf oeq, %select_n3A_142, %eq3A_146 : vector<256x4096xf32>
    %jit3A_148 = arith.constant 4.096000e+03 : f32
    %broadcast_in_dim3A_149 = vector.broadcast %jit3A_148 : f32 to vector<256x4096xf32>
    %select_n3A_150 = arith.select %eq3A_147, %broadcast_in_dim3A_149, %select_n3A_142 : vector<256x4096xi1>, vector<256x4096xf32>
    %reduce_min3A_151 = arith.constant dense<0x7F800000> : vector<256xf32>
    %reduce_min3A_152 = vector.multi_reduction <minimumf>, %select_n3A_150, %reduce_min3A_151 [1] : vector<256x4096xf32> to vector<256xf32>
    %broadcast_in_dim3A_153 = vector.shape_cast %reduce_min3A_152 : vector<256xf32> to vector<256x1xf32>
    %eq3A_154 = vector.broadcast %broadcast_in_dim3A_153 : vector<256x1xf32> to vector<256x4096xf32>
    %eq3A_155 = arith.cmpf oeq, %select_n3A_150, %eq3A_154 : vector<256x4096xf32>
    %jit3A_156 = arith.constant 4.096000e+03 : f32
    %broadcast_in_dim3A_157 = vector.broadcast %jit3A_156 : f32 to vector<256x4096xf32>
    %select_n3A_158 = arith.select %eq3A_155, %broadcast_in_dim3A_157, %select_n3A_150 : vector<256x4096xi1>, vector<256x4096xf32>
    %reduce_min3A_159 = arith.constant dense<0x7F800000> : vector<256xf32>
    %reduce_min3A_160 = vector.multi_reduction <minimumf>, %select_n3A_158, %reduce_min3A_159 [1] : vector<256x4096xf32> to vector<256xf32>
    %broadcast_in_dim3A_161 = vector.shape_cast %reduce_min3A_160 : vector<256xf32> to vector<256x1xf32>
    %eq3A_162 = vector.broadcast %broadcast_in_dim3A_161 : vector<256x1xf32> to vector<256x4096xf32>
    %eq3A_163 = arith.cmpf oeq, %select_n3A_158, %eq3A_162 : vector<256x4096xf32>
    %jit3A_164 = arith.constant 4.096000e+03 : f32
    %broadcast_in_dim3A_165 = vector.broadcast %jit3A_164 : f32 to vector<256x4096xf32>
    %select_n3A_166 = arith.select %eq3A_163, %broadcast_in_dim3A_165, %select_n3A_158 : vector<256x4096xi1>, vector<256x4096xf32>
    %reduce_min3A_167 = arith.constant dense<0x7F800000> : vector<256xf32>
    %reduce_min3A_168 = vector.multi_reduction <minimumf>, %select_n3A_166, %reduce_min3A_167 [1] : vector<256x4096xf32> to vector<256xf32>
    %broadcast_in_dim3A_169 = vector.shape_cast %reduce_min3A_168 : vector<256xf32> to vector<256x1xf32>
    %eq3A_170 = vector.broadcast %broadcast_in_dim3A_169 : vector<256x1xf32> to vector<256x4096xf32>
    %eq3A_171 = arith.cmpf oeq, %select_n3A_166, %eq3A_170 : vector<256x4096xf32>
    %jit3A_172 = arith.constant 4.096000e+03 : f32
    %broadcast_in_dim3A_173 = vector.broadcast %jit3A_172 : f32 to vector<256x4096xf32>
    %select_n3A_174 = arith.select %eq3A_171, %broadcast_in_dim3A_173, %select_n3A_166 : vector<256x4096xi1>, vector<256x4096xf32>
    %reduce_min3A_175 = arith.constant dense<0x7F800000> : vector<256xf32>
    %reduce_min3A_176 = vector.multi_reduction <minimumf>, %select_n3A_174, %reduce_min3A_175 [1] : vector<256x4096xf32> to vector<256xf32>
    %broadcast_in_dim3A_177 = vector.shape_cast %reduce_min3A_176 : vector<256xf32> to vector<256x1xf32>
    %eq3A_178 = vector.broadcast %broadcast_in_dim3A_177 : vector<256x1xf32> to vector<256x4096xf32>
    %eq3A_179 = arith.cmpf oeq, %select_n3A_174, %eq3A_178 : vector<256x4096xf32>
    %jit3A_180 = arith.constant 4.096000e+03 : f32
    %broadcast_in_dim3A_181 = vector.broadcast %jit3A_180 : f32 to vector<256x4096xf32>
    %select_n3A_182 = arith.select %eq3A_179, %broadcast_in_dim3A_181, %select_n3A_174 : vector<256x4096xi1>, vector<256x4096xf32>
    %reduce_min3A_183 = arith.constant dense<0x7F800000> : vector<256xf32>
    %reduce_min3A_184 = vector.multi_reduction <minimumf>, %select_n3A_182, %reduce_min3A_183 [1] : vector<256x4096xf32> to vector<256xf32>
    %broadcast_in_dim3A_185 = vector.shape_cast %reduce_min3A_184 : vector<256xf32> to vector<256x1xf32>
    %eq3A_186 = vector.broadcast %broadcast_in_dim3A_185 : vector<256x1xf32> to vector<256x4096xf32>
    %eq3A_187 = arith.cmpf oeq, %select_n3A_182, %eq3A_186 : vector<256x4096xf32>
    %jit3A_188 = arith.constant 4.096000e+03 : f32
    %broadcast_in_dim3A_189 = vector.broadcast %jit3A_188 : f32 to vector<256x4096xf32>
    %select_n3A_190 = arith.select %eq3A_187, %broadcast_in_dim3A_189, %select_n3A_182 : vector<256x4096xi1>, vector<256x4096xf32>
    %reduce_min3A_191 = arith.constant dense<0x7F800000> : vector<256xf32>
    %reduce_min3A_192 = vector.multi_reduction <minimumf>, %select_n3A_190, %reduce_min3A_191 [1] : vector<256x4096xf32> to vector<256xf32>
    %broadcast_in_dim3A_193 = vector.shape_cast %reduce_min3A_192 : vector<256xf32> to vector<256x1xf32>
    %eq3A_194 = vector.broadcast %broadcast_in_dim3A_193 : vector<256x1xf32> to vector<256x4096xf32>
    %eq3A_195 = arith.cmpf oeq, %select_n3A_190, %eq3A_194 : vector<256x4096xf32>
    %jit3A_196 = arith.constant 4.096000e+03 : f32
    %broadcast_in_dim3A_197 = vector.broadcast %jit3A_196 : f32 to vector<256x4096xf32>
    %select_n3A_198 = arith.select %eq3A_195, %broadcast_in_dim3A_197, %select_n3A_190 : vector<256x4096xi1>, vector<256x4096xf32>
    %reduce_min3A_199 = arith.constant dense<0x7F800000> : vector<256xf32>
    %reduce_min3A_200 = vector.multi_reduction <minimumf>, %select_n3A_198, %reduce_min3A_199 [1] : vector<256x4096xf32> to vector<256xf32>
    %broadcast_in_dim3A_201 = vector.shape_cast %reduce_min3A_200 : vector<256xf32> to vector<256x1xf32>
    %eq3A_202 = vector.broadcast %broadcast_in_dim3A_201 : vector<256x1xf32> to vector<256x4096xf32>
    %eq3A_203 = arith.cmpf oeq, %select_n3A_198, %eq3A_202 : vector<256x4096xf32>
    %jit3A_204 = arith.constant 4.096000e+03 : f32
    %broadcast_in_dim3A_205 = vector.broadcast %jit3A_204 : f32 to vector<256x4096xf32>
    %select_n3A_206 = arith.select %eq3A_203, %broadcast_in_dim3A_205, %select_n3A_198 : vector<256x4096xi1>, vector<256x4096xf32>
    %reduce_min3A_207 = arith.constant dense<0x7F800000> : vector<256xf32>
    %reduce_min3A_208 = vector.multi_reduction <minimumf>, %select_n3A_206, %reduce_min3A_207 [1] : vector<256x4096xf32> to vector<256xf32>
    %broadcast_in_dim3A_209 = vector.shape_cast %reduce_min3A_208 : vector<256xf32> to vector<256x1xf32>
    %eq3A_210 = vector.broadcast %broadcast_in_dim3A_209 : vector<256x1xf32> to vector<256x4096xf32>
    %eq3A_211 = arith.cmpf oeq, %select_n3A_206, %eq3A_210 : vector<256x4096xf32>
    %jit3A_212 = arith.constant 4.096000e+03 : f32
    %broadcast_in_dim3A_213 = vector.broadcast %jit3A_212 : f32 to vector<256x4096xf32>
    %select_n3A_214 = arith.select %eq3A_211, %broadcast_in_dim3A_213, %select_n3A_206 : vector<256x4096xi1>, vector<256x4096xf32>
    %reduce_min3A_215 = arith.constant dense<0x7F800000> : vector<256xf32>
    %reduce_min3A_216 = vector.multi_reduction <minimumf>, %select_n3A_214, %reduce_min3A_215 [1] : vector<256x4096xf32> to vector<256xf32>
    %broadcast_in_dim3A_217 = vector.shape_cast %reduce_min3A_216 : vector<256xf32> to vector<256x1xf32>
    %eq3A_218 = vector.broadcast %broadcast_in_dim3A_217 : vector<256x1xf32> to vector<256x4096xf32>
    %eq3A_219 = arith.cmpf oeq, %select_n3A_214, %eq3A_218 : vector<256x4096xf32>
    %jit3A_220 = arith.constant 4.096000e+03 : f32
    %broadcast_in_dim3A_221 = vector.broadcast %jit3A_220 : f32 to vector<256x4096xf32>
    %select_n3A_222 = arith.select %eq3A_219, %broadcast_in_dim3A_221, %select_n3A_214 : vector<256x4096xi1>, vector<256x4096xf32>
    %reduce_min3A_223 = arith.constant dense<0x7F800000> : vector<256xf32>
    %reduce_min3A_224 = vector.multi_reduction <minimumf>, %select_n3A_222, %reduce_min3A_223 [1] : vector<256x4096xf32> to vector<256xf32>
    %broadcast_in_dim3A_225 = vector.shape_cast %reduce_min3A_224 : vector<256xf32> to vector<256x1xf32>
    %eq3A_226 = vector.broadcast %broadcast_in_dim3A_225 : vector<256x1xf32> to vector<256x4096xf32>
    %eq3A_227 = arith.cmpf oeq, %select_n3A_222, %eq3A_226 : vector<256x4096xf32>
    %jit3A_228 = arith.constant 4.096000e+03 : f32
    %broadcast_in_dim3A_229 = vector.broadcast %jit3A_228 : f32 to vector<256x4096xf32>
    %select_n3A_230 = arith.select %eq3A_227, %broadcast_in_dim3A_229, %select_n3A_222 : vector<256x4096xi1>, vector<256x4096xf32>
    %reduce_min3A_231 = arith.constant dense<0x7F800000> : vector<256xf32>
    %reduce_min3A_232 = vector.multi_reduction <minimumf>, %select_n3A_230, %reduce_min3A_231 [1] : vector<256x4096xf32> to vector<256xf32>
    %broadcast_in_dim3A_233 = vector.shape_cast %reduce_min3A_232 : vector<256xf32> to vector<256x1xf32>
    %eq3A_234 = vector.broadcast %broadcast_in_dim3A_233 : vector<256x1xf32> to vector<256x4096xf32>
    %eq3A_235 = arith.cmpf oeq, %select_n3A_230, %eq3A_234 : vector<256x4096xf32>
    %jit3A_236 = arith.constant 4.096000e+03 : f32
    %broadcast_in_dim3A_237 = vector.broadcast %jit3A_236 : f32 to vector<256x4096xf32>
    %select_n3A_238 = arith.select %eq3A_235, %broadcast_in_dim3A_237, %select_n3A_230 : vector<256x4096xi1>, vector<256x4096xf32>
    %reduce_min3A_239 = arith.constant dense<0x7F800000> : vector<256xf32>
    %reduce_min3A_240 = vector.multi_reduction <minimumf>, %select_n3A_238, %reduce_min3A_239 [1] : vector<256x4096xf32> to vector<256xf32>
    %broadcast_in_dim3A_241 = vector.shape_cast %reduce_min3A_240 : vector<256xf32> to vector<256x1xf32>
    %eq3A_242 = vector.broadcast %broadcast_in_dim3A_241 : vector<256x1xf32> to vector<256x4096xf32>
    %eq3A_243 = arith.cmpf oeq, %select_n3A_238, %eq3A_242 : vector<256x4096xf32>
    %jit3A_244 = arith.constant 4.096000e+03 : f32
    %broadcast_in_dim3A_245 = vector.broadcast %jit3A_244 : f32 to vector<256x4096xf32>
    %select_n3A_246 = arith.select %eq3A_243, %broadcast_in_dim3A_245, %select_n3A_238 : vector<256x4096xi1>, vector<256x4096xf32>
    %reduce_min3A_247 = arith.constant dense<0x7F800000> : vector<256xf32>
    %reduce_min3A_248 = vector.multi_reduction <minimumf>, %select_n3A_246, %reduce_min3A_247 [1] : vector<256x4096xf32> to vector<256xf32>
    %broadcast_in_dim3A_249 = vector.shape_cast %reduce_min3A_248 : vector<256xf32> to vector<256x1xf32>
    %eq3A_250 = vector.broadcast %broadcast_in_dim3A_249 : vector<256x1xf32> to vector<256x4096xf32>
    %eq3A_251 = arith.cmpf oeq, %select_n3A_246, %eq3A_250 : vector<256x4096xf32>
    %jit3A_252 = arith.constant 4.096000e+03 : f32
    %broadcast_in_dim3A_253 = vector.broadcast %jit3A_252 : f32 to vector<256x4096xf32>
    %select_n3A_254 = arith.select %eq3A_251, %broadcast_in_dim3A_253, %select_n3A_246 : vector<256x4096xi1>, vector<256x4096xf32>
    %reduce_min3A_255 = arith.constant dense<0x7F800000> : vector<256xf32>
    %reduce_min3A_256 = vector.multi_reduction <minimumf>, %select_n3A_254, %reduce_min3A_255 [1] : vector<256x4096xf32> to vector<256xf32>
    %broadcast_in_dim3A_257 = vector.shape_cast %reduce_min3A_256 : vector<256xf32> to vector<256x1xf32>
    %eq3A_258 = vector.broadcast %broadcast_in_dim3A_257 : vector<256x1xf32> to vector<256x4096xf32>
    %eq3A_259 = arith.cmpf oeq, %select_n3A_254, %eq3A_258 : vector<256x4096xf32>
    %jit3A_260 = arith.constant 4.096000e+03 : f32
    %broadcast_in_dim3A_261 = vector.broadcast %jit3A_260 : f32 to vector<256x4096xf32>
    %select_n3A_262 = arith.select %eq3A_259, %broadcast_in_dim3A_261, %select_n3A_254 : vector<256x4096xi1>, vector<256x4096xf32>
    %reduce_min3A_263 = arith.constant dense<0x7F800000> : vector<256xf32>
    %reduce_min3A_264 = vector.multi_reduction <minimumf>, %select_n3A_262, %reduce_min3A_263 [1] : vector<256x4096xf32> to vector<256xf32>
    %broadcast_in_dim3A_265 = vector.shape_cast %reduce_min3A_264 : vector<256xf32> to vector<256x1xf32>
    %eq3A_266 = vector.broadcast %broadcast_in_dim3A_265 : vector<256x1xf32> to vector<256x4096xf32>
    %eq3A_267 = arith.cmpf oeq, %select_n3A_262, %eq3A_266 : vector<256x4096xf32>
    %jit3A_268 = arith.constant 4.096000e+03 : f32
    %broadcast_in_dim3A_269 = vector.broadcast %jit3A_268 : f32 to vector<256x4096xf32>
    %select_n3A_270 = arith.select %eq3A_267, %broadcast_in_dim3A_269, %select_n3A_262 : vector<256x4096xi1>, vector<256x4096xf32>
    %reduce_min3A_271 = arith.constant dense<0x7F800000> : vector<256xf32>
    %reduce_min3A_272 = vector.multi_reduction <minimumf>, %select_n3A_270, %reduce_min3A_271 [1] : vector<256x4096xf32> to vector<256xf32>
    %broadcast_in_dim3A_273 = vector.shape_cast %reduce_min3A_272 : vector<256xf32> to vector<256x1xf32>
    %eq3A_274 = vector.broadcast %broadcast_in_dim3A_273 : vector<256x1xf32> to vector<256x4096xf32>
    %eq3A_275 = arith.cmpf oeq, %select_n3A_270, %eq3A_274 : vector<256x4096xf32>
    %jit3A_276 = arith.constant 4.096000e+03 : f32
    %broadcast_in_dim3A_277 = vector.broadcast %jit3A_276 : f32 to vector<256x4096xf32>
    %select_n3A_278 = arith.select %eq3A_275, %broadcast_in_dim3A_277, %select_n3A_270 : vector<256x4096xi1>, vector<256x4096xf32>
    %reduce_min3A_279 = arith.constant dense<0x7F800000> : vector<256xf32>
    %reduce_min3A_280 = vector.multi_reduction <minimumf>, %select_n3A_278, %reduce_min3A_279 [1] : vector<256x4096xf32> to vector<256xf32>
    %broadcast_in_dim3A_281 = vector.shape_cast %reduce_min3A_280 : vector<256xf32> to vector<256x1xf32>
    %eq3A_282 = vector.broadcast %broadcast_in_dim3A_281 : vector<256x1xf32> to vector<256x4096xf32>
    %eq3A_283 = arith.cmpf oeq, %select_n3A_278, %eq3A_282 : vector<256x4096xf32>
    %jit3A_284 = arith.constant 4.096000e+03 : f32
    %broadcast_in_dim3A_285 = vector.broadcast %jit3A_284 : f32 to vector<256x4096xf32>
    %select_n3A_286 = arith.select %eq3A_283, %broadcast_in_dim3A_285, %select_n3A_278 : vector<256x4096xi1>, vector<256x4096xf32>
    %reduce_min3A_287 = arith.constant dense<0x7F800000> : vector<256xf32>
    %reduce_min3A_288 = vector.multi_reduction <minimumf>, %select_n3A_286, %reduce_min3A_287 [1] : vector<256x4096xf32> to vector<256xf32>
    %broadcast_in_dim3A_289 = vector.shape_cast %reduce_min3A_288 : vector<256xf32> to vector<256x1xf32>
    %eq3A_290 = vector.broadcast %broadcast_in_dim3A_289 : vector<256x1xf32> to vector<256x4096xf32>
    %eq3A_291 = arith.cmpf oeq, %select_n3A_286, %eq3A_290 : vector<256x4096xf32>
    %jit3A_292 = arith.constant 4.096000e+03 : f32
    %broadcast_in_dim3A_293 = vector.broadcast %jit3A_292 : f32 to vector<256x4096xf32>
    %select_n3A_294 = arith.select %eq3A_291, %broadcast_in_dim3A_293, %select_n3A_286 : vector<256x4096xi1>, vector<256x4096xf32>
    %reduce_min3A_295 = arith.constant dense<0x7F800000> : vector<256xf32>
    %reduce_min3A_296 = vector.multi_reduction <minimumf>, %select_n3A_294, %reduce_min3A_295 [1] : vector<256x4096xf32> to vector<256xf32>
    %broadcast_in_dim3A_297 = vector.shape_cast %reduce_min3A_296 : vector<256xf32> to vector<256x1xf32>
    %eq3A_298 = vector.broadcast %broadcast_in_dim3A_297 : vector<256x1xf32> to vector<256x4096xf32>
    %eq3A_299 = arith.cmpf oeq, %select_n3A_294, %eq3A_298 : vector<256x4096xf32>
    %jit3A_300 = arith.constant 4.096000e+03 : f32
    %broadcast_in_dim3A_301 = vector.broadcast %jit3A_300 : f32 to vector<256x4096xf32>
    %select_n3A_302 = arith.select %eq3A_299, %broadcast_in_dim3A_301, %select_n3A_294 : vector<256x4096xi1>, vector<256x4096xf32>
    %reduce_min3A_303 = arith.constant dense<0x7F800000> : vector<256xf32>
    %reduce_min3A_304 = vector.multi_reduction <minimumf>, %select_n3A_302, %reduce_min3A_303 [1] : vector<256x4096xf32> to vector<256xf32>
    %broadcast_in_dim3A_305 = vector.shape_cast %reduce_min3A_304 : vector<256xf32> to vector<256x1xf32>
    %concatenate3A = tpu.concatenate %broadcast_in_dim3A_58, %broadcast_in_dim3A_65, %broadcast_in_dim3A_73, %broadcast_in_dim3A_81, %broadcast_in_dim3A_89, %broadcast_in_dim3A_97, %broadcast_in_dim3A_105, %broadcast_in_dim3A_113, %broadcast_in_dim3A_121, %broadcast_in_dim3A_129, %broadcast_in_dim3A_137, %broadcast_in_dim3A_145, %broadcast_in_dim3A_153, %broadcast_in_dim3A_161, %broadcast_in_dim3A_169, %broadcast_in_dim3A_177, %broadcast_in_dim3A_185, %broadcast_in_dim3A_193, %broadcast_in_dim3A_201, %broadcast_in_dim3A_209, %broadcast_in_dim3A_217, %broadcast_in_dim3A_225, %broadcast_in_dim3A_233, %broadcast_in_dim3A_241, %broadcast_in_dim3A_249, %broadcast_in_dim3A_257, %broadcast_in_dim3A_265, %broadcast_in_dim3A_273, %broadcast_in_dim3A_281, %broadcast_in_dim3A_289, %broadcast_in_dim3A_297, %broadcast_in_dim3A_305 in 1 : vector<256x1xf32>, vector<256x1xf32>, vector<256x1xf32>, vector<256x1xf32>, vector<256x1xf32>, vector<256x1xf32>, vector<256x1xf32>, vector<256x1xf32>, vector<256x1xf32>, vector<256x1xf32>, vector<256x1xf32>, vector<256x1xf32>, vector<256x1xf32>, vector<256x1xf32>, vector<256x1xf32>, vector<256x1xf32>, vector<256x1xf32>, vector<256x1xf32>, vector<256x1xf32>, vector<256x1xf32>, vector<256x1xf32>, vector<256x1xf32>, vector<256x1xf32>, vector<256x1xf32>, vector<256x1xf32>, vector<256x1xf32>, vector<256x1xf32>, vector<256x1xf32>, vector<256x1xf32>, vector<256x1xf32>, vector<256x1xf32>, vector<256x1xf32> -> vector<256x32xf32>
    %slice3A = vector.extract_strided_slice %concatenate3A {offsets = [0, 0], sizes = [256, 1], strides = [1, 1]} : vector<256x32xf32> to vector<256x1xf32>
    %lt3A_306 = arith.constant 4.095500e+03 : f32
    %lt3A_307 = vector.broadcast %lt3A_306 : f32 to vector<256x32xf32>
    %lt3A_308 = arith.cmpf olt, %concatenate3A, %lt3A_307 : vector<256x32xf32>
    %broadcast_in_dim3A_309 = vector.shape_cast %slice3A : vector<256x1xf32> to vector<256x1xf32>
    %broadcast_in_dim3A_310 = vector.broadcast %broadcast_in_dim3A_309 : vector<256x1xf32> to vector<256x32xf32>
    %select_n3A_311 = arith.select %lt3A_308, %concatenate3A, %broadcast_in_dim3A_310 : vector<256x32xi1>, vector<256x32xf32>
    %convert_element_type3A_312 = arith.fptosi %select_n3A_311 : vector<256x32xf32> to vector<256x32xi32>
    %mul3A_313 = arith.constant 4096 : i32
    %mul3A_314 = arith.muli %arg0, %mul3A_313 : i32
    %add3A_315 = vector.broadcast %mul3A_314 : i32 to vector<256x32xi32>
    %add3A_316 = arith.addi %convert_element_type3A_312, %add3A_315 : vector<256x32xi32>
    %reshape3A_317 = vector.shape_cast %add3A_316 : vector<256x32xi32> to vector<1x256x32xi32>
    %swap3A = arith.constant 0 : index
    %swap3A_318 = arith.constant 0 : index
    %swap3A_319 = arith.constant 0 : index
    %swap3A_320 = vector.load %arg8[%swap3A, %swap3A_318, %swap3A_319] : memref<1x256x32xi32, #tpu.memory_space<vmem>>, vector<1x256x32xi32>
    tpu.vector_store %arg8[%swap3A, %swap3A_318, %swap3A_319], %reshape3A_317 {strides = array<i32>} : memref<1x256x32xi32, #tpu.memory_space<vmem>>, vector<1x256x32xi32>,
    return
  }
  func.func @transform_0(%arg0: i32, %arg1: i32) -> i32 {
    %c0_i32 = arith.constant 0 : i32
    return %arg0 : i32
  }
  func.func @transform_1(%arg0: i32, %arg1: i32) -> i32 {
    %c0_i32 = arith.constant 0 : i32
    return %arg0 : i32
  }
  func.func @transform_2(%arg0: i32, %arg1: i32) -> i32 {
    %c0_i32 = arith.constant 0 : i32
    return %arg0 : i32
  }
  func.func @transform_3(%arg0: i32, %arg1: i32) -> i32 {
    %mul3A = arith.constant 4 : i32
    %mul3A_0 = arith.muli %arg0, %mul3A : i32
    %add3A = arith.addi %mul3A_0, %arg1 : i32
    %c0_i32 = arith.constant 0 : i32
    return %add3A : i32
  }
  func.func @transform_4(%arg0: i32, %arg1: i32) -> i32 {
    %mul3A = arith.constant 4 : i32
    %mul3A_0 = arith.muli %arg0, %mul3A : i32
    %add3A = arith.addi %mul3A_0, %arg1 : i32
    %c0_i32 = arith.constant 0 : i32
    return %add3A : i32
  }
  func.func @transform_5(%arg0: i32, %arg1: i32) -> i32 {
    %mul3A = arith.constant 4 : i32
    %mul3A_0 = arith.muli %arg0, %mul3A : i32
    %add3A = arith.addi %mul3A_0, %arg1 : i32
    %c0_i32 = arith.constant 0 : i32
    return %add3A : i32
  }
  func.func @transform_6(%arg0: i32, %arg1: i32) -> (i32, i32, i32) {
    %c0_i32 = arith.constant 0 : i32
    %c0_i32_0 = arith.constant 0 : i32
    return %arg0, %arg1, %c0_i32 : i32, i32, i32
  }
}

module attributes {stable_mosaic.version = 14 : i64} {
  func.func @_pw_body(%arg0: i32, %arg1: memref<2048x16xf32, #tpu.memory_space<vmem>>, %arg2: memref<16x128xf32, #tpu.memory_space<vmem>>, %arg3: memref<2048x128xf32, #tpu.memory_space<vmem>>) attributes {dimension_semantics = [#tpu.dimension_semantics<arbitrary>], iteration_bounds = array<i64: 8>, scalar_prefetch = 0 : i64, scratch_operands = 0 : i64, tpu.core_type = #tpu.core_type<tc>, window_params = [{transform_indices = @transform_0, window_bounds = array<i64: 2048, 16>}, {pipeline_mode = #tpu.pipeline_mode<synchronous>, transform_indices = @transform_1, window_bounds = array<i64: 16, 128>}, {transform_indices = @transform_2, window_bounds = array<i64: 2048, 128>}]} {
    %get3A = arith.constant 0 : index
    %get3A_0 = arith.constant 0 : index
    %get3A_1 = vector.load %arg1[%get3A, %get3A_0] : memref<2048x16xf32, #tpu.memory_space<vmem>>, vector<2048x16xf32>
    %get3A_2 = arith.constant 0 : index
    %get3A_3 = arith.constant 0 : index
    %get3A_4 = vector.load %arg2[%get3A_2, %get3A_3] : memref<16x128xf32, #tpu.memory_space<vmem>>, vector<16x128xf32>
    %dot_general3A = arith.constant dense<0.000000e+00> : vector<2048x128xf32>
    %dot_general3A_5 = tpu.matmul %get3A_1, %get3A_4, %dot_general3A {dimension_numbers = #tpu.dot_dimension_numbers<[1], [0], [0], [1], [0, 0, 1, 1], [], []>, transpose_lhs_hint = false} : vector<2048x16xf32>, vector<16x128xf32>, vector<2048x128xf32> -> vector<2048x128xf32>
    %swap3A = arith.constant 0 : index
    %swap3A_6 = arith.constant 0 : index
    %swap3A_7 = vector.load %arg3[%swap3A, %swap3A_6] : memref<2048x128xf32, #tpu.memory_space<vmem>>, vector<2048x128xf32>
    tpu.vector_store %arg3[%swap3A, %swap3A_6], %dot_general3A_5 {strides = array<i32>} : memref<2048x128xf32, #tpu.memory_space<vmem>>, vector<2048x128xf32>,
    return
  }
  func.func @transform_0(%arg0: i32) -> (i32, i32) {
    %c0_i32 = arith.constant 0 : i32
    %c0_i32_0 = arith.constant 0 : i32
    return %arg0, %c0_i32 : i32, i32
  }
  func.func @transform_1(%arg0: i32) -> (i32, i32) {
    %c0_i32 = arith.constant 0 : i32
    %c0_i32_0 = arith.constant 0 : i32
    %c0_i32_1 = arith.constant 0 : i32
    return %c0_i32, %c0_i32_0 : i32, i32
  }
  func.func @transform_2(%arg0: i32) -> (i32, i32) {
    %c0_i32 = arith.constant 0 : i32
    %c0_i32_0 = arith.constant 0 : i32
    return %arg0, %c0_i32 : i32, i32
  }
}

module attributes {stable_mosaic.version = 14 : i64} {
  func.func @_c1_body(%arg0: i32, %arg1: memref<128x32x128xf32, #tpu.memory_space<vmem>>, %arg2: memref<128x32x128xf32, #tpu.memory_space<vmem>>, %arg3: memref<128x16xf32, #tpu.memory_space<vmem>>, %arg4: memref<128x128xf32, #tpu.memory_space<vmem>>, %arg5: memref<16x128xf32, #tpu.memory_space<vmem>>, %arg6: memref<128x32x128xf32, #tpu.memory_space<vmem>>, %arg7: memref<8x128xf32, #tpu.memory_space<vmem>>, %arg8: memref<8x128xf32, #tpu.memory_space<vmem>>) attributes {dimension_semantics = [#tpu.dimension_semantics<arbitrary>], iteration_bounds = array<i64: 32>, scalar_prefetch = 0 : i64, scratch_operands = 1 : i64, tpu.core_type = #tpu.core_type<tc>, window_params = [{transform_indices = @transform_0, window_bounds = array<i64: 128, 32, 128>}, {transform_indices = @transform_1, window_bounds = array<i64: 128, 32, 128>}, {transform_indices = @transform_2, window_bounds = array<i64: 128, 16>}, {pipeline_mode = #tpu.pipeline_mode<synchronous>, transform_indices = @transform_3, window_bounds = array<i64: 128, 128>}, {pipeline_mode = #tpu.pipeline_mode<synchronous>, transform_indices = @transform_4, window_bounds = array<i64: 16, 128>}, {transform_indices = @transform_5, window_bounds = array<i64: 128, 32, 128>}, {pipeline_mode = #tpu.pipeline_mode<synchronous>, transform_indices = @transform_6, window_bounds = array<i64: 8, 128>}]} {
    %get3A = arith.constant 0 : index
    %get3A_0 = arith.constant 0 : index
    %get3A_1 = arith.constant 0 : index
    %get3A_2 = vector.load %arg1[%get3A, %get3A_0, %get3A_1] : memref<128x32x128xf32, #tpu.memory_space<vmem>>, vector<128x32x128xf32>
    %reshape3A = vector.shape_cast %get3A_2 : vector<128x32x128xf32> to vector<4096x128xf32>
    %get3A_3 = arith.constant 0 : index
    %get3A_4 = arith.constant 0 : index
    %get3A_5 = vector.load %arg4[%get3A_3, %get3A_4] : memref<128x128xf32, #tpu.memory_space<vmem>>, vector<128x128xf32>
    %dot_general3A = arith.constant dense<0.000000e+00> : vector<4096x128xf32>
    %dot_general3A_6 = tpu.matmul %reshape3A, %get3A_5, %dot_general3A {dimension_numbers = #tpu.dot_dimension_numbers<[1], [0], [0], [1], [0, 0, 1, 1], [], []>, transpose_lhs_hint = false} : vector<4096x128xf32>, vector<128x128xf32>, vector<4096x128xf32> -> vector<4096x128xf32>
    %get3A_7 = arith.constant 0 : index
    %get3A_8 = arith.constant 0 : index
    %get3A_9 = vector.load %arg3[%get3A_7, %get3A_8] : memref<128x16xf32, #tpu.memory_space<vmem>>, vector<128x16xf32>
    %get3A_10 = arith.constant 0 : index
    %get3A_11 = arith.constant 0 : index
    %get3A_12 = vector.load %arg5[%get3A_10, %get3A_11] : memref<16x128xf32, #tpu.memory_space<vmem>>, vector<16x128xf32>
    %dot_general3A_13 = arith.constant dense<0.000000e+00> : vector<128x128xf32>
    %dot_general3A_14 = tpu.matmul %get3A_9, %get3A_12, %dot_general3A_13 {dimension_numbers = #tpu.dot_dimension_numbers<[1], [0], [0], [1], [0, 0, 1, 1], [], []>, transpose_lhs_hint = false} : vector<128x16xf32>, vector<16x128xf32>, vector<128x128xf32> -> vector<128x128xf32>
    %reshape3A_15 = vector.shape_cast %dot_general3A_6 : vector<4096x128xf32> to vector<128x32x128xf32>
    %get3A_16 = arith.constant 0 : index
    %get3A_17 = arith.constant 0 : index
    %get3A_18 = arith.constant 0 : index
    %get3A_19 = vector.load %arg2[%get3A_16, %get3A_17, %get3A_18] : memref<128x32x128xf32, #tpu.memory_space<vmem>>, vector<128x32x128xf32>
    %add3A = arith.addf %reshape3A_15, %get3A_19 : vector<128x32x128xf32>
    %broadcast_in_dim3A = vector.shape_cast %dot_general3A_14 : vector<128x128xf32> to vector<128x1x128xf32>
    %sub3A = vector.broadcast %broadcast_in_dim3A : vector<128x1x128xf32> to vector<128x32x128xf32>
    %sub3A_20 = arith.subf %add3A, %sub3A : vector<128x32x128xf32>
    %swap3A = arith.constant 0 : index
    %swap3A_21 = arith.constant 0 : index
    %swap3A_22 = arith.constant 0 : index
    %swap3A_23 = vector.load %arg6[%swap3A, %swap3A_21, %swap3A_22] : memref<128x32x128xf32, #tpu.memory_space<vmem>>, vector<128x32x128xf32>
    tpu.vector_store %arg6[%swap3A, %swap3A_21, %swap3A_22], %sub3A_20 {strides = array<i32>} : memref<128x32x128xf32, #tpu.memory_space<vmem>>, vector<128x32x128xf32>,
    %reshape3A_24 = vector.shape_cast %sub3A_20 : vector<128x32x128xf32> to vector<4096x128xf32>
    %reduce_sum3A = arith.constant dense<0.000000e+00> : vector<128xf32>
    %reduce_sum3A_25 = vector.multi_reduction <add>, %reshape3A_24, %reduce_sum3A [0] : vector<4096x128xf32> to vector<128xf32>
    %broadcast_in_dim3A_26 = vector.shape_cast %reduce_sum3A_25 : vector<128xf32> to vector<1x128xf32>
    %mul3A = arith.mulf %reshape3A_24, %reshape3A_24 : vector<4096x128xf32>
    %reduce_sum3A_27 = arith.constant dense<0.000000e+00> : vector<128xf32>
    %reduce_sum3A_28 = vector.multi_reduction <add>, %mul3A, %reduce_sum3A_27 [0] : vector<4096x128xf32> to vector<128xf32>
    %broadcast_in_dim3A_29 = vector.shape_cast %reduce_sum3A_28 : vector<128xf32> to vector<1x128xf32>
    %eq3A = arith.constant 0 : i32
    %eq3A_30 = arith.cmpi eq, %arg0, %eq3A : i32
    %convert_element_type3A = arith.extui %eq3A_30 : i1 to i32
    %cond3A = arith.constant 0 : i32
    %cond3A_31 = arith.cmpi ne, %convert_element_type3A, %cond3A : i32
    scf.if %cond3A_31 {
      %broadcast_in_dim3A_51 = arith.constant 0.000000e+00 : f32
      %broadcast_in_dim3A_52 = vector.broadcast %broadcast_in_dim3A_51 : f32 to vector<8x128xf32>
      %swap3A_53 = arith.constant 0 : index
      %swap3A_54 = arith.constant 0 : index
      %swap3A_55 = vector.load %arg8[%swap3A_53, %swap3A_54] : memref<8x128xf32, #tpu.memory_space<vmem>>, vector<8x128xf32>
      tpu.vector_store %arg8[%swap3A_53, %swap3A_54], %broadcast_in_dim3A_52 {strides = array<i32>} : memref<8x128xf32, #tpu.memory_space<vmem>>, vector<8x128xf32>,
    } else {
    }
    %get3A_32 = arith.constant 0 : index
    %get3A_33 = arith.constant 0 : index
    %get3A_34 = vector.load %arg8[%get3A_32, %get3A_33] : memref<8x128xf32, #tpu.memory_space<vmem>>, vector<1x128xf32>
    %add3A_35 = arith.addf %get3A_34, %broadcast_in_dim3A_26 : vector<1x128xf32>
    %swap3A_36 = arith.constant 0 : index
    %swap3A_37 = arith.constant 0 : index
    %swap3A_38 = vector.load %arg8[%swap3A_36, %swap3A_37] : memref<8x128xf32, #tpu.memory_space<vmem>>, vector<1x128xf32>
    tpu.vector_store %arg8[%swap3A_36, %swap3A_37], %add3A_35 {strides = array<i32>} : memref<8x128xf32, #tpu.memory_space<vmem>>, vector<1x128xf32>,
    %get3A_39 = arith.constant 1 : index
    %get3A_40 = arith.constant 0 : index
    %get3A_41 = vector.load %arg8[%get3A_39, %get3A_40] : memref<8x128xf32, #tpu.memory_space<vmem>>, vector<1x128xf32>
    %add3A_42 = arith.addf %get3A_41, %broadcast_in_dim3A_29 : vector<1x128xf32>
    %swap3A_43 = arith.constant 1 : index
    %swap3A_44 = arith.constant 0 : index
    %swap3A_45 = vector.load %arg8[%swap3A_43, %swap3A_44] : memref<8x128xf32, #tpu.memory_space<vmem>>, vector<1x128xf32>
    tpu.vector_store %arg8[%swap3A_43, %swap3A_44], %add3A_42 {strides = array<i32>} : memref<8x128xf32, #tpu.memory_space<vmem>>, vector<1x128xf32>,
    %eq3A_46 = arith.constant 31 : i32
    %eq3A_47 = arith.cmpi eq, %arg0, %eq3A_46 : i32
    %convert_element_type3A_48 = arith.extui %eq3A_47 : i1 to i32
    %cond3A_49 = arith.constant 0 : i32
    %cond3A_50 = arith.cmpi ne, %convert_element_type3A_48, %cond3A_49 : i32
    scf.if %cond3A_50 {
      %get3A_51 = arith.constant 0 : index
      %get3A_52 = arith.constant 0 : index
      %get3A_53 = vector.load %arg8[%get3A_51, %get3A_52] : memref<8x128xf32, #tpu.memory_space<vmem>>, vector<8x128xf32>
      %swap3A_54 = arith.constant 0 : index
      %swap3A_55 = arith.constant 0 : index
      %swap3A_56 = vector.load %arg7[%swap3A_54, %swap3A_55] : memref<8x128xf32, #tpu.memory_space<vmem>>, vector<8x128xf32>
      tpu.vector_store %arg7[%swap3A_54, %swap3A_55], %get3A_53 {strides = array<i32>} : memref<8x128xf32, #tpu.memory_space<vmem>>, vector<8x128xf32>,
    } else {
    }
    return
  }
  func.func @transform_0(%arg0: i32) -> (i32, i32, i32) {
    %c0_i32 = arith.constant 0 : i32
    %c0_i32_0 = arith.constant 0 : i32
    %c0_i32_1 = arith.constant 0 : i32
    return %arg0, %c0_i32, %c0_i32_0 : i32, i32, i32
  }
  func.func @transform_1(%arg0: i32) -> (i32, i32, i32) {
    %c0_i32 = arith.constant 0 : i32
    %c0_i32_0 = arith.constant 0 : i32
    %c0_i32_1 = arith.constant 0 : i32
    return %arg0, %c0_i32, %c0_i32_0 : i32, i32, i32
  }
  func.func @transform_2(%arg0: i32) -> (i32, i32) {
    %c0_i32 = arith.constant 0 : i32
    %c0_i32_0 = arith.constant 0 : i32
    return %arg0, %c0_i32 : i32, i32
  }
  func.func @transform_3(%arg0: i32) -> (i32, i32) {
    %c0_i32 = arith.constant 0 : i32
    %c0_i32_0 = arith.constant 0 : i32
    %c0_i32_1 = arith.constant 0 : i32
    return %c0_i32, %c0_i32_0 : i32, i32
  }
  func.func @transform_4(%arg0: i32) -> (i32, i32) {
    %c0_i32 = arith.constant 0 : i32
    %c0_i32_0 = arith.constant 0 : i32
    %c0_i32_1 = arith.constant 0 : i32
    return %c0_i32, %c0_i32_0 : i32, i32
  }
  func.func @transform_5(%arg0: i32) -> (i32, i32, i32) {
    %c0_i32 = arith.constant 0 : i32
    %c0_i32_0 = arith.constant 0 : i32
    %c0_i32_1 = arith.constant 0 : i32
    return %arg0, %c0_i32, %c0_i32_0 : i32, i32, i32
  }
  func.func @transform_6(%arg0: i32) -> (i32, i32) {
    %c0_i32 = arith.constant 0 : i32
    %c0_i32_0 = arith.constant 0 : i32
    %c0_i32_1 = arith.constant 0 : i32
    return %c0_i32, %c0_i32_0 : i32, i32
  }
}

module attributes {stable_mosaic.version = 14 : i64} {
  func.func @_c2_body(%arg0: i32, %arg1: memref<128x32x128xf32, #tpu.memory_space<vmem>>, %arg2: memref<8x128xf32, #tpu.memory_space<vmem>>, %arg3: memref<128x256xf32, #tpu.memory_space<vmem>>, %arg4: memref<1x128xf32, #tpu.memory_space<vmem>>, %arg5: memref<1x128xf32, #tpu.memory_space<vmem>>, %arg6: memref<128x32x256xf32, #tpu.memory_space<vmem>>, %arg7: memref<8x256xf32, #tpu.memory_space<vmem>>, %arg8: memref<8x256xf32, #tpu.memory_space<vmem>>) attributes {dimension_semantics = [#tpu.dimension_semantics<arbitrary>], iteration_bounds = array<i64: 32>, scalar_prefetch = 0 : i64, scratch_operands = 1 : i64, tpu.core_type = #tpu.core_type<tc>, window_params = [{transform_indices = @transform_0, window_bounds = array<i64: 128, 32, 128>}, {pipeline_mode = #tpu.pipeline_mode<synchronous>, transform_indices = @transform_1, window_bounds = array<i64: 8, 128>}, {pipeline_mode = #tpu.pipeline_mode<synchronous>, transform_indices = @transform_2, window_bounds = array<i64: 128, 256>}, {pipeline_mode = #tpu.pipeline_mode<synchronous>, transform_indices = @transform_3, window_bounds = array<i64: 1, 128>}, {pipeline_mode = #tpu.pipeline_mode<synchronous>, transform_indices = @transform_4, window_bounds = array<i64: 1, 128>}, {transform_indices = @transform_5, window_bounds = array<i64: 128, 32, 256>}, {pipeline_mode = #tpu.pipeline_mode<synchronous>, transform_indices = @transform_6, window_bounds = array<i64: 8, 256>}]} {
    %get3A = arith.constant 0 : index
    %get3A_0 = arith.constant 0 : index
    %get3A_1 = vector.load %arg2[%get3A, %get3A_0] : memref<8x128xf32, #tpu.memory_space<vmem>>, vector<8x128xf32>
    %slice3A = vector.extract_strided_slice %get3A_1 {offsets = [0, 0], sizes = [1, 128], strides = [1, 1]} : vector<8x128xf32> to vector<1x128xf32>
    %div3A = arith.constant 1.310720e+05 : f32
    %div3A_2 = vector.broadcast %div3A : f32 to vector<1x128xf32>
    %div3A_3 = arith.divf %slice3A, %div3A_2 : vector<1x128xf32>
    %slice3A_4 = vector.extract_strided_slice %get3A_1 {offsets = [1, 0], sizes = [1, 128], strides = [1, 1]} : vector<8x128xf32> to vector<1x128xf32>
    %div3A_5 = arith.constant 1.310720e+05 : f32
    %div3A_6 = vector.broadcast %div3A_5 : f32 to vector<1x128xf32>
    %div3A_7 = arith.divf %slice3A_4, %div3A_6 : vector<1x128xf32>
    %mul3A = arith.mulf %div3A_3, %div3A_3 : vector<1x128xf32>
    %sub3A = arith.subf %div3A_7, %mul3A : vector<1x128xf32>
    %get3A_8 = arith.constant 0 : index
    %get3A_9 = arith.constant 0 : index
    %get3A_10 = vector.load %arg4[%get3A_8, %get3A_9] : memref<1x128xf32, #tpu.memory_space<vmem>>, vector<1x128xf32>
    %add3A = arith.constant 9.99999974E-6 : f32
    %add3A_11 = vector.broadcast %add3A : f32 to vector<1x128xf32>
    %add3A_12 = arith.addf %sub3A, %add3A_11 : vector<1x128xf32>
    %sqrt3A = math.sqrt %add3A_12 : vector<1x128xf32>
    %div3A_13 = arith.divf %get3A_10, %sqrt3A : vector<1x128xf32>
    %get3A_14 = arith.constant 0 : index
    %get3A_15 = arith.constant 0 : index
    %get3A_16 = arith.constant 0 : index
    %get3A_17 = vector.load %arg1[%get3A_14, %get3A_15, %get3A_16] : memref<128x32x128xf32, #tpu.memory_space<vmem>>, vector<128x32x128xf32>
    %reshape3A = vector.shape_cast %get3A_17 : vector<128x32x128xf32> to vector<4096x128xf32>
    %sub3A_18 = vector.broadcast %div3A_3 : vector<1x128xf32> to vector<4096x128xf32>
    %sub3A_19 = arith.subf %reshape3A, %sub3A_18 : vector<4096x128xf32>
    %mul3A_20 = vector.broadcast %div3A_13 : vector<1x128xf32> to vector<4096x128xf32>
    %mul3A_21 = arith.mulf %sub3A_19, %mul3A_20 : vector<4096x128xf32>
    %get3A_22 = arith.constant 0 : index
    %get3A_23 = arith.constant 0 : index
    %get3A_24 = vector.load %arg5[%get3A_22, %get3A_23] : memref<1x128xf32, #tpu.memory_space<vmem>>, vector<1x128xf32>
    %add3A_25 = vector.broadcast %get3A_24 : vector<1x128xf32> to vector<4096x128xf32>
    %add3A_26 = arith.addf %mul3A_21, %add3A_25 : vector<4096x128xf32>
    %max3A = arith.constant 0.000000e+00 : f32
    %max3A_27 = vector.broadcast %max3A : f32 to vector<4096x128xf32>
    %max3A_28 = arith.maximumf %add3A_26, %max3A_27 : vector<4096x128xf32>
    %get3A_29 = arith.constant 0 : index
    %get3A_30 = arith.constant 0 : index
    %get3A_31 = vector.load %arg3[%get3A_29, %get3A_30] : memref<128x256xf32, #tpu.memory_space<vmem>>, vector<128x256xf32>
    %dot_general3A = arith.constant dense<0.000000e+00> : vector<4096x256xf32>
    %dot_general3A_32 = tpu.matmul %max3A_28, %get3A_31, %dot_general3A {dimension_numbers = #tpu.dot_dimension_numbers<[1], [0], [0], [1], [0, 0, 1, 1], [], []>, transpose_lhs_hint = false} : vector<4096x128xf32>, vector<128x256xf32>, vector<4096x256xf32> -> vector<4096x256xf32>
    %reshape3A_33 = vector.shape_cast %dot_general3A_32 : vector<4096x256xf32> to vector<128x32x256xf32>
    %swap3A = arith.constant 0 : index
    %swap3A_34 = arith.constant 0 : index
    %swap3A_35 = arith.constant 0 : index
    %swap3A_36 = vector.load %arg6[%swap3A, %swap3A_34, %swap3A_35] : memref<128x32x256xf32, #tpu.memory_space<vmem>>, vector<128x32x256xf32>
    tpu.vector_store %arg6[%swap3A, %swap3A_34, %swap3A_35], %reshape3A_33 {strides = array<i32>} : memref<128x32x256xf32, #tpu.memory_space<vmem>>, vector<128x32x256xf32>,
    %reduce_sum3A = arith.constant dense<0.000000e+00> : vector<256xf32>
    %reduce_sum3A_37 = vector.multi_reduction <add>, %dot_general3A_32, %reduce_sum3A [0] : vector<4096x256xf32> to vector<256xf32>
    %broadcast_in_dim3A = vector.shape_cast %reduce_sum3A_37 : vector<256xf32> to vector<1x256xf32>
    %mul3A_38 = arith.mulf %dot_general3A_32, %dot_general3A_32 : vector<4096x256xf32>
    %reduce_sum3A_39 = arith.constant dense<0.000000e+00> : vector<256xf32>
    %reduce_sum3A_40 = vector.multi_reduction <add>, %mul3A_38, %reduce_sum3A_39 [0] : vector<4096x256xf32> to vector<256xf32>
    %broadcast_in_dim3A_41 = vector.shape_cast %reduce_sum3A_40 : vector<256xf32> to vector<1x256xf32>
    %eq3A = arith.constant 0 : i32
    %eq3A_42 = arith.cmpi eq, %arg0, %eq3A : i32
    %convert_element_type3A = arith.extui %eq3A_42 : i1 to i32
    %cond3A = arith.constant 0 : i32
    %cond3A_43 = arith.cmpi ne, %convert_element_type3A, %cond3A : i32
    scf.if %cond3A_43 {
      %broadcast_in_dim3A_63 = arith.constant 0.000000e+00 : f32
      %broadcast_in_dim3A_64 = vector.broadcast %broadcast_in_dim3A_63 : f32 to vector<8x256xf32>
      %swap3A_65 = arith.constant 0 : index
      %swap3A_66 = arith.constant 0 : index
      %swap3A_67 = vector.load %arg8[%swap3A_65, %swap3A_66] : memref<8x256xf32, #tpu.memory_space<vmem>>, vector<8x256xf32>
      tpu.vector_store %arg8[%swap3A_65, %swap3A_66], %broadcast_in_dim3A_64 {strides = array<i32>} : memref<8x256xf32, #tpu.memory_space<vmem>>, vector<8x256xf32>,
    } else {
    }
    %get3A_44 = arith.constant 0 : index
    %get3A_45 = arith.constant 0 : index
    %get3A_46 = vector.load %arg8[%get3A_44, %get3A_45] : memref<8x256xf32, #tpu.memory_space<vmem>>, vector<1x256xf32>
    %add3A_47 = arith.addf %get3A_46, %broadcast_in_dim3A : vector<1x256xf32>
    %swap3A_48 = arith.constant 0 : index
    %swap3A_49 = arith.constant 0 : index
    %swap3A_50 = vector.load %arg8[%swap3A_48, %swap3A_49] : memref<8x256xf32, #tpu.memory_space<vmem>>, vector<1x256xf32>
    tpu.vector_store %arg8[%swap3A_48, %swap3A_49], %add3A_47 {strides = array<i32>} : memref<8x256xf32, #tpu.memory_space<vmem>>, vector<1x256xf32>,
    %get3A_51 = arith.constant 1 : index
    %get3A_52 = arith.constant 0 : index
    %get3A_53 = vector.load %arg8[%get3A_51, %get3A_52] : memref<8x256xf32, #tpu.memory_space<vmem>>, vector<1x256xf32>
    %add3A_54 = arith.addf %get3A_53, %broadcast_in_dim3A_41 : vector<1x256xf32>
    %swap3A_55 = arith.constant 1 : index
    %swap3A_56 = arith.constant 0 : index
    %swap3A_57 = vector.load %arg8[%swap3A_55, %swap3A_56] : memref<8x256xf32, #tpu.memory_space<vmem>>, vector<1x256xf32>
    tpu.vector_store %arg8[%swap3A_55, %swap3A_56], %add3A_54 {strides = array<i32>} : memref<8x256xf32, #tpu.memory_space<vmem>>, vector<1x256xf32>,
    %eq3A_58 = arith.constant 31 : i32
    %eq3A_59 = arith.cmpi eq, %arg0, %eq3A_58 : i32
    %convert_element_type3A_60 = arith.extui %eq3A_59 : i1 to i32
    %cond3A_61 = arith.constant 0 : i32
    %cond3A_62 = arith.cmpi ne, %convert_element_type3A_60, %cond3A_61 : i32
    scf.if %cond3A_62 {
      %get3A_63 = arith.constant 0 : index
      %get3A_64 = arith.constant 0 : index
      %get3A_65 = vector.load %arg8[%get3A_63, %get3A_64] : memref<8x256xf32, #tpu.memory_space<vmem>>, vector<8x256xf32>
      %swap3A_66 = arith.constant 0 : index
      %swap3A_67 = arith.constant 0 : index
      %swap3A_68 = vector.load %arg7[%swap3A_66, %swap3A_67] : memref<8x256xf32, #tpu.memory_space<vmem>>, vector<8x256xf32>
      tpu.vector_store %arg7[%swap3A_66, %swap3A_67], %get3A_65 {strides = array<i32>} : memref<8x256xf32, #tpu.memory_space<vmem>>, vector<8x256xf32>,
    } else {
    }
    return
  }
  func.func @transform_0(%arg0: i32) -> (i32, i32, i32) {
    %c0_i32 = arith.constant 0 : i32
    %c0_i32_0 = arith.constant 0 : i32
    %c0_i32_1 = arith.constant 0 : i32
    return %arg0, %c0_i32, %c0_i32_0 : i32, i32, i32
  }
  func.func @transform_1(%arg0: i32) -> (i32, i32) {
    %c0_i32 = arith.constant 0 : i32
    %c0_i32_0 = arith.constant 0 : i32
    %c0_i32_1 = arith.constant 0 : i32
    return %c0_i32, %c0_i32_0 : i32, i32
  }
  func.func @transform_2(%arg0: i32) -> (i32, i32) {
    %c0_i32 = arith.constant 0 : i32
    %c0_i32_0 = arith.constant 0 : i32
    %c0_i32_1 = arith.constant 0 : i32
    return %c0_i32, %c0_i32_0 : i32, i32
  }
  func.func @transform_3(%arg0: i32) -> (i32, i32) {
    %c0_i32 = arith.constant 0 : i32
    %c0_i32_0 = arith.constant 0 : i32
    %c0_i32_1 = arith.constant 0 : i32
    return %c0_i32, %c0_i32_0 : i32, i32
  }
  func.func @transform_4(%arg0: i32) -> (i32, i32) {
    %c0_i32 = arith.constant 0 : i32
    %c0_i32_0 = arith.constant 0 : i32
    %c0_i32_1 = arith.constant 0 : i32
    return %c0_i32, %c0_i32_0 : i32, i32
  }
  func.func @transform_5(%arg0: i32) -> (i32, i32, i32) {
    %c0_i32 = arith.constant 0 : i32
    %c0_i32_0 = arith.constant 0 : i32
    %c0_i32_1 = arith.constant 0 : i32
    return %arg0, %c0_i32, %c0_i32_0 : i32, i32, i32
  }
  func.func @transform_6(%arg0: i32) -> (i32, i32) {
    %c0_i32 = arith.constant 0 : i32
    %c0_i32_0 = arith.constant 0 : i32
    %c0_i32_1 = arith.constant 0 : i32
    return %c0_i32, %c0_i32_0 : i32, i32
  }
}

module attributes {stable_mosaic.version = 14 : i64} {
  func.func @_fin_body(%arg0: i32, %arg1: memref<128x32x256xf32, #tpu.memory_space<vmem>>, %arg2: memref<8x256xf32, #tpu.memory_space<vmem>>, %arg3: memref<128x128xf32, #tpu.memory_space<vmem>>, %arg4: memref<128x256xf32, #tpu.memory_space<vmem>>, %arg5: memref<1x256xf32, #tpu.memory_space<vmem>>, %arg6: memref<1x256xf32, #tpu.memory_space<vmem>>, %arg7: memref<1x256xf32, #tpu.memory_space<vmem>>, %arg8: memref<128x256xf32, #tpu.memory_space<vmem>>) attributes {dimension_semantics = [#tpu.dimension_semantics<arbitrary>], iteration_bounds = array<i64: 32>, scalar_prefetch = 0 : i64, scratch_operands = 0 : i64, tpu.core_type = #tpu.core_type<tc>, window_params = [{transform_indices = @transform_0, window_bounds = array<i64: 128, 32, 256>}, {pipeline_mode = #tpu.pipeline_mode<synchronous>, transform_indices = @transform_1, window_bounds = array<i64: 8, 256>}, {transform_indices = @transform_2, window_bounds = array<i64: 128, 128>}, {pipeline_mode = #tpu.pipeline_mode<synchronous>, transform_indices = @transform_3, window_bounds = array<i64: 128, 256>}, {pipeline_mode = #tpu.pipeline_mode<synchronous>, transform_indices = @transform_4, window_bounds = array<i64: 1, 256>}, {pipeline_mode = #tpu.pipeline_mode<synchronous>, transform_indices = @transform_5, window_bounds = array<i64: 1, 256>}, {pipeline_mode = #tpu.pipeline_mode<synchronous>, transform_indices = @transform_6, window_bounds = array<i64: 1, 256>}, {transform_indices = @transform_7, window_bounds = array<i64: 128, 256>}]} {
    %get3A = arith.constant 0 : index
    %get3A_0 = arith.constant 0 : index
    %get3A_1 = vector.load %arg2[%get3A, %get3A_0] : memref<8x256xf32, #tpu.memory_space<vmem>>, vector<8x256xf32>
    %slice3A = vector.extract_strided_slice %get3A_1 {offsets = [0, 0], sizes = [1, 256], strides = [1, 1]} : vector<8x256xf32> to vector<1x256xf32>
    %div3A = arith.constant 1.310720e+05 : f32
    %div3A_2 = vector.broadcast %div3A : f32 to vector<1x256xf32>
    %div3A_3 = arith.divf %slice3A, %div3A_2 : vector<1x256xf32>
    %slice3A_4 = vector.extract_strided_slice %get3A_1 {offsets = [1, 0], sizes = [1, 256], strides = [1, 1]} : vector<8x256xf32> to vector<1x256xf32>
    %div3A_5 = arith.constant 1.310720e+05 : f32
    %div3A_6 = vector.broadcast %div3A_5 : f32 to vector<1x256xf32>
    %div3A_7 = arith.divf %slice3A_4, %div3A_6 : vector<1x256xf32>
    %mul3A = arith.mulf %div3A_3, %div3A_3 : vector<1x256xf32>
    %sub3A = arith.subf %div3A_7, %mul3A : vector<1x256xf32>
    %get3A_8 = arith.constant 0 : index
    %get3A_9 = arith.constant 0 : index
    %get3A_10 = vector.load %arg5[%get3A_8, %get3A_9] : memref<1x256xf32, #tpu.memory_space<vmem>>, vector<1x256xf32>
    %add3A = arith.constant 9.99999974E-6 : f32
    %add3A_11 = vector.broadcast %add3A : f32 to vector<1x256xf32>
    %add3A_12 = arith.addf %sub3A, %add3A_11 : vector<1x256xf32>
    %sqrt3A = math.sqrt %add3A_12 : vector<1x256xf32>
    %div3A_13 = arith.divf %get3A_10, %sqrt3A : vector<1x256xf32>
    %get3A_14 = arith.constant 0 : index
    %get3A_15 = arith.constant 0 : index
    %get3A_16 = arith.constant 0 : index
    %get3A_17 = vector.load %arg1[%get3A_14, %get3A_15, %get3A_16] : memref<128x32x256xf32, #tpu.memory_space<vmem>>, vector<128x32x256xf32>
    %broadcast_in_dim3A = vector.shape_cast %div3A_3 : vector<1x256xf32> to vector<1x1x256xf32>
    %sub3A_18 = vector.broadcast %broadcast_in_dim3A : vector<1x1x256xf32> to vector<128x32x256xf32>
    %sub3A_19 = arith.subf %get3A_17, %sub3A_18 : vector<128x32x256xf32>
    %broadcast_in_dim3A_20 = vector.shape_cast %div3A_13 : vector<1x256xf32> to vector<1x1x256xf32>
    %mul3A_21 = vector.broadcast %broadcast_in_dim3A_20 : vector<1x1x256xf32> to vector<128x32x256xf32>
    %mul3A_22 = arith.mulf %sub3A_19, %mul3A_21 : vector<128x32x256xf32>
    %get3A_23 = arith.constant 0 : index
    %get3A_24 = arith.constant 0 : index
    %get3A_25 = vector.load %arg6[%get3A_23, %get3A_24] : memref<1x256xf32, #tpu.memory_space<vmem>>, vector<1x256xf32>
    %broadcast_in_dim3A_26 = vector.shape_cast %get3A_25 : vector<1x256xf32> to vector<1x1x256xf32>
    %add3A_27 = vector.broadcast %broadcast_in_dim3A_26 : vector<1x1x256xf32> to vector<128x32x256xf32>
    %add3A_28 = arith.addf %mul3A_22, %add3A_27 : vector<128x32x256xf32>
    %reduce_max3A = arith.constant dense<0xFF800000> : vector<128x256xf32>
    %reduce_max3A_29 = vector.multi_reduction <maximumf>, %add3A_28, %reduce_max3A [1] : vector<128x32x256xf32> to vector<128x256xf32>
    %get3A_30 = arith.constant 0 : index
    %get3A_31 = arith.constant 0 : index
    %get3A_32 = vector.load %arg3[%get3A_30, %get3A_31] : memref<128x128xf32, #tpu.memory_space<vmem>>, vector<128x128xf32>
    %get3A_33 = arith.constant 0 : index
    %get3A_34 = arith.constant 0 : index
    %get3A_35 = vector.load %arg4[%get3A_33, %get3A_34] : memref<128x256xf32, #tpu.memory_space<vmem>>, vector<128x256xf32>
    %dot_general3A = arith.constant dense<0.000000e+00> : vector<128x256xf32>
    %dot_general3A_36 = tpu.matmul %get3A_32, %get3A_35, %dot_general3A {dimension_numbers = #tpu.dot_dimension_numbers<[1], [0], [0], [1], [0, 0, 1, 1], [], []>, transpose_lhs_hint = false} : vector<128x128xf32>, vector<128x256xf32>, vector<128x256xf32> -> vector<128x256xf32>
    %add3A_37 = arith.addf %reduce_max3A_29, %dot_general3A_36 : vector<128x256xf32>
    %get3A_38 = arith.constant 0 : index
    %get3A_39 = arith.constant 0 : index
    %get3A_40 = vector.load %arg7[%get3A_38, %get3A_39] : memref<1x256xf32, #tpu.memory_space<vmem>>, vector<1x256xf32>
    %add3A_41 = vector.broadcast %get3A_40 : vector<1x256xf32> to vector<128x256xf32>
    %add3A_42 = arith.addf %add3A_37, %add3A_41 : vector<128x256xf32>
    %max3A = arith.constant 0.000000e+00 : f32
    %max3A_43 = vector.broadcast %max3A : f32 to vector<128x256xf32>
    %max3A_44 = arith.maximumf %add3A_42, %max3A_43 : vector<128x256xf32>
    %swap3A = arith.constant 0 : index
    %swap3A_45 = arith.constant 0 : index
    %swap3A_46 = vector.load %arg8[%swap3A, %swap3A_45] : memref<128x256xf32, #tpu.memory_space<vmem>>, vector<128x256xf32>
    tpu.vector_store %arg8[%swap3A, %swap3A_45], %max3A_44 {strides = array<i32>} : memref<128x256xf32, #tpu.memory_space<vmem>>, vector<128x256xf32>,
    return
  }
  func.func @transform_0(%arg0: i32) -> (i32, i32, i32) {
    %c0_i32 = arith.constant 0 : i32
    %c0_i32_0 = arith.constant 0 : i32
    %c0_i32_1 = arith.constant 0 : i32
    return %arg0, %c0_i32, %c0_i32_0 : i32, i32, i32
  }
  func.func @transform_1(%arg0: i32) -> (i32, i32) {
    %c0_i32 = arith.constant 0 : i32
    %c0_i32_0 = arith.constant 0 : i32
    %c0_i32_1 = arith.constant 0 : i32
    return %c0_i32, %c0_i32_0 : i32, i32
  }
  func.func @transform_2(%arg0: i32) -> (i32, i32) {
    %c0_i32 = arith.constant 0 : i32
    %c0_i32_0 = arith.constant 0 : i32
    return %arg0, %c0_i32 : i32, i32
  }
  func.func @transform_3(%arg0: i32) -> (i32, i32) {
    %c0_i32 = arith.constant 0 : i32
    %c0_i32_0 = arith.constant 0 : i32
    %c0_i32_1 = arith.constant 0 : i32
    return %c0_i32, %c0_i32_0 : i32, i32
  }
  func.func @transform_4(%arg0: i32) -> (i32, i32) {
    %c0_i32 = arith.constant 0 : i32
    %c0_i32_0 = arith.constant 0 : i32
    %c0_i32_1 = arith.constant 0 : i32
    return %c0_i32, %c0_i32_0 : i32, i32
  }
  func.func @transform_5(%arg0: i32) -> (i32, i32) {
    %c0_i32 = arith.constant 0 : i32
    %c0_i32_0 = arith.constant 0 : i32
    %c0_i32_1 = arith.constant 0 : i32
    return %c0_i32, %c0_i32_0 : i32, i32
  }
  func.func @transform_6(%arg0: i32) -> (i32, i32) {
    %c0_i32 = arith.constant 0 : i32
    %c0_i32_0 = arith.constant 0 : i32
    %c0_i32_1 = arith.constant 0 : i32
    return %c0_i32, %c0_i32_0 : i32, i32
  }
  func.func @transform_7(%arg0: i32) -> (i32, i32) {
    %c0_i32 = arith.constant 0 : i32
    %c0_i32_0 = arith.constant 0 : i32
    return %arg0, %c0_i32 : i32, i32
  }
}

</mosaic_0001>

<sc_bundles>
// kernel: kernel.9.cloned.1.call-start
scs
__scs_entry_jumppad:
0x0: {  	(pc) =	sbr.rel $0x88, $3  }
0x1: {  	(tag) =	ssettag $0x0;
	lr =	simm.s32 $0x1  }
0x2: {  	[smem:$0x3F97] =	sst lr;
	_ =	strace $0xD0000000  }
0x3: {  	_ = 	snop  }
0x4: {  	_ = 	snop  }
0x5: {  	_ = 	snop  }
0x6: {  	_ = 	snop  }
0x7: {  	_ = 	snop  }
__scs_overlays_trampoline_lowered:
0x8: {  	[smem:$0x3FA6] =	sst s0  }
0x9: {  	[smem:$0x3FA7] =	sst s1  }
0xa: {  	[smem:$0x3FA8] =	sst s2  }
0xb: {  	[smem:$0x3FA9] =	sst s3  }
0xc: {  	[smem:$0x3FAA] =	sst s4  }
0xd: {  	[smem:$0x3FAB] =	sst s5  }
0xe: {  	[smem:$0x3FAC] =	sst s6  }
0xf: {  	[smem:$0x3FAD] =	sst s7  }
0x10: {  	[smem:$0x3FAE] =	sst s8  }
0x11: {  	[smem:$0x3FAF] =	sst s9;
	s0 =	simm.s32 @!p0 $0x0  }
0x12: {  	s1 =	sld [smem:$0x3F95];
	s0 =	simm.s32 @p0 $0x1  }
0x13: {  	[smem:$0x3FB0] =	sst s0;
	s0 =	simm.s32 @!p1 $0x0  }
0x14: {  	s2 =	sld [smem:$0x3F94];
	s0 =	simm.s32 @p1 $0x1  }
0x15: {  	[smem:$0x3FB1] =	sst s0;
	s0 =	simm.s32 @!p2 $0x0  }
0x16: {  	s3 =	sld [smem:$0x3FDB];
	s0 =	simm.s32 @p2 $0x1  }
0x17: {  	s4 =	simm.s32 $0x1BF5;
	[smem:$0x3FB3] =	sst s0  }
0x18: {  	s0 =	sld [smem:$0x3F96];
	_ =	swait.ge [sflag:s4], $0x0  }
0x19: {  	s7 =	sld [smem:$0x3F97]  }
0x1a: {  	s8 =	sadd.s32 $0xFFFFE003, lr  }
0x1b: {  	s9 =	sadd.s32 $0xFFFFFEF7, lr;
	s5 =	simm.s32 $0xFFFFFFFF;
	p2 =	slt.u32 s8, $0xFFFFF086  }
0x1c: {  	p1 =	slt.u32 s9, $0xF7A;
	s5 =	simm.s32 @!p2 $0x0  }
0x1d: {  	s5 =	simm.s32 @p1 $0x1;
	p0 =	seq.s32 s7, s2  }
0x1e: {  	s7 =	smul.u32 @!p0 $0xF7A, s2;
	p2 =	seq.s32 @!p0 s5, $0x0  }
0x1f: {  	s9 =	smul.u32 $0xF7A, s1;
	s8 =	simm.s32 @!p0 $0x1BF5;
	p2 =	por !p2, p0  }
0x20: {  	[sflag:s8] =	ssyncset.s32 @!p0 $0xFFFFF086;
	s6 =	sadd.s32 @!p0 s3, s7;
	s7 =	simm.s32 @!p0 $0x108  }
0x21: {  	s3 =	sadd.s32 s3, s9;
	s6 =	sadd.s32 @!p0 $0x88, s6;
	s7 =	simm.s32 @p2 $0x1082  }
0x22: {  	[simem:s7], [sflag:s8] =	dma.local @!p0 [hbm:s6], $0xF7A  }
0x23: {  	s9 =	sor.u32 $0xD0000000, s2;
	s6 =	simm.s32 $0x108;
	_ =	swait.ge @!p0 [sflag:s8], $0x0  }
0x24: {  	s3 =	sadd.s32 $0x88, s3;
	s6 =	simm.s32 @!p1 $0x1082;
	[sflag:s4] =	ssyncset.s32 $0xFFFFF086  }
0x25: {  	[simem:s6], [sflag:s4] =	dma.local [hbm:s3], $0xF7A  }
0x26: {  	[smem:$0x3F97] =	sst s1;
	(tag) =	ssettag s2;
	_ =	strace s9  }
0x27: {  	s1 =	sld [smem:$0x3FA7]  }
0x28: {  	s2 =	sld [smem:$0x3FA8]  }
0x29: {  	s4 =	sld [smem:$0x3FAA]  }
0x2a: {  	p0 =	seq.s32 s5, $0x0;
	s5 =	sld [smem:$0x3FAB]  }
0x2b: {  	s6 =	sld [smem:$0x3FAC]  }
0x2c: {  	s7 =	sld [smem:$0x3FAD]  }
0x2d: {  	s3 =	simm.s32 $0x108;
	s8 =	sld [smem:$0x3FAE]  }
0x2e: {  	s3 =	simm.s32 @!p0 $0x1082;
	s9 =	sld [smem:$0x3FAF]  }
0x2f: {  	lr =	sadd.s32 s0, s3;
	s0 =	sld [smem:$0x3FA6]  }
0x30: {  	s3 =	sld [smem:$0x3FA9]  }
0x31: {  	[smem:$0x3FB2] =	sst s10  }
0x32: {  	s10 =	sld [smem:$0x3FB0];
	_ =	sdelay $0x3  }
0x33: {  	p0 =	seq.s32 s10, $0x1;
	s10 =	sld [smem:$0x3FB2];
	_ =	sdelay $0x3  }
0x34: {  	[smem:$0x3FB2] =	sst s10  }
0x35: {  	s10 =	sld [smem:$0x3FB1];
	_ =	sdelay $0x3  }
0x36: {  	p1 =	seq.s32 s10, $0x1;
	s10 =	sld [smem:$0x3FB2];
	_ =	sdelay $0x3  }
0x37: {  	[smem:$0x3FB2] =	sst s10  }
0x38: {  	s10 =	sld [smem:$0x3FB3]  }
0x39: {  	_ = 	snop;
	(pc) =	sbr.ind lr, $3  }
0x3a: {  	_ = 	snop  }
0x3b: {  	_ = 	snop  }
0x3c: {  	p2 =	seq.s32 s10, $0x1;
	s10 =	sld [smem:$0x3FB2]  }
0x3d: {  	_ =	shalt  }
0x3e: {  	_ =	shalt  }
0x3f: {  	_ =	shalt  }
0x40: {  	_ =	shalt  }
0x41: {  	_ =	shalt  }
0x42: {  	_ =	shalt  }
0x43: {  	_ =	shalt  }
0x44: {  	_ =	shalt  }
0x45: {  	_ =	shalt  }
0x46: {  	_ =	shalt  }
0x47: {  	_ =	shalt  }
0x48: {  	_ =	shalt  }
0x49: {  	_ =	shalt  }
0x4a: {  	_ =	shalt  }
0x4b: {  	_ =	shalt  }
0x4c: {  	_ =	shalt  }
0x4d: {  	_ =	shalt  }
0x4e: {  	_ =	shalt  }
0x4f: {  	_ =	shalt  }
0x50: {  	_ =	shalt  }
0x51: {  	_ =	shalt  }
0x52: {  	_ =	shalt  }
0x53: {  	_ =	shalt  }
0x54: {  	_ =	shalt  }
0x55: {  	_ =	shalt  }
0x56: {  	_ =	shalt  }
0x57: {  	_ =	shalt  }
0x58: {  	_ =	shalt  }
0x59: {  	_ =	shalt  }
0x5a: {  	_ =	shalt  }
0x5b: {  	_ =	shalt  }
0x5c: {  	_ =	shalt  }
0x5d: {  	_ =	shalt  }
0x5e: {  	_ =	shalt  }
0x5f: {  	_ =	shalt  }
0x60: {  	_ =	shalt  }
0x61: {  	_ =	shalt  }
0x62: {  	_ =	shalt  }
0x63: {  	_ =	shalt  }
0x64: {  	_ =	shalt  }
0x65: {  	_ =	shalt  }
0x66: {  	_ =	shalt  }
0x67: {  	_ =	shalt  }
0x68: {  	_ =	shalt  }
0x69: {  	_ =	shalt  }
0x6a: {  	_ =	shalt  }
0x6b: {  	_ =	shalt  }
0x6c: {  	_ =	shalt  }
0x6d: {  	_ =	shalt  }
0x6e: {  	_ =	shalt  }
0x6f: {  	_ =	shalt  }
0x70: {  	_ =	shalt  }
0x71: {  	_ =	shalt  }
0x72: {  	_ =	shalt  }
0x73: {  	_ =	shalt  }
0x74: {  	_ =	shalt  }
0x75: {  	_ =	shalt  }
0x76: {  	_ =	shalt  }
0x77: {  	_ =	shalt  }
0x78: {  	_ =	shalt  }
0x79: {  	_ =	shalt  }
0x7a: {  	_ =	shalt  }
0x7b: {  	_ =	shalt  }
0x7c: {  	_ =	shalt  }
0x7d: {  	_ =	shalt  }
0x7e: {  	_ =	shalt  }
0x7f: {  	_ =	shalt  }
0x80: {  	_ =	shalt  }
0x81: {  	_ =	shalt  }
0x82: {  	_ =	shalt  }
0x83: {  	_ =	shalt  }
0x84: {  	_ =	shalt  }
0x85: {  	_ =	shalt  }
0x86: {  	_ =	shalt  }
0x87: {  	_ =	shalt  }
.Lfunc_end0:
.L_simem_size_0:
called_computation_lowered:
.L_overlay_start_0:
0x88: {  	s2 =	sld [smem:$0x3FD9]  }
0x89: {  	s3 =	sld [smem:$0x3FFE];
	_ =	sdelay $0x1  }
0x8a: {  	s1 =	srdreg.scid  }
0x8b: {  	s0 =	sand.u32 $0x1, s1  }
0x8c: {  	s14 =	sshll.u32 s0, $0xA;
	s2 =	sadd.s32 s3, s2  }
0x8d: {  	s2 =	sadd.s32 s2, s14  }
0x8e: {  	[smem:$0x3FBE] =	sst s2  }
0x8f: {  	_ = 	snop  }
0x90: {  	s2 =	sld [smem:$0x3FD0];
	_ =	sdelay $0x2  }
0x91: {  	s15 =	simm.s32 $0xA;
	s4 =	simm.s32 $0x10  }
0x92: {  	[smem:s4], [sflag:s15] =	dma.local [hbm:s2], $0x1  }
0x93: {  	_ =	swait.eq [sflag:s15], $0x1  }
0x94: {  	[sflag:s15] =	ssyncset.done $0x0  }
0x95: {  	[sflag:s15] =	ssyncadd.s32 $0xFFFFFFFF  }
0x96: {  	s16 =	sld [smem:$0x11];
	(tm) =	ssettm $0x1  }
0x97: {  	s17 =	sld [smem:$0x3FFB];
	_ =	sdelay $0x3  }
0x98: {  	_ =	strace s17  }
0x99: {  	s3 =	sld [smem:$0x3FFC];
	_ =	sdelay $0x3  }
0x9a: {  	_ =	strace s3  }
0x9b: {  	s3 =	sld [smem:$0x3FFD];
	_ =	sdelay $0x3  }
0x9c: {  	_ =	strace s3  }
0x9d: {  	_ =	strace $0x8FFFFFFF  }
0x9e: {  	s18 =	sld [smem:$0x3FDB];
	_ =	sdelay $0x1  }
0x9f: {  	s19 =	simm.s32 $_scs_section_size  }
0xa0: {  	s5 =	simm.s32 $_size__tile_overlayer_lowered;
	s6 =	simm.s32 $_tile_overlayer_lowered  }
0xa1: {  	s22 =	simm.s32 $0x1BFF;
	s21 =	sshll.u32 s6, $0x1;
	s3 =	sadd.s32 s19, s18  }
0xa2: {  	s7 =	simm.s32 $0x0;
	s20 =	sshll.u32 s5, $0x1;
	s5 =	sadd.s32 s21, s3  }
0xa3: {  	[timem:s7], [sflag:s22] =	dma.local [hbm:s5], s20  }
0xa4: {  	_ =	swait.ge [sflag:s22], s20  }
0xa5: {  	s4 =	ssub.s32 $0x0, s20;
	[sflag:s22] =	ssyncset.done $0x0  }
0xa6: {  	[sflag:s22] =	ssyncadd.s32 s4;
	_ =	sdelay $0x1  }
0xa7: {  	s23 =	simm.s32 $0x1B8B  }
0xa8: {  	_ =	swait.ge [sflag:s23], $0x1  }
0xa9: {  	[sflag:s23] =	ssyncset.done $0x0  }
0xaa: {  	s25 =	simm.s32 $0x1B8E;
	s24 =	sld [smem:$0x3FFE];
	[sflag:s23] =	ssyncadd.s32 $0xFFFFFFFF  }
0xab: {  	s26 =	simm.s32 $execute0_lowered;
	[smem:$0x3FD2] =	sst s25  }
0xac: {  	s5 =	sshll.u32 s26, $0x1;
	_ =	strace $0x80000046;
	[dreg:$0x1] =	wrdreg $0xFFFFFFFF  }
0xad: {  	s28 =	simm.s32 $_size_execute0_lowered;
	s3 =	sadd.s32 s3, s5;
	[dreg:$0x0] =	wrdreg $0x0  }
0xae: {  	s5 =	sshll.u32 s28, $0x1;
	[dreg:$0x2] =	wrdreg s3  }
0xaf: {  	[dreg:$0x3] =	wrdreg s5  }
0xb0: {  	[dreg:$0x4] =	wrdreg $0xC0  }
0xb1: {  	_ =	task [dreg:s7], $0x5FFFF  }
0xb2: {  	[dreg:$0x1] =	wrdreg $0xFFFFFFFF  }
0xb3: {  	[dreg:$0x0] =	wrdreg $0x60  }
0xb4: {  	[dreg:$0x2] =	wrdreg s24  }
0xb5: {  	[dreg:$0x3] =	wrdreg s16  }
0xb6: {  	[dreg:$0x4] =	wrdreg $0x9  }
0xb7: {  	_ =	task.clear_ibuf [dreg:s7], $0x5FFFF;
	_ =	strace $0x90000046  }
0xb8: {  	s29 =	simm.s32 $0x9;
	_ =	strace $0x80000048  }
0xb9: {  	_ =	swait.ge [sflag:s29], $0x1  }
0xba: {  	[sflag:s29] =	ssyncadd.s32 $0xFFFFFFFF  }
0xbb: {  	_ =	strace $0x90000048  }
0xbc: {  	_ =	sfence  }
0xbd: {  	s30 =	sld [smem:$0x0];
	_ =	sdelay $0x2  }
0xbe: {  	s31 =	sshll.u32 s1, $0xD;
	s1 =	sshrl.u32 s1, $0x2  }
0xbf: {  	s3 =	sand.u32 $0x4000, s31;
	s1 =	sadd.s32 s1, s30  }
0xc0: {  	s0 =	sor.u32 s3, s0;
	s1 =	sshll.u32 s1, $0x11  }
0xc1: {  	s0 =	sor.u32 s1, s0  }
0xc2: {  	s0 =	sadd.s32 $0x8F2B, s0  }
0xc3: {  	[sflag:s0] =	ssyncadd.remote.s32 $0x1  }
0xc4: {  	_ =	sfence.sel $0xFFFF  }
0xc5: {  	[dreg:$0x0] =	wrdreg $0xFFFFFFFF;
	(pc) =	sbr.abs _section_cstart, $3  }
0xc6: {  	[dreg:$0x1] =	wrdreg $0xFFFFFFFF  }
0xc7: {  	_ =	task.clear_ibuf [dreg:s7], $0x2FFFF;
	_ =	strace $0x9FFFFFFF  }
0xc8: {  	(tm) =	ssettm $0x7FFFFFFF  }
0xc9: {  	_ =	shalt  }
tec
execute0_lowered:
.L_overlay_start_1:
0x0: {  	(tag) =	ssettag $0x1  }
0x1: {  	s26 =	rddreg [dreg:$0x0];
	s2 =	simm.s32 $0x0;
	s3 =	srdreg.scid  }
0x2: {  	s0 =	stileid.u32;
	[smem:$0x7FF] =	sst s2  }
0x3: {  	s29 =	sand.u32 $0x1, s3;
	s0 =	sshll.u32 s0, $0x1;
	s23 =	sadd.s32 $0x2E00, s26  }
0x4: {  	s24 =	sadd.s32 $0x87000, s26;
	s25 =	sadd.s32 $0x287000, s26;
	s31 =	sor.u32 s29, s0  }
0x5: {  	_ =	strace $0x80000047;
	s3 =	sshll.u32 s31, $0x9;
	s4 =	sshll.u32 s31, $0x10  }
0x6: {  	s28 =	sshll.u32 s31, $0xC;
	s3 =	sadd.s32 s23, s3;
	s1 =	sadd.s32 s24, s4  }
0x7: {  	s5 =	sor.u32 $0x100, s28;
	s4 =	sadd.s32 s25, s4;
	[dreg:$0x3] =	wrdreg s3  }
0x8: {  	s10 =	sor.u32 $0x200, s28;
	[dreg:$0x4] =	wrdreg s1;
	s6 =	sshrl.u32 s5, $0x3  }
0x9: {  	[dreg:$0x5] =	wrdreg s4;
	s8 =	sshll.u32 s5, $0x4;
	s7 =	sadd.s32 s23, s6  }
0xa: {  	s16 =	sor.u32 $0x300, s28;
	s9 =	sadd.s32 s24, s8;
	[dreg:$0x6] =	wrdreg s7  }
0xb: {  	s12 =	sshrl.u32 s10, $0x3;
	s11 =	sadd.s32 s25, s8;
	[dreg:$0x7] =	wrdreg s9  }
0xc: {  	s14 =	sshll.u32 s10, $0x4;
	s13 =	sadd.s32 s23, s12;
	[dreg:$0x8] =	wrdreg s11  }
0xd: {  	s22 =	sor.u32 $0x400, s28;
	s15 =	sadd.s32 s24, s14;
	[dreg:$0x9] =	wrdreg s13  }
0xe: {  	s18 =	sshrl.u32 s16, $0x3;
	s17 =	sadd.s32 s25, s14;
	[dreg:$0xa] =	wrdreg s15  }
0xf: {  	s20 =	sshll.u32 s16, $0x4;
	s19 =	sadd.s32 s23, s18;
	[dreg:$0xb] =	wrdreg s17  }
0x10: {  	s1 =	sshrl.u32 s22, $0x3;
	s21 =	sadd.s32 s24, s20;
	[dreg:$0xc] =	wrdreg s19  }
0x11: {  	s0 =	sadd.s32 s25, s20;
	s4 =	sadd.s32 s23, s1;
	[dreg:$0xd] =	wrdreg s21  }
0x12: {  	s6 =	sshll.u32 s22, $0x4;
	s8 =	sor.u32 $0x500, s28;
	[dreg:$0xe] =	wrdreg s0  }
0x13: {  	s20 =	sor.u32 $0x700, s28;
	[dreg:$0xf] =	wrdreg s4;
	s7 =	sadd.s32 s24, s6  }
0x14: {  	s22 =	sshrl.u32 s20, $0x3;
	s1 =	sshll.u32 s20, $0x4;
	s20 =	rddreg [dreg:$0x3]  }
0x15: {  	s9 =	sadd.s32 s25, s6;
	s10 =	sshrl.u32 s8, $0x3;
	[dreg:$0x10] =	wrdreg s7  }
0x16: {  	s12 =	sshll.u32 s8, $0x4;
	[dreg:$0x11] =	wrdreg s9;
	s11 =	sadd.s32 s23, s10  }
0x17: {  	[tilespmem:s2], [sflag:$0x2] =	stream.linear.gather [hbm4b:s20+s2], $0x100, $0x38;
	[tilespmem:$0x14180] =	vst v63  }
0x18: {  	s14 =	sor.u32 $0x600, s28;
	s13 =	sadd.s32 s24, s12;
	[dreg:$0x12] =	wrdreg s11  }
0x19: {  	s16 =	sshrl.u32 s14, $0x3;
	s15 =	sadd.s32 s25, s12;
	[dreg:$0x13] =	wrdreg s13  }
0x1a: {  	s18 =	sshll.u32 s14, $0x4;
	s17 =	sadd.s32 s23, s16;
	[dreg:$0x14] =	wrdreg s15  }
0x1b: {  	s19 =	sadd.s32 s24, s18;
	[dreg:$0x15] =	wrdreg s17  }
0x1c: {  	s21 =	sadd.s32 s25, s18;
	[dreg:$0x16] =	wrdreg s19  }
0x1d: {  	s0 =	sadd.s32 s23, s22;
	[dreg:$0x17] =	wrdreg s21  }
0x1e: {  	s6 =	sor.u32 $0x800, s28;
	s5 =	sadd.s32 s24, s1;
	[dreg:$0x18] =	wrdreg s0  }
0x1f: {  	s7 =	sadd.s32 s25, s1;
	s8 =	sshrl.u32 s6, $0x3;
	[dreg:$0x19] =	wrdreg s5  }
0x20: {  	s10 =	sshll.u32 s6, $0x4;
	[dreg:$0x1a] =	wrdreg s7;
	s9 =	sadd.s32 s23, s8  }
0x21: {  	s12 =	sor.u32 $0x900, s28;
	s11 =	sadd.s32 s24, s10;
	[dreg:$0x1b] =	wrdreg s9  }
0x22: {  	s13 =	sadd.s32 s25, s10;
	s14 =	sshrl.u32 s12, $0x3;
	[dreg:$0x1c] =	wrdreg s11  }
0x23: {  	s16 =	sshll.u32 s12, $0x4;
	[dreg:$0x1d] =	wrdreg s13;
	s15 =	sadd.s32 s23, s14  }
0x24: {  	s17 =	sadd.s32 s24, s16;
	s9 =	sor.u32 $0xA00, s28;
	[dreg:$0x1e] =	wrdreg s15  }
0x25: {  	s18 =	sadd.s32 s25, s16;
	[dreg:$0x1f] =	wrdreg s17;
	s19 =	sshrl.u32 s9, $0x3  }
0x26: {  	[smem:$0x7FC] =	sst s18;
	s21 =	sadd.s32 s23, s19  }
0x27: {  	s3 =	simm.s32 $0x2;
	[smem:$0x7FD] =	sst s21  }
0x28: {  	_ =	swait.ge [sflag:s3], $0x100  }
0x29: {  	s4 =	sadd.s32 $0x7000, s26;
	[sflag:s3] =	ssyncset.done $0x0  }
0x2a: {  	s6 =	simm.s32 $0x1;
	s5 =	simm.s32 $0x100;
	[sflag:s3] =	ssyncadd.s32 $0xFFFFFF00  }
0x2b: {  	[tilespmem:s5], [sflag:$0x1] =	stream.indirect.gather [hbm4b:s4+s5], $0x80, s2, s5, $0xb8;
	[tilespmem:$0x14180] =	vst v63  }
0x2c: {  	_ =	swait.ge [sflag:s6], $0x8000  }
0x2d: {  	[sflag:s6] =	ssyncset.done $0x0  }
0x2e: {  	s7 =	rddreg [dreg:$0x4];
	[sflag:s6] =	ssyncadd.s32 $0xFFFF8000  }
0x2f: {  	[hbm4b:s7+s2] =	stream.linear.scatter [tilespmem:s5], [sflag:$0x2], $0x8000, $0x38;
	[tilespmem:$0x14180] =	vst v63  }
0x30: {  	_ =	swait.ge [sflag:s3], $0x8000  }
0x31: {  	[sflag:s3] =	ssyncset.done $0x0  }
0x32: {  	s8 =	simm.s32 $0x8100;
	s7 =	sadd.s32 $0x47000, s26;
	[sflag:s3] =	ssyncadd.s32 $0xFFFF8000  }
0x33: {  	[tilespmem:s8], [sflag:$0x1] =	stream.indirect.gather [hbm4b:s7+s5], $0x80, s2, s5, $0xb8;
	[tilespmem:$0x14180] =	vst v63  }
0x34: {  	_ =	swait.ge [sflag:s6], $0x8000  }
0x35: {  	[sflag:s6] =	ssyncset.done $0x0  }
0x36: {  	s10 =	rddreg [dreg:$0x5];
	[sflag:s6] =	ssyncadd.s32 $0xFFFF8000  }
0x37: {  	[hbm4b:s10+s2] =	stream.linear.scatter [tilespmem:s8], [sflag:$0x2], $0x8000, $0x38;
	[tilespmem:$0x14180] =	vst v63  }
0x38: {  	_ =	swait.ge [sflag:s3], $0x8000  }
0x39: {  	[sflag:s3] =	ssyncset.done $0x0  }
0x3a: {  	s22 =	rddreg [dreg:$0x6];
	[sflag:s3] =	ssyncadd.s32 $0xFFFF8000  }
0x3b: {  	[tilespmem:s2], [sflag:$0x2] =	stream.linear.gather [hbm4b:s22+s2], $0x100, $0x38;
	[tilespmem:$0x14180] =	vst v63  }
0x3c: {  	_ =	swait.ge [sflag:s3], $0x100  }
0x3d: {  	[sflag:s3] =	ssyncset.done $0x0  }
0x3e: {  	[sflag:s3] =	ssyncadd.s32 $0xFFFFFF00  }
0x3f: {  	[tilespmem:s5], [sflag:$0x1] =	stream.indirect.gather [hbm4b:s4+s5], $0x80, s2, s5, $0xb8;
	[tilespmem:$0x14180] =	vst v63  }
0x40: {  	_ =	swait.ge [sflag:s6], $0x8000  }
0x41: {  	[sflag:s6] =	ssyncset.done $0x0  }
0x42: {  	s0 =	rddreg [dreg:$0x7];
	[sflag:s6] =	ssyncadd.s32 $0xFFFF8000  }
0x43: {  	[hbm4b:s0+s2] =	stream.linear.scatter [tilespmem:s5], [sflag:$0x2], $0x8000, $0x38;
	[tilespmem:$0x14180] =	vst v63  }
0x44: {  	_ =	swait.ge [sflag:s3], $0x8000  }
0x45: {  	[sflag:s3] =	ssyncset.done $0x0  }
0x46: {  	[sflag:s3] =	ssyncadd.s32 $0xFFFF8000  }
0x47: {  	[tilespmem:s8], [sflag:$0x1] =	stream.indirect.gather [hbm4b:s7+s5], $0x80, s2, s5, $0xb8;
	[tilespmem:$0x14180] =	vst v63  }
0x48: {  	_ =	swait.ge [sflag:s6], $0x8000  }
0x49: {  	[sflag:s6] =	ssyncset.done $0x0  }
0x4a: {  	s1 =	rddreg [dreg:$0x8];
	[sflag:s6] =	ssyncadd.s32 $0xFFFF8000  }
0x4b: {  	[hbm4b:s1+s2] =	stream.linear.scatter [tilespmem:s8], [sflag:$0x2], $0x8000, $0x38;
	[tilespmem:$0x14180] =	vst v63  }
0x4c: {  	_ =	swait.ge [sflag:s3], $0x8000  }
0x4d: {  	[sflag:s3] =	ssyncset.done $0x0  }
0x4e: {  	s11 =	rddreg [dreg:$0x9];
	[sflag:s3] =	ssyncadd.s32 $0xFFFF8000  }
0x4f: {  	[tilespmem:s2], [sflag:$0x2] =	stream.linear.gather [hbm4b:s11+s2], $0x100, $0x38;
	[tilespmem:$0x14180] =	vst v63  }
0x50: {  	_ =	swait.ge [sflag:s3], $0x100  }
0x51: {  	[sflag:s3] =	ssyncset.done $0x0  }
0x52: {  	[sflag:s3] =	ssyncadd.s32 $0xFFFFFF00  }
0x53: {  	[tilespmem:s5], [sflag:$0x1] =	stream.indirect.gather [hbm4b:s4+s5], $0x80, s2, s5, $0xb8;
	[tilespmem:$0x14180] =	vst v63  }
0x54: {  	_ =	swait.ge [sflag:s6], $0x8000  }
0x55: {  	[sflag:s6] =	ssyncset.done $0x0  }
0x56: {  	s12 =	rddreg [dreg:$0xa];
	[sflag:s6] =	ssyncadd.s32 $0xFFFF8000  }
0x57: {  	[hbm4b:s12+s2] =	stream.linear.scatter [tilespmem:s5], [sflag:$0x2], $0x8000, $0x38;
	[tilespmem:$0x14180] =	vst v63  }
0x58: {  	_ =	swait.ge [sflag:s3], $0x8000  }
0x59: {  	[sflag:s3] =	ssyncset.done $0x0  }
0x5a: {  	[sflag:s3] =	ssyncadd.s32 $0xFFFF8000  }
0x5b: {  	[tilespmem:s8], [sflag:$0x1] =	stream.indirect.gather [hbm4b:s7+s5], $0x80, s2, s5, $0xb8;
	[tilespmem:$0x14180] =	vst v63  }
0x5c: {  	_ =	swait.ge [sflag:s6], $0x8000  }
0x5d: {  	[sflag:s6] =	ssyncset.done $0x0  }
0x5e: {  	s13 =	rddreg [dreg:$0xb];
	[sflag:s6] =	ssyncadd.s32 $0xFFFF8000  }
0x5f: {  	[hbm4b:s13+s2] =	stream.linear.scatter [tilespmem:s8], [sflag:$0x2], $0x8000, $0x38;
	[tilespmem:$0x14180] =	vst v63  }
0x60: {  	_ =	swait.ge [sflag:s3], $0x8000  }
0x61: {  	[sflag:s3] =	ssyncset.done $0x0  }
0x62: {  	s14 =	rddreg [dreg:$0xc];
	[sflag:s3] =	ssyncadd.s32 $0xFFFF8000  }
0x63: {  	[tilespmem:s2], [sflag:$0x2] =	stream.linear.gather [hbm4b:s14+s2], $0x100, $0x38;
	[tilespmem:$0x14180] =	vst v63  }
0x64: {  	_ =	swait.ge [sflag:s3], $0x100  }
0x65: {  	[sflag:s3] =	ssyncset.done $0x0  }
0x66: {  	[sflag:s3] =	ssyncadd.s32 $0xFFFFFF00  }
0x67: {  	[tilespmem:s5], [sflag:$0x1] =	stream.indirect.gather [hbm4b:s4+s5], $0x80, s2, s5, $0xb8;
	[tilespmem:$0x14180] =	vst v63  }
0x68: {  	_ =	swait.ge [sflag:s6], $0x8000  }
0x69: {  	[sflag:s6] =	ssyncset.done $0x0  }
0x6a: {  	s15 =	rddreg [dreg:$0xd];
	[sflag:s6] =	ssyncadd.s32 $0xFFFF8000  }
0x6b: {  	[hbm4b:s15+s2] =	stream.linear.scatter [tilespmem:s5], [sflag:$0x2], $0x8000, $0x38;
	[tilespmem:$0x14180] =	vst v63  }
0x6c: {  	_ =	swait.ge [sflag:s3], $0x8000  }
0x6d: {  	[sflag:s3] =	ssyncset.done $0x0  }
0x6e: {  	[sflag:s3] =	ssyncadd.s32 $0xFFFF8000  }
0x6f: {  	[tilespmem:s8], [sflag:$0x1] =	stream.indirect.gather [hbm4b:s7+s5], $0x80, s2, s5, $0xb8;
	[tilespmem:$0x14180] =	vst v63  }
0x70: {  	_ =	swait.ge [sflag:s6], $0x8000  }
0x71: {  	[sflag:s6] =	ssyncset.done $0x0  }
0x72: {  	s16 =	rddreg [dreg:$0xe];
	[sflag:s6] =	ssyncadd.s32 $0xFFFF8000  }
0x73: {  	[hbm4b:s16+s2] =	stream.linear.scatter [tilespmem:s8], [sflag:$0x2], $0x8000, $0x38;
	[tilespmem:$0x14180] =	vst v63  }
0x74: {  	_ =	swait.ge [sflag:s3], $0x8000  }
0x75: {  	[sflag:s3] =	ssyncset.done $0x0  }
0x76: {  	s17 =	rddreg [dreg:$0xf];
	[sflag:s3] =	ssyncadd.s32 $0xFFFF8000  }
0x77: {  	[tilespmem:s2], [sflag:$0x2] =	stream.linear.gather [hbm4b:s17+s2], $0x100, $0x38;
	[tilespmem:$0x14180] =	vst v63  }
0x78: {  	_ =	swait.ge [sflag:s3], $0x100  }
0x79: {  	[sflag:s3] =	ssyncset.done $0x0  }
0x7a: {  	[sflag:s3] =	ssyncadd.s32 $0xFFFFFF00  }
0x7b: {  	[tilespmem:s5], [sflag:$0x1] =	stream.indirect.gather [hbm4b:s4+s5], $0x80, s2, s5, $0xb8;
	[tilespmem:$0x14180] =	vst v63  }
0x7c: {  	_ =	swait.ge [sflag:s6], $0x8000  }
0x7d: {  	[sflag:s6] =	ssyncset.done $0x0  }
0x7e: {  	s18 =	rddreg [dreg:$0x10];
	[sflag:s6] =	ssyncadd.s32 $0xFFFF8000  }
0x7f: {  	[hbm4b:s18+s2] =	stream.linear.scatter [tilespmem:s5], [sflag:$0x2], $0x8000, $0x38;
	[tilespmem:$0x14180] =	vst v63  }
0x80: {  	_ =	swait.ge [sflag:s3], $0x8000  }
0x81: {  	[sflag:s3] =	ssyncset.done $0x0  }
0x82: {  	[sflag:s3] =	ssyncadd.s32 $0xFFFF8000  }
0x83: {  	[tilespmem:s8], [sflag:$0x1] =	stream.indirect.gather [hbm4b:s7+s5], $0x80, s2, s5, $0xb8;
	[tilespmem:$0x14180] =	vst v63  }
0x84: {  	_ =	swait.ge [sflag:s6], $0x8000  }
0x85: {  	[sflag:s6] =	ssyncset.done $0x0  }
0x86: {  	s19 =	rddreg [dreg:$0x11];
	[sflag:s6] =	ssyncadd.s32 $0xFFFF8000  }
0x87: {  	[hbm4b:s19+s2] =	stream.linear.scatter [tilespmem:s8], [sflag:$0x2], $0x8000, $0x38;
	[tilespmem:$0x14180] =	vst v63  }
0x88: {  	_ =	swait.ge [sflag:s3], $0x8000  }
0x89: {  	[sflag:s3] =	ssyncset.done $0x0  }
0x8a: {  	s20 =	rddreg [dreg:$0x12];
	[sflag:s3] =	ssyncadd.s32 $0xFFFF8000  }
0x8b: {  	[tilespmem:s2], [sflag:$0x2] =	stream.linear.gather [hbm4b:s20+s2], $0x100, $0x38;
	[tilespmem:$0x14180] =	vst v63  }
0x8c: {  	_ =	swait.ge [sflag:s3], $0x100  }
0x8d: {  	[sflag:s3] =	ssyncset.done $0x0  }
0x8e: {  	[sflag:s3] =	ssyncadd.s32 $0xFFFFFF00  }
0x8f: {  	[tilespmem:s5], [sflag:$0x1] =	stream.indirect.gather [hbm4b:s4+s5], $0x80, s2, s5, $0xb8;
	[tilespmem:$0x14180] =	vst v63  }
0x90: {  	_ =	swait.ge [sflag:s6], $0x8000  }
0x91: {  	[sflag:s6] =	ssyncset.done $0x0  }
0x92: {  	s21 =	rddreg [dreg:$0x13];
	[sflag:s6] =	ssyncadd.s32 $0xFFFF8000  }
0x93: {  	[hbm4b:s21+s2] =	stream.linear.scatter [tilespmem:s5], [sflag:$0x2], $0x8000, $0x38;
	[tilespmem:$0x14180] =	vst v63  }
0x94: {  	_ =	swait.ge [sflag:s3], $0x8000  }
0x95: {  	[sflag:s3] =	ssyncset.done $0x0  }
0x96: {  	[sflag:s3] =	ssyncadd.s32 $0xFFFF8000  }
0x97: {  	[tilespmem:s8], [sflag:$0x1] =	stream.indirect.gather [hbm4b:s7+s5], $0x80, s2, s5, $0xb8;
	[tilespmem:$0x14180] =	vst v63  }
0x98: {  	_ =	swait.ge [sflag:s6], $0x8000  }
0x99: {  	[sflag:s6] =	ssyncset.done $0x0  }
0x9a: {  	s22 =	rddreg [dreg:$0x14];
	[sflag:s6] =	ssyncadd.s32 $0xFFFF8000  }
0x9b: {  	[hbm4b:s22+s2] =	stream.linear.scatter [tilespmem:s8], [sflag:$0x2], $0x8000, $0x38;
	[tilespmem:$0x14180] =	vst v63  }
0x9c: {  	_ =	swait.ge [sflag:s3], $0x8000  }
0x9d: {  	[sflag:s3] =	ssyncset.done $0x0  }
0x9e: {  	s0 =	rddreg [dreg:$0x15];
	[sflag:s3] =	ssyncadd.s32 $0xFFFF8000  }
0x9f: {  	[tilespmem:s2], [sflag:$0x2] =	stream.linear.gather [hbm4b:s0+s2], $0x100, $0x38;
	[tilespmem:$0x14180] =	vst v63  }
0xa0: {  	_ =	swait.ge [sflag:s3], $0x100  }
0xa1: {  	[sflag:s3] =	ssyncset.done $0x0  }
0xa2: {  	[sflag:s3] =	ssyncadd.s32 $0xFFFFFF00  }
0xa3: {  	[tilespmem:s5], [sflag:$0x1] =	stream.indirect.gather [hbm4b:s4+s5], $0x80, s2, s5, $0xb8;
	[tilespmem:$0x14180] =	vst v63  }
0xa4: {  	_ =	swait.ge [sflag:s6], $0x8000  }
0xa5: {  	[sflag:s6] =	ssyncset.done $0x0  }
0xa6: {  	s1 =	rddreg [dreg:$0x16];
	[sflag:s6] =	ssyncadd.s32 $0xFFFF8000  }
0xa7: {  	[hbm4b:s1+s2] =	stream.linear.scatter [tilespmem:s5], [sflag:$0x2], $0x8000, $0x38;
	[tilespmem:$0x14180] =	vst v63  }
0xa8: {  	_ =	swait.ge [sflag:s3], $0x8000  }
0xa9: {  	[sflag:s3] =	ssyncset.done $0x0  }
0xaa: {  	[sflag:s3] =	ssyncadd.s32 $0xFFFF8000  }
0xab: {  	[tilespmem:s8], [sflag:$0x1] =	stream.indirect.gather [hbm4b:s7+s5], $0x80, s2, s5, $0xb8;
	[tilespmem:$0x14180] =	vst v63  }
0xac: {  	_ =	swait.ge [sflag:s6], $0x8000  }
0xad: {  	[sflag:s6] =	ssyncset.done $0x0  }
0xae: {  	s11 =	rddreg [dreg:$0x17];
	[sflag:s6] =	ssyncadd.s32 $0xFFFF8000  }
0xaf: {  	[hbm4b:s11+s2] =	stream.linear.scatter [tilespmem:s8], [sflag:$0x2], $0x8000, $0x38;
	[tilespmem:$0x14180] =	vst v63  }
0xb0: {  	_ =	swait.ge [sflag:s3], $0x8000  }
0xb1: {  	[sflag:s3] =	ssyncset.done $0x0  }
0xb2: {  	s12 =	rddreg [dreg:$0x18];
	[sflag:s3] =	ssyncadd.s32 $0xFFFF8000  }
0xb3: {  	[tilespmem:s2], [sflag:$0x2] =	stream.linear.gather [hbm4b:s12+s2], $0x100, $0x38;
	[tilespmem:$0x14180] =	vst v63  }
0xb4: {  	_ =	swait.ge [sflag:s3], $0x100  }
0xb5: {  	[sflag:s3] =	ssyncset.done $0x0  }
0xb6: {  	[sflag:s3] =	ssyncadd.s32 $0xFFFFFF00  }
0xb7: {  	[tilespmem:s5], [sflag:$0x1] =	stream.indirect.gather [hbm4b:s4+s5], $0x80, s2, s5, $0xb8;
	[tilespmem:$0x14180] =	vst v63  }
0xb8: {  	_ =	swait.ge [sflag:s6], $0x8000  }
0xb9: {  	[sflag:s6] =	ssyncset.done $0x0  }
0xba: {  	s13 =	rddreg [dreg:$0x19];
	[sflag:s6] =	ssyncadd.s32 $0xFFFF8000  }
0xbb: {  	[hbm4b:s13+s2] =	stream.linear.scatter [tilespmem:s5], [sflag:$0x2], $0x8000, $0x38;
	[tilespmem:$0x14180] =	vst v63  }
0xbc: {  	_ =	swait.ge [sflag:s3], $0x8000  }
0xbd: {  	[sflag:s3] =	ssyncset.done $0x0  }
0xbe: {  	[sflag:s3] =	ssyncadd.s32 $0xFFFF8000  }
0xbf: {  	[tilespmem:s8], [sflag:$0x1] =	stream.indirect.gather [hbm4b:s7+s5], $0x80, s2, s5, $0xb8;
	[tilespmem:$0x14180] =	vst v63  }
0xc0: {  	_ =	swait.ge [sflag:s6], $0x8000  }
0xc1: {  	[sflag:s6] =	ssyncset.done $0x0  }
0xc2: {  	s14 =	rddreg [dreg:$0x1a];
	[sflag:s6] =	ssyncadd.s32 $0xFFFF8000  }
0xc3: {  	[hbm4b:s14+s2] =	stream.linear.scatter [tilespmem:s8], [sflag:$0x2], $0x8000, $0x38;
	[tilespmem:$0x14180] =	vst v63  }
0xc4: {  	_ =	swait.ge [sflag:s3], $0x8000  }
0xc5: {  	[sflag:s3] =	ssyncset.done $0x0  }
0xc6: {  	s15 =	rddreg [dreg:$0x1b];
	[sflag:s3] =	ssyncadd.s32 $0xFFFF8000  }
0xc7: {  	[tilespmem:s2], [sflag:$0x2] =	stream.linear.gather [hbm4b:s15+s2], $0x100, $0x38;
	[tilespmem:$0x14180] =	vst v63  }
0xc8: {  	_ =	swait.ge [sflag:s3], $0x100  }
0xc9: {  	[sflag:s3] =	ssyncset.done $0x0  }
0xca: {  	[sflag:s3] =	ssyncadd.s32 $0xFFFFFF00  }
0xcb: {  	[tilespmem:s5], [sflag:$0x1] =	stream.indirect.gather [hbm4b:s4+s5], $0x80, s2, s5, $0xb8;
	[tilespmem:$0x14180] =	vst v63  }
0xcc: {  	_ =	swait.ge [sflag:s6], $0x8000  }
0xcd: {  	[sflag:s6] =	ssyncset.done $0x0  }
0xce: {  	s16 =	rddreg [dreg:$0x1c];
	[sflag:s6] =	ssyncadd.s32 $0xFFFF8000  }
0xcf: {  	[hbm4b:s16+s2] =	stream.linear.scatter [tilespmem:s5], [sflag:$0x2], $0x8000, $0x38;
	[tilespmem:$0x14180] =	vst v63  }
0xd0: {  	_ =	swait.ge [sflag:s3], $0x8000  }
0xd1: {  	[sflag:s3] =	ssyncset.done $0x0  }
0xd2: {  	[sflag:s3] =	ssyncadd.s32 $0xFFFF8000  }
0xd3: {  	[tilespmem:s8], [sflag:$0x1] =	stream.indirect.gather [hbm4b:s7+s5], $0x80, s2, s5, $0xb8;
	[tilespmem:$0x14180] =	vst v63  }
0xd4: {  	_ =	swait.ge [sflag:s6], $0x8000  }
0xd5: {  	[sflag:s6] =	ssyncset.done $0x0  }
0xd6: {  	s17 =	rddreg [dreg:$0x1d];
	[sflag:s6] =	ssyncadd.s32 $0xFFFF8000  }
0xd7: {  	[hbm4b:s17+s2] =	stream.linear.scatter [tilespmem:s8], [sflag:$0x2], $0x8000, $0x38;
	[tilespmem:$0x14180] =	vst v63  }
0xd8: {  	_ =	swait.ge [sflag:s3], $0x8000  }
0xd9: {  	[sflag:s3] =	ssyncset.done $0x0  }
0xda: {  	s18 =	rddreg [dreg:$0x1e];
	[sflag:s3] =	ssyncadd.s32 $0xFFFF8000  }
0xdb: {  	[tilespmem:s2], [sflag:$0x2] =	stream.linear.gather [hbm4b:s18+s2], $0x100, $0x38;
	[tilespmem:$0x14180] =	vst v63  }
0xdc: {  	_ =	swait.ge [sflag:s3], $0x100  }
0xdd: {  	[sflag:s3] =	ssyncset.done $0x0  }
0xde: {  	[sflag:s3] =	ssyncadd.s32 $0xFFFFFF00  }
0xdf: {  	[tilespmem:s5], [sflag:$0x1] =	stream.indirect.gather [hbm4b:s4+s5], $0x80, s2, s5, $0xb8;
	[tilespmem:$0x14180] =	vst v63  }
0xe0: {  	_ =	swait.ge [sflag:s6], $0x8000  }
0xe1: {  	[sflag:s6] =	ssyncset.done $0x0  }
0xe2: {  	s19 =	rddreg [dreg:$0x1f];
	[sflag:s6] =	ssyncadd.s32 $0xFFFF8000  }
0xe3: {  	[hbm4b:s19+s2] =	stream.linear.scatter [tilespmem:s5], [sflag:$0x2], $0x8000, $0x38;
	[tilespmem:$0x14180] =	vst v63  }
0xe4: {  	_ =	swait.ge [sflag:s3], $0x8000  }
0xe5: {  	[sflag:s3] =	ssyncset.done $0x0  }
0xe6: {  	[sflag:s3] =	ssyncadd.s32 $0xFFFF8000  }
0xe7: {  	[tilespmem:s8], [sflag:$0x1] =	stream.indirect.gather [hbm4b:s7+s5], $0x80, s2, s5, $0xb8;
	[tilespmem:$0x14180] =	vst v63  }
0xe8: {  	_ =	swait.ge [sflag:s6], $0x8000  }
0xe9: {  	s20 =	sld [smem:$0x7FC]  }
0xea: {  	[sflag:s6] =	ssyncset.done $0x0  }
0xeb: {  	[sflag:s6] =	ssyncadd.s32 $0xFFFF8000  }
0xec: {  	[hbm4b:s20+s2] =	stream.linear.scatter [tilespmem:s8], [sflag:$0x2], $0x8000, $0x38;
	[tilespmem:$0x14180] =	vst v63  }
0xed: {  	_ =	swait.ge [sflag:s3], $0x8000  }
0xee: {  	s21 =	sld [smem:$0x7FD]  }
0xef: {  	[sflag:s3] =	ssyncset.done $0x0  }
0xf0: {  	[sflag:s3] =	ssyncadd.s32 $0xFFFF8000  }
0xf1: {  	[tilespmem:s2], [sflag:$0x2] =	stream.linear.gather [hbm4b:s21+s2], $0x100, $0x38;
	[tilespmem:$0x14180] =	vst v63  }
0xf2: {  	_ =	swait.ge [sflag:s3], $0x100  }
0xf3: {  	[sflag:s3] =	ssyncset.done $0x0  }
0xf4: {  	[sflag:s3] =	ssyncadd.s32 $0xFFFFFF00  }
0xf5: {  	[tilespmem:s5], [sflag:$0x1] =	stream.indirect.gather [hbm4b:s4+s5], $0x80, s2, s5, $0xb8;
	[tilespmem:$0x14180] =	vst v63  }
0xf6: {  	_ =	swait.ge [sflag:s6], $0x8000  }
0xf7: {  	s22 =	sshll.u32 s9, $0x4;
	[sflag:s6] =	ssyncset.done $0x0  }
0xf8: {  	s9 =	sadd.s32 s24, s22;
	[sflag:s6] =	ssyncadd.s32 $0xFFFF8000  }
0xf9: {  	[hbm4b:s9+s2] =	stream.linear.scatter [tilespmem:s5], [sflag:$0x2], $0x8000, $0x38;
	[tilespmem:$0x14180] =	vst v63  }
0xfa: {  	_ =	swait.ge [sflag:s3], $0x8000  }
0xfb: {  	[sflag:s3] =	ssyncset.done $0x0  }
0xfc: {  	[sflag:s3] =	ssyncadd.s32 $0xFFFF8000  }
0xfd: {  	[tilespmem:s8], [sflag:$0x1] =	stream.indirect.gather [hbm4b:s7+s5], $0x80, s2, s5, $0xb8;
	[tilespmem:$0x14180] =	vst v63  }
0xfe: {  	_ =	swait.ge [sflag:s6], $0x8000  }
0xff: {  	[sflag:s6] =	ssyncset.done $0x0  }
0x100: {  	s10 =	sadd.s32 s25, s22;
	[sflag:s6] =	ssyncadd.s32 $0xFFFF8000  }
0x101: {  	[hbm4b:s10+s2] =	stream.linear.scatter [tilespmem:s8], [sflag:$0x2], $0x8000, $0x38;
	[tilespmem:$0x14180] =	vst v63  }
0x102: {  	s12 =	sor.u32 $0xB00, s28;
	_ =	swait.ge [sflag:s3], $0x8000  }
0x103: {  	s11 =	sshrl.u32 s12, $0x3;
	[sflag:s3] =	ssyncset.done $0x0  }
0x104: {  	s11 =	sadd.s32 s23, s11;
	[sflag:s3] =	ssyncadd.s32 $0xFFFF8000  }
0x105: {  	[tilespmem:s2], [sflag:$0x2] =	stream.linear.gather [hbm4b:s11+s2], $0x100, $0x38;
	[tilespmem:$0x14180] =	vst v63  }
0x106: {  	_ =	swait.ge [sflag:s3], $0x100  }
0x107: {  	[sflag:s3] =	ssyncset.done $0x0  }
0x108: {  	[sflag:s3] =	ssyncadd.s32 $0xFFFFFF00  }
0x109: {  	[tilespmem:s5], [sflag:$0x1] =	stream.indirect.gather [hbm4b:s4+s5], $0x80, s2, s5, $0xb8;
	[tilespmem:$0x14180] =	vst v63  }
0x10a: {  	_ =	swait.ge [sflag:s6], $0x8000  }
0x10b: {  	s13 =	sshll.u32 s12, $0x4;
	[sflag:s6] =	ssyncset.done $0x0  }
0x10c: {  	s12 =	sadd.s32 s24, s13;
	[sflag:s6] =	ssyncadd.s32 $0xFFFF8000  }
0x10d: {  	[hbm4b:s12+s2] =	stream.linear.scatter [tilespmem:s5], [sflag:$0x2], $0x8000, $0x38;
	[tilespmem:$0x14180] =	vst v63  }
0x10e: {  	_ =	swait.ge [sflag:s3], $0x8000  }
0x10f: {  	[sflag:s3] =	ssyncset.done $0x0  }
0x110: {  	[sflag:s3] =	ssyncadd.s32 $0xFFFF8000  }
0x111: {  	[tilespmem:s8], [sflag:$0x1] =	stream.indirect.gather [hbm4b:s7+s5], $0x80, s2, s5, $0xb8;
	[tilespmem:$0x14180] =	vst v63  }
0x112: {  	_ =	swait.ge [sflag:s6], $0x8000  }
0x113: {  	[sflag:s6] =	ssyncset.done $0x0  }
0x114: {  	s13 =	sadd.s32 s25, s13;
	[sflag:s6] =	ssyncadd.s32 $0xFFFF8000  }
0x115: {  	[hbm4b:s13+s2] =	stream.linear.scatter [tilespmem:s8], [sflag:$0x2], $0x8000, $0x38;
	[tilespmem:$0x14180] =	vst v63  }
0x116: {  	s15 =	sor.u32 $0xC00, s28;
	_ =	swait.ge [sflag:s3], $0x8000  }
0x117: {  	s14 =	sshrl.u32 s15, $0x3;
	[sflag:s3] =	ssyncset.done $0x0  }
0x118: {  	s14 =	sadd.s32 s23, s14;
	[sflag:s3] =	ssyncadd.s32 $0xFFFF8000  }
0x119: {  	[tilespmem:s2], [sflag:$0x2] =	stream.linear.gather [hbm4b:s14+s2], $0x100, $0x38;
	[tilespmem:$0x14180] =	vst v63  }
0x11a: {  	_ =	swait.ge [sflag:s3], $0x100  }
0x11b: {  	[sflag:s3] =	ssyncset.done $0x0  }
0x11c: {  	[sflag:s3] =	ssyncadd.s32 $0xFFFFFF00  }
0x11d: {  	[tilespmem:s5], [sflag:$0x1] =	stream.indirect.gather [hbm4b:s4+s5], $0x80, s2, s5, $0xb8;
	[tilespmem:$0x14180] =	vst v63  }
0x11e: {  	_ =	swait.ge [sflag:s6], $0x8000  }
0x11f: {  	s16 =	sshll.u32 s15, $0x4;
	[sflag:s6] =	ssyncset.done $0x0  }
0x120: {  	s15 =	sadd.s32 s24, s16;
	[sflag:s6] =	ssyncadd.s32 $0xFFFF8000  }
0x121: {  	[hbm4b:s15+s2] =	stream.linear.scatter [tilespmem:s5], [sflag:$0x2], $0x8000, $0x38;
	[tilespmem:$0x14180] =	vst v63  }
0x122: {  	_ =	swait.ge [sflag:s3], $0x8000  }
0x123: {  	[sflag:s3] =	ssyncset.done $0x0  }
0x124: {  	[sflag:s3] =	ssyncadd.s32 $0xFFFF8000  }
0x125: {  	[tilespmem:s8], [sflag:$0x1] =	stream.indirect.gather [hbm4b:s7+s5], $0x80, s2, s5, $0xb8;
	[tilespmem:$0x14180] =	vst v63  }
0x126: {  	_ =	swait.ge [sflag:s6], $0x8000  }
0x127: {  	[sflag:s6] =	ssyncset.done $0x0  }
0x128: {  	s16 =	sadd.s32 s25, s16;
	[sflag:s6] =	ssyncadd.s32 $0xFFFF8000  }
0x129: {  	[hbm4b:s16+s2] =	stream.linear.scatter [tilespmem:s8], [sflag:$0x2], $0x8000, $0x38;
	[tilespmem:$0x14180] =	vst v63  }
0x12a: {  	s18 =	sor.u32 $0xD00, s28;
	_ =	swait.ge [sflag:s3], $0x8000  }
0x12b: {  	s17 =	sshrl.u32 s18, $0x3;
	[sflag:s3] =	ssyncset.done $0x0  }
0x12c: {  	s17 =	sadd.s32 s23, s17;
	[sflag:s3] =	ssyncadd.s32 $0xFFFF8000  }
0x12d: {  	[tilespmem:s2], [sflag:$0x2] =	stream.linear.gather [hbm4b:s17+s2], $0x100, $0x38;
	[tilespmem:$0x14180] =	vst v63  }
0x12e: {  	_ =	swait.ge [sflag:s3], $0x100  }
0x12f: {  	[sflag:s3] =	ssyncset.done $0x0  }
0x130: {  	[sflag:s3] =	ssyncadd.s32 $0xFFFFFF00  }
0x131: {  	[tilespmem:s5], [sflag:$0x1] =	stream.indirect.gather [hbm4b:s4+s5], $0x80, s2, s5, $0xb8;
	[tilespmem:$0x14180] =	vst v63  }
0x132: {  	_ =	swait.ge [sflag:s6], $0x8000  }
0x133: {  	s19 =	sshll.u32 s18, $0x4;
	[sflag:s6] =	ssyncset.done $0x0  }
0x134: {  	s18 =	sadd.s32 s24, s19;
	[sflag:s6] =	ssyncadd.s32 $0xFFFF8000  }
0x135: {  	[hbm4b:s18+s2] =	stream.linear.scatter [tilespmem:s5], [sflag:$0x2], $0x8000, $0x38;
	[tilespmem:$0x14180] =	vst v63  }
0x136: {  	_ =	swait.ge [sflag:s3], $0x8000  }
0x137: {  	[sflag:s3] =	ssyncset.done $0x0  }
0x138: {  	[sflag:s3] =	ssyncadd.s32 $0xFFFF8000  }
0x139: {  	[tilespmem:s8], [sflag:$0x1] =	stream.indirect.gather [hbm4b:s7+s5], $0x80, s2, s5, $0xb8;
	[tilespmem:$0x14180] =	vst v63  }
0x13a: {  	_ =	swait.ge [sflag:s6], $0x8000  }
0x13b: {  	[sflag:s6] =	ssyncset.done $0x0  }
0x13c: {  	s19 =	sadd.s32 s25, s19;
	[sflag:s6] =	ssyncadd.s32 $0xFFFF8000  }
0x13d: {  	[hbm4b:s19+s2] =	stream.linear.scatter [tilespmem:s8], [sflag:$0x2], $0x8000, $0x38;
	[tilespmem:$0x14180] =	vst v63  }
0x13e: {  	s21 =	sor.u32 $0xE00, s28;
	_ =	swait.ge [sflag:s3], $0x8000  }
0x13f: {  	s20 =	sshrl.u32 s21, $0x3;
	[sflag:s3] =	ssyncset.done $0x0  }
0x140: {  	s20 =	sadd.s32 s23, s20;
	[sflag:s3] =	ssyncadd.s32 $0xFFFF8000  }
0x141: {  	[tilespmem:s2], [sflag:$0x2] =	stream.linear.gather [hbm4b:s20+s2], $0x100, $0x38;
	[tilespmem:$0x14180] =	vst v63  }
0x142: {  	_ =	swait.ge [sflag:s3], $0x100  }
0x143: {  	[sflag:s3] =	ssyncset.done $0x0  }
0x144: {  	[sflag:s3] =	ssyncadd.s32 $0xFFFFFF00  }
0x145: {  	[tilespmem:s5], [sflag:$0x1] =	stream.indirect.gather [hbm4b:s4+s5], $0x80, s2, s5, $0xb8;
	[tilespmem:$0x14180] =	vst v63  }
0x146: {  	_ =	swait.ge [sflag:s6], $0x8000  }
0x147: {  	s22 =	sshll.u32 s21, $0x4;
	[sflag:s6] =	ssyncset.done $0x0  }
0x148: {  	s21 =	sadd.s32 s24, s22;
	[sflag:s6] =	ssyncadd.s32 $0xFFFF8000  }
0x149: {  	[hbm4b:s21+s2] =	stream.linear.scatter [tilespmem:s5], [sflag:$0x2], $0x8000, $0x38;
	[tilespmem:$0x14180] =	vst v63  }
0x14a: {  	_ =	swait.ge [sflag:s3], $0x8000  }
0x14b: {  	[sflag:s3] =	ssyncset.done $0x0  }
0x14c: {  	[sflag:s3] =	ssyncadd.s32 $0xFFFF8000  }
0x14d: {  	[tilespmem:s8], [sflag:$0x1] =	stream.indirect.gather [hbm4b:s7+s5], $0x80, s2, s5, $0xb8;
	[tilespmem:$0x14180] =	vst v63  }
0x14e: {  	_ =	swait.ge [sflag:s6], $0x8000  }
0x14f: {  	[sflag:s6] =	ssyncset.done $0x0  }
0x150: {  	s22 =	sadd.s32 s25, s22;
	[sflag:s6] =	ssyncadd.s32 $0xFFFF8000  }
0x151: {  	[hbm4b:s22+s2] =	stream.linear.scatter [tilespmem:s8], [sflag:$0x2], $0x8000, $0x38;
	[tilespmem:$0x14180] =	vst v63  }
0x152: {  	s28 =	sor.u32 $0xF00, s28;
	_ =	swait.ge [sflag:s3], $0x8000  }
0x153: {  	s30 =	sshrl.u32 s28, $0x3;
	[sflag:s3] =	ssyncset.done $0x0  }
0x154: {  	s23 =	sadd.s32 s23, s30;
	[sflag:s3] =	ssyncadd.s32 $0xFFFF8000  }
0x155: {  	[tilespmem:s2], [sflag:$0x2] =	stream.linear.gather [hbm4b:s23+s2], $0x100, $0x38;
	[tilespmem:$0x14180] =	vst v63  }
0x156: {  	_ =	swait.ge [sflag:s3], $0x100  }
0x157: {  	[sflag:s3] =	ssyncset.done $0x0  }
0x158: {  	[sflag:s3] =	ssyncadd.s32 $0xFFFFFF00  }
0x159: {  	[tilespmem:s5], [sflag:$0x1] =	stream.indirect.gather [hbm4b:s4+s5], $0x80, s2, s5, $0xb8;
	[tilespmem:$0x14180] =	vst v63  }
0x15a: {  	_ =	swait.ge [sflag:s6], $0x8000  }
0x15b: {  	s28 =	sshll.u32 s28, $0x4;
	[sflag:s6] =	ssyncset.done $0x0  }
0x15c: {  	s24 =	sadd.s32 s24, s28;
	[sflag:s6] =	ssyncadd.s32 $0xFFFF8000  }
0x15d: {  	[hbm4b:s24+s2] =	stream.linear.scatter [tilespmem:s5], [sflag:$0x2], $0x8000, $0x38;
	[tilespmem:$0x14180] =	vst v63  }
0x15e: {  	_ =	swait.ge [sflag:s3], $0x8000  }
0x15f: {  	[sflag:s3] =	ssyncset.done $0x0  }
0x160: {  	[sflag:s3] =	ssyncadd.s32 $0xFFFF8000  }
0x161: {  	[tilespmem:s8], [sflag:$0x1] =	stream.indirect.gather [hbm4b:s7+s5], $0x80, s2, s5, $0xb8;
	[tilespmem:$0x14180] =	vst v63  }
0x162: {  	_ =	swait.ge [sflag:s6], $0x8000  }
0x163: {  	[sflag:s6] =	ssyncset.done $0x0  }
0x164: {  	s25 =	sadd.s32 s25, s28;
	[sflag:s6] =	ssyncadd.s32 $0xFFFF8000  }
0x165: {  	[hbm4b:s25+s2] =	stream.linear.scatter [tilespmem:s8], [sflag:$0x2], $0x8000, $0x38;
	[tilespmem:$0x14180] =	vst v63  }
0x166: {  	s28 =	sshll.u32 s31, $0x4;
	_ =	swait.ge [sflag:s3], $0x8000  }
0x167: {  	s1 =	ssub.s32 $0x2, s29;
	s26 =	sadd.s32 s28, s26;
	[sflag:s3] =	ssyncset.done $0x0  }
0x168: {  	s28 =	simm.s32 $0x10100;
	s26 =	sadd.s32 $0x6E00, s26;
	[sflag:s3] =	ssyncadd.s32 $0xFFFF8000  }
0x169: {  	[tilespmem:s28], [sflag:$0x2] =	stream.linear.gather [hbm4b:s26+s2], $0x80, $0x38;
	[tilespmem:$0x14180] =	vst v63  }
0x16a: {  	s0 =	sshrl.u32 s1, $0x1;
	_ =	swait.ge [sflag:s3], $0x80  }
0x16b: {  	s29 =	simm.s32 $0x80;
	s0 =	ssub.s32 s1, s0;
	[sflag:s3] =	ssyncset.done $0x0  }
0x16c: {  	s0 =	smax.u32 s0, $0x1;
	s30 =	simm.s32 $0x10180;
	[sflag:s3] =	ssyncadd.s32 $0xFFFFFF80  }
0x16d: {  	[tilespmem:s30], [sflag:$0x1] =	stream.indirect.gather [hbm4b:s4+s29], $0x80, s28, s29, $0xb8;
	[tilespmem:$0x14180] =	vst v63  }
0x16e: {  	p0 =	sne.s32 s0, $0x1;
	_ =	swait.ge [sflag:s6], $0x4000  }
.Ltmp0:
0x16f: {  	[sflag:s6] =	ssyncset.done $0x0;
	(pc) =	sbr.rel @!p0 .LBB2_2-.Ltmp0, $4  }
0x170: {  	s1 =	sshll.u32 s31, $0xB;
	s31 =	rddreg [dreg:$0x1]  }
0x171: {  	[sflag:s6] =	ssyncadd.s32 $0xFFFFC000;
	s31 =	sadd.s32 s31, s1  }
0x172: {  	[hbm4b:s31+s2] =	stream.linear.scatter [tilespmem:s30], [sflag:$0x2], $0x4000, $0x38;
	[tilespmem:$0x14180] =	vst v63  }
0x173: {  	s0 =	sadd.s32 $0xFFFFFFFF, s0;
	_ =	swait.ge [sflag:s3], $0x4000  }
.LBB2_1:
0x174: {  	[sflag:s3] =	ssyncset.done $0x0  }
0x175: {  	s1 =	rddreg [dreg:$0x3];
	[sflag:s3] =	ssyncadd.s32 $0xFFFFC000  }
0x176: {  	[tilespmem:s2], [sflag:$0x2] =	stream.linear.gather [hbm4b:s1+s2], $0x100, $0x38;
	[tilespmem:$0x14180] =	vst v63  }
0x177: {  	_ =	swait.ge [sflag:s3], $0x100  }
0x178: {  	[sflag:s3] =	ssyncset.done $0x0  }
0x179: {  	[sflag:s3] =	ssyncadd.s32 $0xFFFFFF00  }
0x17a: {  	[tilespmem:s5], [sflag:$0x1] =	stream.indirect.gather [hbm4b:s4+s5], $0x80, s2, s5, $0xb8;
	[tilespmem:$0x14180] =	vst v63  }
0x17b: {  	_ =	swait.ge [sflag:s6], $0x8000  }
0x17c: {  	[sflag:s6] =	ssyncset.done $0x0  }
0x17d: {  	s1 =	rddreg [dreg:$0x4];
	[sflag:s6] =	ssyncadd.s32 $0xFFFF8000  }
0x17e: {  	[hbm4b:s1+s2] =	stream.linear.scatter [tilespmem:s5], [sflag:$0x2], $0x8000, $0x38;
	[tilespmem:$0x14180] =	vst v63  }
0x17f: {  	_ =	swait.ge [sflag:s3], $0x8000  }
0x180: {  	[sflag:s3] =	ssyncset.done $0x0  }
0x181: {  	[sflag:s3] =	ssyncadd.s32 $0xFFFF8000  }
0x182: {  	[tilespmem:s8], [sflag:$0x1] =	stream.indirect.gather [hbm4b:s7+s5], $0x80, s2, s5, $0xb8;
	[tilespmem:$0x14180] =	vst v63  }
0x183: {  	_ =	swait.ge [sflag:s6], $0x8000  }
0x184: {  	[sflag:s6] =	ssyncset.done $0x0  }
0x185: {  	s1 =	rddreg [dreg:$0x5];
	[sflag:s6] =	ssyncadd.s32 $0xFFFF8000  }
0x186: {  	[hbm4b:s1+s2] =	stream.linear.scatter [tilespmem:s8], [sflag:$0x2], $0x8000, $0x38;
	[tilespmem:$0x14180] =	vst v63  }
0x187: {  	_ =	swait.ge [sflag:s3], $0x8000  }
0x188: {  	[sflag:s3] =	ssyncset.done $0x0  }
0x189: {  	s1 =	rddreg [dreg:$0x6];
	[sflag:s3] =	ssyncadd.s32 $0xFFFF8000  }
0x18a: {  	[tilespmem:s2], [sflag:$0x2] =	stream.linear.gather [hbm4b:s1+s2], $0x100, $0x38;
	[tilespmem:$0x14180] =	vst v63  }
0x18b: {  	_ =	swait.ge [sflag:s3], $0x100  }
0x18c: {  	[sflag:s3] =	ssyncset.done $0x0  }
0x18d: {  	[sflag:s3] =	ssyncadd.s32 $0xFFFFFF00  }
0x18e: {  	[tilespmem:s5], [sflag:$0x1] =	stream.indirect.gather [hbm4b:s4+s5], $0x80, s2, s5, $0xb8;
	[tilespmem:$0x14180] =	vst v63  }
0x18f: {  	_ =	swait.ge [sflag:s6], $0x8000  }
0x190: {  	[sflag:s6] =	ssyncset.done $0x0  }
0x191: {  	s1 =	rddreg [dreg:$0x7];
	[sflag:s6] =	ssyncadd.s32 $0xFFFF8000  }
0x192: {  	[hbm4b:s1+s2] =	stream.linear.scatter [tilespmem:s5], [sflag:$0x2], $0x8000, $0x38;
	[tilespmem:$0x14180] =	vst v63  }
0x193: {  	_ =	swait.ge [sflag:s3], $0x8000  }
0x194: {  	[sflag:s3] =	ssyncset.done $0x0  }
0x195: {  	[sflag:s3] =	ssyncadd.s32 $0xFFFF8000  }
0x196: {  	[tilespmem:s8], [sflag:$0x1] =	stream.indirect.gather [hbm4b:s7+s5], $0x80, s2, s5, $0xb8;
	[tilespmem:$0x14180] =	vst v63  }
0x197: {  	_ =	swait.ge [sflag:s6], $0x8000  }
0x198: {  	[sflag:s6] =	ssyncset.done $0x0  }
0x199: {  	s1 =	rddreg [dreg:$0x8];
	[sflag:s6] =	ssyncadd.s32 $0xFFFF8000  }
0x19a: {  	[hbm4b:s1+s2] =	stream.linear.scatter [tilespmem:s8], [sflag:$0x2], $0x8000, $0x38;
	[tilespmem:$0x14180] =	vst v63  }
0x19b: {  	_ =	swait.ge [sflag:s3], $0x8000  }
0x19c: {  	[sflag:s3] =	ssyncset.done $0x0  }
0x19d: {  	s1 =	rddreg [dreg:$0x9];
	[sflag:s3] =	ssyncadd.s32 $0xFFFF8000  }
0x19e: {  	[tilespmem:s2], [sflag:$0x2] =	stream.linear.gather [hbm4b:s1+s2], $0x100, $0x38;
	[tilespmem:$0x14180] =	vst v63  }
0x19f: {  	_ =	swait.ge [sflag:s3], $0x100  }
0x1a0: {  	[sflag:s3] =	ssyncset.done $0x0  }
0x1a1: {  	[sflag:s3] =	ssyncadd.s32 $0xFFFFFF00  }
0x1a2: {  	[tilespmem:s5], [sflag:$0x1] =	stream.indirect.gather [hbm4b:s4+s5], $0x80, s2, s5, $0xb8;
	[tilespmem:$0x14180] =	vst v63  }
0x1a3: {  	_ =	swait.ge [sflag:s6], $0x8000  }
0x1a4: {  	[sflag:s6] =	ssyncset.done $0x0  }
0x1a5: {  	s1 =	rddreg [dreg:$0xa];
	[sflag:s6] =	ssyncadd.s32 $0xFFFF8000  }
0x1a6: {  	[hbm4b:s1+s2] =	stream.linear.scatter [tilespmem:s5], [sflag:$0x2], $0x8000, $0x38;
	[tilespmem:$0x14180] =	vst v63  }
0x1a7: {  	_ =	swait.ge [sflag:s3], $0x8000  }
0x1a8: {  	[sflag:s3] =	ssyncset.done $0x0  }
0x1a9: {  	[sflag:s3] =	ssyncadd.s32 $0xFFFF8000  }
0x1aa: {  	[tilespmem:s8], [sflag:$0x1] =	stream.indirect.gather [hbm4b:s7+s5], $0x80, s2, s5, $0xb8;
	[tilespmem:$0x14180] =	vst v63  }
0x1ab: {  	_ =	swait.ge [sflag:s6], $0x8000  }
0x1ac: {  	[sflag:s6] =	ssyncset.done $0x0  }
0x1ad: {  	s1 =	rddreg [dreg:$0xb];
	[sflag:s6] =	ssyncadd.s32 $0xFFFF8000  }
0x1ae: {  	[hbm4b:s1+s2] =	stream.linear.scatter [tilespmem:s8], [sflag:$0x2], $0x8000, $0x38;
	[tilespmem:$0x14180] =	vst v63  }
0x1af: {  	_ =	swait.ge [sflag:s3], $0x8000  }
0x1b0: {  	[sflag:s3] =	ssyncset.done $0x0  }
0x1b1: {  	s1 =	rddreg [dreg:$0xc];
	[sflag:s3] =	ssyncadd.s32 $0xFFFF8000  }
0x1b2: {  	[tilespmem:s2], [sflag:$0x2] =	stream.linear.gather [hbm4b:s1+s2], $0x100, $0x38;
	[tilespmem:$0x14180] =	vst v63  }
0x1b3: {  	_ =	swait.ge [sflag:s3], $0x100  }
0x1b4: {  	[sflag:s3] =	ssyncset.done $0x0  }
0x1b5: {  	[sflag:s3] =	ssyncadd.s32 $0xFFFFFF00  }
0x1b6: {  	[tilespmem:s5], [sflag:$0x1] =	stream.indirect.gather [hbm4b:s4+s5], $0x80, s2, s5, $0xb8;
	[tilespmem:$0x14180] =	vst v63  }
0x1b7: {  	_ =	swait.ge [sflag:s6], $0x8000  }
0x1b8: {  	[sflag:s6] =	ssyncset.done $0x0  }
0x1b9: {  	s1 =	rddreg [dreg:$0xd];
	[sflag:s6] =	ssyncadd.s32 $0xFFFF8000  }
0x1ba: {  	[hbm4b:s1+s2] =	stream.linear.scatter [tilespmem:s5], [sflag:$0x2], $0x8000, $0x38;
	[tilespmem:$0x14180] =	vst v63  }
0x1bb: {  	_ =	swait.ge [sflag:s3], $0x8000  }
0x1bc: {  	[sflag:s3] =	ssyncset.done $0x0  }
0x1bd: {  	[sflag:s3] =	ssyncadd.s32 $0xFFFF8000  }
0x1be: {  	[tilespmem:s8], [sflag:$0x1] =	stream.indirect.gather [hbm4b:s7+s5], $0x80, s2, s5, $0xb8;
	[tilespmem:$0x14180] =	vst v63  }
0x1bf: {  	_ =	swait.ge [sflag:s6], $0x8000  }
0x1c0: {  	[sflag:s6] =	ssyncset.done $0x0  }
0x1c1: {  	s1 =	rddreg [dreg:$0xe];
	[sflag:s6] =	ssyncadd.s32 $0xFFFF8000  }
0x1c2: {  	[hbm4b:s1+s2] =	stream.linear.scatter [tilespmem:s8], [sflag:$0x2], $0x8000, $0x38;
	[tilespmem:$0x14180] =	vst v63  }
0x1c3: {  	_ =	swait.ge [sflag:s3], $0x8000  }
0x1c4: {  	[sflag:s3] =	ssyncset.done $0x0  }
0x1c5: {  	s1 =	rddreg [dreg:$0xf];
	[sflag:s3] =	ssyncadd.s32 $0xFFFF8000  }
0x1c6: {  	[tilespmem:s2], [sflag:$0x2] =	stream.linear.gather [hbm4b:s1+s2], $0x100, $0x38;
	[tilespmem:$0x14180] =	vst v63  }
0x1c7: {  	_ =	swait.ge [sflag:s3], $0x100  }
0x1c8: {  	[sflag:s3] =	ssyncset.done $0x0  }
0x1c9: {  	[sflag:s3] =	ssyncadd.s32 $0xFFFFFF00  }
0x1ca: {  	[tilespmem:s5], [sflag:$0x1] =	stream.indirect.gather [hbm4b:s4+s5], $0x80, s2, s5, $0xb8;
	[tilespmem:$0x14180] =	vst v63  }
0x1cb: {  	_ =	swait.ge [sflag:s6], $0x8000  }
0x1cc: {  	[sflag:s6] =	ssyncset.done $0x0  }
0x1cd: {  	s1 =	rddreg [dreg:$0x10];
	[sflag:s6] =	ssyncadd.s32 $0xFFFF8000  }
0x1ce: {  	[hbm4b:s1+s2] =	stream.linear.scatter [tilespmem:s5], [sflag:$0x2], $0x8000, $0x38;
	[tilespmem:$0x14180] =	vst v63  }
0x1cf: {  	_ =	swait.ge [sflag:s3], $0x8000  }
0x1d0: {  	[sflag:s3] =	ssyncset.done $0x0  }
0x1d1: {  	[sflag:s3] =	ssyncadd.s32 $0xFFFF8000  }
0x1d2: {  	[tilespmem:s8], [sflag:$0x1] =	stream.indirect.gather [hbm4b:s7+s5], $0x80, s2, s5, $0xb8;
	[tilespmem:$0x14180] =	vst v63  }
0x1d3: {  	_ =	swait.ge [sflag:s6], $0x8000  }
0x1d4: {  	[sflag:s6] =	ssyncset.done $0x0  }
0x1d5: {  	s1 =	rddreg [dreg:$0x11];
	[sflag:s6] =	ssyncadd.s32 $0xFFFF8000  }
0x1d6: {  	[hbm4b:s1+s2] =	stream.linear.scatter [tilespmem:s8], [sflag:$0x2], $0x8000, $0x38;
	[tilespmem:$0x14180] =	vst v63  }
0x1d7: {  	_ =	swait.ge [sflag:s3], $0x8000  }
0x1d8: {  	[sflag:s3] =	ssyncset.done $0x0  }
0x1d9: {  	s1 =	rddreg [dreg:$0x12];
	[sflag:s3] =	ssyncadd.s32 $0xFFFF8000  }
0x1da: {  	[tilespmem:s2], [sflag:$0x2] =	stream.linear.gather [hbm4b:s1+s2], $0x100, $0x38;
	[tilespmem:$0x14180] =	vst v63  }
0x1db: {  	_ =	swait.ge [sflag:s3], $0x100  }
0x1dc: {  	[sflag:s3] =	ssyncset.done $0x0  }
0x1dd: {  	[sflag:s3] =	ssyncadd.s32 $0xFFFFFF00  }
0x1de: {  	[tilespmem:s5], [sflag:$0x1] =	stream.indirect.gather [hbm4b:s4+s5], $0x80, s2, s5, $0xb8;
	[tilespmem:$0x14180] =	vst v63  }
0x1df: {  	_ =	swait.ge [sflag:s6], $0x8000  }
0x1e0: {  	[sflag:s6] =	ssyncset.done $0x0  }
0x1e1: {  	s1 =	rddreg [dreg:$0x13];
	[sflag:s6] =	ssyncadd.s32 $0xFFFF8000  }
0x1e2: {  	[hbm4b:s1+s2] =	stream.linear.scatter [tilespmem:s5], [sflag:$0x2], $0x8000, $0x38;
	[tilespmem:$0x14180] =	vst v63  }
0x1e3: {  	_ =	swait.ge [sflag:s3], $0x8000  }
0x1e4: {  	[sflag:s3] =	ssyncset.done $0x0  }
0x1e5: {  	[sflag:s3] =	ssyncadd.s32 $0xFFFF8000  }
0x1e6: {  	[tilespmem:s8], [sflag:$0x1] =	stream.indirect.gather [hbm4b:s7+s5], $0x80, s2, s5, $0xb8;
	[tilespmem:$0x14180] =	vst v63  }
0x1e7: {  	_ =	swait.ge [sflag:s6], $0x8000  }
0x1e8: {  	[sflag:s6] =	ssyncset.done $0x0  }
0x1e9: {  	s1 =	rddreg [dreg:$0x14];
	[sflag:s6] =	ssyncadd.s32 $0xFFFF8000  }
0x1ea: {  	[hbm4b:s1+s2] =	stream.linear.scatter [tilespmem:s8], [sflag:$0x2], $0x8000, $0x38;
	[tilespmem:$0x14180] =	vst v63  }
0x1eb: {  	_ =	swait.ge [sflag:s3], $0x8000  }
0x1ec: {  	[sflag:s3] =	ssyncset.done $0x0  }
0x1ed: {  	s1 =	rddreg [dreg:$0x15];
	[sflag:s3] =	ssyncadd.s32 $0xFFFF8000  }
0x1ee: {  	[tilespmem:s2], [sflag:$0x2] =	stream.linear.gather [hbm4b:s1+s2], $0x100, $0x38;
	[tilespmem:$0x14180] =	vst v63  }
0x1ef: {  	_ =	swait.ge [sflag:s3], $0x100  }
0x1f0: {  	[sflag:s3] =	ssyncset.done $0x0  }
0x1f1: {  	[sflag:s3] =	ssyncadd.s32 $0xFFFFFF00  }
0x1f2: {  	[tilespmem:s5], [sflag:$0x1] =	stream.indirect.gather [hbm4b:s4+s5], $0x80, s2, s5, $0xb8;
	[tilespmem:$0x14180] =	vst v63  }
0x1f3: {  	_ =	swait.ge [sflag:s6], $0x8000  }
0x1f4: {  	[sflag:s6] =	ssyncset.done $0x0  }
0x1f5: {  	s1 =	rddreg [dreg:$0x16];
	[sflag:s6] =	ssyncadd.s32 $0xFFFF8000  }
0x1f6: {  	[hbm4b:s1+s2] =	stream.linear.scatter [tilespmem:s5], [sflag:$0x2], $0x8000, $0x38;
	[tilespmem:$0x14180] =	vst v63  }
0x1f7: {  	_ =	swait.ge [sflag:s3], $0x8000  }
0x1f8: {  	[sflag:s3] =	ssyncset.done $0x0  }
0x1f9: {  	[sflag:s3] =	ssyncadd.s32 $0xFFFF8000  }
0x1fa: {  	[tilespmem:s8], [sflag:$0x1] =	stream.indirect.gather [hbm4b:s7+s5], $0x80, s2, s5, $0xb8;
	[tilespmem:$0x14180] =	vst v63  }
0x1fb: {  	_ =	swait.ge [sflag:s6], $0x8000  }
0x1fc: {  	[sflag:s6] =	ssyncset.done $0x0  }
0x1fd: {  	s1 =	rddreg [dreg:$0x17];
	[sflag:s6] =	ssyncadd.s32 $0xFFFF8000  }
0x1fe: {  	[hbm4b:s1+s2] =	stream.linear.scatter [tilespmem:s8], [sflag:$0x2], $0x8000, $0x38;
	[tilespmem:$0x14180] =	vst v63  }
0x1ff: {  	_ =	swait.ge [sflag:s3], $0x8000  }
0x200: {  	[sflag:s3] =	ssyncset.done $0x0  }
0x201: {  	s1 =	rddreg [dreg:$0x18];
	[sflag:s3] =	ssyncadd.s32 $0xFFFF8000  }
0x202: {  	[tilespmem:s2], [sflag:$0x2] =	stream.linear.gather [hbm4b:s1+s2], $0x100, $0x38;
	[tilespmem:$0x14180] =	vst v63  }
0x203: {  	_ =	swait.ge [sflag:s3], $0x100  }
0x204: {  	[sflag:s3] =	ssyncset.done $0x0  }
0x205: {  	[sflag:s3] =	ssyncadd.s32 $0xFFFFFF00  }
0x206: {  	[tilespmem:s5], [sflag:$0x1] =	stream.indirect.gather [hbm4b:s4+s5], $0x80, s2, s5, $0xb8;
	[tilespmem:$0x14180] =	vst v63  }
0x207: {  	_ =	swait.ge [sflag:s6], $0x8000  }
0x208: {  	[sflag:s6] =	ssyncset.done $0x0  }
0x209: {  	s1 =	rddreg [dreg:$0x19];
	[sflag:s6] =	ssyncadd.s32 $0xFFFF8000  }
0x20a: {  	[hbm4b:s1+s2] =	stream.linear.scatter [tilespmem:s5], [sflag:$0x2], $0x8000, $0x38;
	[tilespmem:$0x14180] =	vst v63  }
0x20b: {  	_ =	swait.ge [sflag:s3], $0x8000  }
0x20c: {  	[sflag:s3] =	ssyncset.done $0x0  }
0x20d: {  	[sflag:s3] =	ssyncadd.s32 $0xFFFF8000  }
0x20e: {  	[tilespmem:s8], [sflag:$0x1] =	stream.indirect.gather [hbm4b:s7+s5], $0x80, s2, s5, $0xb8;
	[tilespmem:$0x14180] =	vst v63  }
0x20f: {  	_ =	swait.ge [sflag:s6], $0x8000  }
0x210: {  	[sflag:s6] =	ssyncset.done $0x0  }
0x211: {  	s1 =	rddreg [dreg:$0x1a];
	[sflag:s6] =	ssyncadd.s32 $0xFFFF8000  }
0x212: {  	[hbm4b:s1+s2] =	stream.linear.scatter [tilespmem:s8], [sflag:$0x2], $0x8000, $0x38;
	[tilespmem:$0x14180] =	vst v63  }
0x213: {  	_ =	swait.ge [sflag:s3], $0x8000  }
0x214: {  	[sflag:s3] =	ssyncset.done $0x0  }
0x215: {  	s1 =	rddreg [dreg:$0x1b];
	[sflag:s3] =	ssyncadd.s32 $0xFFFF8000  }
0x216: {  	[tilespmem:s2], [sflag:$0x2] =	stream.linear.gather [hbm4b:s1+s2], $0x100, $0x38;
	[tilespmem:$0x14180] =	vst v63  }
0x217: {  	_ =	swait.ge [sflag:s3], $0x100  }
0x218: {  	[sflag:s3] =	ssyncset.done $0x0  }
0x219: {  	[sflag:s3] =	ssyncadd.s32 $0xFFFFFF00  }
0x21a: {  	[tilespmem:s5], [sflag:$0x1] =	stream.indirect.gather [hbm4b:s4+s5], $0x80, s2, s5, $0xb8;
	[tilespmem:$0x14180] =	vst v63  }
0x21b: {  	_ =	swait.ge [sflag:s6], $0x8000  }
0x21c: {  	[sflag:s6] =	ssyncset.done $0x0  }
0x21d: {  	s1 =	rddreg [dreg:$0x1c];
	[sflag:s6] =	ssyncadd.s32 $0xFFFF8000  }
0x21e: {  	[hbm4b:s1+s2] =	stream.linear.scatter [tilespmem:s5], [sflag:$0x2], $0x8000, $0x38;
	[tilespmem:$0x14180] =	vst v63  }
0x21f: {  	_ =	swait.ge [sflag:s3], $0x8000  }
0x220: {  	[sflag:s3] =	ssyncset.done $0x0  }
0x221: {  	[sflag:s3] =	ssyncadd.s32 $0xFFFF8000  }
0x222: {  	[tilespmem:s8], [sflag:$0x1] =	stream.indirect.gather [hbm4b:s7+s5], $0x80, s2, s5, $0xb8;
	[tilespmem:$0x14180] =	vst v63  }
0x223: {  	_ =	swait.ge [sflag:s6], $0x8000  }
0x224: {  	[sflag:s6] =	ssyncset.done $0x0  }
0x225: {  	s1 =	rddreg [dreg:$0x1d];
	[sflag:s6] =	ssyncadd.s32 $0xFFFF8000  }
0x226: {  	[hbm4b:s1+s2] =	stream.linear.scatter [tilespmem:s8], [sflag:$0x2], $0x8000, $0x38;
	[tilespmem:$0x14180] =	vst v63  }
0x227: {  	_ =	swait.ge [sflag:s3], $0x8000  }
0x228: {  	[sflag:s3] =	ssyncset.done $0x0  }
0x229: {  	s1 =	rddreg [dreg:$0x1e];
	[sflag:s3] =	ssyncadd.s32 $0xFFFF8000  }
0x22a: {  	[tilespmem:s2], [sflag:$0x2] =	stream.linear.gather [hbm4b:s1+s2], $0x100, $0x38;
	[tilespmem:$0x14180] =	vst v63  }
0x22b: {  	_ =	swait.ge [sflag:s3], $0x100  }
0x22c: {  	[sflag:s3] =	ssyncset.done $0x0  }
0x22d: {  	[sflag:s3] =	ssyncadd.s32 $0xFFFFFF00  }
0x22e: {  	[tilespmem:s5], [sflag:$0x1] =	stream.indirect.gather [hbm4b:s4+s5], $0x80, s2, s5, $0xb8;
	[tilespmem:$0x14180] =	vst v63  }
0x22f: {  	_ =	swait.ge [sflag:s6], $0x8000  }
0x230: {  	[sflag:s6] =	ssyncset.done $0x0  }
0x231: {  	s1 =	rddreg [dreg:$0x1f];
	[sflag:s6] =	ssyncadd.s32 $0xFFFF8000  }
0x232: {  	[hbm4b:s1+s2] =	stream.linear.scatter [tilespmem:s5], [sflag:$0x2], $0x8000, $0x38;
	[tilespmem:$0x14180] =	vst v63  }
0x233: {  	_ =	swait.ge [sflag:s3], $0x8000  }
0x234: {  	[sflag:s3] =	ssyncset.done $0x0  }
0x235: {  	[sflag:s3] =	ssyncadd.s32 $0xFFFF8000  }
0x236: {  	[tilespmem:s8], [sflag:$0x1] =	stream.indirect.gather [hbm4b:s7+s5], $0x80, s2, s5, $0xb8;
	[tilespmem:$0x14180] =	vst v63  }
0x237: {  	_ =	swait.ge [sflag:s6], $0x8000  }
0x238: {  	s1 =	sld [smem:$0x7FC]  }
0x239: {  	[sflag:s6] =	ssyncset.done $0x0  }
0x23a: {  	[sflag:s6] =	ssyncadd.s32 $0xFFFF8000  }
0x23b: {  	[hbm4b:s1+s2] =	stream.linear.scatter [tilespmem:s8], [sflag:$0x2], $0x8000, $0x38;
	[tilespmem:$0x14180] =	vst v63  }
0x23c: {  	_ =	swait.ge [sflag:s3], $0x8000  }
0x23d: {  	s1 =	sld [smem:$0x7FD]  }
0x23e: {  	[sflag:s3] =	ssyncset.done $0x0  }
0x23f: {  	[sflag:s3] =	ssyncadd.s32 $0xFFFF8000  }
0x240: {  	[tilespmem:s2], [sflag:$0x2] =	stream.linear.gather [hbm4b:s1+s2], $0x100, $0x38;
	[tilespmem:$0x14180] =	vst v63  }
0x241: {  	_ =	swait.ge [sflag:s3], $0x100  }
0x242: {  	[sflag:s3] =	ssyncset.done $0x0  }
0x243: {  	[sflag:s3] =	ssyncadd.s32 $0xFFFFFF00  }
0x244: {  	[tilespmem:s5], [sflag:$0x1] =	stream.indirect.gather [hbm4b:s4+s5], $0x80, s2, s5, $0xb8;
	[tilespmem:$0x14180] =	vst v63  }
0x245: {  	_ =	swait.ge [sflag:s6], $0x8000  }
0x246: {  	[sflag:s6] =	ssyncset.done $0x0  }
0x247: {  	[sflag:s6] =	ssyncadd.s32 $0xFFFF8000  }
0x248: {  	[hbm4b:s9+s2] =	stream.linear.scatter [tilespmem:s5], [sflag:$0x2], $0x8000, $0x38;
	[tilespmem:$0x14180] =	vst v63  }
0x249: {  	_ =	swait.ge [sflag:s3], $0x8000  }
0x24a: {  	[sflag:s3] =	ssyncset.done $0x0  }
0x24b: {  	[sflag:s3] =	ssyncadd.s32 $0xFFFF8000  }
0x24c: {  	[tilespmem:s8], [sflag:$0x1] =	stream.indirect.gather [hbm4b:s7+s5], $0x80, s2, s5, $0xb8;
	[tilespmem:$0x14180] =	vst v63  }
0x24d: {  	_ =	swait.ge [sflag:s6], $0x8000  }
0x24e: {  	[sflag:s6] =	ssyncset.done $0x0  }
0x24f: {  	[sflag:s6] =	ssyncadd.s32 $0xFFFF8000  }
0x250: {  	[hbm4b:s10+s2] =	stream.linear.scatter [tilespmem:s8], [sflag:$0x2], $0x8000, $0x38;
	[tilespmem:$0x14180] =	vst v63  }
0x251: {  	_ =	swait.ge [sflag:s3], $0x8000  }
0x252: {  	[sflag:s3] =	ssyncset.done $0x0  }
0x253: {  	[sflag:s3] =	ssyncadd.s32 $0xFFFF8000  }
0x254: {  	[tilespmem:s2], [sflag:$0x2] =	stream.linear.gather [hbm4b:s11+s2], $0x100, $0x38;
	[tilespmem:$0x14180] =	vst v63  }
0x255: {  	_ =	swait.ge [sflag:s3], $0x100  }
0x256: {  	[sflag:s3] =	ssyncset.done $0x0  }
0x257: {  	[sflag:s3] =	ssyncadd.s32 $0xFFFFFF00  }
0x258: {  	[tilespmem:s5], [sflag:$0x1] =	stream.indirect.gather [hbm4b:s4+s5], $0x80, s2, s5, $0xb8;
	[tilespmem:$0x14180] =	vst v63  }
0x259: {  	_ =	swait.ge [sflag:s6], $0x8000  }
0x25a: {  	[sflag:s6] =	ssyncset.done $0x0  }
0x25b: {  	[sflag:s6] =	ssyncadd.s32 $0xFFFF8000  }
0x25c: {  	[hbm4b:s12+s2] =	stream.linear.scatter [tilespmem:s5], [sflag:$0x2], $0x8000, $0x38;
	[tilespmem:$0x14180] =	vst v63  }
0x25d: {  	_ =	swait.ge [sflag:s3], $0x8000  }
0x25e: {  	[sflag:s3] =	ssyncset.done $0x0  }
0x25f: {  	[sflag:s3] =	ssyncadd.s32 $0xFFFF8000  }
0x260: {  	[tilespmem:s8], [sflag:$0x1] =	stream.indirect.gather [hbm4b:s7+s5], $0x80, s2, s5, $0xb8;
	[tilespmem:$0x14180] =	vst v63  }
0x261: {  	_ =	swait.ge [sflag:s6], $0x8000  }
0x262: {  	[sflag:s6] =	ssyncset.done $0x0  }
0x263: {  	[sflag:s6] =	ssyncadd.s32 $0xFFFF8000  }
0x264: {  	[hbm4b:s13+s2] =	stream.linear.scatter [tilespmem:s8], [sflag:$0x2], $0x8000, $0x38;
	[tilespmem:$0x14180] =	vst v63  }
0x265: {  	_ =	swait.ge [sflag:s3], $0x8000  }
0x266: {  	[sflag:s3] =	ssyncset.done $0x0  }
0x267: {  	[sflag:s3] =	ssyncadd.s32 $0xFFFF8000  }
0x268: {  	[tilespmem:s2], [sflag:$0x2] =	stream.linear.gather [hbm4b:s14+s2], $0x100, $0x38;
	[tilespmem:$0x14180] =	vst v63  }
0x269: {  	_ =	swait.ge [sflag:s3], $0x100  }
0x26a: {  	[sflag:s3] =	ssyncset.done $0x0  }
0x26b: {  	[sflag:s3] =	ssyncadd.s32 $0xFFFFFF00  }
0x26c: {  	[tilespmem:s5], [sflag:$0x1] =	stream.indirect.gather [hbm4b:s4+s5], $0x80, s2, s5, $0xb8;
	[tilespmem:$0x14180] =	vst v63  }
0x26d: {  	_ =	swait.ge [sflag:s6], $0x8000  }
0x26e: {  	[sflag:s6] =	ssyncset.done $0x0  }
0x26f: {  	[sflag:s6] =	ssyncadd.s32 $0xFFFF8000  }
0x270: {  	[hbm4b:s15+s2] =	stream.linear.scatter [tilespmem:s5], [sflag:$0x2], $0x8000, $0x38;
	[tilespmem:$0x14180] =	vst v63  }
0x271: {  	_ =	swait.ge [sflag:s3], $0x8000  }
0x272: {  	[sflag:s3] =	ssyncset.done $0x0  }
0x273: {  	[sflag:s3] =	ssyncadd.s32 $0xFFFF8000  }
0x274: {  	[tilespmem:s8], [sflag:$0x1] =	stream.indirect.gather [hbm4b:s7+s5], $0x80, s2, s5, $0xb8;
	[tilespmem:$0x14180] =	vst v63  }
0x275: {  	_ =	swait.ge [sflag:s6], $0x8000  }
0x276: {  	[sflag:s6] =	ssyncset.done $0x0  }
0x277: {  	[sflag:s6] =	ssyncadd.s32 $0xFFFF8000  }
0x278: {  	[hbm4b:s16+s2] =	stream.linear.scatter [tilespmem:s8], [sflag:$0x2], $0x8000, $0x38;
	[tilespmem:$0x14180] =	vst v63  }
0x279: {  	_ =	swait.ge [sflag:s3], $0x8000  }
0x27a: {  	[sflag:s3] =	ssyncset.done $0x0  }
0x27b: {  	[sflag:s3] =	ssyncadd.s32 $0xFFFF8000  }
0x27c: {  	[tilespmem:s2], [sflag:$0x2] =	stream.linear.gather [hbm4b:s17+s2], $0x100, $0x38;
	[tilespmem:$0x14180] =	vst v63  }
0x27d: {  	_ =	swait.ge [sflag:s3], $0x100  }
0x27e: {  	[sflag:s3] =	ssyncset.done $0x0  }
0x27f: {  	[sflag:s3] =	ssyncadd.s32 $0xFFFFFF00  }
0x280: {  	[tilespmem:s5], [sflag:$0x1] =	stream.indirect.gather [hbm4b:s4+s5], $0x80, s2, s5, $0xb8;
	[tilespmem:$0x14180] =	vst v63  }
0x281: {  	_ =	swait.ge [sflag:s6], $0x8000  }
0x282: {  	[sflag:s6] =	ssyncset.done $0x0  }
0x283: {  	[sflag:s6] =	ssyncadd.s32 $0xFFFF8000  }
0x284: {  	[hbm4b:s18+s2] =	stream.linear.scatter [tilespmem:s5], [sflag:$0x2], $0x8000, $0x38;
	[tilespmem:$0x14180] =	vst v63  }
0x285: {  	_ =	swait.ge [sflag:s3], $0x8000  }
0x286: {  	[sflag:s3] =	ssyncset.done $0x0  }
0x287: {  	[sflag:s3] =	ssyncadd.s32 $0xFFFF8000  }
0x288: {  	[tilespmem:s8], [sflag:$0x1] =	stream.indirect.gather [hbm4b:s7+s5], $0x80, s2, s5, $0xb8;
	[tilespmem:$0x14180] =	vst v63  }
0x289: {  	_ =	swait.ge [sflag:s6], $0x8000  }
0x28a: {  	[sflag:s6] =	ssyncset.done $0x0  }
0x28b: {  	[sflag:s6] =	ssyncadd.s32 $0xFFFF8000  }
0x28c: {  	[hbm4b:s19+s2] =	stream.linear.scatter [tilespmem:s8], [sflag:$0x2], $0x8000, $0x38;
	[tilespmem:$0x14180] =	vst v63  }
0x28d: {  	_ =	swait.ge [sflag:s3], $0x8000  }
0x28e: {  	[sflag:s3] =	ssyncset.done $0x0  }
0x28f: {  	[sflag:s3] =	ssyncadd.s32 $0xFFFF8000  }
0x290: {  	[tilespmem:s2], [sflag:$0x2] =	stream.linear.gather [hbm4b:s20+s2], $0x100, $0x38;
	[tilespmem:$0x14180] =	vst v63  }
0x291: {  	_ =	swait.ge [sflag:s3], $0x100  }
0x292: {  	[sflag:s3] =	ssyncset.done $0x0  }
0x293: {  	[sflag:s3] =	ssyncadd.s32 $0xFFFFFF00  }
0x294: {  	[tilespmem:s5], [sflag:$0x1] =	stream.indirect.gather [hbm4b:s4+s5], $0x80, s2, s5, $0xb8;
	[tilespmem:$0x14180] =	vst v63  }
0x295: {  	_ =	swait.ge [sflag:s6], $0x8000  }
0x296: {  	[sflag:s6] =	ssyncset.done $0x0  }
0x297: {  	[sflag:s6] =	ssyncadd.s32 $0xFFFF8000  }
0x298: {  	[hbm4b:s21+s2] =	stream.linear.scatter [tilespmem:s5], [sflag:$0x2], $0x8000, $0x38;
	[tilespmem:$0x14180] =	vst v63  }
0x299: {  	_ =	swait.ge [sflag:s3], $0x8000  }
0x29a: {  	[sflag:s3] =	ssyncset.done $0x0  }
0x29b: {  	[sflag:s3] =	ssyncadd.s32 $0xFFFF8000  }
0x29c: {  	[tilespmem:s8], [sflag:$0x1] =	stream.indirect.gather [hbm4b:s7+s5], $0x80, s2, s5, $0xb8;
	[tilespmem:$0x14180] =	vst v63  }
0x29d: {  	_ =	swait.ge [sflag:s6], $0x8000  }
0x29e: {  	[sflag:s6] =	ssyncset.done $0x0  }
0x29f: {  	[sflag:s6] =	ssyncadd.s32 $0xFFFF8000  }
0x2a0: {  	[hbm4b:s22+s2] =	stream.linear.scatter [tilespmem:s8], [sflag:$0x2], $0x8000, $0x38;
	[tilespmem:$0x14180] =	vst v63  }
0x2a1: {  	_ =	swait.ge [sflag:s3], $0x8000  }
0x2a2: {  	[sflag:s3] =	ssyncset.done $0x0  }
0x2a3: {  	[sflag:s3] =	ssyncadd.s32 $0xFFFF8000  }
0x2a4: {  	[tilespmem:s2], [sflag:$0x2] =	stream.linear.gather [hbm4b:s23+s2], $0x100, $0x38;
	[tilespmem:$0x14180] =	vst v63  }
0x2a5: {  	_ =	swait.ge [sflag:s3], $0x100  }
0x2a6: {  	[sflag:s3] =	ssyncset.done $0x0  }
0x2a7: {  	[sflag:s3] =	ssyncadd.s32 $0xFFFFFF00  }
0x2a8: {  	[tilespmem:s5], [sflag:$0x1] =	stream.indirect.gather [hbm4b:s4+s5], $0x80, s2, s5, $0xb8;
	[tilespmem:$0x14180] =	vst v63  }
0x2a9: {  	_ =	swait.ge [sflag:s6], $0x8000  }
0x2aa: {  	[sflag:s6] =	ssyncset.done $0x0  }
0x2ab: {  	[sflag:s6] =	ssyncadd.s32 $0xFFFF8000  }
0x2ac: {  	[hbm4b:s24+s2] =	stream.linear.scatter [tilespmem:s5], [sflag:$0x2], $0x8000, $0x38;
	[tilespmem:$0x14180] =	vst v63  }
0x2ad: {  	_ =	swait.ge [sflag:s3], $0x8000  }
0x2ae: {  	[sflag:s3] =	ssyncset.done $0x0  }
0x2af: {  	[sflag:s3] =	ssyncadd.s32 $0xFFFF8000  }
0x2b0: {  	[tilespmem:s8], [sflag:$0x1] =	stream.indirect.gather [hbm4b:s7+s5], $0x80, s2, s5, $0xb8;
	[tilespmem:$0x14180] =	vst v63  }
0x2b1: {  	_ =	swait.ge [sflag:s6], $0x8000  }
0x2b2: {  	[sflag:s6] =	ssyncset.done $0x0  }
0x2b3: {  	[sflag:s6] =	ssyncadd.s32 $0xFFFF8000  }
0x2b4: {  	[hbm4b:s25+s2] =	stream.linear.scatter [tilespmem:s8], [sflag:$0x2], $0x8000, $0x38;
	[tilespmem:$0x14180] =	vst v63  }
0x2b5: {  	_ =	swait.ge [sflag:s3], $0x8000  }
0x2b6: {  	[sflag:s3] =	ssyncset.done $0x0  }
0x2b7: {  	[sflag:s3] =	ssyncadd.s32 $0xFFFF8000  }
0x2b8: {  	[tilespmem:s28], [sflag:$0x2] =	stream.linear.gather [hbm4b:s26+s2], $0x80, $0x38;
	[tilespmem:$0x14180] =	vst v63  }
0x2b9: {  	_ =	swait.ge [sflag:s3], $0x80  }
0x2ba: {  	[sflag:s3] =	ssyncset.done $0x0  }
0x2bb: {  	p0 =	sne.s32 s0, $0x1;
	[sflag:s3] =	ssyncadd.s32 $0xFFFFFF80  }
0x2bc: {  	[tilespmem:s30], [sflag:$0x1] =	stream.indirect.gather [hbm4b:s4+s29], $0x80, s28, s29, $0xb8;
	[tilespmem:$0x14180] =	vst v63  }
.Ltmp1:
0x2bd: {  	_ =	swait.ge [sflag:s6], $0x4000;
	(pc) =	sbr.rel @p0 .LBB2_1-.Ltmp1, $4  }
0x2be: {  	[sflag:s6] =	ssyncset.done $0x0  }
0x2bf: {  	[sflag:s6] =	ssyncadd.s32 $0xFFFFC000  }
0x2c0: {  	[hbm4b:s31+s2] =	stream.linear.scatter [tilespmem:s30], [sflag:$0x2], $0x4000, $0x38;
	[tilespmem:$0x14180] =	vst v63  }
0x2c1: {  	s0 =	sadd.s32 $0xFFFFFFFF, s0;
	_ =	swait.ge [sflag:s3], $0x4000  }
.LBB2_2:
0x2c2: {  	[sflag:s3] =	ssyncset.done $0x0  }
0x2c3: {  	[sflag:s3] =	ssyncadd.s32 $0xFFFFC000  }
0x2c4: {  	_ =	sfence.sel $0x180000  }
0x2c5: {  	[bflag:$0x0] =	sbarrier.arrive $0xFFFF  }
0x2c6: {  	_ =	strace $0x90000047  }
0x2c7: {  	s0 =	stileid.u32;
	[bflag:$0x2] =	sbarrier.arrive $0xFFFF  }
0x2c8: {  	p0 =	sne.s32 s0, $0x0;
	s0 =	rddreg [dreg:$0x2]  }
0x2c9: {  	s0 =	sadd.s32 @!p0 $0x100000, s0  }
0x2ca: {  	[sflag:s0] =	ssyncadd.tile.s32 @!p0 $0x1;
	_ =	shalt  }
.Lfunc_end2:
_tile_overlayer_lowered:
.L_overlay_start_2:
0x2cb: {  	(tag) =	ssettag $0x2  }
0x2cc: {  	s0 =	rddreg [dreg:$0x0];
	s2 =	stileid.u32  }
0x2cd: {  	s1 =	rddreg [dreg:$0x1];
	p0 =	sne.s32 s2, $0x0  }
0x2ce: {  	s3 =	rddreg [dreg:$0x2];
	[bflag:$0x3] =	sbarrier.arrive $0xFFFF;
	s2 =	simm.s32 @!p0 $0x1C02  }
0x2cf: {  	[timem:s3], [sflag:s2] =	dma.local @!p0 [hbm:s0], s1  }
0x2d0: {  	s0 =	simm.s32 @!p0 $0x2  }
0x2d1: {  	_ =	swait.ge @!p0 [sflag:s0], s1  }
0x2d2: {  	s1 =	ssub.s32 @!p0 $0x0, s1;
	[sflag:s0] =	ssyncset.done @!p0 $0x0  }
0x2d3: {  	[sflag:s0] =	ssyncadd.s32 @!p0 s1  }
0x2d4: {  	[bflag:$0x3] =	sbarrier.arrive $0xFFFF  }
0x2d5: {  	_ =	shalt  }

</sc_bundles>
